<compile_context>
chip_gen: v7x
topology: tpu7x:2x2x1
jax: 0.10.2.dev20260603
libtpu: 0.0.44.dev20260713+nightly
codegen_flags: <defaults>
</compile_context>

<pallas_src>
import jax
import jax.numpy as jnp
import numpy as np
from jax import lax
from jax.experimental import pallas as pl
from jax.experimental.pallas import tpu as pltpu
from jax.experimental.pallas import tpu_sc as plsc

H = 768
NH = 12
DH = H // NH
E = 6
R = 16
SCALE = 128.0 / 16.0
SBLK = 512
ABLK = 512

NC = 2
NS = 16
NW = NC * NS
L = 16
CH = 128


def _dot(a, b):
    return jnp.dot(a, b, preferred_element_type=jnp.float32)


def _topk2_coef(scores):
    lane = jax.lax.broadcasted_iota(jnp.int32, scores.shape, 1)
    m1 = jnp.max(scores, axis=1, keepdims=True)
    i1 = jnp.min(jnp.where(scores == m1, lane, E), axis=1, keepdims=True)
    masked = jnp.where(lane == i1, -jnp.inf, scores)
    m2 = jnp.max(masked, axis=1, keepdims=True)
    i2 = jnp.min(jnp.where(masked == m2, lane, E), axis=1, keepdims=True)
    d = jnp.exp(m2 - m1)
    w1 = 1.0 / (1.0 + d)
    w2 = 1.0 - w1
    return jnp.where(lane == i1, w1, 0.0) + jnp.where(lane == i2, w2, 0.0)


def _expert_col(coef, e):
    lane = jax.lax.broadcasted_iota(jnp.int32, coef.shape, 1)
    return jnp.sum(jnp.where(lane == e, coef, 0.0), axis=1, keepdims=True)


def _pre_kernel(x_ref, gv_ref, go_ref, wqk_ref, acat_ref, bqk_ref,
                wv_ref, bvs_ref, rep_ref,
                zo_ref, q_ref, k_ref, vt_ref):
    x32 = x_ref[...]
    cv = _topk2_coef(jax.nn.sigmoid(_dot(x32, gv_ref[...])))
    zo_ref[...] = _dot(x32, go_ref[...]).T
    xb = x32.astype(jnp.bfloat16)
    t = _dot(xb, acat_ref[...])
    qk = _dot(xb, wqk_ref[...])
    qk = qk + SCALE * _dot(t[:, :2 * R].astype(jnp.bfloat16), bqk_ref[...])
    q_ref[...] = qk[:, :H].astype(jnp.bfloat16)
    k_ref[...] = qk[:, H:].astype(jnp.bfloat16)
    crep = _dot(cv, rep_ref[...])
    u = (t[:, 2 * R:] * crep).astype(jnp.bfloat16)
    acc = SCALE * _dot(u, bvs_ref[...])
    for e in range(E):
        acc = acc + _expert_col(cv, e) * _dot(xb, wv_ref[e])
    vt_ref[...] = acc.astype(jnp.bfloat16).T


def _gate_coef_sc(zo_hbm, co_hbm, zbuf, cbuf):
    wid = lax.axis_index("s") * NC + lax.axis_index("c")

    @pl.when(wid < 2048 // CH)
    def _():
        for z_hbm, c_hbm in ((zo_hbm, co_hbm),):
            pltpu.sync_copy(z_hbm.at[:, pl.ds(wid * CH, CH)], zbuf)
            for g in range(CH // L):
                sl = pl.ds(g * L, L)
                s = [1.0 / (1.0 + jnp.exp(-zbuf[e, sl])) for e in range(E)]
                m1 = s[0]
                for e in range(1, E):
                    m1 = jnp.maximum(m1, s[e])
                i1 = jnp.full((L,), E, jnp.int32)
                for e in reversed(range(E)):
                    i1 = jnp.where(s[e] == m1, e, i1)
                m2 = jnp.full((L,), -jnp.inf, jnp.float32)
                for e in range(E):
                    m2 = jnp.maximum(m2, jnp.where(i1 == e, -jnp.inf, s[e]))
                i2 = jnp.full((L,), E, jnp.int32)
                for e in reversed(range(E)):
                    i2 = jnp.where((s[e] == m2) & (i1 != e), e, i2)
                d = jnp.exp(m2 - m1)
                w1 = 1.0 / (1.0 + d)
                w2 = 1.0 - w1
                zero = jnp.zeros((L,), jnp.float32)
                for e in range(E):
                    cbuf[e, sl] = jnp.where(i1 == e, w1,
                                            jnp.where(i2 == e, w2, zero))
            pltpu.sync_copy(cbuf, c_hbm.at[:, pl.ds(wid * CH, CH)])




def _attn_kernel(q_ref, k_ref, vt_ref, mb_ref, ot_ref):
    q2 = q_ref[...] * jnp.bfloat16(0.125)
    k2 = k_ref[...]
    vt = vt_ref[...]
    bias = mb_ref[...]
    halves = []
    for i in range(2):
        st = jax.lax.dot_general(k2[:, DH * i:DH * (i + 1)],
                                 q2[:, DH * i:DH * (i + 1)],
                                 (((1,), (1,)), ((), ())),
                                 preferred_element_type=jnp.float32)
        st = st + bias
        mx = jnp.max(st, axis=0, keepdims=True)
        p = jnp.exp(st - mx)
        inv = 1.0 / jnp.sum(p, axis=0, keepdims=True)
        ct = _dot(vt[DH * i:DH * (i + 1), :], p.astype(jnp.bfloat16))
        halves.append(ct * inv)
    ot_ref[...] = jnp.concatenate(halves, axis=0).astype(jnp.bfloat16)


def _omoe_kernel(ct_ref, co_ref, wo_ref, aocat_ref, bos_ref, rep_ref, out_ref):
    cb = ct_ref[...].T
    co = co_ref[...].T
    t = _dot(cb, aocat_ref[...])
    crep = _dot(co, rep_ref[...])
    u = (t * crep).astype(jnp.bfloat16)
    acc = SCALE * _dot(u, bos_ref[...])
    for e in range(E):
        acc = acc + _expert_col(co, e) * _dot(cb, wo_ref[e])
    out_ref[...] = acc


def _full(shape):
    return pl.BlockSpec(shape, lambda *_: (0,) * len(shape))


def kernel(hidden_states, attention_mask, Wq, Aq, Bq, Wk, Ak, Bk,
           gate_v_w, gate_o_w, Wv, Av, Bv, Wo, Ao, Bo):
    B, S, _ = hidden_states.shape
    x = hidden_states.reshape(S, H)
    f16 = jnp.bfloat16

    wqk = jnp.concatenate([Wq, Wk], axis=1).astype(f16)
    acat = jnp.concatenate(
        [Aq, Ak, Av.transpose(1, 0, 2).reshape(H, E * R)], axis=1).astype(f16)
    bqk = jnp.zeros((2 * R, 2 * H), jnp.float32)
    bqk = bqk.at[:R, :H].set(Bq).at[R:, H:].set(Bk).astype(f16)
    wv = Wv.astype(f16)
    bvs = Bv.reshape(E * R, H).astype(f16)
    wo = Wo.astype(f16)
    aocat = Ao.transpose(1, 0, 2).reshape(H, E * R).astype(f16)
    bos = Bo.reshape(E * R, H).astype(f16)
    rep = jnp.asarray(np.repeat(np.eye(E, dtype=np.float32), R, axis=1))
    mbias = ((1.0 - attention_mask) * -10000.0).reshape(S, 1)

    nblk = S // SBLK

    zo, q, k, vt = pl.pallas_call(
        _pre_kernel,
        grid=(nblk,),
        in_specs=[
            pl.BlockSpec((SBLK, H), lambda s: (s, 0)),
            _full((H, E)), _full((H, E)),
            _full((H, 2 * H)), _full((H, 2 * R + E * R)), _full((2 * R, 2 * H)),
            _full((E, H, H)), _full((E * R, H)), _full((E, E * R)),
        ],
        out_specs=[
            pl.BlockSpec((E, SBLK), lambda s: (0, s)),
            pl.BlockSpec((SBLK, H), lambda s: (s, 0)),
            pl.BlockSpec((SBLK, H), lambda s: (s, 0)),
            pl.BlockSpec((H, SBLK), lambda s: (0, s)),
        ],
        out_shape=[
            jax.ShapeDtypeStruct((E, S), jnp.float32),
            jax.ShapeDtypeStruct((S, H), f16),
            jax.ShapeDtypeStruct((S, H), f16),
            jax.ShapeDtypeStruct((H, S), f16),
        ],
    )(x, gate_v_w, gate_o_w, wqk, acat, bqk, wv, bvs, rep)

    gate_sc = pl.kernel(
        _gate_coef_sc,
        out_type=jax.ShapeDtypeStruct((E, S), jnp.float32),
        scratch_types=[
            pltpu.VMEM((E, CH), jnp.float32),
            pltpu.VMEM((E, CH), jnp.float32),
        ],
        mesh=plsc.VectorSubcoreMesh(core_axis_name="c", subcore_axis_name="s"),
    )
    co = gate_sc(zo)

    nab = S // ABLK
    ctx_t = pl.pallas_call(
        _attn_kernel,
        grid=(NH // 2, nab),
        in_specs=[
            pl.BlockSpec((ABLK, 2 * DH), lambda h, s: (s, h)),
            pl.BlockSpec((S, 2 * DH), lambda h, s: (0, h)),
            pl.BlockSpec((2 * DH, S), lambda h, s: (h, 0)),
            pl.BlockSpec((S, 1), lambda h, s: (0, 0)),
        ],
        out_specs=pl.BlockSpec((2 * DH, ABLK), lambda h, s: (h, s)),
        out_shape=jax.ShapeDtypeStruct((H, S), f16),
    )(q, k, vt, mbias)

    out = pl.pallas_call(
        _omoe_kernel,
        grid=(nblk,),
        in_specs=[
            pl.BlockSpec((H, SBLK), lambda s: (0, s)),
            pl.BlockSpec((E, SBLK), lambda s: (0, s)),
            _full((E, H, H)), _full((H, E * R)), _full((E * R, H)),
            _full((E, E * R)),
        ],
        out_specs=pl.BlockSpec((SBLK, H), lambda s: (s, 0)),
        out_shape=jax.ShapeDtypeStruct((S, H), jnp.float32),
    )(ctx_t, co, wo, aocat, bos, rep)

    return out.reshape(B, S, H)

# --- scband reference (transcript-rebuilt; emitter-appended) ---
"""Pipeline reference for scband-hybrid-mo-elo-raattention-858993459669 (READ-ONLY COPY).

The authoritative reference and input builder live on the scoring server;
editing this copy changes nothing except your own understanding.
"""

import jax, jax.numpy as jnp
import numpy as np

H = 768
NH = 12
DH = H // NH
E = 6
R = 16
K = 2
SC = 128.0 / 16.0

def setup_inputs(seed: int = 0):
    key = jax.random.key(seed)
    ks = jax.random.split(key, 18)
    B, S = 1, 2048
    def nrm(k, shape, std=0.02):
        return jax.random.normal(k, shape, dtype=jnp.float32) * std
    return {
        "hidden_states": nrm(ks[0], (B, S, H), 1.0),
        "attention_mask": jnp.ones((B, S), dtype=jnp.float32),
        "Wq": nrm(ks[1], (H, H)),
        "Aq": nrm(ks[2], (H, R), 0.01),
        "Bq": nrm(ks[3], (R, H), 0.01),
        "Wk": nrm(ks[4], (H, H)),
        "Ak": nrm(ks[5], (H, R), 0.01),
        "Bk": nrm(ks[6], (R, H), 0.01),
        "gate_v_w": nrm(ks[7], (H, E), 0.01),
        "gate_o_w": nrm(ks[8], (H, E), 0.01),
        "Wv": nrm(ks[9], (E, H, H)),
        "Av": nrm(ks[10], (E, H, R), 0.01),
        "Bv": nrm(ks[11], (E, R, H), 0.01),
        "Wo": nrm(ks[12], (E, H, H)),
        "Ao": nrm(ks[13], (E, H, R), 0.01),
        "Bo": nrm(ks[14], (E, R, H), 0.01),
    }

def reference(hidden_states, attention_mask, Wq, Aq, Bq, Wk, Ak, Bk, gate_v_w, gate_o_w, Wv, Av, Bv, Wo, Ao, Bo):
    x = hidden_states
    B, S, _ = x.shape
    # Q, K: frozen base + classic LoRA (freeze_base=True -> stop_gradient on base)
    base_q = jax.lax.stop_gradient(x @ Wq)
    base_k = jax.lax.stop_gradient(x @ Wk)
    q = base_q + ((x @ Aq) @ Bq) * SC
    k = base_k + ((x @ Ak) @ Bk) * SC
    # token-wise top-k expert selection (sigmoid gate -> topk -> softmax over topk)
    def gate_select(gw):
        scores = jax.nn.sigmoid(x @ gw)
        top_s, top_i = jax.lax.top_k(scores, K)
        w = jax.nn.softmax(top_s, axis=-1)
        return top_i, w
    v_idx, v_w = gate_select(gate_v_w)
    o_idx, o_w = gate_select(gate_o_w)
    # V MoE: per-expert (frozen base + LoRA) projection, gather selected experts per token
    v_base = jax.lax.stop_gradient(jnp.einsum('bsh,ehd->bsed', x, Wv))
    v_lora = jnp.einsum('bser,erd->bsed', jnp.einsum('bsh,ehr->bser', x, Av), Bv) * SC
    v_all = v_base + v_lora
    v_sel = jnp.take_along_axis(v_all, v_idx[..., None], axis=2)
    final_value = jnp.sum(v_w[..., None] * v_sel, axis=2)
    def split_heads(t):
        return t.reshape(B, S, NH, DH).transpose(0, 2, 1, 3)
    ql, kl, vl = split_heads(q), split_heads(k), split_heads(final_value)
    att = (ql @ kl.transpose(0, 1, 3, 2)) / jnp.sqrt(jnp.float32(DH))
    mask = (1.0 - attention_mask)[:, None, None, :] * -10000.0
    att = att + mask
    probs = jax.nn.softmax(att, axis=-1)
    ctx = (probs @ vl).transpose(0, 2, 1, 3).reshape(B, S, H)
    # O MoE: gated on hidden_states, applied to attention context
    o_base = jax.lax.stop_gradient(jnp.einsum('bsh,ehd->bsed', ctx, Wo))
    o_lora = jnp.einsum('bser,erd->bsed', jnp.einsum('bsh,ehr->bser', ctx, Ao), Bo) * SC
    o_all = o_base + o_lora
    o_sel = jnp.take_along_axis(o_all, o_idx[..., None], axis=2)
    out = jnp.sum(o_w[..., None] * o_sel, axis=2)
    return out

if __name__ == "__main__":
    import jax
    _d = setup_inputs()
    print(jax.jit(kernel)(*tuple(_d.values())))

</pallas_src>

<mosaic_0001>
#map = affine_map<(d0, d1) -> (0, 0)>
module attributes {stable_mosaic.version = 14 : i64} {
  func.func @_gate_coef_sc(%arg0: i32, %arg1: i32, %arg2: memref<6x2048xf32, #tpu.memory_space<hbm>>, %arg3: memref<6x2048xf32, #tpu.memory_space<hbm>>, %arg4: memref<6x128xf32, #tpu.memory_space<vmem>>, %arg5: memref<6x128xf32, #tpu.memory_space<vmem>>) attributes {dimension_semantics = [#tpu.dimension_semantics<core_parallel>, #tpu.dimension_semantics<subcore_parallel>], iteration_bounds = array<i64: 2, 16>, scalar_prefetch = 0 : i64, scratch_operands = 2 : i64, tpu.core_type = #tpu.core_type<sc_vector_subcore>, window_params = [{transform_indices = #map}, {transform_indices = #map}]} {
    %mul3A = arith.constant 2 : i32
    %mul3A_0 = arith.muli %arg1, %mul3A : i32
    %add3A = arith.addi %mul3A_0, %arg0 : i32
    %lt3A = arith.constant 16 : i32
    %lt3A_1 = arith.cmpi slt, %add3A, %lt3A : i32
    %convert_element_type3A = arith.extui %lt3A_1 : i1 to i32
    %cond3A = arith.constant 0 : i32
    %cond3A_2 = arith.cmpi ne, %convert_element_type3A, %cond3A : i32
    scf.if %cond3A_2 {
      %mul3A_3 = arith.constant 128 : i32
      %mul3A_4 = arith.muli %add3A, %mul3A_3 : i32
      "tpu.region"() ({
        %run_scoped3A = tpu.sem_alloc : memref<!tpu.dma_semaphore, #tpu.memory_space<semaphore_mem>>
        %dma_start3A = arith.constant 0 : i32
        %dma_start3A_2490 = tpu.memref_slice %arg2[%dma_start3A, %mul3A_4] : memref<6x2048xf32, #tpu.memory_space<hbm>> -> memref<6x128xf32, #tpu.memory_space<hbm>>
        %dma_start3A_2491 = arith.constant 0 : i32
        %dma_start3A_2492 = tpu.memref_slice %arg2[%dma_start3A_2491, %mul3A_4] : memref<6x2048xf32, #tpu.memory_space<hbm>> -> memref<6x128xf32, #tpu.memory_space<hbm>>
        tpu.enqueue_dma source(%dma_start3A_2492 : memref<6x128xf32, #tpu.memory_space<hbm>>) target(%arg4 : memref<6x128xf32, #tpu.memory_space<vmem>>) target_semaphore(%run_scoped3A : memref<!tpu.dma_semaphore, #tpu.memory_space<semaphore_mem>>)
        %dma_wait3A = arith.constant 0 : i32
        %dma_wait3A_2493 = tpu.memref_slice %arg2[%dma_wait3A, %mul3A_4] : memref<6x2048xf32, #tpu.memory_space<hbm>> -> memref<6x128xf32, #tpu.memory_space<hbm>>
        %dma_wait3A_2494 = arith.constant 0 : i32
        %dma_wait3A_2495 = tpu.memref_slice %arg2[%dma_wait3A_2494, %mul3A_4] : memref<6x2048xf32, #tpu.memory_space<hbm>> -> memref<6x128xf32, #tpu.memory_space<hbm>>
        tpu.wait_dma2 semaphore(%run_scoped3A : memref<!tpu.dma_semaphore, #tpu.memory_space<semaphore_mem>>) src(%dma_wait3A_2495 : memref<6x128xf32, #tpu.memory_space<hbm>>) dst(%arg4 : memref<6x128xf32, #tpu.memory_space<vmem>>)
        tpu.yield
      }) : () -> ()
      %get3A = arith.constant 0 : i32
      %get3A_5 = arith.index_cast %get3A : i32 to index
      %get3A_6 = arith.constant 0 : index
      %get3A_7 = tpu.vector_load %arg4[%get3A_5, %get3A_6] {strides = array<i32>} : memref<6x128xf32, #tpu.memory_space<vmem>>, vector<1x16xf32>,
      %get3A_8 = vector.shape_cast %get3A_7 : vector<1x16xf32> to vector<16xf32>
      %neg3A = arith.constant 0.000000e+00 : f32
      %neg3A_9 = vector.broadcast %neg3A : f32 to vector<16xf32>
      %neg3A_10 = arith.subf %neg3A_9, %get3A_8 : vector<16xf32>
      %exp3A = math.exp %neg3A_10 : vector<16xf32>
      %add3A_11 = arith.constant 1.000000e+00 : f32
      %add3A_12 = vector.broadcast %add3A_11 : f32 to vector<16xf32>
      %add3A_13 = arith.addf %add3A_12, %exp3A : vector<16xf32>
      %div3A = arith.constant 1.000000e+00 : f32
      %div3A_14 = vector.broadcast %div3A : f32 to vector<16xf32>
      %div3A_15 = arith.divf %div3A_14, %add3A_13 : vector<16xf32>
      %get3A_16 = arith.constant 1 : i32
      %get3A_17 = arith.index_cast %get3A_16 : i32 to index
      %get3A_18 = arith.constant 0 : index
      %get3A_19 = tpu.vector_load %arg4[%get3A_17, %get3A_18] {strides = array<i32>} : memref<6x128xf32, #tpu.memory_space<vmem>>, vector<1x16xf32>,
      %get3A_20 = vector.shape_cast %get3A_19 : vector<1x16xf32> to vector<16xf32>
      %neg3A_21 = arith.constant 0.000000e+00 : f32
      %neg3A_22 = vector.broadcast %neg3A_21 : f32 to vector<16xf32>
      %neg3A_23 = arith.subf %neg3A_22, %get3A_20 : vector<16xf32>
      %exp3A_24 = math.exp %neg3A_23 : vector<16xf32>
      %add3A_25 = arith.constant 1.000000e+00 : f32
      %add3A_26 = vector.broadcast %add3A_25 : f32 to vector<16xf32>
      %add3A_27 = arith.addf %add3A_26, %exp3A_24 : vector<16xf32>
      %div3A_28 = arith.constant 1.000000e+00 : f32
      %div3A_29 = vector.broadcast %div3A_28 : f32 to vector<16xf32>
      %div3A_30 = arith.divf %div3A_29, %add3A_27 : vector<16xf32>
      %get3A_31 = arith.constant 2 : i32
      %get3A_32 = arith.index_cast %get3A_31 : i32 to index
      %get3A_33 = arith.constant 0 : index
      %get3A_34 = tpu.vector_load %arg4[%get3A_32, %get3A_33] {strides = array<i32>} : memref<6x128xf32, #tpu.memory_space<vmem>>, vector<1x16xf32>,
      %get3A_35 = vector.shape_cast %get3A_34 : vector<1x16xf32> to vector<16xf32>
      %neg3A_36 = arith.constant 0.000000e+00 : f32
      %neg3A_37 = vector.broadcast %neg3A_36 : f32 to vector<16xf32>
      %neg3A_38 = arith.subf %neg3A_37, %get3A_35 : vector<16xf32>
      %exp3A_39 = math.exp %neg3A_38 : vector<16xf32>
      %add3A_40 = arith.constant 1.000000e+00 : f32
      %add3A_41 = vector.broadcast %add3A_40 : f32 to vector<16xf32>
      %add3A_42 = arith.addf %add3A_41, %exp3A_39 : vector<16xf32>
      %div3A_43 = arith.constant 1.000000e+00 : f32
      %div3A_44 = vector.broadcast %div3A_43 : f32 to vector<16xf32>
      %div3A_45 = arith.divf %div3A_44, %add3A_42 : vector<16xf32>
      %get3A_46 = arith.constant 3 : i32
      %get3A_47 = arith.index_cast %get3A_46 : i32 to index
      %get3A_48 = arith.constant 0 : index
      %get3A_49 = tpu.vector_load %arg4[%get3A_47, %get3A_48] {strides = array<i32>} : memref<6x128xf32, #tpu.memory_space<vmem>>, vector<1x16xf32>,
      %get3A_50 = vector.shape_cast %get3A_49 : vector<1x16xf32> to vector<16xf32>
      %neg3A_51 = arith.constant 0.000000e+00 : f32
      %neg3A_52 = vector.broadcast %neg3A_51 : f32 to vector<16xf32>
      %neg3A_53 = arith.subf %neg3A_52, %get3A_50 : vector<16xf32>
      %exp3A_54 = math.exp %neg3A_53 : vector<16xf32>
      %add3A_55 = arith.constant 1.000000e+00 : f32
      %add3A_56 = vector.broadcast %add3A_55 : f32 to vector<16xf32>
      %add3A_57 = arith.addf %add3A_56, %exp3A_54 : vector<16xf32>
      %div3A_58 = arith.constant 1.000000e+00 : f32
      %div3A_59 = vector.broadcast %div3A_58 : f32 to vector<16xf32>
      %div3A_60 = arith.divf %div3A_59, %add3A_57 : vector<16xf32>
      %get3A_61 = arith.constant 4 : i32
      %get3A_62 = arith.index_cast %get3A_61 : i32 to index
      %get3A_63 = arith.constant 0 : index
      %get3A_64 = tpu.vector_load %arg4[%get3A_62, %get3A_63] {strides = array<i32>} : memref<6x128xf32, #tpu.memory_space<vmem>>, vector<1x16xf32>,
      %get3A_65 = vector.shape_cast %get3A_64 : vector<1x16xf32> to vector<16xf32>
      %neg3A_66 = arith.constant 0.000000e+00 : f32
      %neg3A_67 = vector.broadcast %neg3A_66 : f32 to vector<16xf32>
      %neg3A_68 = arith.subf %neg3A_67, %get3A_65 : vector<16xf32>
      %exp3A_69 = math.exp %neg3A_68 : vector<16xf32>
      %add3A_70 = arith.constant 1.000000e+00 : f32
      %add3A_71 = vector.broadcast %add3A_70 : f32 to vector<16xf32>
      %add3A_72 = arith.addf %add3A_71, %exp3A_69 : vector<16xf32>
      %div3A_73 = arith.constant 1.000000e+00 : f32
      %div3A_74 = vector.broadcast %div3A_73 : f32 to vector<16xf32>
      %div3A_75 = arith.divf %div3A_74, %add3A_72 : vector<16xf32>
      %get3A_76 = arith.constant 5 : i32
      %get3A_77 = arith.index_cast %get3A_76 : i32 to index
      %get3A_78 = arith.constant 0 : index
      %get3A_79 = tpu.vector_load %arg4[%get3A_77, %get3A_78] {strides = array<i32>} : memref<6x128xf32, #tpu.memory_space<vmem>>, vector<1x16xf32>,
      %get3A_80 = vector.shape_cast %get3A_79 : vector<1x16xf32> to vector<16xf32>
      %neg3A_81 = arith.constant 0.000000e+00 : f32
      %neg3A_82 = vector.broadcast %neg3A_81 : f32 to vector<16xf32>
      %neg3A_83 = arith.subf %neg3A_82, %get3A_80 : vector<16xf32>
      %exp3A_84 = math.exp %neg3A_83 : vector<16xf32>
      %add3A_85 = arith.constant 1.000000e+00 : f32
      %add3A_86 = vector.broadcast %add3A_85 : f32 to vector<16xf32>
      %add3A_87 = arith.addf %add3A_86, %exp3A_84 : vector<16xf32>
      %div3A_88 = arith.constant 1.000000e+00 : f32
      %div3A_89 = vector.broadcast %div3A_88 : f32 to vector<16xf32>
      %div3A_90 = arith.divf %div3A_89, %add3A_87 : vector<16xf32>
      %max3A = arith.maximumf %div3A_15, %div3A_30 : vector<16xf32>
      %max3A_91 = arith.maximumf %max3A, %div3A_45 : vector<16xf32>
      %max3A_92 = arith.maximumf %max3A_91, %div3A_60 : vector<16xf32>
      %max3A_93 = arith.maximumf %max3A_92, %div3A_75 : vector<16xf32>
      %max3A_94 = arith.maximumf %max3A_93, %div3A_90 : vector<16xf32>
      %broadcast_in_dim3A = arith.constant 6 : i32
      %broadcast_in_dim3A_95 = vector.broadcast %broadcast_in_dim3A : i32 to vector<16xi32>
      %eq3A = arith.cmpf oeq, %div3A_90, %max3A_94 : vector<16xf32>
      %jit3A = arith.constant 5 : i32
      %broadcast_in_dim3A_96 = vector.broadcast %jit3A : i32 to vector<16xi32>
      %select_n3A = arith.select %eq3A, %broadcast_in_dim3A_96, %broadcast_in_dim3A_95 : vector<16xi1>, vector<16xi32>
      %eq3A_97 = arith.cmpf oeq, %div3A_75, %max3A_94 : vector<16xf32>
      %jit3A_98 = arith.constant 4 : i32
      %broadcast_in_dim3A_99 = vector.broadcast %jit3A_98 : i32 to vector<16xi32>
      %select_n3A_100 = arith.select %eq3A_97, %broadcast_in_dim3A_99, %select_n3A : vector<16xi1>, vector<16xi32>
      %eq3A_101 = arith.cmpf oeq, %div3A_60, %max3A_94 : vector<16xf32>
      %jit3A_102 = arith.constant 3 : i32
      %broadcast_in_dim3A_103 = vector.broadcast %jit3A_102 : i32 to vector<16xi32>
      %select_n3A_104 = arith.select %eq3A_101, %broadcast_in_dim3A_103, %select_n3A_100 : vector<16xi1>, vector<16xi32>
      %eq3A_105 = arith.cmpf oeq, %div3A_45, %max3A_94 : vector<16xf32>
      %jit3A_106 = arith.constant 2 : i32
      %broadcast_in_dim3A_107 = vector.broadcast %jit3A_106 : i32 to vector<16xi32>
      %select_n3A_108 = arith.select %eq3A_105, %broadcast_in_dim3A_107, %select_n3A_104 : vector<16xi1>, vector<16xi32>
      %eq3A_109 = arith.cmpf oeq, %div3A_30, %max3A_94 : vector<16xf32>
      %jit3A_110 = arith.constant 1 : i32
      %broadcast_in_dim3A_111 = vector.broadcast %jit3A_110 : i32 to vector<16xi32>
      %select_n3A_112 = arith.select %eq3A_109, %broadcast_in_dim3A_111, %select_n3A_108 : vector<16xi1>, vector<16xi32>
      %eq3A_113 = arith.cmpf oeq, %div3A_15, %max3A_94 : vector<16xf32>
      %jit3A_114 = arith.constant 0 : i32
      %broadcast_in_dim3A_115 = vector.broadcast %jit3A_114 : i32 to vector<16xi32>
      %select_n3A_116 = arith.select %eq3A_113, %broadcast_in_dim3A_115, %select_n3A_112 : vector<16xi1>, vector<16xi32>
      %broadcast_in_dim3A_117 = arith.constant 0xFF800000 : f32
      %broadcast_in_dim3A_118 = vector.broadcast %broadcast_in_dim3A_117 : f32 to vector<16xf32>
      %eq3A_119 = arith.constant 0 : i32
      %eq3A_120 = vector.broadcast %eq3A_119 : i32 to vector<16xi32>
      %eq3A_121 = arith.cmpi eq, %select_n3A_116, %eq3A_120 : vector<16xi32>
      %jit3A_122 = arith.constant 0xFF800000 : f32
      %broadcast_in_dim3A_123 = vector.broadcast %jit3A_122 : f32 to vector<16xf32>
      %select_n3A_124 = arith.select %eq3A_121, %broadcast_in_dim3A_123, %div3A_15 : vector<16xi1>, vector<16xf32>
      %max3A_125 = arith.maximumf %broadcast_in_dim3A_118, %select_n3A_124 : vector<16xf32>
      %eq3A_126 = arith.constant 1 : i32
      %eq3A_127 = vector.broadcast %eq3A_126 : i32 to vector<16xi32>
      %eq3A_128 = arith.cmpi eq, %select_n3A_116, %eq3A_127 : vector<16xi32>
      %jit3A_129 = arith.constant 0xFF800000 : f32
      %broadcast_in_dim3A_130 = vector.broadcast %jit3A_129 : f32 to vector<16xf32>
      %select_n3A_131 = arith.select %eq3A_128, %broadcast_in_dim3A_130, %div3A_30 : vector<16xi1>, vector<16xf32>
      %max3A_132 = arith.maximumf %max3A_125, %select_n3A_131 : vector<16xf32>
      %eq3A_133 = arith.constant 2 : i32
      %eq3A_134 = vector.broadcast %eq3A_133 : i32 to vector<16xi32>
      %eq3A_135 = arith.cmpi eq, %select_n3A_116, %eq3A_134 : vector<16xi32>
      %jit3A_136 = arith.constant 0xFF800000 : f32
      %broadcast_in_dim3A_137 = vector.broadcast %jit3A_136 : f32 to vector<16xf32>
      %select_n3A_138 = arith.select %eq3A_135, %broadcast_in_dim3A_137, %div3A_45 : vector<16xi1>, vector<16xf32>
      %max3A_139 = arith.maximumf %max3A_132, %select_n3A_138 : vector<16xf32>
      %eq3A_140 = arith.constant 3 : i32
      %eq3A_141 = vector.broadcast %eq3A_140 : i32 to vector<16xi32>
      %eq3A_142 = arith.cmpi eq, %select_n3A_116, %eq3A_141 : vector<16xi32>
      %jit3A_143 = arith.constant 0xFF800000 : f32
      %broadcast_in_dim3A_144 = vector.broadcast %jit3A_143 : f32 to vector<16xf32>
      %select_n3A_145 = arith.select %eq3A_142, %broadcast_in_dim3A_144, %div3A_60 : vector<16xi1>, vector<16xf32>
      %max3A_146 = arith.maximumf %max3A_139, %select_n3A_145 : vector<16xf32>
      %eq3A_147 = arith.constant 4 : i32
      %eq3A_148 = vector.broadcast %eq3A_147 : i32 to vector<16xi32>
      %eq3A_149 = arith.cmpi eq, %select_n3A_116, %eq3A_148 : vector<16xi32>
      %jit3A_150 = arith.constant 0xFF800000 : f32
      %broadcast_in_dim3A_151 = vector.broadcast %jit3A_150 : f32 to vector<16xf32>
      %select_n3A_152 = arith.select %eq3A_149, %broadcast_in_dim3A_151, %div3A_75 : vector<16xi1>, vector<16xf32>
      %max3A_153 = arith.maximumf %max3A_146, %select_n3A_152 : vector<16xf32>
      %eq3A_154 = arith.constant 5 : i32
      %eq3A_155 = vector.broadcast %eq3A_154 : i32 to vector<16xi32>
      %eq3A_156 = arith.cmpi eq, %select_n3A_116, %eq3A_155 : vector<16xi32>
      %jit3A_157 = arith.constant 0xFF800000 : f32
      %broadcast_in_dim3A_158 = vector.broadcast %jit3A_157 : f32 to vector<16xf32>
      %select_n3A_159 = arith.select %eq3A_156, %broadcast_in_dim3A_158, %div3A_90 : vector<16xi1>, vector<16xf32>
      %max3A_160 = arith.maximumf %max3A_153, %select_n3A_159 : vector<16xf32>
      %broadcast_in_dim3A_161 = arith.constant 6 : i32
      %broadcast_in_dim3A_162 = vector.broadcast %broadcast_in_dim3A_161 : i32 to vector<16xi32>
      %eq3A_163 = arith.cmpf oeq, %div3A_90, %max3A_160 : vector<16xf32>
      %ne3A = arith.constant 5 : i32
      %ne3A_164 = vector.broadcast %ne3A : i32 to vector<16xi32>
      %ne3A_165 = arith.cmpi ne, %select_n3A_116, %ne3A_164 : vector<16xi32>
      %and3A = arith.andi %eq3A_163, %ne3A_165 : vector<16xi1>
      %jit3A_166 = arith.constant 5 : i32
      %broadcast_in_dim3A_167 = vector.broadcast %jit3A_166 : i32 to vector<16xi32>
      %select_n3A_168 = arith.select %and3A, %broadcast_in_dim3A_167, %broadcast_in_dim3A_162 : vector<16xi1>, vector<16xi32>
      %eq3A_169 = arith.cmpf oeq, %div3A_75, %max3A_160 : vector<16xf32>
      %ne3A_170 = arith.constant 4 : i32
      %ne3A_171 = vector.broadcast %ne3A_170 : i32 to vector<16xi32>
      %ne3A_172 = arith.cmpi ne, %select_n3A_116, %ne3A_171 : vector<16xi32>
      %and3A_173 = arith.andi %eq3A_169, %ne3A_172 : vector<16xi1>
      %jit3A_174 = arith.constant 4 : i32
      %broadcast_in_dim3A_175 = vector.broadcast %jit3A_174 : i32 to vector<16xi32>
      %select_n3A_176 = arith.select %and3A_173, %broadcast_in_dim3A_175, %select_n3A_168 : vector<16xi1>, vector<16xi32>
      %eq3A_177 = arith.cmpf oeq, %div3A_60, %max3A_160 : vector<16xf32>
      %ne3A_178 = arith.constant 3 : i32
      %ne3A_179 = vector.broadcast %ne3A_178 : i32 to vector<16xi32>
      %ne3A_180 = arith.cmpi ne, %select_n3A_116, %ne3A_179 : vector<16xi32>
      %and3A_181 = arith.andi %eq3A_177, %ne3A_180 : vector<16xi1>
      %jit3A_182 = arith.constant 3 : i32
      %broadcast_in_dim3A_183 = vector.broadcast %jit3A_182 : i32 to vector<16xi32>
      %select_n3A_184 = arith.select %and3A_181, %broadcast_in_dim3A_183, %select_n3A_176 : vector<16xi1>, vector<16xi32>
      %eq3A_185 = arith.cmpf oeq, %div3A_45, %max3A_160 : vector<16xf32>
      %ne3A_186 = arith.constant 2 : i32
      %ne3A_187 = vector.broadcast %ne3A_186 : i32 to vector<16xi32>
      %ne3A_188 = arith.cmpi ne, %select_n3A_116, %ne3A_187 : vector<16xi32>
      %and3A_189 = arith.andi %eq3A_185, %ne3A_188 : vector<16xi1>
      %jit3A_190 = arith.constant 2 : i32
      %broadcast_in_dim3A_191 = vector.broadcast %jit3A_190 : i32 to vector<16xi32>
      %select_n3A_192 = arith.select %and3A_189, %broadcast_in_dim3A_191, %select_n3A_184 : vector<16xi1>, vector<16xi32>
      %eq3A_193 = arith.cmpf oeq, %div3A_30, %max3A_160 : vector<16xf32>
      %ne3A_194 = arith.constant 1 : i32
      %ne3A_195 = vector.broadcast %ne3A_194 : i32 to vector<16xi32>
      %ne3A_196 = arith.cmpi ne, %select_n3A_116, %ne3A_195 : vector<16xi32>
      %and3A_197 = arith.andi %eq3A_193, %ne3A_196 : vector<16xi1>
      %jit3A_198 = arith.constant 1 : i32
      %broadcast_in_dim3A_199 = vector.broadcast %jit3A_198 : i32 to vector<16xi32>
      %select_n3A_200 = arith.select %and3A_197, %broadcast_in_dim3A_199, %select_n3A_192 : vector<16xi1>, vector<16xi32>
      %eq3A_201 = arith.cmpf oeq, %div3A_15, %max3A_160 : vector<16xf32>
      %ne3A_202 = arith.constant 0 : i32
      %ne3A_203 = vector.broadcast %ne3A_202 : i32 to vector<16xi32>
      %ne3A_204 = arith.cmpi ne, %select_n3A_116, %ne3A_203 : vector<16xi32>
      %and3A_205 = arith.andi %eq3A_201, %ne3A_204 : vector<16xi1>
      %jit3A_206 = arith.constant 0 : i32
      %broadcast_in_dim3A_207 = vector.broadcast %jit3A_206 : i32 to vector<16xi32>
      %select_n3A_208 = arith.select %and3A_205, %broadcast_in_dim3A_207, %select_n3A_200 : vector<16xi1>, vector<16xi32>
      %sub3A = arith.subf %max3A_160, %max3A_94 : vector<16xf32>
      %exp3A_209 = math.exp %sub3A : vector<16xf32>
      %add3A_210 = arith.constant 1.000000e+00 : f32
      %add3A_211 = vector.broadcast %add3A_210 : f32 to vector<16xf32>
      %add3A_212 = arith.addf %add3A_211, %exp3A_209 : vector<16xf32>
      %div3A_213 = arith.constant 1.000000e+00 : f32
      %div3A_214 = vector.broadcast %div3A_213 : f32 to vector<16xf32>
      %div3A_215 = arith.divf %div3A_214, %add3A_212 : vector<16xf32>
      %sub3A_216 = arith.constant 1.000000e+00 : f32
      %sub3A_217 = vector.broadcast %sub3A_216 : f32 to vector<16xf32>
      %sub3A_218 = arith.subf %sub3A_217, %div3A_215 : vector<16xf32>
      %broadcast_in_dim3A_219 = arith.constant 0.000000e+00 : f32
      %broadcast_in_dim3A_220 = vector.broadcast %broadcast_in_dim3A_219 : f32 to vector<16xf32>
      %eq3A_221 = arith.constant 0 : i32
      %eq3A_222 = vector.broadcast %eq3A_221 : i32 to vector<16xi32>
      %eq3A_223 = arith.cmpi eq, %select_n3A_116, %eq3A_222 : vector<16xi32>
      %eq3A_224 = arith.constant 0 : i32
      %eq3A_225 = vector.broadcast %eq3A_224 : i32 to vector<16xi32>
      %eq3A_226 = arith.cmpi eq, %select_n3A_208, %eq3A_225 : vector<16xi32>
      %select_n3A_227 = arith.select %eq3A_226, %sub3A_218, %broadcast_in_dim3A_220 : vector<16xi1>, vector<16xf32>
      %select_n3A_228 = arith.select %eq3A_223, %div3A_215, %select_n3A_227 : vector<16xi1>, vector<16xf32>
      %swap3A = arith.constant 0 : i32
      %swap3A_229 = arith.index_cast %swap3A : i32 to index
      %swap3A_230 = arith.constant 0 : index
      %swap3A_231 = tpu.vector_load %arg5[%swap3A_229, %swap3A_230] {strides = array<i32>} : memref<6x128xf32, #tpu.memory_space<vmem>>, vector<1x16xf32>,
      %swap3A_232 = vector.shape_cast %swap3A_231 : vector<1x16xf32> to vector<16xf32>
      %swap3A_233 = vector.shape_cast %select_n3A_228 : vector<16xf32> to vector<1x16xf32>
      tpu.vector_store %arg5[%swap3A_229, %swap3A_230], %swap3A_233 {strides = array<i32>} : memref<6x128xf32, #tpu.memory_space<vmem>>, vector<1x16xf32>,
      %eq3A_234 = arith.constant 1 : i32
      %eq3A_235 = vector.broadcast %eq3A_234 : i32 to vector<16xi32>
      %eq3A_236 = arith.cmpi eq, %select_n3A_116, %eq3A_235 : vector<16xi32>
      %eq3A_237 = arith.constant 1 : i32
      %eq3A_238 = vector.broadcast %eq3A_237 : i32 to vector<16xi32>
      %eq3A_239 = arith.cmpi eq, %select_n3A_208, %eq3A_238 : vector<16xi32>
      %select_n3A_240 = arith.select %eq3A_239, %sub3A_218, %broadcast_in_dim3A_220 : vector<16xi1>, vector<16xf32>
      %select_n3A_241 = arith.select %eq3A_236, %div3A_215, %select_n3A_240 : vector<16xi1>, vector<16xf32>
      %swap3A_242 = arith.constant 1 : i32
      %swap3A_243 = arith.index_cast %swap3A_242 : i32 to index
      %swap3A_244 = arith.constant 0 : index
      %swap3A_245 = tpu.vector_load %arg5[%swap3A_243, %swap3A_244] {strides = array<i32>} : memref<6x128xf32, #tpu.memory_space<vmem>>, vector<1x16xf32>,
      %swap3A_246 = vector.shape_cast %swap3A_245 : vector<1x16xf32> to vector<16xf32>
      %swap3A_247 = vector.shape_cast %select_n3A_241 : vector<16xf32> to vector<1x16xf32>
      tpu.vector_store %arg5[%swap3A_243, %swap3A_244], %swap3A_247 {strides = array<i32>} : memref<6x128xf32, #tpu.memory_space<vmem>>, vector<1x16xf32>,
      %eq3A_248 = arith.constant 2 : i32
      %eq3A_249 = vector.broadcast %eq3A_248 : i32 to vector<16xi32>
      %eq3A_250 = arith.cmpi eq, %select_n3A_116, %eq3A_249 : vector<16xi32>
      %eq3A_251 = arith.constant 2 : i32
      %eq3A_252 = vector.broadcast %eq3A_251 : i32 to vector<16xi32>
      %eq3A_253 = arith.cmpi eq, %select_n3A_208, %eq3A_252 : vector<16xi32>
      %select_n3A_254 = arith.select %eq3A_253, %sub3A_218, %broadcast_in_dim3A_220 : vector<16xi1>, vector<16xf32>
      %select_n3A_255 = arith.select %eq3A_250, %div3A_215, %select_n3A_254 : vector<16xi1>, vector<16xf32>
      %swap3A_256 = arith.constant 2 : i32
      %swap3A_257 = arith.index_cast %swap3A_256 : i32 to index
      %swap3A_258 = arith.constant 0 : index
      %swap3A_259 = tpu.vector_load %arg5[%swap3A_257, %swap3A_258] {strides = array<i32>} : memref<6x128xf32, #tpu.memory_space<vmem>>, vector<1x16xf32>,
      %swap3A_260 = vector.shape_cast %swap3A_259 : vector<1x16xf32> to vector<16xf32>
      %swap3A_261 = vector.shape_cast %select_n3A_255 : vector<16xf32> to vector<1x16xf32>
      tpu.vector_store %arg5[%swap3A_257, %swap3A_258], %swap3A_261 {strides = array<i32>} : memref<6x128xf32, #tpu.memory_space<vmem>>, vector<1x16xf32>,
      %eq3A_262 = arith.constant 3 : i32
      %eq3A_263 = vector.broadcast %eq3A_262 : i32 to vector<16xi32>
      %eq3A_264 = arith.cmpi eq, %select_n3A_116, %eq3A_263 : vector<16xi32>
      %eq3A_265 = arith.constant 3 : i32
      %eq3A_266 = vector.broadcast %eq3A_265 : i32 to vector<16xi32>
      %eq3A_267 = arith.cmpi eq, %select_n3A_208, %eq3A_266 : vector<16xi32>
      %select_n3A_268 = arith.select %eq3A_267, %sub3A_218, %broadcast_in_dim3A_220 : vector<16xi1>, vector<16xf32>
      %select_n3A_269 = arith.select %eq3A_264, %div3A_215, %select_n3A_268 : vector<16xi1>, vector<16xf32>
      %swap3A_270 = arith.constant 3 : i32
      %swap3A_271 = arith.index_cast %swap3A_270 : i32 to index
      %swap3A_272 = arith.constant 0 : index
      %swap3A_273 = tpu.vector_load %arg5[%swap3A_271, %swap3A_272] {strides = array<i32>} : memref<6x128xf32, #tpu.memory_space<vmem>>, vector<1x16xf32>,
      %swap3A_274 = vector.shape_cast %swap3A_273 : vector<1x16xf32> to vector<16xf32>
      %swap3A_275 = vector.shape_cast %select_n3A_269 : vector<16xf32> to vector<1x16xf32>
      tpu.vector_store %arg5[%swap3A_271, %swap3A_272], %swap3A_275 {strides = array<i32>} : memref<6x128xf32, #tpu.memory_space<vmem>>, vector<1x16xf32>,
      %eq3A_276 = arith.constant 4 : i32
      %eq3A_277 = vector.broadcast %eq3A_276 : i32 to vector<16xi32>
      %eq3A_278 = arith.cmpi eq, %select_n3A_116, %eq3A_277 : vector<16xi32>
      %eq3A_279 = arith.constant 4 : i32
      %eq3A_280 = vector.broadcast %eq3A_279 : i32 to vector<16xi32>
      %eq3A_281 = arith.cmpi eq, %select_n3A_208, %eq3A_280 : vector<16xi32>
      %select_n3A_282 = arith.select %eq3A_281, %sub3A_218, %broadcast_in_dim3A_220 : vector<16xi1>, vector<16xf32>
      %select_n3A_283 = arith.select %eq3A_278, %div3A_215, %select_n3A_282 : vector<16xi1>, vector<16xf32>
      %swap3A_284 = arith.constant 4 : i32
      %swap3A_285 = arith.index_cast %swap3A_284 : i32 to index
      %swap3A_286 = arith.constant 0 : index
      %swap3A_287 = tpu.vector_load %arg5[%swap3A_285, %swap3A_286] {strides = array<i32>} : memref<6x128xf32, #tpu.memory_space<vmem>>, vector<1x16xf32>,
      %swap3A_288 = vector.shape_cast %swap3A_287 : vector<1x16xf32> to vector<16xf32>
      %swap3A_289 = vector.shape_cast %select_n3A_283 : vector<16xf32> to vector<1x16xf32>
      tpu.vector_store %arg5[%swap3A_285, %swap3A_286], %swap3A_289 {strides = array<i32>} : memref<6x128xf32, #tpu.memory_space<vmem>>, vector<1x16xf32>,
      %eq3A_290 = arith.constant 5 : i32
      %eq3A_291 = vector.broadcast %eq3A_290 : i32 to vector<16xi32>
      %eq3A_292 = arith.cmpi eq, %select_n3A_116, %eq3A_291 : vector<16xi32>
      %eq3A_293 = arith.constant 5 : i32
      %eq3A_294 = vector.broadcast %eq3A_293 : i32 to vector<16xi32>
      %eq3A_295 = arith.cmpi eq, %select_n3A_208, %eq3A_294 : vector<16xi32>
      %select_n3A_296 = arith.select %eq3A_295, %sub3A_218, %broadcast_in_dim3A_220 : vector<16xi1>, vector<16xf32>
      %select_n3A_297 = arith.select %eq3A_292, %div3A_215, %select_n3A_296 : vector<16xi1>, vector<16xf32>
      %swap3A_298 = arith.constant 5 : i32
      %swap3A_299 = arith.index_cast %swap3A_298 : i32 to index
      %swap3A_300 = arith.constant 0 : index
      %swap3A_301 = tpu.vector_load %arg5[%swap3A_299, %swap3A_300] {strides = array<i32>} : memref<6x128xf32, #tpu.memory_space<vmem>>, vector<1x16xf32>,
      %swap3A_302 = vector.shape_cast %swap3A_301 : vector<1x16xf32> to vector<16xf32>
      %swap3A_303 = vector.shape_cast %select_n3A_297 : vector<16xf32> to vector<1x16xf32>
      tpu.vector_store %arg5[%swap3A_299, %swap3A_300], %swap3A_303 {strides = array<i32>} : memref<6x128xf32, #tpu.memory_space<vmem>>, vector<1x16xf32>,
      %get3A_304 = arith.constant 0 : i32
      %get3A_305 = arith.index_cast %get3A_304 : i32 to index
      %get3A_306 = arith.constant 16 : index
      %get3A_307 = tpu.vector_load %arg4[%get3A_305, %get3A_306] {strides = array<i32>} : memref<6x128xf32, #tpu.memory_space<vmem>>, vector<1x16xf32>,
      %get3A_308 = vector.shape_cast %get3A_307 : vector<1x16xf32> to vector<16xf32>
      %neg3A_309 = arith.constant 0.000000e+00 : f32
      %neg3A_310 = vector.broadcast %neg3A_309 : f32 to vector<16xf32>
      %neg3A_311 = arith.subf %neg3A_310, %get3A_308 : vector<16xf32>
      %exp3A_312 = math.exp %neg3A_311 : vector<16xf32>
      %add3A_313 = arith.constant 1.000000e+00 : f32
      %add3A_314 = vector.broadcast %add3A_313 : f32 to vector<16xf32>
      %add3A_315 = arith.addf %add3A_314, %exp3A_312 : vector<16xf32>
      %div3A_316 = arith.constant 1.000000e+00 : f32
      %div3A_317 = vector.broadcast %div3A_316 : f32 to vector<16xf32>
      %div3A_318 = arith.divf %div3A_317, %add3A_315 : vector<16xf32>
      %get3A_319 = arith.constant 1 : i32
      %get3A_320 = arith.index_cast %get3A_319 : i32 to index
      %get3A_321 = arith.constant 16 : index
      %get3A_322 = tpu.vector_load %arg4[%get3A_320, %get3A_321] {strides = array<i32>} : memref<6x128xf32, #tpu.memory_space<vmem>>, vector<1x16xf32>,
      %get3A_323 = vector.shape_cast %get3A_322 : vector<1x16xf32> to vector<16xf32>
      %neg3A_324 = arith.constant 0.000000e+00 : f32
      %neg3A_325 = vector.broadcast %neg3A_324 : f32 to vector<16xf32>
      %neg3A_326 = arith.subf %neg3A_325, %get3A_323 : vector<16xf32>
      %exp3A_327 = math.exp %neg3A_326 : vector<16xf32>
      %add3A_328 = arith.constant 1.000000e+00 : f32
      %add3A_329 = vector.broadcast %add3A_328 : f32 to vector<16xf32>
      %add3A_330 = arith.addf %add3A_329, %exp3A_327 : vector<16xf32>
      %div3A_331 = arith.constant 1.000000e+00 : f32
      %div3A_332 = vector.broadcast %div3A_331 : f32 to vector<16xf32>
      %div3A_333 = arith.divf %div3A_332, %add3A_330 : vector<16xf32>
      %get3A_334 = arith.constant 2 : i32
      %get3A_335 = arith.index_cast %get3A_334 : i32 to index
      %get3A_336 = arith.constant 16 : index
      %get3A_337 = tpu.vector_load %arg4[%get3A_335, %get3A_336] {strides = array<i32>} : memref<6x128xf32, #tpu.memory_space<vmem>>, vector<1x16xf32>,
      %get3A_338 = vector.shape_cast %get3A_337 : vector<1x16xf32> to vector<16xf32>
      %neg3A_339 = arith.constant 0.000000e+00 : f32
      %neg3A_340 = vector.broadcast %neg3A_339 : f32 to vector<16xf32>
      %neg3A_341 = arith.subf %neg3A_340, %get3A_338 : vector<16xf32>
      %exp3A_342 = math.exp %neg3A_341 : vector<16xf32>
      %add3A_343 = arith.constant 1.000000e+00 : f32
      %add3A_344 = vector.broadcast %add3A_343 : f32 to vector<16xf32>
      %add3A_345 = arith.addf %add3A_344, %exp3A_342 : vector<16xf32>
      %div3A_346 = arith.constant 1.000000e+00 : f32
      %div3A_347 = vector.broadcast %div3A_346 : f32 to vector<16xf32>
      %div3A_348 = arith.divf %div3A_347, %add3A_345 : vector<16xf32>
      %get3A_349 = arith.constant 3 : i32
      %get3A_350 = arith.index_cast %get3A_349 : i32 to index
      %get3A_351 = arith.constant 16 : index
      %get3A_352 = tpu.vector_load %arg4[%get3A_350, %get3A_351] {strides = array<i32>} : memref<6x128xf32, #tpu.memory_space<vmem>>, vector<1x16xf32>,
      %get3A_353 = vector.shape_cast %get3A_352 : vector<1x16xf32> to vector<16xf32>
      %neg3A_354 = arith.constant 0.000000e+00 : f32
      %neg3A_355 = vector.broadcast %neg3A_354 : f32 to vector<16xf32>
      %neg3A_356 = arith.subf %neg3A_355, %get3A_353 : vector<16xf32>
      %exp3A_357 = math.exp %neg3A_356 : vector<16xf32>
      %add3A_358 = arith.constant 1.000000e+00 : f32
      %add3A_359 = vector.broadcast %add3A_358 : f32 to vector<16xf32>
      %add3A_360 = arith.addf %add3A_359, %exp3A_357 : vector<16xf32>
      %div3A_361 = arith.constant 1.000000e+00 : f32
      %div3A_362 = vector.broadcast %div3A_361 : f32 to vector<16xf32>
      %div3A_363 = arith.divf %div3A_362, %add3A_360 : vector<16xf32>
      %get3A_364 = arith.constant 4 : i32
      %get3A_365 = arith.index_cast %get3A_364 : i32 to index
      %get3A_366 = arith.constant 16 : index
      %get3A_367 = tpu.vector_load %arg4[%get3A_365, %get3A_366] {strides = array<i32>} : memref<6x128xf32, #tpu.memory_space<vmem>>, vector<1x16xf32>,
      %get3A_368 = vector.shape_cast %get3A_367 : vector<1x16xf32> to vector<16xf32>
      %neg3A_369 = arith.constant 0.000000e+00 : f32
      %neg3A_370 = vector.broadcast %neg3A_369 : f32 to vector<16xf32>
      %neg3A_371 = arith.subf %neg3A_370, %get3A_368 : vector<16xf32>
      %exp3A_372 = math.exp %neg3A_371 : vector<16xf32>
      %add3A_373 = arith.constant 1.000000e+00 : f32
      %add3A_374 = vector.broadcast %add3A_373 : f32 to vector<16xf32>
      %add3A_375 = arith.addf %add3A_374, %exp3A_372 : vector<16xf32>
      %div3A_376 = arith.constant 1.000000e+00 : f32
      %div3A_377 = vector.broadcast %div3A_376 : f32 to vector<16xf32>
      %div3A_378 = arith.divf %div3A_377, %add3A_375 : vector<16xf32>
      %get3A_379 = arith.constant 5 : i32
      %get3A_380 = arith.index_cast %get3A_379 : i32 to index
      %get3A_381 = arith.constant 16 : index
      %get3A_382 = tpu.vector_load %arg4[%get3A_380, %get3A_381] {strides = array<i32>} : memref<6x128xf32, #tpu.memory_space<vmem>>, vector<1x16xf32>,
      %get3A_383 = vector.shape_cast %get3A_382 : vector<1x16xf32> to vector<16xf32>
      %neg3A_384 = arith.constant 0.000000e+00 : f32
      %neg3A_385 = vector.broadcast %neg3A_384 : f32 to vector<16xf32>
      %neg3A_386 = arith.subf %neg3A_385, %get3A_383 : vector<16xf32>
      %exp3A_387 = math.exp %neg3A_386 : vector<16xf32>
      %add3A_388 = arith.constant 1.000000e+00 : f32
      %add3A_389 = vector.broadcast %add3A_388 : f32 to vector<16xf32>
      %add3A_390 = arith.addf %add3A_389, %exp3A_387 : vector<16xf32>
      %div3A_391 = arith.constant 1.000000e+00 : f32
      %div3A_392 = vector.broadcast %div3A_391 : f32 to vector<16xf32>
      %div3A_393 = arith.divf %div3A_392, %add3A_390 : vector<16xf32>
      %max3A_394 = arith.maximumf %div3A_318, %div3A_333 : vector<16xf32>
      %max3A_395 = arith.maximumf %max3A_394, %div3A_348 : vector<16xf32>
      %max3A_396 = arith.maximumf %max3A_395, %div3A_363 : vector<16xf32>
      %max3A_397 = arith.maximumf %max3A_396, %div3A_378 : vector<16xf32>
      %max3A_398 = arith.maximumf %max3A_397, %div3A_393 : vector<16xf32>
      %broadcast_in_dim3A_399 = arith.constant 6 : i32
      %broadcast_in_dim3A_400 = vector.broadcast %broadcast_in_dim3A_399 : i32 to vector<16xi32>
      %eq3A_401 = arith.cmpf oeq, %div3A_393, %max3A_398 : vector<16xf32>
      %jit3A_402 = arith.constant 5 : i32
      %broadcast_in_dim3A_403 = vector.broadcast %jit3A_402 : i32 to vector<16xi32>
      %select_n3A_404 = arith.select %eq3A_401, %broadcast_in_dim3A_403, %broadcast_in_dim3A_400 : vector<16xi1>, vector<16xi32>
      %eq3A_405 = arith.cmpf oeq, %div3A_378, %max3A_398 : vector<16xf32>
      %jit3A_406 = arith.constant 4 : i32
      %broadcast_in_dim3A_407 = vector.broadcast %jit3A_406 : i32 to vector<16xi32>
      %select_n3A_408 = arith.select %eq3A_405, %broadcast_in_dim3A_407, %select_n3A_404 : vector<16xi1>, vector<16xi32>
      %eq3A_409 = arith.cmpf oeq, %div3A_363, %max3A_398 : vector<16xf32>
      %jit3A_410 = arith.constant 3 : i32
      %broadcast_in_dim3A_411 = vector.broadcast %jit3A_410 : i32 to vector<16xi32>
      %select_n3A_412 = arith.select %eq3A_409, %broadcast_in_dim3A_411, %select_n3A_408 : vector<16xi1>, vector<16xi32>
      %eq3A_413 = arith.cmpf oeq, %div3A_348, %max3A_398 : vector<16xf32>
      %jit3A_414 = arith.constant 2 : i32
      %broadcast_in_dim3A_415 = vector.broadcast %jit3A_414 : i32 to vector<16xi32>
      %select_n3A_416 = arith.select %eq3A_413, %broadcast_in_dim3A_415, %select_n3A_412 : vector<16xi1>, vector<16xi32>
      %eq3A_417 = arith.cmpf oeq, %div3A_333, %max3A_398 : vector<16xf32>
      %jit3A_418 = arith.constant 1 : i32
      %broadcast_in_dim3A_419 = vector.broadcast %jit3A_418 : i32 to vector<16xi32>
      %select_n3A_420 = arith.select %eq3A_417, %broadcast_in_dim3A_419, %select_n3A_416 : vector<16xi1>, vector<16xi32>
      %eq3A_421 = arith.cmpf oeq, %div3A_318, %max3A_398 : vector<16xf32>
      %jit3A_422 = arith.constant 0 : i32
      %broadcast_in_dim3A_423 = vector.broadcast %jit3A_422 : i32 to vector<16xi32>
      %select_n3A_424 = arith.select %eq3A_421, %broadcast_in_dim3A_423, %select_n3A_420 : vector<16xi1>, vector<16xi32>
      %broadcast_in_dim3A_425 = arith.constant 0xFF800000 : f32
      %broadcast_in_dim3A_426 = vector.broadcast %broadcast_in_dim3A_425 : f32 to vector<16xf32>
      %eq3A_427 = arith.constant 0 : i32
      %eq3A_428 = vector.broadcast %eq3A_427 : i32 to vector<16xi32>
      %eq3A_429 = arith.cmpi eq, %select_n3A_424, %eq3A_428 : vector<16xi32>
      %jit3A_430 = arith.constant 0xFF800000 : f32
      %broadcast_in_dim3A_431 = vector.broadcast %jit3A_430 : f32 to vector<16xf32>
      %select_n3A_432 = arith.select %eq3A_429, %broadcast_in_dim3A_431, %div3A_318 : vector<16xi1>, vector<16xf32>
      %max3A_433 = arith.maximumf %broadcast_in_dim3A_426, %select_n3A_432 : vector<16xf32>
      %eq3A_434 = arith.constant 1 : i32
      %eq3A_435 = vector.broadcast %eq3A_434 : i32 to vector<16xi32>
      %eq3A_436 = arith.cmpi eq, %select_n3A_424, %eq3A_435 : vector<16xi32>
      %jit3A_437 = arith.constant 0xFF800000 : f32
      %broadcast_in_dim3A_438 = vector.broadcast %jit3A_437 : f32 to vector<16xf32>
      %select_n3A_439 = arith.select %eq3A_436, %broadcast_in_dim3A_438, %div3A_333 : vector<16xi1>, vector<16xf32>
      %max3A_440 = arith.maximumf %max3A_433, %select_n3A_439 : vector<16xf32>
      %eq3A_441 = arith.constant 2 : i32
      %eq3A_442 = vector.broadcast %eq3A_441 : i32 to vector<16xi32>
      %eq3A_443 = arith.cmpi eq, %select_n3A_424, %eq3A_442 : vector<16xi32>
      %jit3A_444 = arith.constant 0xFF800000 : f32
      %broadcast_in_dim3A_445 = vector.broadcast %jit3A_444 : f32 to vector<16xf32>
      %select_n3A_446 = arith.select %eq3A_443, %broadcast_in_dim3A_445, %div3A_348 : vector<16xi1>, vector<16xf32>
      %max3A_447 = arith.maximumf %max3A_440, %select_n3A_446 : vector<16xf32>
      %eq3A_448 = arith.constant 3 : i32
      %eq3A_449 = vector.broadcast %eq3A_448 : i32 to vector<16xi32>
      %eq3A_450 = arith.cmpi eq, %select_n3A_424, %eq3A_449 : vector<16xi32>
      %jit3A_451 = arith.constant 0xFF800000 : f32
      %broadcast_in_dim3A_452 = vector.broadcast %jit3A_451 : f32 to vector<16xf32>
      %select_n3A_453 = arith.select %eq3A_450, %broadcast_in_dim3A_452, %div3A_363 : vector<16xi1>, vector<16xf32>
      %max3A_454 = arith.maximumf %max3A_447, %select_n3A_453 : vector<16xf32>
      %eq3A_455 = arith.constant 4 : i32
      %eq3A_456 = vector.broadcast %eq3A_455 : i32 to vector<16xi32>
      %eq3A_457 = arith.cmpi eq, %select_n3A_424, %eq3A_456 : vector<16xi32>
      %jit3A_458 = arith.constant 0xFF800000 : f32
      %broadcast_in_dim3A_459 = vector.broadcast %jit3A_458 : f32 to vector<16xf32>
      %select_n3A_460 = arith.select %eq3A_457, %broadcast_in_dim3A_459, %div3A_378 : vector<16xi1>, vector<16xf32>
      %max3A_461 = arith.maximumf %max3A_454, %select_n3A_460 : vector<16xf32>
      %eq3A_462 = arith.constant 5 : i32
      %eq3A_463 = vector.broadcast %eq3A_462 : i32 to vector<16xi32>
      %eq3A_464 = arith.cmpi eq, %select_n3A_424, %eq3A_463 : vector<16xi32>
      %jit3A_465 = arith.constant 0xFF800000 : f32
      %broadcast_in_dim3A_466 = vector.broadcast %jit3A_465 : f32 to vector<16xf32>
      %select_n3A_467 = arith.select %eq3A_464, %broadcast_in_dim3A_466, %div3A_393 : vector<16xi1>, vector<16xf32>
      %max3A_468 = arith.maximumf %max3A_461, %select_n3A_467 : vector<16xf32>
      %broadcast_in_dim3A_469 = arith.constant 6 : i32
      %broadcast_in_dim3A_470 = vector.broadcast %broadcast_in_dim3A_469 : i32 to vector<16xi32>
      %eq3A_471 = arith.cmpf oeq, %div3A_393, %max3A_468 : vector<16xf32>
      %ne3A_472 = arith.constant 5 : i32
      %ne3A_473 = vector.broadcast %ne3A_472 : i32 to vector<16xi32>
      %ne3A_474 = arith.cmpi ne, %select_n3A_424, %ne3A_473 : vector<16xi32>
      %and3A_475 = arith.andi %eq3A_471, %ne3A_474 : vector<16xi1>
      %jit3A_476 = arith.constant 5 : i32
      %broadcast_in_dim3A_477 = vector.broadcast %jit3A_476 : i32 to vector<16xi32>
      %select_n3A_478 = arith.select %and3A_475, %broadcast_in_dim3A_477, %broadcast_in_dim3A_470 : vector<16xi1>, vector<16xi32>
      %eq3A_479 = arith.cmpf oeq, %div3A_378, %max3A_468 : vector<16xf32>
      %ne3A_480 = arith.constant 4 : i32
      %ne3A_481 = vector.broadcast %ne3A_480 : i32 to vector<16xi32>
      %ne3A_482 = arith.cmpi ne, %select_n3A_424, %ne3A_481 : vector<16xi32>
      %and3A_483 = arith.andi %eq3A_479, %ne3A_482 : vector<16xi1>
      %jit3A_484 = arith.constant 4 : i32
      %broadcast_in_dim3A_485 = vector.broadcast %jit3A_484 : i32 to vector<16xi32>
      %select_n3A_486 = arith.select %and3A_483, %broadcast_in_dim3A_485, %select_n3A_478 : vector<16xi1>, vector<16xi32>
      %eq3A_487 = arith.cmpf oeq, %div3A_363, %max3A_468 : vector<16xf32>
      %ne3A_488 = arith.constant 3 : i32
      %ne3A_489 = vector.broadcast %ne3A_488 : i32 to vector<16xi32>
      %ne3A_490 = arith.cmpi ne, %select_n3A_424, %ne3A_489 : vector<16xi32>
      %and3A_491 = arith.andi %eq3A_487, %ne3A_490 : vector<16xi1>
      %jit3A_492 = arith.constant 3 : i32
      %broadcast_in_dim3A_493 = vector.broadcast %jit3A_492 : i32 to vector<16xi32>
      %select_n3A_494 = arith.select %and3A_491, %broadcast_in_dim3A_493, %select_n3A_486 : vector<16xi1>, vector<16xi32>
      %eq3A_495 = arith.cmpf oeq, %div3A_348, %max3A_468 : vector<16xf32>
      %ne3A_496 = arith.constant 2 : i32
      %ne3A_497 = vector.broadcast %ne3A_496 : i32 to vector<16xi32>
      %ne3A_498 = arith.cmpi ne, %select_n3A_424, %ne3A_497 : vector<16xi32>
      %and3A_499 = arith.andi %eq3A_495, %ne3A_498 : vector<16xi1>
      %jit3A_500 = arith.constant 2 : i32
      %broadcast_in_dim3A_501 = vector.broadcast %jit3A_500 : i32 to vector<16xi32>
      %select_n3A_502 = arith.select %and3A_499, %broadcast_in_dim3A_501, %select_n3A_494 : vector<16xi1>, vector<16xi32>
      %eq3A_503 = arith.cmpf oeq, %div3A_333, %max3A_468 : vector<16xf32>
      %ne3A_504 = arith.constant 1 : i32
      %ne3A_505 = vector.broadcast %ne3A_504 : i32 to vector<16xi32>
      %ne3A_506 = arith.cmpi ne, %select_n3A_424, %ne3A_505 : vector<16xi32>
      %and3A_507 = arith.andi %eq3A_503, %ne3A_506 : vector<16xi1>
      %jit3A_508 = arith.constant 1 : i32
      %broadcast_in_dim3A_509 = vector.broadcast %jit3A_508 : i32 to vector<16xi32>
      %select_n3A_510 = arith.select %and3A_507, %broadcast_in_dim3A_509, %select_n3A_502 : vector<16xi1>, vector<16xi32>
      %eq3A_511 = arith.cmpf oeq, %div3A_318, %max3A_468 : vector<16xf32>
      %ne3A_512 = arith.constant 0 : i32
      %ne3A_513 = vector.broadcast %ne3A_512 : i32 to vector<16xi32>
      %ne3A_514 = arith.cmpi ne, %select_n3A_424, %ne3A_513 : vector<16xi32>
      %and3A_515 = arith.andi %eq3A_511, %ne3A_514 : vector<16xi1>
      %jit3A_516 = arith.constant 0 : i32
      %broadcast_in_dim3A_517 = vector.broadcast %jit3A_516 : i32 to vector<16xi32>
      %select_n3A_518 = arith.select %and3A_515, %broadcast_in_dim3A_517, %select_n3A_510 : vector<16xi1>, vector<16xi32>
      %sub3A_519 = arith.subf %max3A_468, %max3A_398 : vector<16xf32>
      %exp3A_520 = math.exp %sub3A_519 : vector<16xf32>
      %add3A_521 = arith.constant 1.000000e+00 : f32
      %add3A_522 = vector.broadcast %add3A_521 : f32 to vector<16xf32>
      %add3A_523 = arith.addf %add3A_522, %exp3A_520 : vector<16xf32>
      %div3A_524 = arith.constant 1.000000e+00 : f32
      %div3A_525 = vector.broadcast %div3A_524 : f32 to vector<16xf32>
      %div3A_526 = arith.divf %div3A_525, %add3A_523 : vector<16xf32>
      %sub3A_527 = arith.constant 1.000000e+00 : f32
      %sub3A_528 = vector.broadcast %sub3A_527 : f32 to vector<16xf32>
      %sub3A_529 = arith.subf %sub3A_528, %div3A_526 : vector<16xf32>
      %broadcast_in_dim3A_530 = arith.constant 0.000000e+00 : f32
      %broadcast_in_dim3A_531 = vector.broadcast %broadcast_in_dim3A_530 : f32 to vector<16xf32>
      %eq3A_532 = arith.constant 0 : i32
      %eq3A_533 = vector.broadcast %eq3A_532 : i32 to vector<16xi32>
      %eq3A_534 = arith.cmpi eq, %select_n3A_424, %eq3A_533 : vector<16xi32>
      %eq3A_535 = arith.constant 0 : i32
      %eq3A_536 = vector.broadcast %eq3A_535 : i32 to vector<16xi32>
      %eq3A_537 = arith.cmpi eq, %select_n3A_518, %eq3A_536 : vector<16xi32>
      %select_n3A_538 = arith.select %eq3A_537, %sub3A_529, %broadcast_in_dim3A_531 : vector<16xi1>, vector<16xf32>
      %select_n3A_539 = arith.select %eq3A_534, %div3A_526, %select_n3A_538 : vector<16xi1>, vector<16xf32>
      %swap3A_540 = arith.constant 0 : i32
      %swap3A_541 = arith.index_cast %swap3A_540 : i32 to index
      %swap3A_542 = arith.constant 16 : index
      %swap3A_543 = tpu.vector_load %arg5[%swap3A_541, %swap3A_542] {strides = array<i32>} : memref<6x128xf32, #tpu.memory_space<vmem>>, vector<1x16xf32>,
      %swap3A_544 = vector.shape_cast %swap3A_543 : vector<1x16xf32> to vector<16xf32>
      %swap3A_545 = vector.shape_cast %select_n3A_539 : vector<16xf32> to vector<1x16xf32>
      tpu.vector_store %arg5[%swap3A_541, %swap3A_542], %swap3A_545 {strides = array<i32>} : memref<6x128xf32, #tpu.memory_space<vmem>>, vector<1x16xf32>,
      %eq3A_546 = arith.constant 1 : i32
      %eq3A_547 = vector.broadcast %eq3A_546 : i32 to vector<16xi32>
      %eq3A_548 = arith.cmpi eq, %select_n3A_424, %eq3A_547 : vector<16xi32>
      %eq3A_549 = arith.constant 1 : i32
      %eq3A_550 = vector.broadcast %eq3A_549 : i32 to vector<16xi32>
      %eq3A_551 = arith.cmpi eq, %select_n3A_518, %eq3A_550 : vector<16xi32>
      %select_n3A_552 = arith.select %eq3A_551, %sub3A_529, %broadcast_in_dim3A_531 : vector<16xi1>, vector<16xf32>
      %select_n3A_553 = arith.select %eq3A_548, %div3A_526, %select_n3A_552 : vector<16xi1>, vector<16xf32>
      %swap3A_554 = arith.constant 1 : i32
      %swap3A_555 = arith.index_cast %swap3A_554 : i32 to index
      %swap3A_556 = arith.constant 16 : index
      %swap3A_557 = tpu.vector_load %arg5[%swap3A_555, %swap3A_556] {strides = array<i32>} : memref<6x128xf32, #tpu.memory_space<vmem>>, vector<1x16xf32>,
      %swap3A_558 = vector.shape_cast %swap3A_557 : vector<1x16xf32> to vector<16xf32>
      %swap3A_559 = vector.shape_cast %select_n3A_553 : vector<16xf32> to vector<1x16xf32>
      tpu.vector_store %arg5[%swap3A_555, %swap3A_556], %swap3A_559 {strides = array<i32>} : memref<6x128xf32, #tpu.memory_space<vmem>>, vector<1x16xf32>,
      %eq3A_560 = arith.constant 2 : i32
      %eq3A_561 = vector.broadcast %eq3A_560 : i32 to vector<16xi32>
      %eq3A_562 = arith.cmpi eq, %select_n3A_424, %eq3A_561 : vector<16xi32>
      %eq3A_563 = arith.constant 2 : i32
      %eq3A_564 = vector.broadcast %eq3A_563 : i32 to vector<16xi32>
      %eq3A_565 = arith.cmpi eq, %select_n3A_518, %eq3A_564 : vector<16xi32>
      %select_n3A_566 = arith.select %eq3A_565, %sub3A_529, %broadcast_in_dim3A_531 : vector<16xi1>, vector<16xf32>
      %select_n3A_567 = arith.select %eq3A_562, %div3A_526, %select_n3A_566 : vector<16xi1>, vector<16xf32>
      %swap3A_568 = arith.constant 2 : i32
      %swap3A_569 = arith.index_cast %swap3A_568 : i32 to index
      %swap3A_570 = arith.constant 16 : index
      %swap3A_571 = tpu.vector_load %arg5[%swap3A_569, %swap3A_570] {strides = array<i32>} : memref<6x128xf32, #tpu.memory_space<vmem>>, vector<1x16xf32>,
      %swap3A_572 = vector.shape_cast %swap3A_571 : vector<1x16xf32> to vector<16xf32>
      %swap3A_573 = vector.shape_cast %select_n3A_567 : vector<16xf32> to vector<1x16xf32>
      tpu.vector_store %arg5[%swap3A_569, %swap3A_570], %swap3A_573 {strides = array<i32>} : memref<6x128xf32, #tpu.memory_space<vmem>>, vector<1x16xf32>,
      %eq3A_574 = arith.constant 3 : i32
      %eq3A_575 = vector.broadcast %eq3A_574 : i32 to vector<16xi32>
      %eq3A_576 = arith.cmpi eq, %select_n3A_424, %eq3A_575 : vector<16xi32>
      %eq3A_577 = arith.constant 3 : i32
      %eq3A_578 = vector.broadcast %eq3A_577 : i32 to vector<16xi32>
      %eq3A_579 = arith.cmpi eq, %select_n3A_518, %eq3A_578 : vector<16xi32>
      %select_n3A_580 = arith.select %eq3A_579, %sub3A_529, %broadcast_in_dim3A_531 : vector<16xi1>, vector<16xf32>
      %select_n3A_581 = arith.select %eq3A_576, %div3A_526, %select_n3A_580 : vector<16xi1>, vector<16xf32>
      %swap3A_582 = arith.constant 3 : i32
      %swap3A_583 = arith.index_cast %swap3A_582 : i32 to index
      %swap3A_584 = arith.constant 16 : index
      %swap3A_585 = tpu.vector_load %arg5[%swap3A_583, %swap3A_584] {strides = array<i32>} : memref<6x128xf32, #tpu.memory_space<vmem>>, vector<1x16xf32>,
      %swap3A_586 = vector.shape_cast %swap3A_585 : vector<1x16xf32> to vector<16xf32>
      %swap3A_587 = vector.shape_cast %select_n3A_581 : vector<16xf32> to vector<1x16xf32>
      tpu.vector_store %arg5[%swap3A_583, %swap3A_584], %swap3A_587 {strides = array<i32>} : memref<6x128xf32, #tpu.memory_space<vmem>>, vector<1x16xf32>,
      %eq3A_588 = arith.constant 4 : i32
      %eq3A_589 = vector.broadcast %eq3A_588 : i32 to vector<16xi32>
      %eq3A_590 = arith.cmpi eq, %select_n3A_424, %eq3A_589 : vector<16xi32>
      %eq3A_591 = arith.constant 4 : i32
      %eq3A_592 = vector.broadcast %eq3A_591 : i32 to vector<16xi32>
      %eq3A_593 = arith.cmpi eq, %select_n3A_518, %eq3A_592 : vector<16xi32>
      %select_n3A_594 = arith.select %eq3A_593, %sub3A_529, %broadcast_in_dim3A_531 : vector<16xi1>, vector<16xf32>
      %select_n3A_595 = arith.select %eq3A_590, %div3A_526, %select_n3A_594 : vector<16xi1>, vector<16xf32>
      %swap3A_596 = arith.constant 4 : i32
      %swap3A_597 = arith.index_cast %swap3A_596 : i32 to index
      %swap3A_598 = arith.constant 16 : index
      %swap3A_599 = tpu.vector_load %arg5[%swap3A_597, %swap3A_598] {strides = array<i32>} : memref<6x128xf32, #tpu.memory_space<vmem>>, vector<1x16xf32>,
      %swap3A_600 = vector.shape_cast %swap3A_599 : vector<1x16xf32> to vector<16xf32>
      %swap3A_601 = vector.shape_cast %select_n3A_595 : vector<16xf32> to vector<1x16xf32>
      tpu.vector_store %arg5[%swap3A_597, %swap3A_598], %swap3A_601 {strides = array<i32>} : memref<6x128xf32, #tpu.memory_space<vmem>>, vector<1x16xf32>,
      %eq3A_602 = arith.constant 5 : i32
      %eq3A_603 = vector.broadcast %eq3A_602 : i32 to vector<16xi32>
      %eq3A_604 = arith.cmpi eq, %select_n3A_424, %eq3A_603 : vector<16xi32>
      %eq3A_605 = arith.constant 5 : i32
      %eq3A_606 = vector.broadcast %eq3A_605 : i32 to vector<16xi32>
      %eq3A_607 = arith.cmpi eq, %select_n3A_518, %eq3A_606 : vector<16xi32>
      %select_n3A_608 = arith.select %eq3A_607, %sub3A_529, %broadcast_in_dim3A_531 : vector<16xi1>, vector<16xf32>
      %select_n3A_609 = arith.select %eq3A_604, %div3A_526, %select_n3A_608 : vector<16xi1>, vector<16xf32>
      %swap3A_610 = arith.constant 5 : i32
      %swap3A_611 = arith.index_cast %swap3A_610 : i32 to index
      %swap3A_612 = arith.constant 16 : index
      %swap3A_613 = tpu.vector_load %arg5[%swap3A_611, %swap3A_612] {strides = array<i32>} : memref<6x128xf32, #tpu.memory_space<vmem>>, vector<1x16xf32>,
      %swap3A_614 = vector.shape_cast %swap3A_613 : vector<1x16xf32> to vector<16xf32>
      %swap3A_615 = vector.shape_cast %select_n3A_609 : vector<16xf32> to vector<1x16xf32>
      tpu.vector_store %arg5[%swap3A_611, %swap3A_612], %swap3A_615 {strides = array<i32>} : memref<6x128xf32, #tpu.memory_space<vmem>>, vector<1x16xf32>,
      %get3A_616 = arith.constant 0 : i32
      %get3A_617 = arith.index_cast %get3A_616 : i32 to index
      %get3A_618 = arith.constant 32 : index
      %get3A_619 = tpu.vector_load %arg4[%get3A_617, %get3A_618] {strides = array<i32>} : memref<6x128xf32, #tpu.memory_space<vmem>>, vector<1x16xf32>,
      %get3A_620 = vector.shape_cast %get3A_619 : vector<1x16xf32> to vector<16xf32>
      %neg3A_621 = arith.constant 0.000000e+00 : f32
      %neg3A_622 = vector.broadcast %neg3A_621 : f32 to vector<16xf32>
      %neg3A_623 = arith.subf %neg3A_622, %get3A_620 : vector<16xf32>
      %exp3A_624 = math.exp %neg3A_623 : vector<16xf32>
      %add3A_625 = arith.constant 1.000000e+00 : f32
      %add3A_626 = vector.broadcast %add3A_625 : f32 to vector<16xf32>
      %add3A_627 = arith.addf %add3A_626, %exp3A_624 : vector<16xf32>
      %div3A_628 = arith.constant 1.000000e+00 : f32
      %div3A_629 = vector.broadcast %div3A_628 : f32 to vector<16xf32>
      %div3A_630 = arith.divf %div3A_629, %add3A_627 : vector<16xf32>
      %get3A_631 = arith.constant 1 : i32
      %get3A_632 = arith.index_cast %get3A_631 : i32 to index
      %get3A_633 = arith.constant 32 : index
      %get3A_634 = tpu.vector_load %arg4[%get3A_632, %get3A_633] {strides = array<i32>} : memref<6x128xf32, #tpu.memory_space<vmem>>, vector<1x16xf32>,
      %get3A_635 = vector.shape_cast %get3A_634 : vector<1x16xf32> to vector<16xf32>
      %neg3A_636 = arith.constant 0.000000e+00 : f32
      %neg3A_637 = vector.broadcast %neg3A_636 : f32 to vector<16xf32>
      %neg3A_638 = arith.subf %neg3A_637, %get3A_635 : vector<16xf32>
      %exp3A_639 = math.exp %neg3A_638 : vector<16xf32>
      %add3A_640 = arith.constant 1.000000e+00 : f32
      %add3A_641 = vector.broadcast %add3A_640 : f32 to vector<16xf32>
      %add3A_642 = arith.addf %add3A_641, %exp3A_639 : vector<16xf32>
      %div3A_643 = arith.constant 1.000000e+00 : f32
      %div3A_644 = vector.broadcast %div3A_643 : f32 to vector<16xf32>
      %div3A_645 = arith.divf %div3A_644, %add3A_642 : vector<16xf32>
      %get3A_646 = arith.constant 2 : i32
      %get3A_647 = arith.index_cast %get3A_646 : i32 to index
      %get3A_648 = arith.constant 32 : index
      %get3A_649 = tpu.vector_load %arg4[%get3A_647, %get3A_648] {strides = array<i32>} : memref<6x128xf32, #tpu.memory_space<vmem>>, vector<1x16xf32>,
      %get3A_650 = vector.shape_cast %get3A_649 : vector<1x16xf32> to vector<16xf32>
      %neg3A_651 = arith.constant 0.000000e+00 : f32
      %neg3A_652 = vector.broadcast %neg3A_651 : f32 to vector<16xf32>
      %neg3A_653 = arith.subf %neg3A_652, %get3A_650 : vector<16xf32>
      %exp3A_654 = math.exp %neg3A_653 : vector<16xf32>
      %add3A_655 = arith.constant 1.000000e+00 : f32
      %add3A_656 = vector.broadcast %add3A_655 : f32 to vector<16xf32>
      %add3A_657 = arith.addf %add3A_656, %exp3A_654 : vector<16xf32>
      %div3A_658 = arith.constant 1.000000e+00 : f32
      %div3A_659 = vector.broadcast %div3A_658 : f32 to vector<16xf32>
      %div3A_660 = arith.divf %div3A_659, %add3A_657 : vector<16xf32>
      %get3A_661 = arith.constant 3 : i32
      %get3A_662 = arith.index_cast %get3A_661 : i32 to index
      %get3A_663 = arith.constant 32 : index
      %get3A_664 = tpu.vector_load %arg4[%get3A_662, %get3A_663] {strides = array<i32>} : memref<6x128xf32, #tpu.memory_space<vmem>>, vector<1x16xf32>,
      %get3A_665 = vector.shape_cast %get3A_664 : vector<1x16xf32> to vector<16xf32>
      %neg3A_666 = arith.constant 0.000000e+00 : f32
      %neg3A_667 = vector.broadcast %neg3A_666 : f32 to vector<16xf32>
      %neg3A_668 = arith.subf %neg3A_667, %get3A_665 : vector<16xf32>
      %exp3A_669 = math.exp %neg3A_668 : vector<16xf32>
      %add3A_670 = arith.constant 1.000000e+00 : f32
      %add3A_671 = vector.broadcast %add3A_670 : f32 to vector<16xf32>
      %add3A_672 = arith.addf %add3A_671, %exp3A_669 : vector<16xf32>
      %div3A_673 = arith.constant 1.000000e+00 : f32
      %div3A_674 = vector.broadcast %div3A_673 : f32 to vector<16xf32>
      %div3A_675 = arith.divf %div3A_674, %add3A_672 : vector<16xf32>
      %get3A_676 = arith.constant 4 : i32
      %get3A_677 = arith.index_cast %get3A_676 : i32 to index
      %get3A_678 = arith.constant 32 : index
      %get3A_679 = tpu.vector_load %arg4[%get3A_677, %get3A_678] {strides = array<i32>} : memref<6x128xf32, #tpu.memory_space<vmem>>, vector<1x16xf32>,
      %get3A_680 = vector.shape_cast %get3A_679 : vector<1x16xf32> to vector<16xf32>
      %neg3A_681 = arith.constant 0.000000e+00 : f32
      %neg3A_682 = vector.broadcast %neg3A_681 : f32 to vector<16xf32>
      %neg3A_683 = arith.subf %neg3A_682, %get3A_680 : vector<16xf32>
      %exp3A_684 = math.exp %neg3A_683 : vector<16xf32>
      %add3A_685 = arith.constant 1.000000e+00 : f32
      %add3A_686 = vector.broadcast %add3A_685 : f32 to vector<16xf32>
      %add3A_687 = arith.addf %add3A_686, %exp3A_684 : vector<16xf32>
      %div3A_688 = arith.constant 1.000000e+00 : f32
      %div3A_689 = vector.broadcast %div3A_688 : f32 to vector<16xf32>
      %div3A_690 = arith.divf %div3A_689, %add3A_687 : vector<16xf32>
      %get3A_691 = arith.constant 5 : i32
      %get3A_692 = arith.index_cast %get3A_691 : i32 to index
      %get3A_693 = arith.constant 32 : index
      %get3A_694 = tpu.vector_load %arg4[%get3A_692, %get3A_693] {strides = array<i32>} : memref<6x128xf32, #tpu.memory_space<vmem>>, vector<1x16xf32>,
      %get3A_695 = vector.shape_cast %get3A_694 : vector<1x16xf32> to vector<16xf32>
      %neg3A_696 = arith.constant 0.000000e+00 : f32
      %neg3A_697 = vector.broadcast %neg3A_696 : f32 to vector<16xf32>
      %neg3A_698 = arith.subf %neg3A_697, %get3A_695 : vector<16xf32>
      %exp3A_699 = math.exp %neg3A_698 : vector<16xf32>
      %add3A_700 = arith.constant 1.000000e+00 : f32
      %add3A_701 = vector.broadcast %add3A_700 : f32 to vector<16xf32>
      %add3A_702 = arith.addf %add3A_701, %exp3A_699 : vector<16xf32>
      %div3A_703 = arith.constant 1.000000e+00 : f32
      %div3A_704 = vector.broadcast %div3A_703 : f32 to vector<16xf32>
      %div3A_705 = arith.divf %div3A_704, %add3A_702 : vector<16xf32>
      %max3A_706 = arith.maximumf %div3A_630, %div3A_645 : vector<16xf32>
      %max3A_707 = arith.maximumf %max3A_706, %div3A_660 : vector<16xf32>
      %max3A_708 = arith.maximumf %max3A_707, %div3A_675 : vector<16xf32>
      %max3A_709 = arith.maximumf %max3A_708, %div3A_690 : vector<16xf32>
      %max3A_710 = arith.maximumf %max3A_709, %div3A_705 : vector<16xf32>
      %broadcast_in_dim3A_711 = arith.constant 6 : i32
      %broadcast_in_dim3A_712 = vector.broadcast %broadcast_in_dim3A_711 : i32 to vector<16xi32>
      %eq3A_713 = arith.cmpf oeq, %div3A_705, %max3A_710 : vector<16xf32>
      %jit3A_714 = arith.constant 5 : i32
      %broadcast_in_dim3A_715 = vector.broadcast %jit3A_714 : i32 to vector<16xi32>
      %select_n3A_716 = arith.select %eq3A_713, %broadcast_in_dim3A_715, %broadcast_in_dim3A_712 : vector<16xi1>, vector<16xi32>
      %eq3A_717 = arith.cmpf oeq, %div3A_690, %max3A_710 : vector<16xf32>
      %jit3A_718 = arith.constant 4 : i32
      %broadcast_in_dim3A_719 = vector.broadcast %jit3A_718 : i32 to vector<16xi32>
      %select_n3A_720 = arith.select %eq3A_717, %broadcast_in_dim3A_719, %select_n3A_716 : vector<16xi1>, vector<16xi32>
      %eq3A_721 = arith.cmpf oeq, %div3A_675, %max3A_710 : vector<16xf32>
      %jit3A_722 = arith.constant 3 : i32
      %broadcast_in_dim3A_723 = vector.broadcast %jit3A_722 : i32 to vector<16xi32>
      %select_n3A_724 = arith.select %eq3A_721, %broadcast_in_dim3A_723, %select_n3A_720 : vector<16xi1>, vector<16xi32>
      %eq3A_725 = arith.cmpf oeq, %div3A_660, %max3A_710 : vector<16xf32>
      %jit3A_726 = arith.constant 2 : i32
      %broadcast_in_dim3A_727 = vector.broadcast %jit3A_726 : i32 to vector<16xi32>
      %select_n3A_728 = arith.select %eq3A_725, %broadcast_in_dim3A_727, %select_n3A_724 : vector<16xi1>, vector<16xi32>
      %eq3A_729 = arith.cmpf oeq, %div3A_645, %max3A_710 : vector<16xf32>
      %jit3A_730 = arith.constant 1 : i32
      %broadcast_in_dim3A_731 = vector.broadcast %jit3A_730 : i32 to vector<16xi32>
      %select_n3A_732 = arith.select %eq3A_729, %broadcast_in_dim3A_731, %select_n3A_728 : vector<16xi1>, vector<16xi32>
      %eq3A_733 = arith.cmpf oeq, %div3A_630, %max3A_710 : vector<16xf32>
      %jit3A_734 = arith.constant 0 : i32
      %broadcast_in_dim3A_735 = vector.broadcast %jit3A_734 : i32 to vector<16xi32>
      %select_n3A_736 = arith.select %eq3A_733, %broadcast_in_dim3A_735, %select_n3A_732 : vector<16xi1>, vector<16xi32>
      %broadcast_in_dim3A_737 = arith.constant 0xFF800000 : f32
      %broadcast_in_dim3A_738 = vector.broadcast %broadcast_in_dim3A_737 : f32 to vector<16xf32>
      %eq3A_739 = arith.constant 0 : i32
      %eq3A_740 = vector.broadcast %eq3A_739 : i32 to vector<16xi32>
      %eq3A_741 = arith.cmpi eq, %select_n3A_736, %eq3A_740 : vector<16xi32>
      %jit3A_742 = arith.constant 0xFF800000 : f32
      %broadcast_in_dim3A_743 = vector.broadcast %jit3A_742 : f32 to vector<16xf32>
      %select_n3A_744 = arith.select %eq3A_741, %broadcast_in_dim3A_743, %div3A_630 : vector<16xi1>, vector<16xf32>
      %max3A_745 = arith.maximumf %broadcast_in_dim3A_738, %select_n3A_744 : vector<16xf32>
      %eq3A_746 = arith.constant 1 : i32
      %eq3A_747 = vector.broadcast %eq3A_746 : i32 to vector<16xi32>
      %eq3A_748 = arith.cmpi eq, %select_n3A_736, %eq3A_747 : vector<16xi32>
      %jit3A_749 = arith.constant 0xFF800000 : f32
      %broadcast_in_dim3A_750 = vector.broadcast %jit3A_749 : f32 to vector<16xf32>
      %select_n3A_751 = arith.select %eq3A_748, %broadcast_in_dim3A_750, %div3A_645 : vector<16xi1>, vector<16xf32>
      %max3A_752 = arith.maximumf %max3A_745, %select_n3A_751 : vector<16xf32>
      %eq3A_753 = arith.constant 2 : i32
      %eq3A_754 = vector.broadcast %eq3A_753 : i32 to vector<16xi32>
      %eq3A_755 = arith.cmpi eq, %select_n3A_736, %eq3A_754 : vector<16xi32>
      %jit3A_756 = arith.constant 0xFF800000 : f32
      %broadcast_in_dim3A_757 = vector.broadcast %jit3A_756 : f32 to vector<16xf32>
      %select_n3A_758 = arith.select %eq3A_755, %broadcast_in_dim3A_757, %div3A_660 : vector<16xi1>, vector<16xf32>
      %max3A_759 = arith.maximumf %max3A_752, %select_n3A_758 : vector<16xf32>
      %eq3A_760 = arith.constant 3 : i32
      %eq3A_761 = vector.broadcast %eq3A_760 : i32 to vector<16xi32>
      %eq3A_762 = arith.cmpi eq, %select_n3A_736, %eq3A_761 : vector<16xi32>
      %jit3A_763 = arith.constant 0xFF800000 : f32
      %broadcast_in_dim3A_764 = vector.broadcast %jit3A_763 : f32 to vector<16xf32>
      %select_n3A_765 = arith.select %eq3A_762, %broadcast_in_dim3A_764, %div3A_675 : vector<16xi1>, vector<16xf32>
      %max3A_766 = arith.maximumf %max3A_759, %select_n3A_765 : vector<16xf32>
      %eq3A_767 = arith.constant 4 : i32
      %eq3A_768 = vector.broadcast %eq3A_767 : i32 to vector<16xi32>
      %eq3A_769 = arith.cmpi eq, %select_n3A_736, %eq3A_768 : vector<16xi32>
      %jit3A_770 = arith.constant 0xFF800000 : f32
      %broadcast_in_dim3A_771 = vector.broadcast %jit3A_770 : f32 to vector<16xf32>
      %select_n3A_772 = arith.select %eq3A_769, %broadcast_in_dim3A_771, %div3A_690 : vector<16xi1>, vector<16xf32>
      %max3A_773 = arith.maximumf %max3A_766, %select_n3A_772 : vector<16xf32>
      %eq3A_774 = arith.constant 5 : i32
      %eq3A_775 = vector.broadcast %eq3A_774 : i32 to vector<16xi32>
      %eq3A_776 = arith.cmpi eq, %select_n3A_736, %eq3A_775 : vector<16xi32>
      %jit3A_777 = arith.constant 0xFF800000 : f32
      %broadcast_in_dim3A_778 = vector.broadcast %jit3A_777 : f32 to vector<16xf32>
      %select_n3A_779 = arith.select %eq3A_776, %broadcast_in_dim3A_778, %div3A_705 : vector<16xi1>, vector<16xf32>
      %max3A_780 = arith.maximumf %max3A_773, %select_n3A_779 : vector<16xf32>
      %broadcast_in_dim3A_781 = arith.constant 6 : i32
      %broadcast_in_dim3A_782 = vector.broadcast %broadcast_in_dim3A_781 : i32 to vector<16xi32>
      %eq3A_783 = arith.cmpf oeq, %div3A_705, %max3A_780 : vector<16xf32>
      %ne3A_784 = arith.constant 5 : i32
      %ne3A_785 = vector.broadcast %ne3A_784 : i32 to vector<16xi32>
      %ne3A_786 = arith.cmpi ne, %select_n3A_736, %ne3A_785 : vector<16xi32>
      %and3A_787 = arith.andi %eq3A_783, %ne3A_786 : vector<16xi1>
      %jit3A_788 = arith.constant 5 : i32
      %broadcast_in_dim3A_789 = vector.broadcast %jit3A_788 : i32 to vector<16xi32>
      %select_n3A_790 = arith.select %and3A_787, %broadcast_in_dim3A_789, %broadcast_in_dim3A_782 : vector<16xi1>, vector<16xi32>
      %eq3A_791 = arith.cmpf oeq, %div3A_690, %max3A_780 : vector<16xf32>
      %ne3A_792 = arith.constant 4 : i32
      %ne3A_793 = vector.broadcast %ne3A_792 : i32 to vector<16xi32>
      %ne3A_794 = arith.cmpi ne, %select_n3A_736, %ne3A_793 : vector<16xi32>
      %and3A_795 = arith.andi %eq3A_791, %ne3A_794 : vector<16xi1>
      %jit3A_796 = arith.constant 4 : i32
      %broadcast_in_dim3A_797 = vector.broadcast %jit3A_796 : i32 to vector<16xi32>
      %select_n3A_798 = arith.select %and3A_795, %broadcast_in_dim3A_797, %select_n3A_790 : vector<16xi1>, vector<16xi32>
      %eq3A_799 = arith.cmpf oeq, %div3A_675, %max3A_780 : vector<16xf32>
      %ne3A_800 = arith.constant 3 : i32
      %ne3A_801 = vector.broadcast %ne3A_800 : i32 to vector<16xi32>
      %ne3A_802 = arith.cmpi ne, %select_n3A_736, %ne3A_801 : vector<16xi32>
      %and3A_803 = arith.andi %eq3A_799, %ne3A_802 : vector<16xi1>
      %jit3A_804 = arith.constant 3 : i32
      %broadcast_in_dim3A_805 = vector.broadcast %jit3A_804 : i32 to vector<16xi32>
      %select_n3A_806 = arith.select %and3A_803, %broadcast_in_dim3A_805, %select_n3A_798 : vector<16xi1>, vector<16xi32>
      %eq3A_807 = arith.cmpf oeq, %div3A_660, %max3A_780 : vector<16xf32>
      %ne3A_808 = arith.constant 2 : i32
      %ne3A_809 = vector.broadcast %ne3A_808 : i32 to vector<16xi32>
      %ne3A_810 = arith.cmpi ne, %select_n3A_736, %ne3A_809 : vector<16xi32>
      %and3A_811 = arith.andi %eq3A_807, %ne3A_810 : vector<16xi1>
      %jit3A_812 = arith.constant 2 : i32
      %broadcast_in_dim3A_813 = vector.broadcast %jit3A_812 : i32 to vector<16xi32>
      %select_n3A_814 = arith.select %and3A_811, %broadcast_in_dim3A_813, %select_n3A_806 : vector<16xi1>, vector<16xi32>
      %eq3A_815 = arith.cmpf oeq, %div3A_645, %max3A_780 : vector<16xf32>
      %ne3A_816 = arith.constant 1 : i32
      %ne3A_817 = vector.broadcast %ne3A_816 : i32 to vector<16xi32>
      %ne3A_818 = arith.cmpi ne, %select_n3A_736, %ne3A_817 : vector<16xi32>
      %and3A_819 = arith.andi %eq3A_815, %ne3A_818 : vector<16xi1>
      %jit3A_820 = arith.constant 1 : i32
      %broadcast_in_dim3A_821 = vector.broadcast %jit3A_820 : i32 to vector<16xi32>
      %select_n3A_822 = arith.select %and3A_819, %broadcast_in_dim3A_821, %select_n3A_814 : vector<16xi1>, vector<16xi32>
      %eq3A_823 = arith.cmpf oeq, %div3A_630, %max3A_780 : vector<16xf32>
      %ne3A_824 = arith.constant 0 : i32
      %ne3A_825 = vector.broadcast %ne3A_824 : i32 to vector<16xi32>
      %ne3A_826 = arith.cmpi ne, %select_n3A_736, %ne3A_825 : vector<16xi32>
      %and3A_827 = arith.andi %eq3A_823, %ne3A_826 : vector<16xi1>
      %jit3A_828 = arith.constant 0 : i32
      %broadcast_in_dim3A_829 = vector.broadcast %jit3A_828 : i32 to vector<16xi32>
      %select_n3A_830 = arith.select %and3A_827, %broadcast_in_dim3A_829, %select_n3A_822 : vector<16xi1>, vector<16xi32>
      %sub3A_831 = arith.subf %max3A_780, %max3A_710 : vector<16xf32>
      %exp3A_832 = math.exp %sub3A_831 : vector<16xf32>
      %add3A_833 = arith.constant 1.000000e+00 : f32
      %add3A_834 = vector.broadcast %add3A_833 : f32 to vector<16xf32>
      %add3A_835 = arith.addf %add3A_834, %exp3A_832 : vector<16xf32>
      %div3A_836 = arith.constant 1.000000e+00 : f32
      %div3A_837 = vector.broadcast %div3A_836 : f32 to vector<16xf32>
      %div3A_838 = arith.divf %div3A_837, %add3A_835 : vector<16xf32>
      %sub3A_839 = arith.constant 1.000000e+00 : f32
      %sub3A_840 = vector.broadcast %sub3A_839 : f32 to vector<16xf32>
      %sub3A_841 = arith.subf %sub3A_840, %div3A_838 : vector<16xf32>
      %broadcast_in_dim3A_842 = arith.constant 0.000000e+00 : f32
      %broadcast_in_dim3A_843 = vector.broadcast %broadcast_in_dim3A_842 : f32 to vector<16xf32>
      %eq3A_844 = arith.constant 0 : i32
      %eq3A_845 = vector.broadcast %eq3A_844 : i32 to vector<16xi32>
      %eq3A_846 = arith.cmpi eq, %select_n3A_736, %eq3A_845 : vector<16xi32>
      %eq3A_847 = arith.constant 0 : i32
      %eq3A_848 = vector.broadcast %eq3A_847 : i32 to vector<16xi32>
      %eq3A_849 = arith.cmpi eq, %select_n3A_830, %eq3A_848 : vector<16xi32>
      %select_n3A_850 = arith.select %eq3A_849, %sub3A_841, %broadcast_in_dim3A_843 : vector<16xi1>, vector<16xf32>
      %select_n3A_851 = arith.select %eq3A_846, %div3A_838, %select_n3A_850 : vector<16xi1>, vector<16xf32>
      %swap3A_852 = arith.constant 0 : i32
      %swap3A_853 = arith.index_cast %swap3A_852 : i32 to index
      %swap3A_854 = arith.constant 32 : index
      %swap3A_855 = tpu.vector_load %arg5[%swap3A_853, %swap3A_854] {strides = array<i32>} : memref<6x128xf32, #tpu.memory_space<vmem>>, vector<1x16xf32>,
      %swap3A_856 = vector.shape_cast %swap3A_855 : vector<1x16xf32> to vector<16xf32>
      %swap3A_857 = vector.shape_cast %select_n3A_851 : vector<16xf32> to vector<1x16xf32>
      tpu.vector_store %arg5[%swap3A_853, %swap3A_854], %swap3A_857 {strides = array<i32>} : memref<6x128xf32, #tpu.memory_space<vmem>>, vector<1x16xf32>,
      %eq3A_858 = arith.constant 1 : i32
      %eq3A_859 = vector.broadcast %eq3A_858 : i32 to vector<16xi32>
      %eq3A_860 = arith.cmpi eq, %select_n3A_736, %eq3A_859 : vector<16xi32>
      %eq3A_861 = arith.constant 1 : i32
      %eq3A_862 = vector.broadcast %eq3A_861 : i32 to vector<16xi32>
      %eq3A_863 = arith.cmpi eq, %select_n3A_830, %eq3A_862 : vector<16xi32>
      %select_n3A_864 = arith.select %eq3A_863, %sub3A_841, %broadcast_in_dim3A_843 : vector<16xi1>, vector<16xf32>
      %select_n3A_865 = arith.select %eq3A_860, %div3A_838, %select_n3A_864 : vector<16xi1>, vector<16xf32>
      %swap3A_866 = arith.constant 1 : i32
      %swap3A_867 = arith.index_cast %swap3A_866 : i32 to index
      %swap3A_868 = arith.constant 32 : index
      %swap3A_869 = tpu.vector_load %arg5[%swap3A_867, %swap3A_868] {strides = array<i32>} : memref<6x128xf32, #tpu.memory_space<vmem>>, vector<1x16xf32>,
      %swap3A_870 = vector.shape_cast %swap3A_869 : vector<1x16xf32> to vector<16xf32>
      %swap3A_871 = vector.shape_cast %select_n3A_865 : vector<16xf32> to vector<1x16xf32>
      tpu.vector_store %arg5[%swap3A_867, %swap3A_868], %swap3A_871 {strides = array<i32>} : memref<6x128xf32, #tpu.memory_space<vmem>>, vector<1x16xf32>,
      %eq3A_872 = arith.constant 2 : i32
      %eq3A_873 = vector.broadcast %eq3A_872 : i32 to vector<16xi32>
      %eq3A_874 = arith.cmpi eq, %select_n3A_736, %eq3A_873 : vector<16xi32>
      %eq3A_875 = arith.constant 2 : i32
      %eq3A_876 = vector.broadcast %eq3A_875 : i32 to vector<16xi32>
      %eq3A_877 = arith.cmpi eq, %select_n3A_830, %eq3A_876 : vector<16xi32>
      %select_n3A_878 = arith.select %eq3A_877, %sub3A_841, %broadcast_in_dim3A_843 : vector<16xi1>, vector<16xf32>
      %select_n3A_879 = arith.select %eq3A_874, %div3A_838, %select_n3A_878 : vector<16xi1>, vector<16xf32>
      %swap3A_880 = arith.constant 2 : i32
      %swap3A_881 = arith.index_cast %swap3A_880 : i32 to index
      %swap3A_882 = arith.constant 32 : index
      %swap3A_883 = tpu.vector_load %arg5[%swap3A_881, %swap3A_882] {strides = array<i32>} : memref<6x128xf32, #tpu.memory_space<vmem>>, vector<1x16xf32>,
      %swap3A_884 = vector.shape_cast %swap3A_883 : vector<1x16xf32> to vector<16xf32>
      %swap3A_885 = vector.shape_cast %select_n3A_879 : vector<16xf32> to vector<1x16xf32>
      tpu.vector_store %arg5[%swap3A_881, %swap3A_882], %swap3A_885 {strides = array<i32>} : memref<6x128xf32, #tpu.memory_space<vmem>>, vector<1x16xf32>,
      %eq3A_886 = arith.constant 3 : i32
      %eq3A_887 = vector.broadcast %eq3A_886 : i32 to vector<16xi32>
      %eq3A_888 = arith.cmpi eq, %select_n3A_736, %eq3A_887 : vector<16xi32>
      %eq3A_889 = arith.constant 3 : i32
      %eq3A_890 = vector.broadcast %eq3A_889 : i32 to vector<16xi32>
      %eq3A_891 = arith.cmpi eq, %select_n3A_830, %eq3A_890 : vector<16xi32>
      %select_n3A_892 = arith.select %eq3A_891, %sub3A_841, %broadcast_in_dim3A_843 : vector<16xi1>, vector<16xf32>
      %select_n3A_893 = arith.select %eq3A_888, %div3A_838, %select_n3A_892 : vector<16xi1>, vector<16xf32>
      %swap3A_894 = arith.constant 3 : i32
      %swap3A_895 = arith.index_cast %swap3A_894 : i32 to index
      %swap3A_896 = arith.constant 32 : index
      %swap3A_897 = tpu.vector_load %arg5[%swap3A_895, %swap3A_896] {strides = array<i32>} : memref<6x128xf32, #tpu.memory_space<vmem>>, vector<1x16xf32>,
      %swap3A_898 = vector.shape_cast %swap3A_897 : vector<1x16xf32> to vector<16xf32>
      %swap3A_899 = vector.shape_cast %select_n3A_893 : vector<16xf32> to vector<1x16xf32>
      tpu.vector_store %arg5[%swap3A_895, %swap3A_896], %swap3A_899 {strides = array<i32>} : memref<6x128xf32, #tpu.memory_space<vmem>>, vector<1x16xf32>,
      %eq3A_900 = arith.constant 4 : i32
      %eq3A_901 = vector.broadcast %eq3A_900 : i32 to vector<16xi32>
      %eq3A_902 = arith.cmpi eq, %select_n3A_736, %eq3A_901 : vector<16xi32>
      %eq3A_903 = arith.constant 4 : i32
      %eq3A_904 = vector.broadcast %eq3A_903 : i32 to vector<16xi32>
      %eq3A_905 = arith.cmpi eq, %select_n3A_830, %eq3A_904 : vector<16xi32>
      %select_n3A_906 = arith.select %eq3A_905, %sub3A_841, %broadcast_in_dim3A_843 : vector<16xi1>, vector<16xf32>
      %select_n3A_907 = arith.select %eq3A_902, %div3A_838, %select_n3A_906 : vector<16xi1>, vector<16xf32>
      %swap3A_908 = arith.constant 4 : i32
      %swap3A_909 = arith.index_cast %swap3A_908 : i32 to index
      %swap3A_910 = arith.constant 32 : index
      %swap3A_911 = tpu.vector_load %arg5[%swap3A_909, %swap3A_910] {strides = array<i32>} : memref<6x128xf32, #tpu.memory_space<vmem>>, vector<1x16xf32>,
      %swap3A_912 = vector.shape_cast %swap3A_911 : vector<1x16xf32> to vector<16xf32>
      %swap3A_913 = vector.shape_cast %select_n3A_907 : vector<16xf32> to vector<1x16xf32>
      tpu.vector_store %arg5[%swap3A_909, %swap3A_910], %swap3A_913 {strides = array<i32>} : memref<6x128xf32, #tpu.memory_space<vmem>>, vector<1x16xf32>,
      %eq3A_914 = arith.constant 5 : i32
      %eq3A_915 = vector.broadcast %eq3A_914 : i32 to vector<16xi32>
      %eq3A_916 = arith.cmpi eq, %select_n3A_736, %eq3A_915 : vector<16xi32>
      %eq3A_917 = arith.constant 5 : i32
      %eq3A_918 = vector.broadcast %eq3A_917 : i32 to vector<16xi32>
      %eq3A_919 = arith.cmpi eq, %select_n3A_830, %eq3A_918 : vector<16xi32>
      %select_n3A_920 = arith.select %eq3A_919, %sub3A_841, %broadcast_in_dim3A_843 : vector<16xi1>, vector<16xf32>
      %select_n3A_921 = arith.select %eq3A_916, %div3A_838, %select_n3A_920 : vector<16xi1>, vector<16xf32>
      %swap3A_922 = arith.constant 5 : i32
      %swap3A_923 = arith.index_cast %swap3A_922 : i32 to index
      %swap3A_924 = arith.constant 32 : index
      %swap3A_925 = tpu.vector_load %arg5[%swap3A_923, %swap3A_924] {strides = array<i32>} : memref<6x128xf32, #tpu.memory_space<vmem>>, vector<1x16xf32>,
      %swap3A_926 = vector.shape_cast %swap3A_925 : vector<1x16xf32> to vector<16xf32>
      %swap3A_927 = vector.shape_cast %select_n3A_921 : vector<16xf32> to vector<1x16xf32>
      tpu.vector_store %arg5[%swap3A_923, %swap3A_924], %swap3A_927 {strides = array<i32>} : memref<6x128xf32, #tpu.memory_space<vmem>>, vector<1x16xf32>,
      %get3A_928 = arith.constant 0 : i32
      %get3A_929 = arith.index_cast %get3A_928 : i32 to index
      %get3A_930 = arith.constant 48 : index
      %get3A_931 = tpu.vector_load %arg4[%get3A_929, %get3A_930] {strides = array<i32>} : memref<6x128xf32, #tpu.memory_space<vmem>>, vector<1x16xf32>,
      %get3A_932 = vector.shape_cast %get3A_931 : vector<1x16xf32> to vector<16xf32>
      %neg3A_933 = arith.constant 0.000000e+00 : f32
      %neg3A_934 = vector.broadcast %neg3A_933 : f32 to vector<16xf32>
      %neg3A_935 = arith.subf %neg3A_934, %get3A_932 : vector<16xf32>
      %exp3A_936 = math.exp %neg3A_935 : vector<16xf32>
      %add3A_937 = arith.constant 1.000000e+00 : f32
      %add3A_938 = vector.broadcast %add3A_937 : f32 to vector<16xf32>
      %add3A_939 = arith.addf %add3A_938, %exp3A_936 : vector<16xf32>
      %div3A_940 = arith.constant 1.000000e+00 : f32
      %div3A_941 = vector.broadcast %div3A_940 : f32 to vector<16xf32>
      %div3A_942 = arith.divf %div3A_941, %add3A_939 : vector<16xf32>
      %get3A_943 = arith.constant 1 : i32
      %get3A_944 = arith.index_cast %get3A_943 : i32 to index
      %get3A_945 = arith.constant 48 : index
      %get3A_946 = tpu.vector_load %arg4[%get3A_944, %get3A_945] {strides = array<i32>} : memref<6x128xf32, #tpu.memory_space<vmem>>, vector<1x16xf32>,
      %get3A_947 = vector.shape_cast %get3A_946 : vector<1x16xf32> to vector<16xf32>
      %neg3A_948 = arith.constant 0.000000e+00 : f32
      %neg3A_949 = vector.broadcast %neg3A_948 : f32 to vector<16xf32>
      %neg3A_950 = arith.subf %neg3A_949, %get3A_947 : vector<16xf32>
      %exp3A_951 = math.exp %neg3A_950 : vector<16xf32>
      %add3A_952 = arith.constant 1.000000e+00 : f32
      %add3A_953 = vector.broadcast %add3A_952 : f32 to vector<16xf32>
      %add3A_954 = arith.addf %add3A_953, %exp3A_951 : vector<16xf32>
      %div3A_955 = arith.constant 1.000000e+00 : f32
      %div3A_956 = vector.broadcast %div3A_955 : f32 to vector<16xf32>
      %div3A_957 = arith.divf %div3A_956, %add3A_954 : vector<16xf32>
      %get3A_958 = arith.constant 2 : i32
      %get3A_959 = arith.index_cast %get3A_958 : i32 to index
      %get3A_960 = arith.constant 48 : index
      %get3A_961 = tpu.vector_load %arg4[%get3A_959, %get3A_960] {strides = array<i32>} : memref<6x128xf32, #tpu.memory_space<vmem>>, vector<1x16xf32>,
      %get3A_962 = vector.shape_cast %get3A_961 : vector<1x16xf32> to vector<16xf32>
      %neg3A_963 = arith.constant 0.000000e+00 : f32
      %neg3A_964 = vector.broadcast %neg3A_963 : f32 to vector<16xf32>
      %neg3A_965 = arith.subf %neg3A_964, %get3A_962 : vector<16xf32>
      %exp3A_966 = math.exp %neg3A_965 : vector<16xf32>
      %add3A_967 = arith.constant 1.000000e+00 : f32
      %add3A_968 = vector.broadcast %add3A_967 : f32 to vector<16xf32>
      %add3A_969 = arith.addf %add3A_968, %exp3A_966 : vector<16xf32>
      %div3A_970 = arith.constant 1.000000e+00 : f32
      %div3A_971 = vector.broadcast %div3A_970 : f32 to vector<16xf32>
      %div3A_972 = arith.divf %div3A_971, %add3A_969 : vector<16xf32>
      %get3A_973 = arith.constant 3 : i32
      %get3A_974 = arith.index_cast %get3A_973 : i32 to index
      %get3A_975 = arith.constant 48 : index
      %get3A_976 = tpu.vector_load %arg4[%get3A_974, %get3A_975] {strides = array<i32>} : memref<6x128xf32, #tpu.memory_space<vmem>>, vector<1x16xf32>,
      %get3A_977 = vector.shape_cast %get3A_976 : vector<1x16xf32> to vector<16xf32>
      %neg3A_978 = arith.constant 0.000000e+00 : f32
      %neg3A_979 = vector.broadcast %neg3A_978 : f32 to vector<16xf32>
      %neg3A_980 = arith.subf %neg3A_979, %get3A_977 : vector<16xf32>
      %exp3A_981 = math.exp %neg3A_980 : vector<16xf32>
      %add3A_982 = arith.constant 1.000000e+00 : f32
      %add3A_983 = vector.broadcast %add3A_982 : f32 to vector<16xf32>
      %add3A_984 = arith.addf %add3A_983, %exp3A_981 : vector<16xf32>
      %div3A_985 = arith.constant 1.000000e+00 : f32
      %div3A_986 = vector.broadcast %div3A_985 : f32 to vector<16xf32>
      %div3A_987 = arith.divf %div3A_986, %add3A_984 : vector<16xf32>
      %get3A_988 = arith.constant 4 : i32
      %get3A_989 = arith.index_cast %get3A_988 : i32 to index
      %get3A_990 = arith.constant 48 : index
      %get3A_991 = tpu.vector_load %arg4[%get3A_989, %get3A_990] {strides = array<i32>} : memref<6x128xf32, #tpu.memory_space<vmem>>, vector<1x16xf32>,
      %get3A_992 = vector.shape_cast %get3A_991 : vector<1x16xf32> to vector<16xf32>
      %neg3A_993 = arith.constant 0.000000e+00 : f32
      %neg3A_994 = vector.broadcast %neg3A_993 : f32 to vector<16xf32>
      %neg3A_995 = arith.subf %neg3A_994, %get3A_992 : vector<16xf32>
      %exp3A_996 = math.exp %neg3A_995 : vector<16xf32>
      %add3A_997 = arith.constant 1.000000e+00 : f32
      %add3A_998 = vector.broadcast %add3A_997 : f32 to vector<16xf32>
      %add3A_999 = arith.addf %add3A_998, %exp3A_996 : vector<16xf32>
      %div3A_1000 = arith.constant 1.000000e+00 : f32
      %div3A_1001 = vector.broadcast %div3A_1000 : f32 to vector<16xf32>
      %div3A_1002 = arith.divf %div3A_1001, %add3A_999 : vector<16xf32>
      %get3A_1003 = arith.constant 5 : i32
      %get3A_1004 = arith.index_cast %get3A_1003 : i32 to index
      %get3A_1005 = arith.constant 48 : index
      %get3A_1006 = tpu.vector_load %arg4[%get3A_1004, %get3A_1005] {strides = array<i32>} : memref<6x128xf32, #tpu.memory_space<vmem>>, vector<1x16xf32>,
      %get3A_1007 = vector.shape_cast %get3A_1006 : vector<1x16xf32> to vector<16xf32>
      %neg3A_1008 = arith.constant 0.000000e+00 : f32
      %neg3A_1009 = vector.broadcast %neg3A_1008 : f32 to vector<16xf32>
      %neg3A_1010 = arith.subf %neg3A_1009, %get3A_1007 : vector<16xf32>
      %exp3A_1011 = math.exp %neg3A_1010 : vector<16xf32>
      %add3A_1012 = arith.constant 1.000000e+00 : f32
      %add3A_1013 = vector.broadcast %add3A_1012 : f32 to vector<16xf32>
      %add3A_1014 = arith.addf %add3A_1013, %exp3A_1011 : vector<16xf32>
      %div3A_1015 = arith.constant 1.000000e+00 : f32
      %div3A_1016 = vector.broadcast %div3A_1015 : f32 to vector<16xf32>
      %div3A_1017 = arith.divf %div3A_1016, %add3A_1014 : vector<16xf32>
      %max3A_1018 = arith.maximumf %div3A_942, %div3A_957 : vector<16xf32>
      %max3A_1019 = arith.maximumf %max3A_1018, %div3A_972 : vector<16xf32>
      %max3A_1020 = arith.maximumf %max3A_1019, %div3A_987 : vector<16xf32>
      %max3A_1021 = arith.maximumf %max3A_1020, %div3A_1002 : vector<16xf32>
      %max3A_1022 = arith.maximumf %max3A_1021, %div3A_1017 : vector<16xf32>
      %broadcast_in_dim3A_1023 = arith.constant 6 : i32
      %broadcast_in_dim3A_1024 = vector.broadcast %broadcast_in_dim3A_1023 : i32 to vector<16xi32>
      %eq3A_1025 = arith.cmpf oeq, %div3A_1017, %max3A_1022 : vector<16xf32>
      %jit3A_1026 = arith.constant 5 : i32
      %broadcast_in_dim3A_1027 = vector.broadcast %jit3A_1026 : i32 to vector<16xi32>
      %select_n3A_1028 = arith.select %eq3A_1025, %broadcast_in_dim3A_1027, %broadcast_in_dim3A_1024 : vector<16xi1>, vector<16xi32>
      %eq3A_1029 = arith.cmpf oeq, %div3A_1002, %max3A_1022 : vector<16xf32>
      %jit3A_1030 = arith.constant 4 : i32
      %broadcast_in_dim3A_1031 = vector.broadcast %jit3A_1030 : i32 to vector<16xi32>
      %select_n3A_1032 = arith.select %eq3A_1029, %broadcast_in_dim3A_1031, %select_n3A_1028 : vector<16xi1>, vector<16xi32>
      %eq3A_1033 = arith.cmpf oeq, %div3A_987, %max3A_1022 : vector<16xf32>
      %jit3A_1034 = arith.constant 3 : i32
      %broadcast_in_dim3A_1035 = vector.broadcast %jit3A_1034 : i32 to vector<16xi32>
      %select_n3A_1036 = arith.select %eq3A_1033, %broadcast_in_dim3A_1035, %select_n3A_1032 : vector<16xi1>, vector<16xi32>
      %eq3A_1037 = arith.cmpf oeq, %div3A_972, %max3A_1022 : vector<16xf32>
      %jit3A_1038 = arith.constant 2 : i32
      %broadcast_in_dim3A_1039 = vector.broadcast %jit3A_1038 : i32 to vector<16xi32>
      %select_n3A_1040 = arith.select %eq3A_1037, %broadcast_in_dim3A_1039, %select_n3A_1036 : vector<16xi1>, vector<16xi32>
      %eq3A_1041 = arith.cmpf oeq, %div3A_957, %max3A_1022 : vector<16xf32>
      %jit3A_1042 = arith.constant 1 : i32
      %broadcast_in_dim3A_1043 = vector.broadcast %jit3A_1042 : i32 to vector<16xi32>
      %select_n3A_1044 = arith.select %eq3A_1041, %broadcast_in_dim3A_1043, %select_n3A_1040 : vector<16xi1>, vector<16xi32>
      %eq3A_1045 = arith.cmpf oeq, %div3A_942, %max3A_1022 : vector<16xf32>
      %jit3A_1046 = arith.constant 0 : i32
      %broadcast_in_dim3A_1047 = vector.broadcast %jit3A_1046 : i32 to vector<16xi32>
      %select_n3A_1048 = arith.select %eq3A_1045, %broadcast_in_dim3A_1047, %select_n3A_1044 : vector<16xi1>, vector<16xi32>
      %broadcast_in_dim3A_1049 = arith.constant 0xFF800000 : f32
      %broadcast_in_dim3A_1050 = vector.broadcast %broadcast_in_dim3A_1049 : f32 to vector<16xf32>
      %eq3A_1051 = arith.constant 0 : i32
      %eq3A_1052 = vector.broadcast %eq3A_1051 : i32 to vector<16xi32>
      %eq3A_1053 = arith.cmpi eq, %select_n3A_1048, %eq3A_1052 : vector<16xi32>
      %jit3A_1054 = arith.constant 0xFF800000 : f32
      %broadcast_in_dim3A_1055 = vector.broadcast %jit3A_1054 : f32 to vector<16xf32>
      %select_n3A_1056 = arith.select %eq3A_1053, %broadcast_in_dim3A_1055, %div3A_942 : vector<16xi1>, vector<16xf32>
      %max3A_1057 = arith.maximumf %broadcast_in_dim3A_1050, %select_n3A_1056 : vector<16xf32>
      %eq3A_1058 = arith.constant 1 : i32
      %eq3A_1059 = vector.broadcast %eq3A_1058 : i32 to vector<16xi32>
      %eq3A_1060 = arith.cmpi eq, %select_n3A_1048, %eq3A_1059 : vector<16xi32>
      %jit3A_1061 = arith.constant 0xFF800000 : f32
      %broadcast_in_dim3A_1062 = vector.broadcast %jit3A_1061 : f32 to vector<16xf32>
      %select_n3A_1063 = arith.select %eq3A_1060, %broadcast_in_dim3A_1062, %div3A_957 : vector<16xi1>, vector<16xf32>
      %max3A_1064 = arith.maximumf %max3A_1057, %select_n3A_1063 : vector<16xf32>
      %eq3A_1065 = arith.constant 2 : i32
      %eq3A_1066 = vector.broadcast %eq3A_1065 : i32 to vector<16xi32>
      %eq3A_1067 = arith.cmpi eq, %select_n3A_1048, %eq3A_1066 : vector<16xi32>
      %jit3A_1068 = arith.constant 0xFF800000 : f32
      %broadcast_in_dim3A_1069 = vector.broadcast %jit3A_1068 : f32 to vector<16xf32>
      %select_n3A_1070 = arith.select %eq3A_1067, %broadcast_in_dim3A_1069, %div3A_972 : vector<16xi1>, vector<16xf32>
      %max3A_1071 = arith.maximumf %max3A_1064, %select_n3A_1070 : vector<16xf32>
      %eq3A_1072 = arith.constant 3 : i32
      %eq3A_1073 = vector.broadcast %eq3A_1072 : i32 to vector<16xi32>
      %eq3A_1074 = arith.cmpi eq, %select_n3A_1048, %eq3A_1073 : vector<16xi32>
      %jit3A_1075 = arith.constant 0xFF800000 : f32
      %broadcast_in_dim3A_1076 = vector.broadcast %jit3A_1075 : f32 to vector<16xf32>
      %select_n3A_1077 = arith.select %eq3A_1074, %broadcast_in_dim3A_1076, %div3A_987 : vector<16xi1>, vector<16xf32>
      %max3A_1078 = arith.maximumf %max3A_1071, %select_n3A_1077 : vector<16xf32>
      %eq3A_1079 = arith.constant 4 : i32
      %eq3A_1080 = vector.broadcast %eq3A_1079 : i32 to vector<16xi32>
      %eq3A_1081 = arith.cmpi eq, %select_n3A_1048, %eq3A_1080 : vector<16xi32>
      %jit3A_1082 = arith.constant 0xFF800000 : f32
      %broadcast_in_dim3A_1083 = vector.broadcast %jit3A_1082 : f32 to vector<16xf32>
      %select_n3A_1084 = arith.select %eq3A_1081, %broadcast_in_dim3A_1083, %div3A_1002 : vector<16xi1>, vector<16xf32>
      %max3A_1085 = arith.maximumf %max3A_1078, %select_n3A_1084 : vector<16xf32>
      %eq3A_1086 = arith.constant 5 : i32
      %eq3A_1087 = vector.broadcast %eq3A_1086 : i32 to vector<16xi32>
      %eq3A_1088 = arith.cmpi eq, %select_n3A_1048, %eq3A_1087 : vector<16xi32>
      %jit3A_1089 = arith.constant 0xFF800000 : f32
      %broadcast_in_dim3A_1090 = vector.broadcast %jit3A_1089 : f32 to vector<16xf32>
      %select_n3A_1091 = arith.select %eq3A_1088, %broadcast_in_dim3A_1090, %div3A_1017 : vector<16xi1>, vector<16xf32>
      %max3A_1092 = arith.maximumf %max3A_1085, %select_n3A_1091 : vector<16xf32>
      %broadcast_in_dim3A_1093 = arith.constant 6 : i32
      %broadcast_in_dim3A_1094 = vector.broadcast %broadcast_in_dim3A_1093 : i32 to vector<16xi32>
      %eq3A_1095 = arith.cmpf oeq, %div3A_1017, %max3A_1092 : vector<16xf32>
      %ne3A_1096 = arith.constant 5 : i32
      %ne3A_1097 = vector.broadcast %ne3A_1096 : i32 to vector<16xi32>
      %ne3A_1098 = arith.cmpi ne, %select_n3A_1048, %ne3A_1097 : vector<16xi32>
      %and3A_1099 = arith.andi %eq3A_1095, %ne3A_1098 : vector<16xi1>
      %jit3A_1100 = arith.constant 5 : i32
      %broadcast_in_dim3A_1101 = vector.broadcast %jit3A_1100 : i32 to vector<16xi32>
      %select_n3A_1102 = arith.select %and3A_1099, %broadcast_in_dim3A_1101, %broadcast_in_dim3A_1094 : vector<16xi1>, vector<16xi32>
      %eq3A_1103 = arith.cmpf oeq, %div3A_1002, %max3A_1092 : vector<16xf32>
      %ne3A_1104 = arith.constant 4 : i32
      %ne3A_1105 = vector.broadcast %ne3A_1104 : i32 to vector<16xi32>
      %ne3A_1106 = arith.cmpi ne, %select_n3A_1048, %ne3A_1105 : vector<16xi32>
      %and3A_1107 = arith.andi %eq3A_1103, %ne3A_1106 : vector<16xi1>
      %jit3A_1108 = arith.constant 4 : i32
      %broadcast_in_dim3A_1109 = vector.broadcast %jit3A_1108 : i32 to vector<16xi32>
      %select_n3A_1110 = arith.select %and3A_1107, %broadcast_in_dim3A_1109, %select_n3A_1102 : vector<16xi1>, vector<16xi32>
      %eq3A_1111 = arith.cmpf oeq, %div3A_987, %max3A_1092 : vector<16xf32>
      %ne3A_1112 = arith.constant 3 : i32
      %ne3A_1113 = vector.broadcast %ne3A_1112 : i32 to vector<16xi32>
      %ne3A_1114 = arith.cmpi ne, %select_n3A_1048, %ne3A_1113 : vector<16xi32>
      %and3A_1115 = arith.andi %eq3A_1111, %ne3A_1114 : vector<16xi1>
      %jit3A_1116 = arith.constant 3 : i32
      %broadcast_in_dim3A_1117 = vector.broadcast %jit3A_1116 : i32 to vector<16xi32>
      %select_n3A_1118 = arith.select %and3A_1115, %broadcast_in_dim3A_1117, %select_n3A_1110 : vector<16xi1>, vector<16xi32>
      %eq3A_1119 = arith.cmpf oeq, %div3A_972, %max3A_1092 : vector<16xf32>
      %ne3A_1120 = arith.constant 2 : i32
      %ne3A_1121 = vector.broadcast %ne3A_1120 : i32 to vector<16xi32>
      %ne3A_1122 = arith.cmpi ne, %select_n3A_1048, %ne3A_1121 : vector<16xi32>
      %and3A_1123 = arith.andi %eq3A_1119, %ne3A_1122 : vector<16xi1>
      %jit3A_1124 = arith.constant 2 : i32
      %broadcast_in_dim3A_1125 = vector.broadcast %jit3A_1124 : i32 to vector<16xi32>
      %select_n3A_1126 = arith.select %and3A_1123, %broadcast_in_dim3A_1125, %select_n3A_1118 : vector<16xi1>, vector<16xi32>
      %eq3A_1127 = arith.cmpf oeq, %div3A_957, %max3A_1092 : vector<16xf32>
      %ne3A_1128 = arith.constant 1 : i32
      %ne3A_1129 = vector.broadcast %ne3A_1128 : i32 to vector<16xi32>
      %ne3A_1130 = arith.cmpi ne, %select_n3A_1048, %ne3A_1129 : vector<16xi32>
      %and3A_1131 = arith.andi %eq3A_1127, %ne3A_1130 : vector<16xi1>
      %jit3A_1132 = arith.constant 1 : i32
      %broadcast_in_dim3A_1133 = vector.broadcast %jit3A_1132 : i32 to vector<16xi32>
      %select_n3A_1134 = arith.select %and3A_1131, %broadcast_in_dim3A_1133, %select_n3A_1126 : vector<16xi1>, vector<16xi32>
      %eq3A_1135 = arith.cmpf oeq, %div3A_942, %max3A_1092 : vector<16xf32>
      %ne3A_1136 = arith.constant 0 : i32
      %ne3A_1137 = vector.broadcast %ne3A_1136 : i32 to vector<16xi32>
      %ne3A_1138 = arith.cmpi ne, %select_n3A_1048, %ne3A_1137 : vector<16xi32>
      %and3A_1139 = arith.andi %eq3A_1135, %ne3A_1138 : vector<16xi1>
      %jit3A_1140 = arith.constant 0 : i32
      %broadcast_in_dim3A_1141 = vector.broadcast %jit3A_1140 : i32 to vector<16xi32>
      %select_n3A_1142 = arith.select %and3A_1139, %broadcast_in_dim3A_1141, %select_n3A_1134 : vector<16xi1>, vector<16xi32>
      %sub3A_1143 = arith.subf %max3A_1092, %max3A_1022 : vector<16xf32>
      %exp3A_1144 = math.exp %sub3A_1143 : vector<16xf32>
      %add3A_1145 = arith.constant 1.000000e+00 : f32
      %add3A_1146 = vector.broadcast %add3A_1145 : f32 to vector<16xf32>
      %add3A_1147 = arith.addf %add3A_1146, %exp3A_1144 : vector<16xf32>
      %div3A_1148 = arith.constant 1.000000e+00 : f32
      %div3A_1149 = vector.broadcast %div3A_1148 : f32 to vector<16xf32>
      %div3A_1150 = arith.divf %div3A_1149, %add3A_1147 : vector<16xf32>
      %sub3A_1151 = arith.constant 1.000000e+00 : f32
      %sub3A_1152 = vector.broadcast %sub3A_1151 : f32 to vector<16xf32>
      %sub3A_1153 = arith.subf %sub3A_1152, %div3A_1150 : vector<16xf32>
      %broadcast_in_dim3A_1154 = arith.constant 0.000000e+00 : f32
      %broadcast_in_dim3A_1155 = vector.broadcast %broadcast_in_dim3A_1154 : f32 to vector<16xf32>
      %eq3A_1156 = arith.constant 0 : i32
      %eq3A_1157 = vector.broadcast %eq3A_1156 : i32 to vector<16xi32>
      %eq3A_1158 = arith.cmpi eq, %select_n3A_1048, %eq3A_1157 : vector<16xi32>
      %eq3A_1159 = arith.constant 0 : i32
      %eq3A_1160 = vector.broadcast %eq3A_1159 : i32 to vector<16xi32>
      %eq3A_1161 = arith.cmpi eq, %select_n3A_1142, %eq3A_1160 : vector<16xi32>
      %select_n3A_1162 = arith.select %eq3A_1161, %sub3A_1153, %broadcast_in_dim3A_1155 : vector<16xi1>, vector<16xf32>
      %select_n3A_1163 = arith.select %eq3A_1158, %div3A_1150, %select_n3A_1162 : vector<16xi1>, vector<16xf32>
      %swap3A_1164 = arith.constant 0 : i32
      %swap3A_1165 = arith.index_cast %swap3A_1164 : i32 to index
      %swap3A_1166 = arith.constant 48 : index
      %swap3A_1167 = tpu.vector_load %arg5[%swap3A_1165, %swap3A_1166] {strides = array<i32>} : memref<6x128xf32, #tpu.memory_space<vmem>>, vector<1x16xf32>,
      %swap3A_1168 = vector.shape_cast %swap3A_1167 : vector<1x16xf32> to vector<16xf32>
      %swap3A_1169 = vector.shape_cast %select_n3A_1163 : vector<16xf32> to vector<1x16xf32>
      tpu.vector_store %arg5[%swap3A_1165, %swap3A_1166], %swap3A_1169 {strides = array<i32>} : memref<6x128xf32, #tpu.memory_space<vmem>>, vector<1x16xf32>,
      %eq3A_1170 = arith.constant 1 : i32
      %eq3A_1171 = vector.broadcast %eq3A_1170 : i32 to vector<16xi32>
      %eq3A_1172 = arith.cmpi eq, %select_n3A_1048, %eq3A_1171 : vector<16xi32>
      %eq3A_1173 = arith.constant 1 : i32
      %eq3A_1174 = vector.broadcast %eq3A_1173 : i32 to vector<16xi32>
      %eq3A_1175 = arith.cmpi eq, %select_n3A_1142, %eq3A_1174 : vector<16xi32>
      %select_n3A_1176 = arith.select %eq3A_1175, %sub3A_1153, %broadcast_in_dim3A_1155 : vector<16xi1>, vector<16xf32>
      %select_n3A_1177 = arith.select %eq3A_1172, %div3A_1150, %select_n3A_1176 : vector<16xi1>, vector<16xf32>
      %swap3A_1178 = arith.constant 1 : i32
      %swap3A_1179 = arith.index_cast %swap3A_1178 : i32 to index
      %swap3A_1180 = arith.constant 48 : index
      %swap3A_1181 = tpu.vector_load %arg5[%swap3A_1179, %swap3A_1180] {strides = array<i32>} : memref<6x128xf32, #tpu.memory_space<vmem>>, vector<1x16xf32>,
      %swap3A_1182 = vector.shape_cast %swap3A_1181 : vector<1x16xf32> to vector<16xf32>
      %swap3A_1183 = vector.shape_cast %select_n3A_1177 : vector<16xf32> to vector<1x16xf32>
      tpu.vector_store %arg5[%swap3A_1179, %swap3A_1180], %swap3A_1183 {strides = array<i32>} : memref<6x128xf32, #tpu.memory_space<vmem>>, vector<1x16xf32>,
      %eq3A_1184 = arith.constant 2 : i32
      %eq3A_1185 = vector.broadcast %eq3A_1184 : i32 to vector<16xi32>
      %eq3A_1186 = arith.cmpi eq, %select_n3A_1048, %eq3A_1185 : vector<16xi32>
      %eq3A_1187 = arith.constant 2 : i32
      %eq3A_1188 = vector.broadcast %eq3A_1187 : i32 to vector<16xi32>
      %eq3A_1189 = arith.cmpi eq, %select_n3A_1142, %eq3A_1188 : vector<16xi32>
      %select_n3A_1190 = arith.select %eq3A_1189, %sub3A_1153, %broadcast_in_dim3A_1155 : vector<16xi1>, vector<16xf32>
      %select_n3A_1191 = arith.select %eq3A_1186, %div3A_1150, %select_n3A_1190 : vector<16xi1>, vector<16xf32>
      %swap3A_1192 = arith.constant 2 : i32
      %swap3A_1193 = arith.index_cast %swap3A_1192 : i32 to index
      %swap3A_1194 = arith.constant 48 : index
      %swap3A_1195 = tpu.vector_load %arg5[%swap3A_1193, %swap3A_1194] {strides = array<i32>} : memref<6x128xf32, #tpu.memory_space<vmem>>, vector<1x16xf32>,
      %swap3A_1196 = vector.shape_cast %swap3A_1195 : vector<1x16xf32> to vector<16xf32>
      %swap3A_1197 = vector.shape_cast %select_n3A_1191 : vector<16xf32> to vector<1x16xf32>
      tpu.vector_store %arg5[%swap3A_1193, %swap3A_1194], %swap3A_1197 {strides = array<i32>} : memref<6x128xf32, #tpu.memory_space<vmem>>, vector<1x16xf32>,
      %eq3A_1198 = arith.constant 3 : i32
      %eq3A_1199 = vector.broadcast %eq3A_1198 : i32 to vector<16xi32>
      %eq3A_1200 = arith.cmpi eq, %select_n3A_1048, %eq3A_1199 : vector<16xi32>
      %eq3A_1201 = arith.constant 3 : i32
      %eq3A_1202 = vector.broadcast %eq3A_1201 : i32 to vector<16xi32>
      %eq3A_1203 = arith.cmpi eq, %select_n3A_1142, %eq3A_1202 : vector<16xi32>
      %select_n3A_1204 = arith.select %eq3A_1203, %sub3A_1153, %broadcast_in_dim3A_1155 : vector<16xi1>, vector<16xf32>
      %select_n3A_1205 = arith.select %eq3A_1200, %div3A_1150, %select_n3A_1204 : vector<16xi1>, vector<16xf32>
      %swap3A_1206 = arith.constant 3 : i32
      %swap3A_1207 = arith.index_cast %swap3A_1206 : i32 to index
      %swap3A_1208 = arith.constant 48 : index
      %swap3A_1209 = tpu.vector_load %arg5[%swap3A_1207, %swap3A_1208] {strides = array<i32>} : memref<6x128xf32, #tpu.memory_space<vmem>>, vector<1x16xf32>,
      %swap3A_1210 = vector.shape_cast %swap3A_1209 : vector<1x16xf32> to vector<16xf32>
      %swap3A_1211 = vector.shape_cast %select_n3A_1205 : vector<16xf32> to vector<1x16xf32>
      tpu.vector_store %arg5[%swap3A_1207, %swap3A_1208], %swap3A_1211 {strides = array<i32>} : memref<6x128xf32, #tpu.memory_space<vmem>>, vector<1x16xf32>,
      %eq3A_1212 = arith.constant 4 : i32
      %eq3A_1213 = vector.broadcast %eq3A_1212 : i32 to vector<16xi32>
      %eq3A_1214 = arith.cmpi eq, %select_n3A_1048, %eq3A_1213 : vector<16xi32>
      %eq3A_1215 = arith.constant 4 : i32
      %eq3A_1216 = vector.broadcast %eq3A_1215 : i32 to vector<16xi32>
      %eq3A_1217 = arith.cmpi eq, %select_n3A_1142, %eq3A_1216 : vector<16xi32>
      %select_n3A_1218 = arith.select %eq3A_1217, %sub3A_1153, %broadcast_in_dim3A_1155 : vector<16xi1>, vector<16xf32>
      %select_n3A_1219 = arith.select %eq3A_1214, %div3A_1150, %select_n3A_1218 : vector<16xi1>, vector<16xf32>
      %swap3A_1220 = arith.constant 4 : i32
      %swap3A_1221 = arith.index_cast %swap3A_1220 : i32 to index
      %swap3A_1222 = arith.constant 48 : index
      %swap3A_1223 = tpu.vector_load %arg5[%swap3A_1221, %swap3A_1222] {strides = array<i32>} : memref<6x128xf32, #tpu.memory_space<vmem>>, vector<1x16xf32>,
      %swap3A_1224 = vector.shape_cast %swap3A_1223 : vector<1x16xf32> to vector<16xf32>
      %swap3A_1225 = vector.shape_cast %select_n3A_1219 : vector<16xf32> to vector<1x16xf32>
      tpu.vector_store %arg5[%swap3A_1221, %swap3A_1222], %swap3A_1225 {strides = array<i32>} : memref<6x128xf32, #tpu.memory_space<vmem>>, vector<1x16xf32>,
      %eq3A_1226 = arith.constant 5 : i32
      %eq3A_1227 = vector.broadcast %eq3A_1226 : i32 to vector<16xi32>
      %eq3A_1228 = arith.cmpi eq, %select_n3A_1048, %eq3A_1227 : vector<16xi32>
      %eq3A_1229 = arith.constant 5 : i32
      %eq3A_1230 = vector.broadcast %eq3A_1229 : i32 to vector<16xi32>
      %eq3A_1231 = arith.cmpi eq, %select_n3A_1142, %eq3A_1230 : vector<16xi32>
      %select_n3A_1232 = arith.select %eq3A_1231, %sub3A_1153, %broadcast_in_dim3A_1155 : vector<16xi1>, vector<16xf32>
      %select_n3A_1233 = arith.select %eq3A_1228, %div3A_1150, %select_n3A_1232 : vector<16xi1>, vector<16xf32>
      %swap3A_1234 = arith.constant 5 : i32
      %swap3A_1235 = arith.index_cast %swap3A_1234 : i32 to index
      %swap3A_1236 = arith.constant 48 : index
      %swap3A_1237 = tpu.vector_load %arg5[%swap3A_1235, %swap3A_1236] {strides = array<i32>} : memref<6x128xf32, #tpu.memory_space<vmem>>, vector<1x16xf32>,
      %swap3A_1238 = vector.shape_cast %swap3A_1237 : vector<1x16xf32> to vector<16xf32>
      %swap3A_1239 = vector.shape_cast %select_n3A_1233 : vector<16xf32> to vector<1x16xf32>
      tpu.vector_store %arg5[%swap3A_1235, %swap3A_1236], %swap3A_1239 {strides = array<i32>} : memref<6x128xf32, #tpu.memory_space<vmem>>, vector<1x16xf32>,
      %get3A_1240 = arith.constant 0 : i32
      %get3A_1241 = arith.index_cast %get3A_1240 : i32 to index
      %get3A_1242 = arith.constant 64 : index
      %get3A_1243 = tpu.vector_load %arg4[%get3A_1241, %get3A_1242] {strides = array<i32>} : memref<6x128xf32, #tpu.memory_space<vmem>>, vector<1x16xf32>,
      %get3A_1244 = vector.shape_cast %get3A_1243 : vector<1x16xf32> to vector<16xf32>
      %neg3A_1245 = arith.constant 0.000000e+00 : f32
      %neg3A_1246 = vector.broadcast %neg3A_1245 : f32 to vector<16xf32>
      %neg3A_1247 = arith.subf %neg3A_1246, %get3A_1244 : vector<16xf32>
      %exp3A_1248 = math.exp %neg3A_1247 : vector<16xf32>
      %add3A_1249 = arith.constant 1.000000e+00 : f32
      %add3A_1250 = vector.broadcast %add3A_1249 : f32 to vector<16xf32>
      %add3A_1251 = arith.addf %add3A_1250, %exp3A_1248 : vector<16xf32>
      %div3A_1252 = arith.constant 1.000000e+00 : f32
      %div3A_1253 = vector.broadcast %div3A_1252 : f32 to vector<16xf32>
      %div3A_1254 = arith.divf %div3A_1253, %add3A_1251 : vector<16xf32>
      %get3A_1255 = arith.constant 1 : i32
      %get3A_1256 = arith.index_cast %get3A_1255 : i32 to index
      %get3A_1257 = arith.constant 64 : index
      %get3A_1258 = tpu.vector_load %arg4[%get3A_1256, %get3A_1257] {strides = array<i32>} : memref<6x128xf32, #tpu.memory_space<vmem>>, vector<1x16xf32>,
      %get3A_1259 = vector.shape_cast %get3A_1258 : vector<1x16xf32> to vector<16xf32>
      %neg3A_1260 = arith.constant 0.000000e+00 : f32
      %neg3A_1261 = vector.broadcast %neg3A_1260 : f32 to vector<16xf32>
      %neg3A_1262 = arith.subf %neg3A_1261, %get3A_1259 : vector<16xf32>
      %exp3A_1263 = math.exp %neg3A_1262 : vector<16xf32>
      %add3A_1264 = arith.constant 1.000000e+00 : f32
      %add3A_1265 = vector.broadcast %add3A_1264 : f32 to vector<16xf32>
      %add3A_1266 = arith.addf %add3A_1265, %exp3A_1263 : vector<16xf32>
      %div3A_1267 = arith.constant 1.000000e+00 : f32
      %div3A_1268 = vector.broadcast %div3A_1267 : f32 to vector<16xf32>
      %div3A_1269 = arith.divf %div3A_1268, %add3A_1266 : vector<16xf32>
      %get3A_1270 = arith.constant 2 : i32
      %get3A_1271 = arith.index_cast %get3A_1270 : i32 to index
      %get3A_1272 = arith.constant 64 : index
      %get3A_1273 = tpu.vector_load %arg4[%get3A_1271, %get3A_1272] {strides = array<i32>} : memref<6x128xf32, #tpu.memory_space<vmem>>, vector<1x16xf32>,
      %get3A_1274 = vector.shape_cast %get3A_1273 : vector<1x16xf32> to vector<16xf32>
      %neg3A_1275 = arith.constant 0.000000e+00 : f32
      %neg3A_1276 = vector.broadcast %neg3A_1275 : f32 to vector<16xf32>
      %neg3A_1277 = arith.subf %neg3A_1276, %get3A_1274 : vector<16xf32>
      %exp3A_1278 = math.exp %neg3A_1277 : vector<16xf32>
      %add3A_1279 = arith.constant 1.000000e+00 : f32
      %add3A_1280 = vector.broadcast %add3A_1279 : f32 to vector<16xf32>
      %add3A_1281 = arith.addf %add3A_1280, %exp3A_1278 : vector<16xf32>
      %div3A_1282 = arith.constant 1.000000e+00 : f32
      %div3A_1283 = vector.broadcast %div3A_1282 : f32 to vector<16xf32>
      %div3A_1284 = arith.divf %div3A_1283, %add3A_1281 : vector<16xf32>
      %get3A_1285 = arith.constant 3 : i32
      %get3A_1286 = arith.index_cast %get3A_1285 : i32 to index
      %get3A_1287 = arith.constant 64 : index
      %get3A_1288 = tpu.vector_load %arg4[%get3A_1286, %get3A_1287] {strides = array<i32>} : memref<6x128xf32, #tpu.memory_space<vmem>>, vector<1x16xf32>,
      %get3A_1289 = vector.shape_cast %get3A_1288 : vector<1x16xf32> to vector<16xf32>
      %neg3A_1290 = arith.constant 0.000000e+00 : f32
      %neg3A_1291 = vector.broadcast %neg3A_1290 : f32 to vector<16xf32>
      %neg3A_1292 = arith.subf %neg3A_1291, %get3A_1289 : vector<16xf32>
      %exp3A_1293 = math.exp %neg3A_1292 : vector<16xf32>
      %add3A_1294 = arith.constant 1.000000e+00 : f32
      %add3A_1295 = vector.broadcast %add3A_1294 : f32 to vector<16xf32>
      %add3A_1296 = arith.addf %add3A_1295, %exp3A_1293 : vector<16xf32>
      %div3A_1297 = arith.constant 1.000000e+00 : f32
      %div3A_1298 = vector.broadcast %div3A_1297 : f32 to vector<16xf32>
      %div3A_1299 = arith.divf %div3A_1298, %add3A_1296 : vector<16xf32>
      %get3A_1300 = arith.constant 4 : i32
      %get3A_1301 = arith.index_cast %get3A_1300 : i32 to index
      %get3A_1302 = arith.constant 64 : index
      %get3A_1303 = tpu.vector_load %arg4[%get3A_1301, %get3A_1302] {strides = array<i32>} : memref<6x128xf32, #tpu.memory_space<vmem>>, vector<1x16xf32>,
      %get3A_1304 = vector.shape_cast %get3A_1303 : vector<1x16xf32> to vector<16xf32>
      %neg3A_1305 = arith.constant 0.000000e+00 : f32
      %neg3A_1306 = vector.broadcast %neg3A_1305 : f32 to vector<16xf32>
      %neg3A_1307 = arith.subf %neg3A_1306, %get3A_1304 : vector<16xf32>
      %exp3A_1308 = math.exp %neg3A_1307 : vector<16xf32>
      %add3A_1309 = arith.constant 1.000000e+00 : f32
      %add3A_1310 = vector.broadcast %add3A_1309 : f32 to vector<16xf32>
      %add3A_1311 = arith.addf %add3A_1310, %exp3A_1308 : vector<16xf32>
      %div3A_1312 = arith.constant 1.000000e+00 : f32
      %div3A_1313 = vector.broadcast %div3A_1312 : f32 to vector<16xf32>
      %div3A_1314 = arith.divf %div3A_1313, %add3A_1311 : vector<16xf32>
      %get3A_1315 = arith.constant 5 : i32
      %get3A_1316 = arith.index_cast %get3A_1315 : i32 to index
      %get3A_1317 = arith.constant 64 : index
      %get3A_1318 = tpu.vector_load %arg4[%get3A_1316, %get3A_1317] {strides = array<i32>} : memref<6x128xf32, #tpu.memory_space<vmem>>, vector<1x16xf32>,
      %get3A_1319 = vector.shape_cast %get3A_1318 : vector<1x16xf32> to vector<16xf32>
      %neg3A_1320 = arith.constant 0.000000e+00 : f32
      %neg3A_1321 = vector.broadcast %neg3A_1320 : f32 to vector<16xf32>
      %neg3A_1322 = arith.subf %neg3A_1321, %get3A_1319 : vector<16xf32>
      %exp3A_1323 = math.exp %neg3A_1322 : vector<16xf32>
      %add3A_1324 = arith.constant 1.000000e+00 : f32
      %add3A_1325 = vector.broadcast %add3A_1324 : f32 to vector<16xf32>
      %add3A_1326 = arith.addf %add3A_1325, %exp3A_1323 : vector<16xf32>
      %div3A_1327 = arith.constant 1.000000e+00 : f32
      %div3A_1328 = vector.broadcast %div3A_1327 : f32 to vector<16xf32>
      %div3A_1329 = arith.divf %div3A_1328, %add3A_1326 : vector<16xf32>
      %max3A_1330 = arith.maximumf %div3A_1254, %div3A_1269 : vector<16xf32>
      %max3A_1331 = arith.maximumf %max3A_1330, %div3A_1284 : vector<16xf32>
      %max3A_1332 = arith.maximumf %max3A_1331, %div3A_1299 : vector<16xf32>
      %max3A_1333 = arith.maximumf %max3A_1332, %div3A_1314 : vector<16xf32>
      %max3A_1334 = arith.maximumf %max3A_1333, %div3A_1329 : vector<16xf32>
      %broadcast_in_dim3A_1335 = arith.constant 6 : i32
      %broadcast_in_dim3A_1336 = vector.broadcast %broadcast_in_dim3A_1335 : i32 to vector<16xi32>
      %eq3A_1337 = arith.cmpf oeq, %div3A_1329, %max3A_1334 : vector<16xf32>
      %jit3A_1338 = arith.constant 5 : i32
      %broadcast_in_dim3A_1339 = vector.broadcast %jit3A_1338 : i32 to vector<16xi32>
      %select_n3A_1340 = arith.select %eq3A_1337, %broadcast_in_dim3A_1339, %broadcast_in_dim3A_1336 : vector<16xi1>, vector<16xi32>
      %eq3A_1341 = arith.cmpf oeq, %div3A_1314, %max3A_1334 : vector<16xf32>
      %jit3A_1342 = arith.constant 4 : i32
      %broadcast_in_dim3A_1343 = vector.broadcast %jit3A_1342 : i32 to vector<16xi32>
      %select_n3A_1344 = arith.select %eq3A_1341, %broadcast_in_dim3A_1343, %select_n3A_1340 : vector<16xi1>, vector<16xi32>
      %eq3A_1345 = arith.cmpf oeq, %div3A_1299, %max3A_1334 : vector<16xf32>
      %jit3A_1346 = arith.constant 3 : i32
      %broadcast_in_dim3A_1347 = vector.broadcast %jit3A_1346 : i32 to vector<16xi32>
      %select_n3A_1348 = arith.select %eq3A_1345, %broadcast_in_dim3A_1347, %select_n3A_1344 : vector<16xi1>, vector<16xi32>
      %eq3A_1349 = arith.cmpf oeq, %div3A_1284, %max3A_1334 : vector<16xf32>
      %jit3A_1350 = arith.constant 2 : i32
      %broadcast_in_dim3A_1351 = vector.broadcast %jit3A_1350 : i32 to vector<16xi32>
      %select_n3A_1352 = arith.select %eq3A_1349, %broadcast_in_dim3A_1351, %select_n3A_1348 : vector<16xi1>, vector<16xi32>
      %eq3A_1353 = arith.cmpf oeq, %div3A_1269, %max3A_1334 : vector<16xf32>
      %jit3A_1354 = arith.constant 1 : i32
      %broadcast_in_dim3A_1355 = vector.broadcast %jit3A_1354 : i32 to vector<16xi32>
      %select_n3A_1356 = arith.select %eq3A_1353, %broadcast_in_dim3A_1355, %select_n3A_1352 : vector<16xi1>, vector<16xi32>
      %eq3A_1357 = arith.cmpf oeq, %div3A_1254, %max3A_1334 : vector<16xf32>
      %jit3A_1358 = arith.constant 0 : i32
      %broadcast_in_dim3A_1359 = vector.broadcast %jit3A_1358 : i32 to vector<16xi32>
      %select_n3A_1360 = arith.select %eq3A_1357, %broadcast_in_dim3A_1359, %select_n3A_1356 : vector<16xi1>, vector<16xi32>
      %broadcast_in_dim3A_1361 = arith.constant 0xFF800000 : f32
      %broadcast_in_dim3A_1362 = vector.broadcast %broadcast_in_dim3A_1361 : f32 to vector<16xf32>
      %eq3A_1363 = arith.constant 0 : i32
      %eq3A_1364 = vector.broadcast %eq3A_1363 : i32 to vector<16xi32>
      %eq3A_1365 = arith.cmpi eq, %select_n3A_1360, %eq3A_1364 : vector<16xi32>
      %jit3A_1366 = arith.constant 0xFF800000 : f32
      %broadcast_in_dim3A_1367 = vector.broadcast %jit3A_1366 : f32 to vector<16xf32>
      %select_n3A_1368 = arith.select %eq3A_1365, %broadcast_in_dim3A_1367, %div3A_1254 : vector<16xi1>, vector<16xf32>
      %max3A_1369 = arith.maximumf %broadcast_in_dim3A_1362, %select_n3A_1368 : vector<16xf32>
      %eq3A_1370 = arith.constant 1 : i32
      %eq3A_1371 = vector.broadcast %eq3A_1370 : i32 to vector<16xi32>
      %eq3A_1372 = arith.cmpi eq, %select_n3A_1360, %eq3A_1371 : vector<16xi32>
      %jit3A_1373 = arith.constant 0xFF800000 : f32
      %broadcast_in_dim3A_1374 = vector.broadcast %jit3A_1373 : f32 to vector<16xf32>
      %select_n3A_1375 = arith.select %eq3A_1372, %broadcast_in_dim3A_1374, %div3A_1269 : vector<16xi1>, vector<16xf32>
      %max3A_1376 = arith.maximumf %max3A_1369, %select_n3A_1375 : vector<16xf32>
      %eq3A_1377 = arith.constant 2 : i32
      %eq3A_1378 = vector.broadcast %eq3A_1377 : i32 to vector<16xi32>
      %eq3A_1379 = arith.cmpi eq, %select_n3A_1360, %eq3A_1378 : vector<16xi32>
      %jit3A_1380 = arith.constant 0xFF800000 : f32
      %broadcast_in_dim3A_1381 = vector.broadcast %jit3A_1380 : f32 to vector<16xf32>
      %select_n3A_1382 = arith.select %eq3A_1379, %broadcast_in_dim3A_1381, %div3A_1284 : vector<16xi1>, vector<16xf32>
      %max3A_1383 = arith.maximumf %max3A_1376, %select_n3A_1382 : vector<16xf32>
      %eq3A_1384 = arith.constant 3 : i32
      %eq3A_1385 = vector.broadcast %eq3A_1384 : i32 to vector<16xi32>
      %eq3A_1386 = arith.cmpi eq, %select_n3A_1360, %eq3A_1385 : vector<16xi32>
      %jit3A_1387 = arith.constant 0xFF800000 : f32
      %broadcast_in_dim3A_1388 = vector.broadcast %jit3A_1387 : f32 to vector<16xf32>
      %select_n3A_1389 = arith.select %eq3A_1386, %broadcast_in_dim3A_1388, %div3A_1299 : vector<16xi1>, vector<16xf32>
      %max3A_1390 = arith.maximumf %max3A_1383, %select_n3A_1389 : vector<16xf32>
      %eq3A_1391 = arith.constant 4 : i32
      %eq3A_1392 = vector.broadcast %eq3A_1391 : i32 to vector<16xi32>
      %eq3A_1393 = arith.cmpi eq, %select_n3A_1360, %eq3A_1392 : vector<16xi32>
      %jit3A_1394 = arith.constant 0xFF800000 : f32
      %broadcast_in_dim3A_1395 = vector.broadcast %jit3A_1394 : f32 to vector<16xf32>
      %select_n3A_1396 = arith.select %eq3A_1393, %broadcast_in_dim3A_1395, %div3A_1314 : vector<16xi1>, vector<16xf32>
      %max3A_1397 = arith.maximumf %max3A_1390, %select_n3A_1396 : vector<16xf32>
      %eq3A_1398 = arith.constant 5 : i32
      %eq3A_1399 = vector.broadcast %eq3A_1398 : i32 to vector<16xi32>
      %eq3A_1400 = arith.cmpi eq, %select_n3A_1360, %eq3A_1399 : vector<16xi32>
      %jit3A_1401 = arith.constant 0xFF800000 : f32
      %broadcast_in_dim3A_1402 = vector.broadcast %jit3A_1401 : f32 to vector<16xf32>
      %select_n3A_1403 = arith.select %eq3A_1400, %broadcast_in_dim3A_1402, %div3A_1329 : vector<16xi1>, vector<16xf32>
      %max3A_1404 = arith.maximumf %max3A_1397, %select_n3A_1403 : vector<16xf32>
      %broadcast_in_dim3A_1405 = arith.constant 6 : i32
      %broadcast_in_dim3A_1406 = vector.broadcast %broadcast_in_dim3A_1405 : i32 to vector<16xi32>
      %eq3A_1407 = arith.cmpf oeq, %div3A_1329, %max3A_1404 : vector<16xf32>
      %ne3A_1408 = arith.constant 5 : i32
      %ne3A_1409 = vector.broadcast %ne3A_1408 : i32 to vector<16xi32>
      %ne3A_1410 = arith.cmpi ne, %select_n3A_1360, %ne3A_1409 : vector<16xi32>
      %and3A_1411 = arith.andi %eq3A_1407, %ne3A_1410 : vector<16xi1>
      %jit3A_1412 = arith.constant 5 : i32
      %broadcast_in_dim3A_1413 = vector.broadcast %jit3A_1412 : i32 to vector<16xi32>
      %select_n3A_1414 = arith.select %and3A_1411, %broadcast_in_dim3A_1413, %broadcast_in_dim3A_1406 : vector<16xi1>, vector<16xi32>
      %eq3A_1415 = arith.cmpf oeq, %div3A_1314, %max3A_1404 : vector<16xf32>
      %ne3A_1416 = arith.constant 4 : i32
      %ne3A_1417 = vector.broadcast %ne3A_1416 : i32 to vector<16xi32>
      %ne3A_1418 = arith.cmpi ne, %select_n3A_1360, %ne3A_1417 : vector<16xi32>
      %and3A_1419 = arith.andi %eq3A_1415, %ne3A_1418 : vector<16xi1>
      %jit3A_1420 = arith.constant 4 : i32
      %broadcast_in_dim3A_1421 = vector.broadcast %jit3A_1420 : i32 to vector<16xi32>
      %select_n3A_1422 = arith.select %and3A_1419, %broadcast_in_dim3A_1421, %select_n3A_1414 : vector<16xi1>, vector<16xi32>
      %eq3A_1423 = arith.cmpf oeq, %div3A_1299, %max3A_1404 : vector<16xf32>
      %ne3A_1424 = arith.constant 3 : i32
      %ne3A_1425 = vector.broadcast %ne3A_1424 : i32 to vector<16xi32>
      %ne3A_1426 = arith.cmpi ne, %select_n3A_1360, %ne3A_1425 : vector<16xi32>
      %and3A_1427 = arith.andi %eq3A_1423, %ne3A_1426 : vector<16xi1>
      %jit3A_1428 = arith.constant 3 : i32
      %broadcast_in_dim3A_1429 = vector.broadcast %jit3A_1428 : i32 to vector<16xi32>
      %select_n3A_1430 = arith.select %and3A_1427, %broadcast_in_dim3A_1429, %select_n3A_1422 : vector<16xi1>, vector<16xi32>
      %eq3A_1431 = arith.cmpf oeq, %div3A_1284, %max3A_1404 : vector<16xf32>
      %ne3A_1432 = arith.constant 2 : i32
      %ne3A_1433 = vector.broadcast %ne3A_1432 : i32 to vector<16xi32>
      %ne3A_1434 = arith.cmpi ne, %select_n3A_1360, %ne3A_1433 : vector<16xi32>
      %and3A_1435 = arith.andi %eq3A_1431, %ne3A_1434 : vector<16xi1>
      %jit3A_1436 = arith.constant 2 : i32
      %broadcast_in_dim3A_1437 = vector.broadcast %jit3A_1436 : i32 to vector<16xi32>
      %select_n3A_1438 = arith.select %and3A_1435, %broadcast_in_dim3A_1437, %select_n3A_1430 : vector<16xi1>, vector<16xi32>
      %eq3A_1439 = arith.cmpf oeq, %div3A_1269, %max3A_1404 : vector<16xf32>
      %ne3A_1440 = arith.constant 1 : i32
      %ne3A_1441 = vector.broadcast %ne3A_1440 : i32 to vector<16xi32>
      %ne3A_1442 = arith.cmpi ne, %select_n3A_1360, %ne3A_1441 : vector<16xi32>
      %and3A_1443 = arith.andi %eq3A_1439, %ne3A_1442 : vector<16xi1>
      %jit3A_1444 = arith.constant 1 : i32
      %broadcast_in_dim3A_1445 = vector.broadcast %jit3A_1444 : i32 to vector<16xi32>
      %select_n3A_1446 = arith.select %and3A_1443, %broadcast_in_dim3A_1445, %select_n3A_1438 : vector<16xi1>, vector<16xi32>
      %eq3A_1447 = arith.cmpf oeq, %div3A_1254, %max3A_1404 : vector<16xf32>
      %ne3A_1448 = arith.constant 0 : i32
      %ne3A_1449 = vector.broadcast %ne3A_1448 : i32 to vector<16xi32>
      %ne3A_1450 = arith.cmpi ne, %select_n3A_1360, %ne3A_1449 : vector<16xi32>
      %and3A_1451 = arith.andi %eq3A_1447, %ne3A_1450 : vector<16xi1>
      %jit3A_1452 = arith.constant 0 : i32
      %broadcast_in_dim3A_1453 = vector.broadcast %jit3A_1452 : i32 to vector<16xi32>
      %select_n3A_1454 = arith.select %and3A_1451, %broadcast_in_dim3A_1453, %select_n3A_1446 : vector<16xi1>, vector<16xi32>
      %sub3A_1455 = arith.subf %max3A_1404, %max3A_1334 : vector<16xf32>
      %exp3A_1456 = math.exp %sub3A_1455 : vector<16xf32>
      %add3A_1457 = arith.constant 1.000000e+00 : f32
      %add3A_1458 = vector.broadcast %add3A_1457 : f32 to vector<16xf32>
      %add3A_1459 = arith.addf %add3A_1458, %exp3A_1456 : vector<16xf32>
      %div3A_1460 = arith.constant 1.000000e+00 : f32
      %div3A_1461 = vector.broadcast %div3A_1460 : f32 to vector<16xf32>
      %div3A_1462 = arith.divf %div3A_1461, %add3A_1459 : vector<16xf32>
      %sub3A_1463 = arith.constant 1.000000e+00 : f32
      %sub3A_1464 = vector.broadcast %sub3A_1463 : f32 to vector<16xf32>
      %sub3A_1465 = arith.subf %sub3A_1464, %div3A_1462 : vector<16xf32>
      %broadcast_in_dim3A_1466 = arith.constant 0.000000e+00 : f32
      %broadcast_in_dim3A_1467 = vector.broadcast %broadcast_in_dim3A_1466 : f32 to vector<16xf32>
      %eq3A_1468 = arith.constant 0 : i32
      %eq3A_1469 = vector.broadcast %eq3A_1468 : i32 to vector<16xi32>
      %eq3A_1470 = arith.cmpi eq, %select_n3A_1360, %eq3A_1469 : vector<16xi32>
      %eq3A_1471 = arith.constant 0 : i32
      %eq3A_1472 = vector.broadcast %eq3A_1471 : i32 to vector<16xi32>
      %eq3A_1473 = arith.cmpi eq, %select_n3A_1454, %eq3A_1472 : vector<16xi32>
      %select_n3A_1474 = arith.select %eq3A_1473, %sub3A_1465, %broadcast_in_dim3A_1467 : vector<16xi1>, vector<16xf32>
      %select_n3A_1475 = arith.select %eq3A_1470, %div3A_1462, %select_n3A_1474 : vector<16xi1>, vector<16xf32>
      %swap3A_1476 = arith.constant 0 : i32
      %swap3A_1477 = arith.index_cast %swap3A_1476 : i32 to index
      %swap3A_1478 = arith.constant 64 : index
      %swap3A_1479 = tpu.vector_load %arg5[%swap3A_1477, %swap3A_1478] {strides = array<i32>} : memref<6x128xf32, #tpu.memory_space<vmem>>, vector<1x16xf32>,
      %swap3A_1480 = vector.shape_cast %swap3A_1479 : vector<1x16xf32> to vector<16xf32>
      %swap3A_1481 = vector.shape_cast %select_n3A_1475 : vector<16xf32> to vector<1x16xf32>
      tpu.vector_store %arg5[%swap3A_1477, %swap3A_1478], %swap3A_1481 {strides = array<i32>} : memref<6x128xf32, #tpu.memory_space<vmem>>, vector<1x16xf32>,
      %eq3A_1482 = arith.constant 1 : i32
      %eq3A_1483 = vector.broadcast %eq3A_1482 : i32 to vector<16xi32>
      %eq3A_1484 = arith.cmpi eq, %select_n3A_1360, %eq3A_1483 : vector<16xi32>
      %eq3A_1485 = arith.constant 1 : i32
      %eq3A_1486 = vector.broadcast %eq3A_1485 : i32 to vector<16xi32>
      %eq3A_1487 = arith.cmpi eq, %select_n3A_1454, %eq3A_1486 : vector<16xi32>
      %select_n3A_1488 = arith.select %eq3A_1487, %sub3A_1465, %broadcast_in_dim3A_1467 : vector<16xi1>, vector<16xf32>
      %select_n3A_1489 = arith.select %eq3A_1484, %div3A_1462, %select_n3A_1488 : vector<16xi1>, vector<16xf32>
      %swap3A_1490 = arith.constant 1 : i32
      %swap3A_1491 = arith.index_cast %swap3A_1490 : i32 to index
      %swap3A_1492 = arith.constant 64 : index
      %swap3A_1493 = tpu.vector_load %arg5[%swap3A_1491, %swap3A_1492] {strides = array<i32>} : memref<6x128xf32, #tpu.memory_space<vmem>>, vector<1x16xf32>,
      %swap3A_1494 = vector.shape_cast %swap3A_1493 : vector<1x16xf32> to vector<16xf32>
      %swap3A_1495 = vector.shape_cast %select_n3A_1489 : vector<16xf32> to vector<1x16xf32>
      tpu.vector_store %arg5[%swap3A_1491, %swap3A_1492], %swap3A_1495 {strides = array<i32>} : memref<6x128xf32, #tpu.memory_space<vmem>>, vector<1x16xf32>,
      %eq3A_1496 = arith.constant 2 : i32
      %eq3A_1497 = vector.broadcast %eq3A_1496 : i32 to vector<16xi32>
      %eq3A_1498 = arith.cmpi eq, %select_n3A_1360, %eq3A_1497 : vector<16xi32>
      %eq3A_1499 = arith.constant 2 : i32
      %eq3A_1500 = vector.broadcast %eq3A_1499 : i32 to vector<16xi32>
      %eq3A_1501 = arith.cmpi eq, %select_n3A_1454, %eq3A_1500 : vector<16xi32>
      %select_n3A_1502 = arith.select %eq3A_1501, %sub3A_1465, %broadcast_in_dim3A_1467 : vector<16xi1>, vector<16xf32>
      %select_n3A_1503 = arith.select %eq3A_1498, %div3A_1462, %select_n3A_1502 : vector<16xi1>, vector<16xf32>
      %swap3A_1504 = arith.constant 2 : i32
      %swap3A_1505 = arith.index_cast %swap3A_1504 : i32 to index
      %swap3A_1506 = arith.constant 64 : index
      %swap3A_1507 = tpu.vector_load %arg5[%swap3A_1505, %swap3A_1506] {strides = array<i32>} : memref<6x128xf32, #tpu.memory_space<vmem>>, vector<1x16xf32>,
      %swap3A_1508 = vector.shape_cast %swap3A_1507 : vector<1x16xf32> to vector<16xf32>
      %swap3A_1509 = vector.shape_cast %select_n3A_1503 : vector<16xf32> to vector<1x16xf32>
      tpu.vector_store %arg5[%swap3A_1505, %swap3A_1506], %swap3A_1509 {strides = array<i32>} : memref<6x128xf32, #tpu.memory_space<vmem>>, vector<1x16xf32>,
      %eq3A_1510 = arith.constant 3 : i32
      %eq3A_1511 = vector.broadcast %eq3A_1510 : i32 to vector<16xi32>
      %eq3A_1512 = arith.cmpi eq, %select_n3A_1360, %eq3A_1511 : vector<16xi32>
      %eq3A_1513 = arith.constant 3 : i32
      %eq3A_1514 = vector.broadcast %eq3A_1513 : i32 to vector<16xi32>
      %eq3A_1515 = arith.cmpi eq, %select_n3A_1454, %eq3A_1514 : vector<16xi32>
      %select_n3A_1516 = arith.select %eq3A_1515, %sub3A_1465, %broadcast_in_dim3A_1467 : vector<16xi1>, vector<16xf32>
      %select_n3A_1517 = arith.select %eq3A_1512, %div3A_1462, %select_n3A_1516 : vector<16xi1>, vector<16xf32>
      %swap3A_1518 = arith.constant 3 : i32
      %swap3A_1519 = arith.index_cast %swap3A_1518 : i32 to index
      %swap3A_1520 = arith.constant 64 : index
      %swap3A_1521 = tpu.vector_load %arg5[%swap3A_1519, %swap3A_1520] {strides = array<i32>} : memref<6x128xf32, #tpu.memory_space<vmem>>, vector<1x16xf32>,
      %swap3A_1522 = vector.shape_cast %swap3A_1521 : vector<1x16xf32> to vector<16xf32>
      %swap3A_1523 = vector.shape_cast %select_n3A_1517 : vector<16xf32> to vector<1x16xf32>
      tpu.vector_store %arg5[%swap3A_1519, %swap3A_1520], %swap3A_1523 {strides = array<i32>} : memref<6x128xf32, #tpu.memory_space<vmem>>, vector<1x16xf32>,
      %eq3A_1524 = arith.constant 4 : i32
      %eq3A_1525 = vector.broadcast %eq3A_1524 : i32 to vector<16xi32>
      %eq3A_1526 = arith.cmpi eq, %select_n3A_1360, %eq3A_1525 : vector<16xi32>
      %eq3A_1527 = arith.constant 4 : i32
      %eq3A_1528 = vector.broadcast %eq3A_1527 : i32 to vector<16xi32>
      %eq3A_1529 = arith.cmpi eq, %select_n3A_1454, %eq3A_1528 : vector<16xi32>
      %select_n3A_1530 = arith.select %eq3A_1529, %sub3A_1465, %broadcast_in_dim3A_1467 : vector<16xi1>, vector<16xf32>
      %select_n3A_1531 = arith.select %eq3A_1526, %div3A_1462, %select_n3A_1530 : vector<16xi1>, vector<16xf32>
      %swap3A_1532 = arith.constant 4 : i32
      %swap3A_1533 = arith.index_cast %swap3A_1532 : i32 to index
      %swap3A_1534 = arith.constant 64 : index
      %swap3A_1535 = tpu.vector_load %arg5[%swap3A_1533, %swap3A_1534] {strides = array<i32>} : memref<6x128xf32, #tpu.memory_space<vmem>>, vector<1x16xf32>,
      %swap3A_1536 = vector.shape_cast %swap3A_1535 : vector<1x16xf32> to vector<16xf32>
      %swap3A_1537 = vector.shape_cast %select_n3A_1531 : vector<16xf32> to vector<1x16xf32>
      tpu.vector_store %arg5[%swap3A_1533, %swap3A_1534], %swap3A_1537 {strides = array<i32>} : memref<6x128xf32, #tpu.memory_space<vmem>>, vector<1x16xf32>,
      %eq3A_1538 = arith.constant 5 : i32
      %eq3A_1539 = vector.broadcast %eq3A_1538 : i32 to vector<16xi32>
      %eq3A_1540 = arith.cmpi eq, %select_n3A_1360, %eq3A_1539 : vector<16xi32>
      %eq3A_1541 = arith.constant 5 : i32
      %eq3A_1542 = vector.broadcast %eq3A_1541 : i32 to vector<16xi32>
      %eq3A_1543 = arith.cmpi eq, %select_n3A_1454, %eq3A_1542 : vector<16xi32>
      %select_n3A_1544 = arith.select %eq3A_1543, %sub3A_1465, %broadcast_in_dim3A_1467 : vector<16xi1>, vector<16xf32>
      %select_n3A_1545 = arith.select %eq3A_1540, %div3A_1462, %select_n3A_1544 : vector<16xi1>, vector<16xf32>
      %swap3A_1546 = arith.constant 5 : i32
      %swap3A_1547 = arith.index_cast %swap3A_1546 : i32 to index
      %swap3A_1548 = arith.constant 64 : index
      %swap3A_1549 = tpu.vector_load %arg5[%swap3A_1547, %swap3A_1548] {strides = array<i32>} : memref<6x128xf32, #tpu.memory_space<vmem>>, vector<1x16xf32>,
      %swap3A_1550 = vector.shape_cast %swap3A_1549 : vector<1x16xf32> to vector<16xf32>
      %swap3A_1551 = vector.shape_cast %select_n3A_1545 : vector<16xf32> to vector<1x16xf32>
      tpu.vector_store %arg5[%swap3A_1547, %swap3A_1548], %swap3A_1551 {strides = array<i32>} : memref<6x128xf32, #tpu.memory_space<vmem>>, vector<1x16xf32>,
      %get3A_1552 = arith.constant 0 : i32
      %get3A_1553 = arith.index_cast %get3A_1552 : i32 to index
      %get3A_1554 = arith.constant 80 : index
      %get3A_1555 = tpu.vector_load %arg4[%get3A_1553, %get3A_1554] {strides = array<i32>} : memref<6x128xf32, #tpu.memory_space<vmem>>, vector<1x16xf32>,
      %get3A_1556 = vector.shape_cast %get3A_1555 : vector<1x16xf32> to vector<16xf32>
      %neg3A_1557 = arith.constant 0.000000e+00 : f32
      %neg3A_1558 = vector.broadcast %neg3A_1557 : f32 to vector<16xf32>
      %neg3A_1559 = arith.subf %neg3A_1558, %get3A_1556 : vector<16xf32>
      %exp3A_1560 = math.exp %neg3A_1559 : vector<16xf32>
      %add3A_1561 = arith.constant 1.000000e+00 : f32
      %add3A_1562 = vector.broadcast %add3A_1561 : f32 to vector<16xf32>
      %add3A_1563 = arith.addf %add3A_1562, %exp3A_1560 : vector<16xf32>
      %div3A_1564 = arith.constant 1.000000e+00 : f32
      %div3A_1565 = vector.broadcast %div3A_1564 : f32 to vector<16xf32>
      %div3A_1566 = arith.divf %div3A_1565, %add3A_1563 : vector<16xf32>
      %get3A_1567 = arith.constant 1 : i32
      %get3A_1568 = arith.index_cast %get3A_1567 : i32 to index
      %get3A_1569 = arith.constant 80 : index
      %get3A_1570 = tpu.vector_load %arg4[%get3A_1568, %get3A_1569] {strides = array<i32>} : memref<6x128xf32, #tpu.memory_space<vmem>>, vector<1x16xf32>,
      %get3A_1571 = vector.shape_cast %get3A_1570 : vector<1x16xf32> to vector<16xf32>
      %neg3A_1572 = arith.constant 0.000000e+00 : f32
      %neg3A_1573 = vector.broadcast %neg3A_1572 : f32 to vector<16xf32>
      %neg3A_1574 = arith.subf %neg3A_1573, %get3A_1571 : vector<16xf32>
      %exp3A_1575 = math.exp %neg3A_1574 : vector<16xf32>
      %add3A_1576 = arith.constant 1.000000e+00 : f32
      %add3A_1577 = vector.broadcast %add3A_1576 : f32 to vector<16xf32>
      %add3A_1578 = arith.addf %add3A_1577, %exp3A_1575 : vector<16xf32>
      %div3A_1579 = arith.constant 1.000000e+00 : f32
      %div3A_1580 = vector.broadcast %div3A_1579 : f32 to vector<16xf32>
      %div3A_1581 = arith.divf %div3A_1580, %add3A_1578 : vector<16xf32>
      %get3A_1582 = arith.constant 2 : i32
      %get3A_1583 = arith.index_cast %get3A_1582 : i32 to index
      %get3A_1584 = arith.constant 80 : index
      %get3A_1585 = tpu.vector_load %arg4[%get3A_1583, %get3A_1584] {strides = array<i32>} : memref<6x128xf32, #tpu.memory_space<vmem>>, vector<1x16xf32>,
      %get3A_1586 = vector.shape_cast %get3A_1585 : vector<1x16xf32> to vector<16xf32>
      %neg3A_1587 = arith.constant 0.000000e+00 : f32
      %neg3A_1588 = vector.broadcast %neg3A_1587 : f32 to vector<16xf32>
      %neg3A_1589 = arith.subf %neg3A_1588, %get3A_1586 : vector<16xf32>
      %exp3A_1590 = math.exp %neg3A_1589 : vector<16xf32>
      %add3A_1591 = arith.constant 1.000000e+00 : f32
      %add3A_1592 = vector.broadcast %add3A_1591 : f32 to vector<16xf32>
      %add3A_1593 = arith.addf %add3A_1592, %exp3A_1590 : vector<16xf32>
      %div3A_1594 = arith.constant 1.000000e+00 : f32
      %div3A_1595 = vector.broadcast %div3A_1594 : f32 to vector<16xf32>
      %div3A_1596 = arith.divf %div3A_1595, %add3A_1593 : vector<16xf32>
      %get3A_1597 = arith.constant 3 : i32
      %get3A_1598 = arith.index_cast %get3A_1597 : i32 to index
      %get3A_1599 = arith.constant 80 : index
      %get3A_1600 = tpu.vector_load %arg4[%get3A_1598, %get3A_1599] {strides = array<i32>} : memref<6x128xf32, #tpu.memory_space<vmem>>, vector<1x16xf32>,
      %get3A_1601 = vector.shape_cast %get3A_1600 : vector<1x16xf32> to vector<16xf32>
      %neg3A_1602 = arith.constant 0.000000e+00 : f32
      %neg3A_1603 = vector.broadcast %neg3A_1602 : f32 to vector<16xf32>
      %neg3A_1604 = arith.subf %neg3A_1603, %get3A_1601 : vector<16xf32>
      %exp3A_1605 = math.exp %neg3A_1604 : vector<16xf32>
      %add3A_1606 = arith.constant 1.000000e+00 : f32
      %add3A_1607 = vector.broadcast %add3A_1606 : f32 to vector<16xf32>
      %add3A_1608 = arith.addf %add3A_1607, %exp3A_1605 : vector<16xf32>
      %div3A_1609 = arith.constant 1.000000e+00 : f32
      %div3A_1610 = vector.broadcast %div3A_1609 : f32 to vector<16xf32>
      %div3A_1611 = arith.divf %div3A_1610, %add3A_1608 : vector<16xf32>
      %get3A_1612 = arith.constant 4 : i32
      %get3A_1613 = arith.index_cast %get3A_1612 : i32 to index
      %get3A_1614 = arith.constant 80 : index
      %get3A_1615 = tpu.vector_load %arg4[%get3A_1613, %get3A_1614] {strides = array<i32>} : memref<6x128xf32, #tpu.memory_space<vmem>>, vector<1x16xf32>,
      %get3A_1616 = vector.shape_cast %get3A_1615 : vector<1x16xf32> to vector<16xf32>
      %neg3A_1617 = arith.constant 0.000000e+00 : f32
      %neg3A_1618 = vector.broadcast %neg3A_1617 : f32 to vector<16xf32>
      %neg3A_1619 = arith.subf %neg3A_1618, %get3A_1616 : vector<16xf32>
      %exp3A_1620 = math.exp %neg3A_1619 : vector<16xf32>
      %add3A_1621 = arith.constant 1.000000e+00 : f32
      %add3A_1622 = vector.broadcast %add3A_1621 : f32 to vector<16xf32>
      %add3A_1623 = arith.addf %add3A_1622, %exp3A_1620 : vector<16xf32>
      %div3A_1624 = arith.constant 1.000000e+00 : f32
      %div3A_1625 = vector.broadcast %div3A_1624 : f32 to vector<16xf32>
      %div3A_1626 = arith.divf %div3A_1625, %add3A_1623 : vector<16xf32>
      %get3A_1627 = arith.constant 5 : i32
      %get3A_1628 = arith.index_cast %get3A_1627 : i32 to index
      %get3A_1629 = arith.constant 80 : index
      %get3A_1630 = tpu.vector_load %arg4[%get3A_1628, %get3A_1629] {strides = array<i32>} : memref<6x128xf32, #tpu.memory_space<vmem>>, vector<1x16xf32>,
      %get3A_1631 = vector.shape_cast %get3A_1630 : vector<1x16xf32> to vector<16xf32>
      %neg3A_1632 = arith.constant 0.000000e+00 : f32
      %neg3A_1633 = vector.broadcast %neg3A_1632 : f32 to vector<16xf32>
      %neg3A_1634 = arith.subf %neg3A_1633, %get3A_1631 : vector<16xf32>
      %exp3A_1635 = math.exp %neg3A_1634 : vector<16xf32>
      %add3A_1636 = arith.constant 1.000000e+00 : f32
      %add3A_1637 = vector.broadcast %add3A_1636 : f32 to vector<16xf32>
      %add3A_1638 = arith.addf %add3A_1637, %exp3A_1635 : vector<16xf32>
      %div3A_1639 = arith.constant 1.000000e+00 : f32
      %div3A_1640 = vector.broadcast %div3A_1639 : f32 to vector<16xf32>
      %div3A_1641 = arith.divf %div3A_1640, %add3A_1638 : vector<16xf32>
      %max3A_1642 = arith.maximumf %div3A_1566, %div3A_1581 : vector<16xf32>
      %max3A_1643 = arith.maximumf %max3A_1642, %div3A_1596 : vector<16xf32>
      %max3A_1644 = arith.maximumf %max3A_1643, %div3A_1611 : vector<16xf32>
      %max3A_1645 = arith.maximumf %max3A_1644, %div3A_1626 : vector<16xf32>
      %max3A_1646 = arith.maximumf %max3A_1645, %div3A_1641 : vector<16xf32>
      %broadcast_in_dim3A_1647 = arith.constant 6 : i32
      %broadcast_in_dim3A_1648 = vector.broadcast %broadcast_in_dim3A_1647 : i32 to vector<16xi32>
      %eq3A_1649 = arith.cmpf oeq, %div3A_1641, %max3A_1646 : vector<16xf32>
      %jit3A_1650 = arith.constant 5 : i32
      %broadcast_in_dim3A_1651 = vector.broadcast %jit3A_1650 : i32 to vector<16xi32>
      %select_n3A_1652 = arith.select %eq3A_1649, %broadcast_in_dim3A_1651, %broadcast_in_dim3A_1648 : vector<16xi1>, vector<16xi32>
      %eq3A_1653 = arith.cmpf oeq, %div3A_1626, %max3A_1646 : vector<16xf32>
      %jit3A_1654 = arith.constant 4 : i32
      %broadcast_in_dim3A_1655 = vector.broadcast %jit3A_1654 : i32 to vector<16xi32>
      %select_n3A_1656 = arith.select %eq3A_1653, %broadcast_in_dim3A_1655, %select_n3A_1652 : vector<16xi1>, vector<16xi32>
      %eq3A_1657 = arith.cmpf oeq, %div3A_1611, %max3A_1646 : vector<16xf32>
      %jit3A_1658 = arith.constant 3 : i32
      %broadcast_in_dim3A_1659 = vector.broadcast %jit3A_1658 : i32 to vector<16xi32>
      %select_n3A_1660 = arith.select %eq3A_1657, %broadcast_in_dim3A_1659, %select_n3A_1656 : vector<16xi1>, vector<16xi32>
      %eq3A_1661 = arith.cmpf oeq, %div3A_1596, %max3A_1646 : vector<16xf32>
      %jit3A_1662 = arith.constant 2 : i32
      %broadcast_in_dim3A_1663 = vector.broadcast %jit3A_1662 : i32 to vector<16xi32>
      %select_n3A_1664 = arith.select %eq3A_1661, %broadcast_in_dim3A_1663, %select_n3A_1660 : vector<16xi1>, vector<16xi32>
      %eq3A_1665 = arith.cmpf oeq, %div3A_1581, %max3A_1646 : vector<16xf32>
      %jit3A_1666 = arith.constant 1 : i32
      %broadcast_in_dim3A_1667 = vector.broadcast %jit3A_1666 : i32 to vector<16xi32>
      %select_n3A_1668 = arith.select %eq3A_1665, %broadcast_in_dim3A_1667, %select_n3A_1664 : vector<16xi1>, vector<16xi32>
      %eq3A_1669 = arith.cmpf oeq, %div3A_1566, %max3A_1646 : vector<16xf32>
      %jit3A_1670 = arith.constant 0 : i32
      %broadcast_in_dim3A_1671 = vector.broadcast %jit3A_1670 : i32 to vector<16xi32>
      %select_n3A_1672 = arith.select %eq3A_1669, %broadcast_in_dim3A_1671, %select_n3A_1668 : vector<16xi1>, vector<16xi32>
      %broadcast_in_dim3A_1673 = arith.constant 0xFF800000 : f32
      %broadcast_in_dim3A_1674 = vector.broadcast %broadcast_in_dim3A_1673 : f32 to vector<16xf32>
      %eq3A_1675 = arith.constant 0 : i32
      %eq3A_1676 = vector.broadcast %eq3A_1675 : i32 to vector<16xi32>
      %eq3A_1677 = arith.cmpi eq, %select_n3A_1672, %eq3A_1676 : vector<16xi32>
      %jit3A_1678 = arith.constant 0xFF800000 : f32
      %broadcast_in_dim3A_1679 = vector.broadcast %jit3A_1678 : f32 to vector<16xf32>
      %select_n3A_1680 = arith.select %eq3A_1677, %broadcast_in_dim3A_1679, %div3A_1566 : vector<16xi1>, vector<16xf32>
      %max3A_1681 = arith.maximumf %broadcast_in_dim3A_1674, %select_n3A_1680 : vector<16xf32>
      %eq3A_1682 = arith.constant 1 : i32
      %eq3A_1683 = vector.broadcast %eq3A_1682 : i32 to vector<16xi32>
      %eq3A_1684 = arith.cmpi eq, %select_n3A_1672, %eq3A_1683 : vector<16xi32>
      %jit3A_1685 = arith.constant 0xFF800000 : f32
      %broadcast_in_dim3A_1686 = vector.broadcast %jit3A_1685 : f32 to vector<16xf32>
      %select_n3A_1687 = arith.select %eq3A_1684, %broadcast_in_dim3A_1686, %div3A_1581 : vector<16xi1>, vector<16xf32>
      %max3A_1688 = arith.maximumf %max3A_1681, %select_n3A_1687 : vector<16xf32>
      %eq3A_1689 = arith.constant 2 : i32
      %eq3A_1690 = vector.broadcast %eq3A_1689 : i32 to vector<16xi32>
      %eq3A_1691 = arith.cmpi eq, %select_n3A_1672, %eq3A_1690 : vector<16xi32>
      %jit3A_1692 = arith.constant 0xFF800000 : f32
      %broadcast_in_dim3A_1693 = vector.broadcast %jit3A_1692 : f32 to vector<16xf32>
      %select_n3A_1694 = arith.select %eq3A_1691, %broadcast_in_dim3A_1693, %div3A_1596 : vector<16xi1>, vector<16xf32>
      %max3A_1695 = arith.maximumf %max3A_1688, %select_n3A_1694 : vector<16xf32>
      %eq3A_1696 = arith.constant 3 : i32
      %eq3A_1697 = vector.broadcast %eq3A_1696 : i32 to vector<16xi32>
      %eq3A_1698 = arith.cmpi eq, %select_n3A_1672, %eq3A_1697 : vector<16xi32>
      %jit3A_1699 = arith.constant 0xFF800000 : f32
      %broadcast_in_dim3A_1700 = vector.broadcast %jit3A_1699 : f32 to vector<16xf32>
      %select_n3A_1701 = arith.select %eq3A_1698, %broadcast_in_dim3A_1700, %div3A_1611 : vector<16xi1>, vector<16xf32>
      %max3A_1702 = arith.maximumf %max3A_1695, %select_n3A_1701 : vector<16xf32>
      %eq3A_1703 = arith.constant 4 : i32
      %eq3A_1704 = vector.broadcast %eq3A_1703 : i32 to vector<16xi32>
      %eq3A_1705 = arith.cmpi eq, %select_n3A_1672, %eq3A_1704 : vector<16xi32>
      %jit3A_1706 = arith.constant 0xFF800000 : f32
      %broadcast_in_dim3A_1707 = vector.broadcast %jit3A_1706 : f32 to vector<16xf32>
      %select_n3A_1708 = arith.select %eq3A_1705, %broadcast_in_dim3A_1707, %div3A_1626 : vector<16xi1>, vector<16xf32>
      %max3A_1709 = arith.maximumf %max3A_1702, %select_n3A_1708 : vector<16xf32>
      %eq3A_1710 = arith.constant 5 : i32
      %eq3A_1711 = vector.broadcast %eq3A_1710 : i32 to vector<16xi32>
      %eq3A_1712 = arith.cmpi eq, %select_n3A_1672, %eq3A_1711 : vector<16xi32>
      %jit3A_1713 = arith.constant 0xFF800000 : f32
      %broadcast_in_dim3A_1714 = vector.broadcast %jit3A_1713 : f32 to vector<16xf32>
      %select_n3A_1715 = arith.select %eq3A_1712, %broadcast_in_dim3A_1714, %div3A_1641 : vector<16xi1>, vector<16xf32>
      %max3A_1716 = arith.maximumf %max3A_1709, %select_n3A_1715 : vector<16xf32>
      %broadcast_in_dim3A_1717 = arith.constant 6 : i32
      %broadcast_in_dim3A_1718 = vector.broadcast %broadcast_in_dim3A_1717 : i32 to vector<16xi32>
      %eq3A_1719 = arith.cmpf oeq, %div3A_1641, %max3A_1716 : vector<16xf32>
      %ne3A_1720 = arith.constant 5 : i32
      %ne3A_1721 = vector.broadcast %ne3A_1720 : i32 to vector<16xi32>
      %ne3A_1722 = arith.cmpi ne, %select_n3A_1672, %ne3A_1721 : vector<16xi32>
      %and3A_1723 = arith.andi %eq3A_1719, %ne3A_1722 : vector<16xi1>
      %jit3A_1724 = arith.constant 5 : i32
      %broadcast_in_dim3A_1725 = vector.broadcast %jit3A_1724 : i32 to vector<16xi32>
      %select_n3A_1726 = arith.select %and3A_1723, %broadcast_in_dim3A_1725, %broadcast_in_dim3A_1718 : vector<16xi1>, vector<16xi32>
      %eq3A_1727 = arith.cmpf oeq, %div3A_1626, %max3A_1716 : vector<16xf32>
      %ne3A_1728 = arith.constant 4 : i32
      %ne3A_1729 = vector.broadcast %ne3A_1728 : i32 to vector<16xi32>
      %ne3A_1730 = arith.cmpi ne, %select_n3A_1672, %ne3A_1729 : vector<16xi32>
      %and3A_1731 = arith.andi %eq3A_1727, %ne3A_1730 : vector<16xi1>
      %jit3A_1732 = arith.constant 4 : i32
      %broadcast_in_dim3A_1733 = vector.broadcast %jit3A_1732 : i32 to vector<16xi32>
      %select_n3A_1734 = arith.select %and3A_1731, %broadcast_in_dim3A_1733, %select_n3A_1726 : vector<16xi1>, vector<16xi32>
      %eq3A_1735 = arith.cmpf oeq, %div3A_1611, %max3A_1716 : vector<16xf32>
      %ne3A_1736 = arith.constant 3 : i32
      %ne3A_1737 = vector.broadcast %ne3A_1736 : i32 to vector<16xi32>
      %ne3A_1738 = arith.cmpi ne, %select_n3A_1672, %ne3A_1737 : vector<16xi32>
      %and3A_1739 = arith.andi %eq3A_1735, %ne3A_1738 : vector<16xi1>
      %jit3A_1740 = arith.constant 3 : i32
      %broadcast_in_dim3A_1741 = vector.broadcast %jit3A_1740 : i32 to vector<16xi32>
      %select_n3A_1742 = arith.select %and3A_1739, %broadcast_in_dim3A_1741, %select_n3A_1734 : vector<16xi1>, vector<16xi32>
      %eq3A_1743 = arith.cmpf oeq, %div3A_1596, %max3A_1716 : vector<16xf32>
      %ne3A_1744 = arith.constant 2 : i32
      %ne3A_1745 = vector.broadcast %ne3A_1744 : i32 to vector<16xi32>
      %ne3A_1746 = arith.cmpi ne, %select_n3A_1672, %ne3A_1745 : vector<16xi32>
      %and3A_1747 = arith.andi %eq3A_1743, %ne3A_1746 : vector<16xi1>
      %jit3A_1748 = arith.constant 2 : i32
      %broadcast_in_dim3A_1749 = vector.broadcast %jit3A_1748 : i32 to vector<16xi32>
      %select_n3A_1750 = arith.select %and3A_1747, %broadcast_in_dim3A_1749, %select_n3A_1742 : vector<16xi1>, vector<16xi32>
      %eq3A_1751 = arith.cmpf oeq, %div3A_1581, %max3A_1716 : vector<16xf32>
      %ne3A_1752 = arith.constant 1 : i32
      %ne3A_1753 = vector.broadcast %ne3A_1752 : i32 to vector<16xi32>
      %ne3A_1754 = arith.cmpi ne, %select_n3A_1672, %ne3A_1753 : vector<16xi32>
      %and3A_1755 = arith.andi %eq3A_1751, %ne3A_1754 : vector<16xi1>
      %jit3A_1756 = arith.constant 1 : i32
      %broadcast_in_dim3A_1757 = vector.broadcast %jit3A_1756 : i32 to vector<16xi32>
      %select_n3A_1758 = arith.select %and3A_1755, %broadcast_in_dim3A_1757, %select_n3A_1750 : vector<16xi1>, vector<16xi32>
      %eq3A_1759 = arith.cmpf oeq, %div3A_1566, %max3A_1716 : vector<16xf32>
      %ne3A_1760 = arith.constant 0 : i32
      %ne3A_1761 = vector.broadcast %ne3A_1760 : i32 to vector<16xi32>
      %ne3A_1762 = arith.cmpi ne, %select_n3A_1672, %ne3A_1761 : vector<16xi32>
      %and3A_1763 = arith.andi %eq3A_1759, %ne3A_1762 : vector<16xi1>
      %jit3A_1764 = arith.constant 0 : i32
      %broadcast_in_dim3A_1765 = vector.broadcast %jit3A_1764 : i32 to vector<16xi32>
      %select_n3A_1766 = arith.select %and3A_1763, %broadcast_in_dim3A_1765, %select_n3A_1758 : vector<16xi1>, vector<16xi32>
      %sub3A_1767 = arith.subf %max3A_1716, %max3A_1646 : vector<16xf32>
      %exp3A_1768 = math.exp %sub3A_1767 : vector<16xf32>
      %add3A_1769 = arith.constant 1.000000e+00 : f32
      %add3A_1770 = vector.broadcast %add3A_1769 : f32 to vector<16xf32>
      %add3A_1771 = arith.addf %add3A_1770, %exp3A_1768 : vector<16xf32>
      %div3A_1772 = arith.constant 1.000000e+00 : f32
      %div3A_1773 = vector.broadcast %div3A_1772 : f32 to vector<16xf32>
      %div3A_1774 = arith.divf %div3A_1773, %add3A_1771 : vector<16xf32>
      %sub3A_1775 = arith.constant 1.000000e+00 : f32
      %sub3A_1776 = vector.broadcast %sub3A_1775 : f32 to vector<16xf32>
      %sub3A_1777 = arith.subf %sub3A_1776, %div3A_1774 : vector<16xf32>
      %broadcast_in_dim3A_1778 = arith.constant 0.000000e+00 : f32
      %broadcast_in_dim3A_1779 = vector.broadcast %broadcast_in_dim3A_1778 : f32 to vector<16xf32>
      %eq3A_1780 = arith.constant 0 : i32
      %eq3A_1781 = vector.broadcast %eq3A_1780 : i32 to vector<16xi32>
      %eq3A_1782 = arith.cmpi eq, %select_n3A_1672, %eq3A_1781 : vector<16xi32>
      %eq3A_1783 = arith.constant 0 : i32
      %eq3A_1784 = vector.broadcast %eq3A_1783 : i32 to vector<16xi32>
      %eq3A_1785 = arith.cmpi eq, %select_n3A_1766, %eq3A_1784 : vector<16xi32>
      %select_n3A_1786 = arith.select %eq3A_1785, %sub3A_1777, %broadcast_in_dim3A_1779 : vector<16xi1>, vector<16xf32>
      %select_n3A_1787 = arith.select %eq3A_1782, %div3A_1774, %select_n3A_1786 : vector<16xi1>, vector<16xf32>
      %swap3A_1788 = arith.constant 0 : i32
      %swap3A_1789 = arith.index_cast %swap3A_1788 : i32 to index
      %swap3A_1790 = arith.constant 80 : index
      %swap3A_1791 = tpu.vector_load %arg5[%swap3A_1789, %swap3A_1790] {strides = array<i32>} : memref<6x128xf32, #tpu.memory_space<vmem>>, vector<1x16xf32>,
      %swap3A_1792 = vector.shape_cast %swap3A_1791 : vector<1x16xf32> to vector<16xf32>
      %swap3A_1793 = vector.shape_cast %select_n3A_1787 : vector<16xf32> to vector<1x16xf32>
      tpu.vector_store %arg5[%swap3A_1789, %swap3A_1790], %swap3A_1793 {strides = array<i32>} : memref<6x128xf32, #tpu.memory_space<vmem>>, vector<1x16xf32>,
      %eq3A_1794 = arith.constant 1 : i32
      %eq3A_1795 = vector.broadcast %eq3A_1794 : i32 to vector<16xi32>
      %eq3A_1796 = arith.cmpi eq, %select_n3A_1672, %eq3A_1795 : vector<16xi32>
      %eq3A_1797 = arith.constant 1 : i32
      %eq3A_1798 = vector.broadcast %eq3A_1797 : i32 to vector<16xi32>
      %eq3A_1799 = arith.cmpi eq, %select_n3A_1766, %eq3A_1798 : vector<16xi32>
      %select_n3A_1800 = arith.select %eq3A_1799, %sub3A_1777, %broadcast_in_dim3A_1779 : vector<16xi1>, vector<16xf32>
      %select_n3A_1801 = arith.select %eq3A_1796, %div3A_1774, %select_n3A_1800 : vector<16xi1>, vector<16xf32>
      %swap3A_1802 = arith.constant 1 : i32
      %swap3A_1803 = arith.index_cast %swap3A_1802 : i32 to index
      %swap3A_1804 = arith.constant 80 : index
      %swap3A_1805 = tpu.vector_load %arg5[%swap3A_1803, %swap3A_1804] {strides = array<i32>} : memref<6x128xf32, #tpu.memory_space<vmem>>, vector<1x16xf32>,
      %swap3A_1806 = vector.shape_cast %swap3A_1805 : vector<1x16xf32> to vector<16xf32>
      %swap3A_1807 = vector.shape_cast %select_n3A_1801 : vector<16xf32> to vector<1x16xf32>
      tpu.vector_store %arg5[%swap3A_1803, %swap3A_1804], %swap3A_1807 {strides = array<i32>} : memref<6x128xf32, #tpu.memory_space<vmem>>, vector<1x16xf32>,
      %eq3A_1808 = arith.constant 2 : i32
      %eq3A_1809 = vector.broadcast %eq3A_1808 : i32 to vector<16xi32>
      %eq3A_1810 = arith.cmpi eq, %select_n3A_1672, %eq3A_1809 : vector<16xi32>
      %eq3A_1811 = arith.constant 2 : i32
      %eq3A_1812 = vector.broadcast %eq3A_1811 : i32 to vector<16xi32>
      %eq3A_1813 = arith.cmpi eq, %select_n3A_1766, %eq3A_1812 : vector<16xi32>
      %select_n3A_1814 = arith.select %eq3A_1813, %sub3A_1777, %broadcast_in_dim3A_1779 : vector<16xi1>, vector<16xf32>
      %select_n3A_1815 = arith.select %eq3A_1810, %div3A_1774, %select_n3A_1814 : vector<16xi1>, vector<16xf32>
      %swap3A_1816 = arith.constant 2 : i32
      %swap3A_1817 = arith.index_cast %swap3A_1816 : i32 to index
      %swap3A_1818 = arith.constant 80 : index
      %swap3A_1819 = tpu.vector_load %arg5[%swap3A_1817, %swap3A_1818] {strides = array<i32>} : memref<6x128xf32, #tpu.memory_space<vmem>>, vector<1x16xf32>,
      %swap3A_1820 = vector.shape_cast %swap3A_1819 : vector<1x16xf32> to vector<16xf32>
      %swap3A_1821 = vector.shape_cast %select_n3A_1815 : vector<16xf32> to vector<1x16xf32>
      tpu.vector_store %arg5[%swap3A_1817, %swap3A_1818], %swap3A_1821 {strides = array<i32>} : memref<6x128xf32, #tpu.memory_space<vmem>>, vector<1x16xf32>,
      %eq3A_1822 = arith.constant 3 : i32
      %eq3A_1823 = vector.broadcast %eq3A_1822 : i32 to vector<16xi32>
      %eq3A_1824 = arith.cmpi eq, %select_n3A_1672, %eq3A_1823 : vector<16xi32>
      %eq3A_1825 = arith.constant 3 : i32
      %eq3A_1826 = vector.broadcast %eq3A_1825 : i32 to vector<16xi32>
      %eq3A_1827 = arith.cmpi eq, %select_n3A_1766, %eq3A_1826 : vector<16xi32>
      %select_n3A_1828 = arith.select %eq3A_1827, %sub3A_1777, %broadcast_in_dim3A_1779 : vector<16xi1>, vector<16xf32>
      %select_n3A_1829 = arith.select %eq3A_1824, %div3A_1774, %select_n3A_1828 : vector<16xi1>, vector<16xf32>
      %swap3A_1830 = arith.constant 3 : i32
      %swap3A_1831 = arith.index_cast %swap3A_1830 : i32 to index
      %swap3A_1832 = arith.constant 80 : index
      %swap3A_1833 = tpu.vector_load %arg5[%swap3A_1831, %swap3A_1832] {strides = array<i32>} : memref<6x128xf32, #tpu.memory_space<vmem>>, vector<1x16xf32>,
      %swap3A_1834 = vector.shape_cast %swap3A_1833 : vector<1x16xf32> to vector<16xf32>
      %swap3A_1835 = vector.shape_cast %select_n3A_1829 : vector<16xf32> to vector<1x16xf32>
      tpu.vector_store %arg5[%swap3A_1831, %swap3A_1832], %swap3A_1835 {strides = array<i32>} : memref<6x128xf32, #tpu.memory_space<vmem>>, vector<1x16xf32>,
      %eq3A_1836 = arith.constant 4 : i32
      %eq3A_1837 = vector.broadcast %eq3A_1836 : i32 to vector<16xi32>
      %eq3A_1838 = arith.cmpi eq, %select_n3A_1672, %eq3A_1837 : vector<16xi32>
      %eq3A_1839 = arith.constant 4 : i32
      %eq3A_1840 = vector.broadcast %eq3A_1839 : i32 to vector<16xi32>
      %eq3A_1841 = arith.cmpi eq, %select_n3A_1766, %eq3A_1840 : vector<16xi32>
      %select_n3A_1842 = arith.select %eq3A_1841, %sub3A_1777, %broadcast_in_dim3A_1779 : vector<16xi1>, vector<16xf32>
      %select_n3A_1843 = arith.select %eq3A_1838, %div3A_1774, %select_n3A_1842 : vector<16xi1>, vector<16xf32>
      %swap3A_1844 = arith.constant 4 : i32
      %swap3A_1845 = arith.index_cast %swap3A_1844 : i32 to index
      %swap3A_1846 = arith.constant 80 : index
      %swap3A_1847 = tpu.vector_load %arg5[%swap3A_1845, %swap3A_1846] {strides = array<i32>} : memref<6x128xf32, #tpu.memory_space<vmem>>, vector<1x16xf32>,
      %swap3A_1848 = vector.shape_cast %swap3A_1847 : vector<1x16xf32> to vector<16xf32>
      %swap3A_1849 = vector.shape_cast %select_n3A_1843 : vector<16xf32> to vector<1x16xf32>
      tpu.vector_store %arg5[%swap3A_1845, %swap3A_1846], %swap3A_1849 {strides = array<i32>} : memref<6x128xf32, #tpu.memory_space<vmem>>, vector<1x16xf32>,
      %eq3A_1850 = arith.constant 5 : i32
      %eq3A_1851 = vector.broadcast %eq3A_1850 : i32 to vector<16xi32>
      %eq3A_1852 = arith.cmpi eq, %select_n3A_1672, %eq3A_1851 : vector<16xi32>
      %eq3A_1853 = arith.constant 5 : i32
      %eq3A_1854 = vector.broadcast %eq3A_1853 : i32 to vector<16xi32>
      %eq3A_1855 = arith.cmpi eq, %select_n3A_1766, %eq3A_1854 : vector<16xi32>
      %select_n3A_1856 = arith.select %eq3A_1855, %sub3A_1777, %broadcast_in_dim3A_1779 : vector<16xi1>, vector<16xf32>
      %select_n3A_1857 = arith.select %eq3A_1852, %div3A_1774, %select_n3A_1856 : vector<16xi1>, vector<16xf32>
      %swap3A_1858 = arith.constant 5 : i32
      %swap3A_1859 = arith.index_cast %swap3A_1858 : i32 to index
      %swap3A_1860 = arith.constant 80 : index
      %swap3A_1861 = tpu.vector_load %arg5[%swap3A_1859, %swap3A_1860] {strides = array<i32>} : memref<6x128xf32, #tpu.memory_space<vmem>>, vector<1x16xf32>,
      %swap3A_1862 = vector.shape_cast %swap3A_1861 : vector<1x16xf32> to vector<16xf32>
      %swap3A_1863 = vector.shape_cast %select_n3A_1857 : vector<16xf32> to vector<1x16xf32>
      tpu.vector_store %arg5[%swap3A_1859, %swap3A_1860], %swap3A_1863 {strides = array<i32>} : memref<6x128xf32, #tpu.memory_space<vmem>>, vector<1x16xf32>,
      %get3A_1864 = arith.constant 0 : i32
      %get3A_1865 = arith.index_cast %get3A_1864 : i32 to index
      %get3A_1866 = arith.constant 96 : index
      %get3A_1867 = tpu.vector_load %arg4[%get3A_1865, %get3A_1866] {strides = array<i32>} : memref<6x128xf32, #tpu.memory_space<vmem>>, vector<1x16xf32>,
      %get3A_1868 = vector.shape_cast %get3A_1867 : vector<1x16xf32> to vector<16xf32>
      %neg3A_1869 = arith.constant 0.000000e+00 : f32
      %neg3A_1870 = vector.broadcast %neg3A_1869 : f32 to vector<16xf32>
      %neg3A_1871 = arith.subf %neg3A_1870, %get3A_1868 : vector<16xf32>
      %exp3A_1872 = math.exp %neg3A_1871 : vector<16xf32>
      %add3A_1873 = arith.constant 1.000000e+00 : f32
      %add3A_1874 = vector.broadcast %add3A_1873 : f32 to vector<16xf32>
      %add3A_1875 = arith.addf %add3A_1874, %exp3A_1872 : vector<16xf32>
      %div3A_1876 = arith.constant 1.000000e+00 : f32
      %div3A_1877 = vector.broadcast %div3A_1876 : f32 to vector<16xf32>
      %div3A_1878 = arith.divf %div3A_1877, %add3A_1875 : vector<16xf32>
      %get3A_1879 = arith.constant 1 : i32
      %get3A_1880 = arith.index_cast %get3A_1879 : i32 to index
      %get3A_1881 = arith.constant 96 : index
      %get3A_1882 = tpu.vector_load %arg4[%get3A_1880, %get3A_1881] {strides = array<i32>} : memref<6x128xf32, #tpu.memory_space<vmem>>, vector<1x16xf32>,
      %get3A_1883 = vector.shape_cast %get3A_1882 : vector<1x16xf32> to vector<16xf32>
      %neg3A_1884 = arith.constant 0.000000e+00 : f32
      %neg3A_1885 = vector.broadcast %neg3A_1884 : f32 to vector<16xf32>
      %neg3A_1886 = arith.subf %neg3A_1885, %get3A_1883 : vector<16xf32>
      %exp3A_1887 = math.exp %neg3A_1886 : vector<16xf32>
      %add3A_1888 = arith.constant 1.000000e+00 : f32
      %add3A_1889 = vector.broadcast %add3A_1888 : f32 to vector<16xf32>
      %add3A_1890 = arith.addf %add3A_1889, %exp3A_1887 : vector<16xf32>
      %div3A_1891 = arith.constant 1.000000e+00 : f32
      %div3A_1892 = vector.broadcast %div3A_1891 : f32 to vector<16xf32>
      %div3A_1893 = arith.divf %div3A_1892, %add3A_1890 : vector<16xf32>
      %get3A_1894 = arith.constant 2 : i32
      %get3A_1895 = arith.index_cast %get3A_1894 : i32 to index
      %get3A_1896 = arith.constant 96 : index
      %get3A_1897 = tpu.vector_load %arg4[%get3A_1895, %get3A_1896] {strides = array<i32>} : memref<6x128xf32, #tpu.memory_space<vmem>>, vector<1x16xf32>,
      %get3A_1898 = vector.shape_cast %get3A_1897 : vector<1x16xf32> to vector<16xf32>
      %neg3A_1899 = arith.constant 0.000000e+00 : f32
      %neg3A_1900 = vector.broadcast %neg3A_1899 : f32 to vector<16xf32>
      %neg3A_1901 = arith.subf %neg3A_1900, %get3A_1898 : vector<16xf32>
      %exp3A_1902 = math.exp %neg3A_1901 : vector<16xf32>
      %add3A_1903 = arith.constant 1.000000e+00 : f32
      %add3A_1904 = vector.broadcast %add3A_1903 : f32 to vector<16xf32>
      %add3A_1905 = arith.addf %add3A_1904, %exp3A_1902 : vector<16xf32>
      %div3A_1906 = arith.constant 1.000000e+00 : f32
      %div3A_1907 = vector.broadcast %div3A_1906 : f32 to vector<16xf32>
      %div3A_1908 = arith.divf %div3A_1907, %add3A_1905 : vector<16xf32>
      %get3A_1909 = arith.constant 3 : i32
      %get3A_1910 = arith.index_cast %get3A_1909 : i32 to index
      %get3A_1911 = arith.constant 96 : index
      %get3A_1912 = tpu.vector_load %arg4[%get3A_1910, %get3A_1911] {strides = array<i32>} : memref<6x128xf32, #tpu.memory_space<vmem>>, vector<1x16xf32>,
      %get3A_1913 = vector.shape_cast %get3A_1912 : vector<1x16xf32> to vector<16xf32>
      %neg3A_1914 = arith.constant 0.000000e+00 : f32
      %neg3A_1915 = vector.broadcast %neg3A_1914 : f32 to vector<16xf32>
      %neg3A_1916 = arith.subf %neg3A_1915, %get3A_1913 : vector<16xf32>
      %exp3A_1917 = math.exp %neg3A_1916 : vector<16xf32>
      %add3A_1918 = arith.constant 1.000000e+00 : f32
      %add3A_1919 = vector.broadcast %add3A_1918 : f32 to vector<16xf32>
      %add3A_1920 = arith.addf %add3A_1919, %exp3A_1917 : vector<16xf32>
      %div3A_1921 = arith.constant 1.000000e+00 : f32
      %div3A_1922 = vector.broadcast %div3A_1921 : f32 to vector<16xf32>
      %div3A_1923 = arith.divf %div3A_1922, %add3A_1920 : vector<16xf32>
      %get3A_1924 = arith.constant 4 : i32
      %get3A_1925 = arith.index_cast %get3A_1924 : i32 to index
      %get3A_1926 = arith.constant 96 : index
      %get3A_1927 = tpu.vector_load %arg4[%get3A_1925, %get3A_1926] {strides = array<i32>} : memref<6x128xf32, #tpu.memory_space<vmem>>, vector<1x16xf32>,
      %get3A_1928 = vector.shape_cast %get3A_1927 : vector<1x16xf32> to vector<16xf32>
      %neg3A_1929 = arith.constant 0.000000e+00 : f32
      %neg3A_1930 = vector.broadcast %neg3A_1929 : f32 to vector<16xf32>
      %neg3A_1931 = arith.subf %neg3A_1930, %get3A_1928 : vector<16xf32>
      %exp3A_1932 = math.exp %neg3A_1931 : vector<16xf32>
      %add3A_1933 = arith.constant 1.000000e+00 : f32
      %add3A_1934 = vector.broadcast %add3A_1933 : f32 to vector<16xf32>
      %add3A_1935 = arith.addf %add3A_1934, %exp3A_1932 : vector<16xf32>
      %div3A_1936 = arith.constant 1.000000e+00 : f32
      %div3A_1937 = vector.broadcast %div3A_1936 : f32 to vector<16xf32>
      %div3A_1938 = arith.divf %div3A_1937, %add3A_1935 : vector<16xf32>
      %get3A_1939 = arith.constant 5 : i32
      %get3A_1940 = arith.index_cast %get3A_1939 : i32 to index
      %get3A_1941 = arith.constant 96 : index
      %get3A_1942 = tpu.vector_load %arg4[%get3A_1940, %get3A_1941] {strides = array<i32>} : memref<6x128xf32, #tpu.memory_space<vmem>>, vector<1x16xf32>,
      %get3A_1943 = vector.shape_cast %get3A_1942 : vector<1x16xf32> to vector<16xf32>
      %neg3A_1944 = arith.constant 0.000000e+00 : f32
      %neg3A_1945 = vector.broadcast %neg3A_1944 : f32 to vector<16xf32>
      %neg3A_1946 = arith.subf %neg3A_1945, %get3A_1943 : vector<16xf32>
      %exp3A_1947 = math.exp %neg3A_1946 : vector<16xf32>
      %add3A_1948 = arith.constant 1.000000e+00 : f32
      %add3A_1949 = vector.broadcast %add3A_1948 : f32 to vector<16xf32>
      %add3A_1950 = arith.addf %add3A_1949, %exp3A_1947 : vector<16xf32>
      %div3A_1951 = arith.constant 1.000000e+00 : f32
      %div3A_1952 = vector.broadcast %div3A_1951 : f32 to vector<16xf32>
      %div3A_1953 = arith.divf %div3A_1952, %add3A_1950 : vector<16xf32>
      %max3A_1954 = arith.maximumf %div3A_1878, %div3A_1893 : vector<16xf32>
      %max3A_1955 = arith.maximumf %max3A_1954, %div3A_1908 : vector<16xf32>
      %max3A_1956 = arith.maximumf %max3A_1955, %div3A_1923 : vector<16xf32>
      %max3A_1957 = arith.maximumf %max3A_1956, %div3A_1938 : vector<16xf32>
      %max3A_1958 = arith.maximumf %max3A_1957, %div3A_1953 : vector<16xf32>
      %broadcast_in_dim3A_1959 = arith.constant 6 : i32
      %broadcast_in_dim3A_1960 = vector.broadcast %broadcast_in_dim3A_1959 : i32 to vector<16xi32>
      %eq3A_1961 = arith.cmpf oeq, %div3A_1953, %max3A_1958 : vector<16xf32>
      %jit3A_1962 = arith.constant 5 : i32
      %broadcast_in_dim3A_1963 = vector.broadcast %jit3A_1962 : i32 to vector<16xi32>
      %select_n3A_1964 = arith.select %eq3A_1961, %broadcast_in_dim3A_1963, %broadcast_in_dim3A_1960 : vector<16xi1>, vector<16xi32>
      %eq3A_1965 = arith.cmpf oeq, %div3A_1938, %max3A_1958 : vector<16xf32>
      %jit3A_1966 = arith.constant 4 : i32
      %broadcast_in_dim3A_1967 = vector.broadcast %jit3A_1966 : i32 to vector<16xi32>
      %select_n3A_1968 = arith.select %eq3A_1965, %broadcast_in_dim3A_1967, %select_n3A_1964 : vector<16xi1>, vector<16xi32>
      %eq3A_1969 = arith.cmpf oeq, %div3A_1923, %max3A_1958 : vector<16xf32>
      %jit3A_1970 = arith.constant 3 : i32
      %broadcast_in_dim3A_1971 = vector.broadcast %jit3A_1970 : i32 to vector<16xi32>
      %select_n3A_1972 = arith.select %eq3A_1969, %broadcast_in_dim3A_1971, %select_n3A_1968 : vector<16xi1>, vector<16xi32>
      %eq3A_1973 = arith.cmpf oeq, %div3A_1908, %max3A_1958 : vector<16xf32>
      %jit3A_1974 = arith.constant 2 : i32
      %broadcast_in_dim3A_1975 = vector.broadcast %jit3A_1974 : i32 to vector<16xi32>
      %select_n3A_1976 = arith.select %eq3A_1973, %broadcast_in_dim3A_1975, %select_n3A_1972 : vector<16xi1>, vector<16xi32>
      %eq3A_1977 = arith.cmpf oeq, %div3A_1893, %max3A_1958 : vector<16xf32>
      %jit3A_1978 = arith.constant 1 : i32
      %broadcast_in_dim3A_1979 = vector.broadcast %jit3A_1978 : i32 to vector<16xi32>
      %select_n3A_1980 = arith.select %eq3A_1977, %broadcast_in_dim3A_1979, %select_n3A_1976 : vector<16xi1>, vector<16xi32>
      %eq3A_1981 = arith.cmpf oeq, %div3A_1878, %max3A_1958 : vector<16xf32>
      %jit3A_1982 = arith.constant 0 : i32
      %broadcast_in_dim3A_1983 = vector.broadcast %jit3A_1982 : i32 to vector<16xi32>
      %select_n3A_1984 = arith.select %eq3A_1981, %broadcast_in_dim3A_1983, %select_n3A_1980 : vector<16xi1>, vector<16xi32>
      %broadcast_in_dim3A_1985 = arith.constant 0xFF800000 : f32
      %broadcast_in_dim3A_1986 = vector.broadcast %broadcast_in_dim3A_1985 : f32 to vector<16xf32>
      %eq3A_1987 = arith.constant 0 : i32
      %eq3A_1988 = vector.broadcast %eq3A_1987 : i32 to vector<16xi32>
      %eq3A_1989 = arith.cmpi eq, %select_n3A_1984, %eq3A_1988 : vector<16xi32>
      %jit3A_1990 = arith.constant 0xFF800000 : f32
      %broadcast_in_dim3A_1991 = vector.broadcast %jit3A_1990 : f32 to vector<16xf32>
      %select_n3A_1992 = arith.select %eq3A_1989, %broadcast_in_dim3A_1991, %div3A_1878 : vector<16xi1>, vector<16xf32>
      %max3A_1993 = arith.maximumf %broadcast_in_dim3A_1986, %select_n3A_1992 : vector<16xf32>
      %eq3A_1994 = arith.constant 1 : i32
      %eq3A_1995 = vector.broadcast %eq3A_1994 : i32 to vector<16xi32>
      %eq3A_1996 = arith.cmpi eq, %select_n3A_1984, %eq3A_1995 : vector<16xi32>
      %jit3A_1997 = arith.constant 0xFF800000 : f32
      %broadcast_in_dim3A_1998 = vector.broadcast %jit3A_1997 : f32 to vector<16xf32>
      %select_n3A_1999 = arith.select %eq3A_1996, %broadcast_in_dim3A_1998, %div3A_1893 : vector<16xi1>, vector<16xf32>
      %max3A_2000 = arith.maximumf %max3A_1993, %select_n3A_1999 : vector<16xf32>
      %eq3A_2001 = arith.constant 2 : i32
      %eq3A_2002 = vector.broadcast %eq3A_2001 : i32 to vector<16xi32>
      %eq3A_2003 = arith.cmpi eq, %select_n3A_1984, %eq3A_2002 : vector<16xi32>
      %jit3A_2004 = arith.constant 0xFF800000 : f32
      %broadcast_in_dim3A_2005 = vector.broadcast %jit3A_2004 : f32 to vector<16xf32>
      %select_n3A_2006 = arith.select %eq3A_2003, %broadcast_in_dim3A_2005, %div3A_1908 : vector<16xi1>, vector<16xf32>
      %max3A_2007 = arith.maximumf %max3A_2000, %select_n3A_2006 : vector<16xf32>
      %eq3A_2008 = arith.constant 3 : i32
      %eq3A_2009 = vector.broadcast %eq3A_2008 : i32 to vector<16xi32>
      %eq3A_2010 = arith.cmpi eq, %select_n3A_1984, %eq3A_2009 : vector<16xi32>
      %jit3A_2011 = arith.constant 0xFF800000 : f32
      %broadcast_in_dim3A_2012 = vector.broadcast %jit3A_2011 : f32 to vector<16xf32>
      %select_n3A_2013 = arith.select %eq3A_2010, %broadcast_in_dim3A_2012, %div3A_1923 : vector<16xi1>, vector<16xf32>
      %max3A_2014 = arith.maximumf %max3A_2007, %select_n3A_2013 : vector<16xf32>
      %eq3A_2015 = arith.constant 4 : i32
      %eq3A_2016 = vector.broadcast %eq3A_2015 : i32 to vector<16xi32>
      %eq3A_2017 = arith.cmpi eq, %select_n3A_1984, %eq3A_2016 : vector<16xi32>
      %jit3A_2018 = arith.constant 0xFF800000 : f32
      %broadcast_in_dim3A_2019 = vector.broadcast %jit3A_2018 : f32 to vector<16xf32>
      %select_n3A_2020 = arith.select %eq3A_2017, %broadcast_in_dim3A_2019, %div3A_1938 : vector<16xi1>, vector<16xf32>
      %max3A_2021 = arith.maximumf %max3A_2014, %select_n3A_2020 : vector<16xf32>
      %eq3A_2022 = arith.constant 5 : i32
      %eq3A_2023 = vector.broadcast %eq3A_2022 : i32 to vector<16xi32>
      %eq3A_2024 = arith.cmpi eq, %select_n3A_1984, %eq3A_2023 : vector<16xi32>
      %jit3A_2025 = arith.constant 0xFF800000 : f32
      %broadcast_in_dim3A_2026 = vector.broadcast %jit3A_2025 : f32 to vector<16xf32>
      %select_n3A_2027 = arith.select %eq3A_2024, %broadcast_in_dim3A_2026, %div3A_1953 : vector<16xi1>, vector<16xf32>
      %max3A_2028 = arith.maximumf %max3A_2021, %select_n3A_2027 : vector<16xf32>
      %broadcast_in_dim3A_2029 = arith.constant 6 : i32
      %broadcast_in_dim3A_2030 = vector.broadcast %broadcast_in_dim3A_2029 : i32 to vector<16xi32>
      %eq3A_2031 = arith.cmpf oeq, %div3A_1953, %max3A_2028 : vector<16xf32>
      %ne3A_2032 = arith.constant 5 : i32
      %ne3A_2033 = vector.broadcast %ne3A_2032 : i32 to vector<16xi32>
      %ne3A_2034 = arith.cmpi ne, %select_n3A_1984, %ne3A_2033 : vector<16xi32>
      %and3A_2035 = arith.andi %eq3A_2031, %ne3A_2034 : vector<16xi1>
      %jit3A_2036 = arith.constant 5 : i32
      %broadcast_in_dim3A_2037 = vector.broadcast %jit3A_2036 : i32 to vector<16xi32>
      %select_n3A_2038 = arith.select %and3A_2035, %broadcast_in_dim3A_2037, %broadcast_in_dim3A_2030 : vector<16xi1>, vector<16xi32>
      %eq3A_2039 = arith.cmpf oeq, %div3A_1938, %max3A_2028 : vector<16xf32>
      %ne3A_2040 = arith.constant 4 : i32
      %ne3A_2041 = vector.broadcast %ne3A_2040 : i32 to vector<16xi32>
      %ne3A_2042 = arith.cmpi ne, %select_n3A_1984, %ne3A_2041 : vector<16xi32>
      %and3A_2043 = arith.andi %eq3A_2039, %ne3A_2042 : vector<16xi1>
      %jit3A_2044 = arith.constant 4 : i32
      %broadcast_in_dim3A_2045 = vector.broadcast %jit3A_2044 : i32 to vector<16xi32>
      %select_n3A_2046 = arith.select %and3A_2043, %broadcast_in_dim3A_2045, %select_n3A_2038 : vector<16xi1>, vector<16xi32>
      %eq3A_2047 = arith.cmpf oeq, %div3A_1923, %max3A_2028 : vector<16xf32>
      %ne3A_2048 = arith.constant 3 : i32
      %ne3A_2049 = vector.broadcast %ne3A_2048 : i32 to vector<16xi32>
      %ne3A_2050 = arith.cmpi ne, %select_n3A_1984, %ne3A_2049 : vector<16xi32>
      %and3A_2051 = arith.andi %eq3A_2047, %ne3A_2050 : vector<16xi1>
      %jit3A_2052 = arith.constant 3 : i32
      %broadcast_in_dim3A_2053 = vector.broadcast %jit3A_2052 : i32 to vector<16xi32>
      %select_n3A_2054 = arith.select %and3A_2051, %broadcast_in_dim3A_2053, %select_n3A_2046 : vector<16xi1>, vector<16xi32>
      %eq3A_2055 = arith.cmpf oeq, %div3A_1908, %max3A_2028 : vector<16xf32>
      %ne3A_2056 = arith.constant 2 : i32
      %ne3A_2057 = vector.broadcast %ne3A_2056 : i32 to vector<16xi32>
      %ne3A_2058 = arith.cmpi ne, %select_n3A_1984, %ne3A_2057 : vector<16xi32>
      %and3A_2059 = arith.andi %eq3A_2055, %ne3A_2058 : vector<16xi1>
      %jit3A_2060 = arith.constant 2 : i32
      %broadcast_in_dim3A_2061 = vector.broadcast %jit3A_2060 : i32 to vector<16xi32>
      %select_n3A_2062 = arith.select %and3A_2059, %broadcast_in_dim3A_2061, %select_n3A_2054 : vector<16xi1>, vector<16xi32>
      %eq3A_2063 = arith.cmpf oeq, %div3A_1893, %max3A_2028 : vector<16xf32>
      %ne3A_2064 = arith.constant 1 : i32
      %ne3A_2065 = vector.broadcast %ne3A_2064 : i32 to vector<16xi32>
      %ne3A_2066 = arith.cmpi ne, %select_n3A_1984, %ne3A_2065 : vector<16xi32>
      %and3A_2067 = arith.andi %eq3A_2063, %ne3A_2066 : vector<16xi1>
      %jit3A_2068 = arith.constant 1 : i32
      %broadcast_in_dim3A_2069 = vector.broadcast %jit3A_2068 : i32 to vector<16xi32>
      %select_n3A_2070 = arith.select %and3A_2067, %broadcast_in_dim3A_2069, %select_n3A_2062 : vector<16xi1>, vector<16xi32>
      %eq3A_2071 = arith.cmpf oeq, %div3A_1878, %max3A_2028 : vector<16xf32>
      %ne3A_2072 = arith.constant 0 : i32
      %ne3A_2073 = vector.broadcast %ne3A_2072 : i32 to vector<16xi32>
      %ne3A_2074 = arith.cmpi ne, %select_n3A_1984, %ne3A_2073 : vector<16xi32>
      %and3A_2075 = arith.andi %eq3A_2071, %ne3A_2074 : vector<16xi1>
      %jit3A_2076 = arith.constant 0 : i32
      %broadcast_in_dim3A_2077 = vector.broadcast %jit3A_2076 : i32 to vector<16xi32>
      %select_n3A_2078 = arith.select %and3A_2075, %broadcast_in_dim3A_2077, %select_n3A_2070 : vector<16xi1>, vector<16xi32>
      %sub3A_2079 = arith.subf %max3A_2028, %max3A_1958 : vector<16xf32>
      %exp3A_2080 = math.exp %sub3A_2079 : vector<16xf32>
      %add3A_2081 = arith.constant 1.000000e+00 : f32
      %add3A_2082 = vector.broadcast %add3A_2081 : f32 to vector<16xf32>
      %add3A_2083 = arith.addf %add3A_2082, %exp3A_2080 : vector<16xf32>
      %div3A_2084 = arith.constant 1.000000e+00 : f32
      %div3A_2085 = vector.broadcast %div3A_2084 : f32 to vector<16xf32>
      %div3A_2086 = arith.divf %div3A_2085, %add3A_2083 : vector<16xf32>
      %sub3A_2087 = arith.constant 1.000000e+00 : f32
      %sub3A_2088 = vector.broadcast %sub3A_2087 : f32 to vector<16xf32>
      %sub3A_2089 = arith.subf %sub3A_2088, %div3A_2086 : vector<16xf32>
      %broadcast_in_dim3A_2090 = arith.constant 0.000000e+00 : f32
      %broadcast_in_dim3A_2091 = vector.broadcast %broadcast_in_dim3A_2090 : f32 to vector<16xf32>
      %eq3A_2092 = arith.constant 0 : i32
      %eq3A_2093 = vector.broadcast %eq3A_2092 : i32 to vector<16xi32>
      %eq3A_2094 = arith.cmpi eq, %select_n3A_1984, %eq3A_2093 : vector<16xi32>
      %eq3A_2095 = arith.constant 0 : i32
      %eq3A_2096 = vector.broadcast %eq3A_2095 : i32 to vector<16xi32>
      %eq3A_2097 = arith.cmpi eq, %select_n3A_2078, %eq3A_2096 : vector<16xi32>
      %select_n3A_2098 = arith.select %eq3A_2097, %sub3A_2089, %broadcast_in_dim3A_2091 : vector<16xi1>, vector<16xf32>
      %select_n3A_2099 = arith.select %eq3A_2094, %div3A_2086, %select_n3A_2098 : vector<16xi1>, vector<16xf32>
      %swap3A_2100 = arith.constant 0 : i32
      %swap3A_2101 = arith.index_cast %swap3A_2100 : i32 to index
      %swap3A_2102 = arith.constant 96 : index
      %swap3A_2103 = tpu.vector_load %arg5[%swap3A_2101, %swap3A_2102] {strides = array<i32>} : memref<6x128xf32, #tpu.memory_space<vmem>>, vector<1x16xf32>,
      %swap3A_2104 = vector.shape_cast %swap3A_2103 : vector<1x16xf32> to vector<16xf32>
      %swap3A_2105 = vector.shape_cast %select_n3A_2099 : vector<16xf32> to vector<1x16xf32>
      tpu.vector_store %arg5[%swap3A_2101, %swap3A_2102], %swap3A_2105 {strides = array<i32>} : memref<6x128xf32, #tpu.memory_space<vmem>>, vector<1x16xf32>,
      %eq3A_2106 = arith.constant 1 : i32
      %eq3A_2107 = vector.broadcast %eq3A_2106 : i32 to vector<16xi32>
      %eq3A_2108 = arith.cmpi eq, %select_n3A_1984, %eq3A_2107 : vector<16xi32>
      %eq3A_2109 = arith.constant 1 : i32
      %eq3A_2110 = vector.broadcast %eq3A_2109 : i32 to vector<16xi32>
      %eq3A_2111 = arith.cmpi eq, %select_n3A_2078, %eq3A_2110 : vector<16xi32>
      %select_n3A_2112 = arith.select %eq3A_2111, %sub3A_2089, %broadcast_in_dim3A_2091 : vector<16xi1>, vector<16xf32>
      %select_n3A_2113 = arith.select %eq3A_2108, %div3A_2086, %select_n3A_2112 : vector<16xi1>, vector<16xf32>
      %swap3A_2114 = arith.constant 1 : i32
      %swap3A_2115 = arith.index_cast %swap3A_2114 : i32 to index
      %swap3A_2116 = arith.constant 96 : index
      %swap3A_2117 = tpu.vector_load %arg5[%swap3A_2115, %swap3A_2116] {strides = array<i32>} : memref<6x128xf32, #tpu.memory_space<vmem>>, vector<1x16xf32>,
      %swap3A_2118 = vector.shape_cast %swap3A_2117 : vector<1x16xf32> to vector<16xf32>
      %swap3A_2119 = vector.shape_cast %select_n3A_2113 : vector<16xf32> to vector<1x16xf32>
      tpu.vector_store %arg5[%swap3A_2115, %swap3A_2116], %swap3A_2119 {strides = array<i32>} : memref<6x128xf32, #tpu.memory_space<vmem>>, vector<1x16xf32>,
      %eq3A_2120 = arith.constant 2 : i32
      %eq3A_2121 = vector.broadcast %eq3A_2120 : i32 to vector<16xi32>
      %eq3A_2122 = arith.cmpi eq, %select_n3A_1984, %eq3A_2121 : vector<16xi32>
      %eq3A_2123 = arith.constant 2 : i32
      %eq3A_2124 = vector.broadcast %eq3A_2123 : i32 to vector<16xi32>
      %eq3A_2125 = arith.cmpi eq, %select_n3A_2078, %eq3A_2124 : vector<16xi32>
      %select_n3A_2126 = arith.select %eq3A_2125, %sub3A_2089, %broadcast_in_dim3A_2091 : vector<16xi1>, vector<16xf32>
      %select_n3A_2127 = arith.select %eq3A_2122, %div3A_2086, %select_n3A_2126 : vector<16xi1>, vector<16xf32>
      %swap3A_2128 = arith.constant 2 : i32
      %swap3A_2129 = arith.index_cast %swap3A_2128 : i32 to index
      %swap3A_2130 = arith.constant 96 : index
      %swap3A_2131 = tpu.vector_load %arg5[%swap3A_2129, %swap3A_2130] {strides = array<i32>} : memref<6x128xf32, #tpu.memory_space<vmem>>, vector<1x16xf32>,
      %swap3A_2132 = vector.shape_cast %swap3A_2131 : vector<1x16xf32> to vector<16xf32>
      %swap3A_2133 = vector.shape_cast %select_n3A_2127 : vector<16xf32> to vector<1x16xf32>
      tpu.vector_store %arg5[%swap3A_2129, %swap3A_2130], %swap3A_2133 {strides = array<i32>} : memref<6x128xf32, #tpu.memory_space<vmem>>, vector<1x16xf32>,
      %eq3A_2134 = arith.constant 3 : i32
      %eq3A_2135 = vector.broadcast %eq3A_2134 : i32 to vector<16xi32>
      %eq3A_2136 = arith.cmpi eq, %select_n3A_1984, %eq3A_2135 : vector<16xi32>
      %eq3A_2137 = arith.constant 3 : i32
      %eq3A_2138 = vector.broadcast %eq3A_2137 : i32 to vector<16xi32>
      %eq3A_2139 = arith.cmpi eq, %select_n3A_2078, %eq3A_2138 : vector<16xi32>
      %select_n3A_2140 = arith.select %eq3A_2139, %sub3A_2089, %broadcast_in_dim3A_2091 : vector<16xi1>, vector<16xf32>
      %select_n3A_2141 = arith.select %eq3A_2136, %div3A_2086, %select_n3A_2140 : vector<16xi1>, vector<16xf32>
      %swap3A_2142 = arith.constant 3 : i32
      %swap3A_2143 = arith.index_cast %swap3A_2142 : i32 to index
      %swap3A_2144 = arith.constant 96 : index
      %swap3A_2145 = tpu.vector_load %arg5[%swap3A_2143, %swap3A_2144] {strides = array<i32>} : memref<6x128xf32, #tpu.memory_space<vmem>>, vector<1x16xf32>,
      %swap3A_2146 = vector.shape_cast %swap3A_2145 : vector<1x16xf32> to vector<16xf32>
      %swap3A_2147 = vector.shape_cast %select_n3A_2141 : vector<16xf32> to vector<1x16xf32>
      tpu.vector_store %arg5[%swap3A_2143, %swap3A_2144], %swap3A_2147 {strides = array<i32>} : memref<6x128xf32, #tpu.memory_space<vmem>>, vector<1x16xf32>,
      %eq3A_2148 = arith.constant 4 : i32
      %eq3A_2149 = vector.broadcast %eq3A_2148 : i32 to vector<16xi32>
      %eq3A_2150 = arith.cmpi eq, %select_n3A_1984, %eq3A_2149 : vector<16xi32>
      %eq3A_2151 = arith.constant 4 : i32
      %eq3A_2152 = vector.broadcast %eq3A_2151 : i32 to vector<16xi32>
      %eq3A_2153 = arith.cmpi eq, %select_n3A_2078, %eq3A_2152 : vector<16xi32>
      %select_n3A_2154 = arith.select %eq3A_2153, %sub3A_2089, %broadcast_in_dim3A_2091 : vector<16xi1>, vector<16xf32>
      %select_n3A_2155 = arith.select %eq3A_2150, %div3A_2086, %select_n3A_2154 : vector<16xi1>, vector<16xf32>
      %swap3A_2156 = arith.constant 4 : i32
      %swap3A_2157 = arith.index_cast %swap3A_2156 : i32 to index
      %swap3A_2158 = arith.constant 96 : index
      %swap3A_2159 = tpu.vector_load %arg5[%swap3A_2157, %swap3A_2158] {strides = array<i32>} : memref<6x128xf32, #tpu.memory_space<vmem>>, vector<1x16xf32>,
      %swap3A_2160 = vector.shape_cast %swap3A_2159 : vector<1x16xf32> to vector<16xf32>
      %swap3A_2161 = vector.shape_cast %select_n3A_2155 : vector<16xf32> to vector<1x16xf32>
      tpu.vector_store %arg5[%swap3A_2157, %swap3A_2158], %swap3A_2161 {strides = array<i32>} : memref<6x128xf32, #tpu.memory_space<vmem>>, vector<1x16xf32>,
      %eq3A_2162 = arith.constant 5 : i32
      %eq3A_2163 = vector.broadcast %eq3A_2162 : i32 to vector<16xi32>
      %eq3A_2164 = arith.cmpi eq, %select_n3A_1984, %eq3A_2163 : vector<16xi32>
      %eq3A_2165 = arith.constant 5 : i32
      %eq3A_2166 = vector.broadcast %eq3A_2165 : i32 to vector<16xi32>
      %eq3A_2167 = arith.cmpi eq, %select_n3A_2078, %eq3A_2166 : vector<16xi32>
      %select_n3A_2168 = arith.select %eq3A_2167, %sub3A_2089, %broadcast_in_dim3A_2091 : vector<16xi1>, vector<16xf32>
      %select_n3A_2169 = arith.select %eq3A_2164, %div3A_2086, %select_n3A_2168 : vector<16xi1>, vector<16xf32>
      %swap3A_2170 = arith.constant 5 : i32
      %swap3A_2171 = arith.index_cast %swap3A_2170 : i32 to index
      %swap3A_2172 = arith.constant 96 : index
      %swap3A_2173 = tpu.vector_load %arg5[%swap3A_2171, %swap3A_2172] {strides = array<i32>} : memref<6x128xf32, #tpu.memory_space<vmem>>, vector<1x16xf32>,
      %swap3A_2174 = vector.shape_cast %swap3A_2173 : vector<1x16xf32> to vector<16xf32>
      %swap3A_2175 = vector.shape_cast %select_n3A_2169 : vector<16xf32> to vector<1x16xf32>
      tpu.vector_store %arg5[%swap3A_2171, %swap3A_2172], %swap3A_2175 {strides = array<i32>} : memref<6x128xf32, #tpu.memory_space<vmem>>, vector<1x16xf32>,
      %get3A_2176 = arith.constant 0 : i32
      %get3A_2177 = arith.index_cast %get3A_2176 : i32 to index
      %get3A_2178 = arith.constant 112 : index
      %get3A_2179 = tpu.vector_load %arg4[%get3A_2177, %get3A_2178] {strides = array<i32>} : memref<6x128xf32, #tpu.memory_space<vmem>>, vector<1x16xf32>,
      %get3A_2180 = vector.shape_cast %get3A_2179 : vector<1x16xf32> to vector<16xf32>
      %neg3A_2181 = arith.constant 0.000000e+00 : f32
      %neg3A_2182 = vector.broadcast %neg3A_2181 : f32 to vector<16xf32>
      %neg3A_2183 = arith.subf %neg3A_2182, %get3A_2180 : vector<16xf32>
      %exp3A_2184 = math.exp %neg3A_2183 : vector<16xf32>
      %add3A_2185 = arith.constant 1.000000e+00 : f32
      %add3A_2186 = vector.broadcast %add3A_2185 : f32 to vector<16xf32>
      %add3A_2187 = arith.addf %add3A_2186, %exp3A_2184 : vector<16xf32>
      %div3A_2188 = arith.constant 1.000000e+00 : f32
      %div3A_2189 = vector.broadcast %div3A_2188 : f32 to vector<16xf32>
      %div3A_2190 = arith.divf %div3A_2189, %add3A_2187 : vector<16xf32>
      %get3A_2191 = arith.constant 1 : i32
      %get3A_2192 = arith.index_cast %get3A_2191 : i32 to index
      %get3A_2193 = arith.constant 112 : index
      %get3A_2194 = tpu.vector_load %arg4[%get3A_2192, %get3A_2193] {strides = array<i32>} : memref<6x128xf32, #tpu.memory_space<vmem>>, vector<1x16xf32>,
      %get3A_2195 = vector.shape_cast %get3A_2194 : vector<1x16xf32> to vector<16xf32>
      %neg3A_2196 = arith.constant 0.000000e+00 : f32
      %neg3A_2197 = vector.broadcast %neg3A_2196 : f32 to vector<16xf32>
      %neg3A_2198 = arith.subf %neg3A_2197, %get3A_2195 : vector<16xf32>
      %exp3A_2199 = math.exp %neg3A_2198 : vector<16xf32>
      %add3A_2200 = arith.constant 1.000000e+00 : f32
      %add3A_2201 = vector.broadcast %add3A_2200 : f32 to vector<16xf32>
      %add3A_2202 = arith.addf %add3A_2201, %exp3A_2199 : vector<16xf32>
      %div3A_2203 = arith.constant 1.000000e+00 : f32
      %div3A_2204 = vector.broadcast %div3A_2203 : f32 to vector<16xf32>
      %div3A_2205 = arith.divf %div3A_2204, %add3A_2202 : vector<16xf32>
      %get3A_2206 = arith.constant 2 : i32
      %get3A_2207 = arith.index_cast %get3A_2206 : i32 to index
      %get3A_2208 = arith.constant 112 : index
      %get3A_2209 = tpu.vector_load %arg4[%get3A_2207, %get3A_2208] {strides = array<i32>} : memref<6x128xf32, #tpu.memory_space<vmem>>, vector<1x16xf32>,
      %get3A_2210 = vector.shape_cast %get3A_2209 : vector<1x16xf32> to vector<16xf32>
      %neg3A_2211 = arith.constant 0.000000e+00 : f32
      %neg3A_2212 = vector.broadcast %neg3A_2211 : f32 to vector<16xf32>
      %neg3A_2213 = arith.subf %neg3A_2212, %get3A_2210 : vector<16xf32>
      %exp3A_2214 = math.exp %neg3A_2213 : vector<16xf32>
      %add3A_2215 = arith.constant 1.000000e+00 : f32
      %add3A_2216 = vector.broadcast %add3A_2215 : f32 to vector<16xf32>
      %add3A_2217 = arith.addf %add3A_2216, %exp3A_2214 : vector<16xf32>
      %div3A_2218 = arith.constant 1.000000e+00 : f32
      %div3A_2219 = vector.broadcast %div3A_2218 : f32 to vector<16xf32>
      %div3A_2220 = arith.divf %div3A_2219, %add3A_2217 : vector<16xf32>
      %get3A_2221 = arith.constant 3 : i32
      %get3A_2222 = arith.index_cast %get3A_2221 : i32 to index
      %get3A_2223 = arith.constant 112 : index
      %get3A_2224 = tpu.vector_load %arg4[%get3A_2222, %get3A_2223] {strides = array<i32>} : memref<6x128xf32, #tpu.memory_space<vmem>>, vector<1x16xf32>,
      %get3A_2225 = vector.shape_cast %get3A_2224 : vector<1x16xf32> to vector<16xf32>
      %neg3A_2226 = arith.constant 0.000000e+00 : f32
      %neg3A_2227 = vector.broadcast %neg3A_2226 : f32 to vector<16xf32>
      %neg3A_2228 = arith.subf %neg3A_2227, %get3A_2225 : vector<16xf32>
      %exp3A_2229 = math.exp %neg3A_2228 : vector<16xf32>
      %add3A_2230 = arith.constant 1.000000e+00 : f32
      %add3A_2231 = vector.broadcast %add3A_2230 : f32 to vector<16xf32>
      %add3A_2232 = arith.addf %add3A_2231, %exp3A_2229 : vector<16xf32>
      %div3A_2233 = arith.constant 1.000000e+00 : f32
      %div3A_2234 = vector.broadcast %div3A_2233 : f32 to vector<16xf32>
      %div3A_2235 = arith.divf %div3A_2234, %add3A_2232 : vector<16xf32>
      %get3A_2236 = arith.constant 4 : i32
      %get3A_2237 = arith.index_cast %get3A_2236 : i32 to index
      %get3A_2238 = arith.constant 112 : index
      %get3A_2239 = tpu.vector_load %arg4[%get3A_2237, %get3A_2238] {strides = array<i32>} : memref<6x128xf32, #tpu.memory_space<vmem>>, vector<1x16xf32>,
      %get3A_2240 = vector.shape_cast %get3A_2239 : vector<1x16xf32> to vector<16xf32>
      %neg3A_2241 = arith.constant 0.000000e+00 : f32
      %neg3A_2242 = vector.broadcast %neg3A_2241 : f32 to vector<16xf32>
      %neg3A_2243 = arith.subf %neg3A_2242, %get3A_2240 : vector<16xf32>
      %exp3A_2244 = math.exp %neg3A_2243 : vector<16xf32>
      %add3A_2245 = arith.constant 1.000000e+00 : f32
      %add3A_2246 = vector.broadcast %add3A_2245 : f32 to vector<16xf32>
      %add3A_2247 = arith.addf %add3A_2246, %exp3A_2244 : vector<16xf32>
      %div3A_2248 = arith.constant 1.000000e+00 : f32
      %div3A_2249 = vector.broadcast %div3A_2248 : f32 to vector<16xf32>
      %div3A_2250 = arith.divf %div3A_2249, %add3A_2247 : vector<16xf32>
      %get3A_2251 = arith.constant 5 : i32
      %get3A_2252 = arith.index_cast %get3A_2251 : i32 to index
      %get3A_2253 = arith.constant 112 : index
      %get3A_2254 = tpu.vector_load %arg4[%get3A_2252, %get3A_2253] {strides = array<i32>} : memref<6x128xf32, #tpu.memory_space<vmem>>, vector<1x16xf32>,
      %get3A_2255 = vector.shape_cast %get3A_2254 : vector<1x16xf32> to vector<16xf32>
      %neg3A_2256 = arith.constant 0.000000e+00 : f32
      %neg3A_2257 = vector.broadcast %neg3A_2256 : f32 to vector<16xf32>
      %neg3A_2258 = arith.subf %neg3A_2257, %get3A_2255 : vector<16xf32>
      %exp3A_2259 = math.exp %neg3A_2258 : vector<16xf32>
      %add3A_2260 = arith.constant 1.000000e+00 : f32
      %add3A_2261 = vector.broadcast %add3A_2260 : f32 to vector<16xf32>
      %add3A_2262 = arith.addf %add3A_2261, %exp3A_2259 : vector<16xf32>
      %div3A_2263 = arith.constant 1.000000e+00 : f32
      %div3A_2264 = vector.broadcast %div3A_2263 : f32 to vector<16xf32>
      %div3A_2265 = arith.divf %div3A_2264, %add3A_2262 : vector<16xf32>
      %max3A_2266 = arith.maximumf %div3A_2190, %div3A_2205 : vector<16xf32>
      %max3A_2267 = arith.maximumf %max3A_2266, %div3A_2220 : vector<16xf32>
      %max3A_2268 = arith.maximumf %max3A_2267, %div3A_2235 : vector<16xf32>
      %max3A_2269 = arith.maximumf %max3A_2268, %div3A_2250 : vector<16xf32>
      %max3A_2270 = arith.maximumf %max3A_2269, %div3A_2265 : vector<16xf32>
      %broadcast_in_dim3A_2271 = arith.constant 6 : i32
      %broadcast_in_dim3A_2272 = vector.broadcast %broadcast_in_dim3A_2271 : i32 to vector<16xi32>
      %eq3A_2273 = arith.cmpf oeq, %div3A_2265, %max3A_2270 : vector<16xf32>
      %jit3A_2274 = arith.constant 5 : i32
      %broadcast_in_dim3A_2275 = vector.broadcast %jit3A_2274 : i32 to vector<16xi32>
      %select_n3A_2276 = arith.select %eq3A_2273, %broadcast_in_dim3A_2275, %broadcast_in_dim3A_2272 : vector<16xi1>, vector<16xi32>
      %eq3A_2277 = arith.cmpf oeq, %div3A_2250, %max3A_2270 : vector<16xf32>
      %jit3A_2278 = arith.constant 4 : i32
      %broadcast_in_dim3A_2279 = vector.broadcast %jit3A_2278 : i32 to vector<16xi32>
      %select_n3A_2280 = arith.select %eq3A_2277, %broadcast_in_dim3A_2279, %select_n3A_2276 : vector<16xi1>, vector<16xi32>
      %eq3A_2281 = arith.cmpf oeq, %div3A_2235, %max3A_2270 : vector<16xf32>
      %jit3A_2282 = arith.constant 3 : i32
      %broadcast_in_dim3A_2283 = vector.broadcast %jit3A_2282 : i32 to vector<16xi32>
      %select_n3A_2284 = arith.select %eq3A_2281, %broadcast_in_dim3A_2283, %select_n3A_2280 : vector<16xi1>, vector<16xi32>
      %eq3A_2285 = arith.cmpf oeq, %div3A_2220, %max3A_2270 : vector<16xf32>
      %jit3A_2286 = arith.constant 2 : i32
      %broadcast_in_dim3A_2287 = vector.broadcast %jit3A_2286 : i32 to vector<16xi32>
      %select_n3A_2288 = arith.select %eq3A_2285, %broadcast_in_dim3A_2287, %select_n3A_2284 : vector<16xi1>, vector<16xi32>
      %eq3A_2289 = arith.cmpf oeq, %div3A_2205, %max3A_2270 : vector<16xf32>
      %jit3A_2290 = arith.constant 1 : i32
      %broadcast_in_dim3A_2291 = vector.broadcast %jit3A_2290 : i32 to vector<16xi32>
      %select_n3A_2292 = arith.select %eq3A_2289, %broadcast_in_dim3A_2291, %select_n3A_2288 : vector<16xi1>, vector<16xi32>
      %eq3A_2293 = arith.cmpf oeq, %div3A_2190, %max3A_2270 : vector<16xf32>
      %jit3A_2294 = arith.constant 0 : i32
      %broadcast_in_dim3A_2295 = vector.broadcast %jit3A_2294 : i32 to vector<16xi32>
      %select_n3A_2296 = arith.select %eq3A_2293, %broadcast_in_dim3A_2295, %select_n3A_2292 : vector<16xi1>, vector<16xi32>
      %broadcast_in_dim3A_2297 = arith.constant 0xFF800000 : f32
      %broadcast_in_dim3A_2298 = vector.broadcast %broadcast_in_dim3A_2297 : f32 to vector<16xf32>
      %eq3A_2299 = arith.constant 0 : i32
      %eq3A_2300 = vector.broadcast %eq3A_2299 : i32 to vector<16xi32>
      %eq3A_2301 = arith.cmpi eq, %select_n3A_2296, %eq3A_2300 : vector<16xi32>
      %jit3A_2302 = arith.constant 0xFF800000 : f32
      %broadcast_in_dim3A_2303 = vector.broadcast %jit3A_2302 : f32 to vector<16xf32>
      %select_n3A_2304 = arith.select %eq3A_2301, %broadcast_in_dim3A_2303, %div3A_2190 : vector<16xi1>, vector<16xf32>
      %max3A_2305 = arith.maximumf %broadcast_in_dim3A_2298, %select_n3A_2304 : vector<16xf32>
      %eq3A_2306 = arith.constant 1 : i32
      %eq3A_2307 = vector.broadcast %eq3A_2306 : i32 to vector<16xi32>
      %eq3A_2308 = arith.cmpi eq, %select_n3A_2296, %eq3A_2307 : vector<16xi32>
      %jit3A_2309 = arith.constant 0xFF800000 : f32
      %broadcast_in_dim3A_2310 = vector.broadcast %jit3A_2309 : f32 to vector<16xf32>
      %select_n3A_2311 = arith.select %eq3A_2308, %broadcast_in_dim3A_2310, %div3A_2205 : vector<16xi1>, vector<16xf32>
      %max3A_2312 = arith.maximumf %max3A_2305, %select_n3A_2311 : vector<16xf32>
      %eq3A_2313 = arith.constant 2 : i32
      %eq3A_2314 = vector.broadcast %eq3A_2313 : i32 to vector<16xi32>
      %eq3A_2315 = arith.cmpi eq, %select_n3A_2296, %eq3A_2314 : vector<16xi32>
      %jit3A_2316 = arith.constant 0xFF800000 : f32
      %broadcast_in_dim3A_2317 = vector.broadcast %jit3A_2316 : f32 to vector<16xf32>
      %select_n3A_2318 = arith.select %eq3A_2315, %broadcast_in_dim3A_2317, %div3A_2220 : vector<16xi1>, vector<16xf32>
      %max3A_2319 = arith.maximumf %max3A_2312, %select_n3A_2318 : vector<16xf32>
      %eq3A_2320 = arith.constant 3 : i32
      %eq3A_2321 = vector.broadcast %eq3A_2320 : i32 to vector<16xi32>
      %eq3A_2322 = arith.cmpi eq, %select_n3A_2296, %eq3A_2321 : vector<16xi32>
      %jit3A_2323 = arith.constant 0xFF800000 : f32
      %broadcast_in_dim3A_2324 = vector.broadcast %jit3A_2323 : f32 to vector<16xf32>
      %select_n3A_2325 = arith.select %eq3A_2322, %broadcast_in_dim3A_2324, %div3A_2235 : vector<16xi1>, vector<16xf32>
      %max3A_2326 = arith.maximumf %max3A_2319, %select_n3A_2325 : vector<16xf32>
      %eq3A_2327 = arith.constant 4 : i32
      %eq3A_2328 = vector.broadcast %eq3A_2327 : i32 to vector<16xi32>
      %eq3A_2329 = arith.cmpi eq, %select_n3A_2296, %eq3A_2328 : vector<16xi32>
      %jit3A_2330 = arith.constant 0xFF800000 : f32
      %broadcast_in_dim3A_2331 = vector.broadcast %jit3A_2330 : f32 to vector<16xf32>
      %select_n3A_2332 = arith.select %eq3A_2329, %broadcast_in_dim3A_2331, %div3A_2250 : vector<16xi1>, vector<16xf32>
      %max3A_2333 = arith.maximumf %max3A_2326, %select_n3A_2332 : vector<16xf32>
      %eq3A_2334 = arith.constant 5 : i32
      %eq3A_2335 = vector.broadcast %eq3A_2334 : i32 to vector<16xi32>
      %eq3A_2336 = arith.cmpi eq, %select_n3A_2296, %eq3A_2335 : vector<16xi32>
      %jit3A_2337 = arith.constant 0xFF800000 : f32
      %broadcast_in_dim3A_2338 = vector.broadcast %jit3A_2337 : f32 to vector<16xf32>
      %select_n3A_2339 = arith.select %eq3A_2336, %broadcast_in_dim3A_2338, %div3A_2265 : vector<16xi1>, vector<16xf32>
      %max3A_2340 = arith.maximumf %max3A_2333, %select_n3A_2339 : vector<16xf32>
      %broadcast_in_dim3A_2341 = arith.constant 6 : i32
      %broadcast_in_dim3A_2342 = vector.broadcast %broadcast_in_dim3A_2341 : i32 to vector<16xi32>
      %eq3A_2343 = arith.cmpf oeq, %div3A_2265, %max3A_2340 : vector<16xf32>
      %ne3A_2344 = arith.constant 5 : i32
      %ne3A_2345 = vector.broadcast %ne3A_2344 : i32 to vector<16xi32>
      %ne3A_2346 = arith.cmpi ne, %select_n3A_2296, %ne3A_2345 : vector<16xi32>
      %and3A_2347 = arith.andi %eq3A_2343, %ne3A_2346 : vector<16xi1>
      %jit3A_2348 = arith.constant 5 : i32
      %broadcast_in_dim3A_2349 = vector.broadcast %jit3A_2348 : i32 to vector<16xi32>
      %select_n3A_2350 = arith.select %and3A_2347, %broadcast_in_dim3A_2349, %broadcast_in_dim3A_2342 : vector<16xi1>, vector<16xi32>
      %eq3A_2351 = arith.cmpf oeq, %div3A_2250, %max3A_2340 : vector<16xf32>
      %ne3A_2352 = arith.constant 4 : i32
      %ne3A_2353 = vector.broadcast %ne3A_2352 : i32 to vector<16xi32>
      %ne3A_2354 = arith.cmpi ne, %select_n3A_2296, %ne3A_2353 : vector<16xi32>
      %and3A_2355 = arith.andi %eq3A_2351, %ne3A_2354 : vector<16xi1>
      %jit3A_2356 = arith.constant 4 : i32
      %broadcast_in_dim3A_2357 = vector.broadcast %jit3A_2356 : i32 to vector<16xi32>
      %select_n3A_2358 = arith.select %and3A_2355, %broadcast_in_dim3A_2357, %select_n3A_2350 : vector<16xi1>, vector<16xi32>
      %eq3A_2359 = arith.cmpf oeq, %div3A_2235, %max3A_2340 : vector<16xf32>
      %ne3A_2360 = arith.constant 3 : i32
      %ne3A_2361 = vector.broadcast %ne3A_2360 : i32 to vector<16xi32>
      %ne3A_2362 = arith.cmpi ne, %select_n3A_2296, %ne3A_2361 : vector<16xi32>
      %and3A_2363 = arith.andi %eq3A_2359, %ne3A_2362 : vector<16xi1>
      %jit3A_2364 = arith.constant 3 : i32
      %broadcast_in_dim3A_2365 = vector.broadcast %jit3A_2364 : i32 to vector<16xi32>
      %select_n3A_2366 = arith.select %and3A_2363, %broadcast_in_dim3A_2365, %select_n3A_2358 : vector<16xi1>, vector<16xi32>
      %eq3A_2367 = arith.cmpf oeq, %div3A_2220, %max3A_2340 : vector<16xf32>
      %ne3A_2368 = arith.constant 2 : i32
      %ne3A_2369 = vector.broadcast %ne3A_2368 : i32 to vector<16xi32>
      %ne3A_2370 = arith.cmpi ne, %select_n3A_2296, %ne3A_2369 : vector<16xi32>
      %and3A_2371 = arith.andi %eq3A_2367, %ne3A_2370 : vector<16xi1>
      %jit3A_2372 = arith.constant 2 : i32
      %broadcast_in_dim3A_2373 = vector.broadcast %jit3A_2372 : i32 to vector<16xi32>
      %select_n3A_2374 = arith.select %and3A_2371, %broadcast_in_dim3A_2373, %select_n3A_2366 : vector<16xi1>, vector<16xi32>
      %eq3A_2375 = arith.cmpf oeq, %div3A_2205, %max3A_2340 : vector<16xf32>
      %ne3A_2376 = arith.constant 1 : i32
      %ne3A_2377 = vector.broadcast %ne3A_2376 : i32 to vector<16xi32>
      %ne3A_2378 = arith.cmpi ne, %select_n3A_2296, %ne3A_2377 : vector<16xi32>
      %and3A_2379 = arith.andi %eq3A_2375, %ne3A_2378 : vector<16xi1>
      %jit3A_2380 = arith.constant 1 : i32
      %broadcast_in_dim3A_2381 = vector.broadcast %jit3A_2380 : i32 to vector<16xi32>
      %select_n3A_2382 = arith.select %and3A_2379, %broadcast_in_dim3A_2381, %select_n3A_2374 : vector<16xi1>, vector<16xi32>
      %eq3A_2383 = arith.cmpf oeq, %div3A_2190, %max3A_2340 : vector<16xf32>
      %ne3A_2384 = arith.constant 0 : i32
      %ne3A_2385 = vector.broadcast %ne3A_2384 : i32 to vector<16xi32>
      %ne3A_2386 = arith.cmpi ne, %select_n3A_2296, %ne3A_2385 : vector<16xi32>
      %and3A_2387 = arith.andi %eq3A_2383, %ne3A_2386 : vector<16xi1>
      %jit3A_2388 = arith.constant 0 : i32
      %broadcast_in_dim3A_2389 = vector.broadcast %jit3A_2388 : i32 to vector<16xi32>
      %select_n3A_2390 = arith.select %and3A_2387, %broadcast_in_dim3A_2389, %select_n3A_2382 : vector<16xi1>, vector<16xi32>
      %sub3A_2391 = arith.subf %max3A_2340, %max3A_2270 : vector<16xf32>
      %exp3A_2392 = math.exp %sub3A_2391 : vector<16xf32>
      %add3A_2393 = arith.constant 1.000000e+00 : f32
      %add3A_2394 = vector.broadcast %add3A_2393 : f32 to vector<16xf32>
      %add3A_2395 = arith.addf %add3A_2394, %exp3A_2392 : vector<16xf32>
      %div3A_2396 = arith.constant 1.000000e+00 : f32
      %div3A_2397 = vector.broadcast %div3A_2396 : f32 to vector<16xf32>
      %div3A_2398 = arith.divf %div3A_2397, %add3A_2395 : vector<16xf32>
      %sub3A_2399 = arith.constant 1.000000e+00 : f32
      %sub3A_2400 = vector.broadcast %sub3A_2399 : f32 to vector<16xf32>
      %sub3A_2401 = arith.subf %sub3A_2400, %div3A_2398 : vector<16xf32>
      %broadcast_in_dim3A_2402 = arith.constant 0.000000e+00 : f32
      %broadcast_in_dim3A_2403 = vector.broadcast %broadcast_in_dim3A_2402 : f32 to vector<16xf32>
      %eq3A_2404 = arith.constant 0 : i32
      %eq3A_2405 = vector.broadcast %eq3A_2404 : i32 to vector<16xi32>
      %eq3A_2406 = arith.cmpi eq, %select_n3A_2296, %eq3A_2405 : vector<16xi32>
      %eq3A_2407 = arith.constant 0 : i32
      %eq3A_2408 = vector.broadcast %eq3A_2407 : i32 to vector<16xi32>
      %eq3A_2409 = arith.cmpi eq, %select_n3A_2390, %eq3A_2408 : vector<16xi32>
      %select_n3A_2410 = arith.select %eq3A_2409, %sub3A_2401, %broadcast_in_dim3A_2403 : vector<16xi1>, vector<16xf32>
      %select_n3A_2411 = arith.select %eq3A_2406, %div3A_2398, %select_n3A_2410 : vector<16xi1>, vector<16xf32>
      %swap3A_2412 = arith.constant 0 : i32
      %swap3A_2413 = arith.index_cast %swap3A_2412 : i32 to index
      %swap3A_2414 = arith.constant 112 : index
      %swap3A_2415 = tpu.vector_load %arg5[%swap3A_2413, %swap3A_2414] {strides = array<i32>} : memref<6x128xf32, #tpu.memory_space<vmem>>, vector<1x16xf32>,
      %swap3A_2416 = vector.shape_cast %swap3A_2415 : vector<1x16xf32> to vector<16xf32>
      %swap3A_2417 = vector.shape_cast %select_n3A_2411 : vector<16xf32> to vector<1x16xf32>
      tpu.vector_store %arg5[%swap3A_2413, %swap3A_2414], %swap3A_2417 {strides = array<i32>} : memref<6x128xf32, #tpu.memory_space<vmem>>, vector<1x16xf32>,
      %eq3A_2418 = arith.constant 1 : i32
      %eq3A_2419 = vector.broadcast %eq3A_2418 : i32 to vector<16xi32>
      %eq3A_2420 = arith.cmpi eq, %select_n3A_2296, %eq3A_2419 : vector<16xi32>
      %eq3A_2421 = arith.constant 1 : i32
      %eq3A_2422 = vector.broadcast %eq3A_2421 : i32 to vector<16xi32>
      %eq3A_2423 = arith.cmpi eq, %select_n3A_2390, %eq3A_2422 : vector<16xi32>
      %select_n3A_2424 = arith.select %eq3A_2423, %sub3A_2401, %broadcast_in_dim3A_2403 : vector<16xi1>, vector<16xf32>
      %select_n3A_2425 = arith.select %eq3A_2420, %div3A_2398, %select_n3A_2424 : vector<16xi1>, vector<16xf32>
      %swap3A_2426 = arith.constant 1 : i32
      %swap3A_2427 = arith.index_cast %swap3A_2426 : i32 to index
      %swap3A_2428 = arith.constant 112 : index
      %swap3A_2429 = tpu.vector_load %arg5[%swap3A_2427, %swap3A_2428] {strides = array<i32>} : memref<6x128xf32, #tpu.memory_space<vmem>>, vector<1x16xf32>,
      %swap3A_2430 = vector.shape_cast %swap3A_2429 : vector<1x16xf32> to vector<16xf32>
      %swap3A_2431 = vector.shape_cast %select_n3A_2425 : vector<16xf32> to vector<1x16xf32>
      tpu.vector_store %arg5[%swap3A_2427, %swap3A_2428], %swap3A_2431 {strides = array<i32>} : memref<6x128xf32, #tpu.memory_space<vmem>>, vector<1x16xf32>,
      %eq3A_2432 = arith.constant 2 : i32
      %eq3A_2433 = vector.broadcast %eq3A_2432 : i32 to vector<16xi32>
      %eq3A_2434 = arith.cmpi eq, %select_n3A_2296, %eq3A_2433 : vector<16xi32>
      %eq3A_2435 = arith.constant 2 : i32
      %eq3A_2436 = vector.broadcast %eq3A_2435 : i32 to vector<16xi32>
      %eq3A_2437 = arith.cmpi eq, %select_n3A_2390, %eq3A_2436 : vector<16xi32>
      %select_n3A_2438 = arith.select %eq3A_2437, %sub3A_2401, %broadcast_in_dim3A_2403 : vector<16xi1>, vector<16xf32>
      %select_n3A_2439 = arith.select %eq3A_2434, %div3A_2398, %select_n3A_2438 : vector<16xi1>, vector<16xf32>
      %swap3A_2440 = arith.constant 2 : i32
      %swap3A_2441 = arith.index_cast %swap3A_2440 : i32 to index
      %swap3A_2442 = arith.constant 112 : index
      %swap3A_2443 = tpu.vector_load %arg5[%swap3A_2441, %swap3A_2442] {strides = array<i32>} : memref<6x128xf32, #tpu.memory_space<vmem>>, vector<1x16xf32>,
      %swap3A_2444 = vector.shape_cast %swap3A_2443 : vector<1x16xf32> to vector<16xf32>
      %swap3A_2445 = vector.shape_cast %select_n3A_2439 : vector<16xf32> to vector<1x16xf32>
      tpu.vector_store %arg5[%swap3A_2441, %swap3A_2442], %swap3A_2445 {strides = array<i32>} : memref<6x128xf32, #tpu.memory_space<vmem>>, vector<1x16xf32>,
      %eq3A_2446 = arith.constant 3 : i32
      %eq3A_2447 = vector.broadcast %eq3A_2446 : i32 to vector<16xi32>
      %eq3A_2448 = arith.cmpi eq, %select_n3A_2296, %eq3A_2447 : vector<16xi32>
      %eq3A_2449 = arith.constant 3 : i32
      %eq3A_2450 = vector.broadcast %eq3A_2449 : i32 to vector<16xi32>
      %eq3A_2451 = arith.cmpi eq, %select_n3A_2390, %eq3A_2450 : vector<16xi32>
      %select_n3A_2452 = arith.select %eq3A_2451, %sub3A_2401, %broadcast_in_dim3A_2403 : vector<16xi1>, vector<16xf32>
      %select_n3A_2453 = arith.select %eq3A_2448, %div3A_2398, %select_n3A_2452 : vector<16xi1>, vector<16xf32>
      %swap3A_2454 = arith.constant 3 : i32
      %swap3A_2455 = arith.index_cast %swap3A_2454 : i32 to index
      %swap3A_2456 = arith.constant 112 : index
      %swap3A_2457 = tpu.vector_load %arg5[%swap3A_2455, %swap3A_2456] {strides = array<i32>} : memref<6x128xf32, #tpu.memory_space<vmem>>, vector<1x16xf32>,
      %swap3A_2458 = vector.shape_cast %swap3A_2457 : vector<1x16xf32> to vector<16xf32>
      %swap3A_2459 = vector.shape_cast %select_n3A_2453 : vector<16xf32> to vector<1x16xf32>
      tpu.vector_store %arg5[%swap3A_2455, %swap3A_2456], %swap3A_2459 {strides = array<i32>} : memref<6x128xf32, #tpu.memory_space<vmem>>, vector<1x16xf32>,
      %eq3A_2460 = arith.constant 4 : i32
      %eq3A_2461 = vector.broadcast %eq3A_2460 : i32 to vector<16xi32>
      %eq3A_2462 = arith.cmpi eq, %select_n3A_2296, %eq3A_2461 : vector<16xi32>
      %eq3A_2463 = arith.constant 4 : i32
      %eq3A_2464 = vector.broadcast %eq3A_2463 : i32 to vector<16xi32>
      %eq3A_2465 = arith.cmpi eq, %select_n3A_2390, %eq3A_2464 : vector<16xi32>
      %select_n3A_2466 = arith.select %eq3A_2465, %sub3A_2401, %broadcast_in_dim3A_2403 : vector<16xi1>, vector<16xf32>
      %select_n3A_2467 = arith.select %eq3A_2462, %div3A_2398, %select_n3A_2466 : vector<16xi1>, vector<16xf32>
      %swap3A_2468 = arith.constant 4 : i32
      %swap3A_2469 = arith.index_cast %swap3A_2468 : i32 to index
      %swap3A_2470 = arith.constant 112 : index
      %swap3A_2471 = tpu.vector_load %arg5[%swap3A_2469, %swap3A_2470] {strides = array<i32>} : memref<6x128xf32, #tpu.memory_space<vmem>>, vector<1x16xf32>,
      %swap3A_2472 = vector.shape_cast %swap3A_2471 : vector<1x16xf32> to vector<16xf32>
      %swap3A_2473 = vector.shape_cast %select_n3A_2467 : vector<16xf32> to vector<1x16xf32>
      tpu.vector_store %arg5[%swap3A_2469, %swap3A_2470], %swap3A_2473 {strides = array<i32>} : memref<6x128xf32, #tpu.memory_space<vmem>>, vector<1x16xf32>,
      %eq3A_2474 = arith.constant 5 : i32
      %eq3A_2475 = vector.broadcast %eq3A_2474 : i32 to vector<16xi32>
      %eq3A_2476 = arith.cmpi eq, %select_n3A_2296, %eq3A_2475 : vector<16xi32>
      %eq3A_2477 = arith.constant 5 : i32
      %eq3A_2478 = vector.broadcast %eq3A_2477 : i32 to vector<16xi32>
      %eq3A_2479 = arith.cmpi eq, %select_n3A_2390, %eq3A_2478 : vector<16xi32>
      %select_n3A_2480 = arith.select %eq3A_2479, %sub3A_2401, %broadcast_in_dim3A_2403 : vector<16xi1>, vector<16xf32>
      %select_n3A_2481 = arith.select %eq3A_2476, %div3A_2398, %select_n3A_2480 : vector<16xi1>, vector<16xf32>
      %swap3A_2482 = arith.constant 5 : i32
      %swap3A_2483 = arith.index_cast %swap3A_2482 : i32 to index
      %swap3A_2484 = arith.constant 112 : index
      %swap3A_2485 = tpu.vector_load %arg5[%swap3A_2483, %swap3A_2484] {strides = array<i32>} : memref<6x128xf32, #tpu.memory_space<vmem>>, vector<1x16xf32>,
      %swap3A_2486 = vector.shape_cast %swap3A_2485 : vector<1x16xf32> to vector<16xf32>
      %swap3A_2487 = vector.shape_cast %select_n3A_2481 : vector<16xf32> to vector<1x16xf32>
      tpu.vector_store %arg5[%swap3A_2483, %swap3A_2484], %swap3A_2487 {strides = array<i32>} : memref<6x128xf32, #tpu.memory_space<vmem>>, vector<1x16xf32>,
      %mul3A_2488 = arith.constant 128 : i32
      %mul3A_2489 = arith.muli %add3A, %mul3A_2488 : i32
      "tpu.region"() ({
        %run_scoped3A = tpu.sem_alloc : memref<!tpu.dma_semaphore, #tpu.memory_space<semaphore_mem>>
        %dma_start3A = arith.constant 0 : i32
        %dma_start3A_2490 = tpu.memref_slice %arg3[%dma_start3A, %mul3A_2489] : memref<6x2048xf32, #tpu.memory_space<hbm>> -> memref<6x128xf32, #tpu.memory_space<hbm>>
        %dma_start3A_2491 = arith.constant 0 : i32
        %dma_start3A_2492 = tpu.memref_slice %arg3[%dma_start3A_2491, %mul3A_2489] : memref<6x2048xf32, #tpu.memory_space<hbm>> -> memref<6x128xf32, #tpu.memory_space<hbm>>
        tpu.enqueue_dma source(%arg5 : memref<6x128xf32, #tpu.memory_space<vmem>>) target(%dma_start3A_2492 : memref<6x128xf32, #tpu.memory_space<hbm>>) target_semaphore(%run_scoped3A : memref<!tpu.dma_semaphore, #tpu.memory_space<semaphore_mem>>)
        %dma_wait3A = arith.constant 0 : i32
        %dma_wait3A_2493 = tpu.memref_slice %arg3[%dma_wait3A, %mul3A_2489] : memref<6x2048xf32, #tpu.memory_space<hbm>> -> memref<6x128xf32, #tpu.memory_space<hbm>>
        %dma_wait3A_2494 = arith.constant 0 : i32
        %dma_wait3A_2495 = tpu.memref_slice %arg3[%dma_wait3A_2494, %mul3A_2489] : memref<6x2048xf32, #tpu.memory_space<hbm>> -> memref<6x128xf32, #tpu.memory_space<hbm>>
        tpu.wait_dma2 semaphore(%run_scoped3A : memref<!tpu.dma_semaphore, #tpu.memory_space<semaphore_mem>>) src(%arg5 : memref<6x128xf32, #tpu.memory_space<vmem>>) dst(%dma_wait3A_2495 : memref<6x128xf32, #tpu.memory_space<hbm>>)
        tpu.yield
      }) : () -> ()
    } else {
    }
    return
  }
}

module attributes {stable_mosaic.version = 14 : i64} {
  func.func @_pre_kernel(%arg0: i32, %arg1: memref<512x768xf32, #tpu.memory_space<vmem>>, %arg2: memref<768x6xf32, #tpu.memory_space<vmem>>, %arg3: memref<768x6xf32, #tpu.memory_space<vmem>>, %arg4: memref<768x1536xbf16, #tpu.memory_space<vmem>>, %arg5: memref<768x128xbf16, #tpu.memory_space<vmem>>, %arg6: memref<32x1536xbf16, #tpu.memory_space<vmem>>, %arg7: memref<6x768x768xbf16, #tpu.memory_space<vmem>>, %arg8: memref<96x768xbf16, #tpu.memory_space<vmem>>, %arg9: memref<6x96xf32, #tpu.memory_space<vmem>>, %arg10: memref<6x512xf32, #tpu.memory_space<vmem>>, %arg11: memref<512x768xbf16, #tpu.memory_space<vmem>>, %arg12: memref<512x768xbf16, #tpu.memory_space<vmem>>, %arg13: memref<768x512xbf16, #tpu.memory_space<vmem>>) attributes {dimension_semantics = [#tpu.dimension_semantics<arbitrary>], iteration_bounds = array<i64: 4>, scalar_prefetch = 0 : i64, scratch_operands = 0 : i64, tpu.core_type = #tpu.core_type<tc>, window_params = [{transform_indices = @transform_0, window_bounds = array<i64: 512, 768>}, {pipeline_mode = #tpu.pipeline_mode<synchronous>, transform_indices = @transform_1, window_bounds = array<i64: 768, 6>}, {pipeline_mode = #tpu.pipeline_mode<synchronous>, transform_indices = @transform_2, window_bounds = array<i64: 768, 6>}, {pipeline_mode = #tpu.pipeline_mode<synchronous>, transform_indices = @transform_3, window_bounds = array<i64: 768, 1536>}, {pipeline_mode = #tpu.pipeline_mode<synchronous>, transform_indices = @transform_4, window_bounds = array<i64: 768, 128>}, {pipeline_mode = #tpu.pipeline_mode<synchronous>, transform_indices = @transform_5, window_bounds = array<i64: 32, 1536>}, {pipeline_mode = #tpu.pipeline_mode<synchronous>, transform_indices = @transform_6, window_bounds = array<i64: 6, 768, 768>}, {pipeline_mode = #tpu.pipeline_mode<synchronous>, transform_indices = @transform_7, window_bounds = array<i64: 96, 768>}, {pipeline_mode = #tpu.pipeline_mode<synchronous>, transform_indices = @transform_8, window_bounds = array<i64: 6, 96>}, {transform_indices = @transform_9, window_bounds = array<i64: 6, 512>}, {transform_indices = @transform_10, window_bounds = array<i64: 512, 768>}, {transform_indices = @transform_11, window_bounds = array<i64: 512, 768>}, {transform_indices = @transform_12, window_bounds = array<i64: 768, 512>}]} {
    %get3A = arith.constant 0 : index
    %get3A_0 = arith.constant 0 : index
    %get3A_1 = vector.load %arg1[%get3A, %get3A_0] : memref<512x768xf32, #tpu.memory_space<vmem>>, vector<512x768xf32>
    %get3A_2 = arith.constant 0 : index
    %get3A_3 = arith.constant 0 : index
    %get3A_4 = vector.load %arg2[%get3A_2, %get3A_3] : memref<768x6xf32, #tpu.memory_space<vmem>>, vector<768x6xf32>
    %dot_general3A = arith.constant dense<0.000000e+00> : vector<512x6xf32>
    %dot_general3A_5 = tpu.matmul %get3A_1, %get3A_4, %dot_general3A {dimension_numbers = #tpu.dot_dimension_numbers<[1], [0], [0], [1], [0, 0, 1, 1], [], []>, transpose_lhs_hint = false} : vector<512x768xf32>, vector<768x6xf32>, vector<512x6xf32> -> vector<512x6xf32>
    %logistic3A = arith.negf %dot_general3A_5 : vector<512x6xf32>
    %logistic3A_6 = math.exp %logistic3A : vector<512x6xf32>
    %logistic3A_7 = arith.constant 1.000000e+00 : f32
    %logistic3A_8 = vector.broadcast %logistic3A_7 : f32 to vector<512x6xf32>
    %logistic3A_9 = arith.addf %logistic3A_8, %logistic3A_6 : vector<512x6xf32>
    %logistic3A_10 = arith.divf %logistic3A_8, %logistic3A_9 : vector<512x6xf32>
    %iota3A = tpu.iota {dimensions = array<i32: 1>} : vector<512x6xi32>
    %reduce_max3A = arith.constant dense<0xFF800000> : vector<512xf32>
    %reduce_max3A_11 = vector.multi_reduction <maximumf>, %logistic3A_10, %reduce_max3A [1] : vector<512x6xf32> to vector<512xf32>
    %broadcast_in_dim3A = vector.shape_cast %reduce_max3A_11 : vector<512xf32> to vector<512x1xf32>
    %eq3A = vector.broadcast %broadcast_in_dim3A : vector<512x1xf32> to vector<512x6xf32>
    %eq3A_12 = arith.cmpf oeq, %logistic3A_10, %eq3A : vector<512x6xf32>
    %jit3A = arith.constant 6 : i32
    %broadcast_in_dim3A_13 = vector.broadcast %jit3A : i32 to vector<512x6xi32>
    %select_n3A = arith.select %eq3A_12, %iota3A, %broadcast_in_dim3A_13 : vector<512x6xi1>, vector<512x6xi32>
    %reduce_min3A = arith.constant dense<2147483647> : vector<512xi32>
    %reduce_min3A_14 = vector.multi_reduction <minsi>, %select_n3A, %reduce_min3A [1] : vector<512x6xi32> to vector<512xi32>
    %broadcast_in_dim3A_15 = vector.shape_cast %reduce_min3A_14 : vector<512xi32> to vector<512x1xi32>
    %eq3A_16 = vector.broadcast %broadcast_in_dim3A_15 : vector<512x1xi32> to vector<512x6xi32>
    %eq3A_17 = arith.cmpi eq, %iota3A, %eq3A_16 : vector<512x6xi32>
    %jit3A_18 = arith.constant 0xFF800000 : f32
    %broadcast_in_dim3A_19 = vector.broadcast %jit3A_18 : f32 to vector<512x6xf32>
    %select_n3A_20 = arith.select %eq3A_17, %broadcast_in_dim3A_19, %logistic3A_10 : vector<512x6xi1>, vector<512x6xf32>
    %reduce_max3A_21 = arith.constant dense<0xFF800000> : vector<512xf32>
    %reduce_max3A_22 = vector.multi_reduction <maximumf>, %select_n3A_20, %reduce_max3A_21 [1] : vector<512x6xf32> to vector<512xf32>
    %broadcast_in_dim3A_23 = vector.shape_cast %reduce_max3A_22 : vector<512xf32> to vector<512x1xf32>
    %eq3A_24 = vector.broadcast %broadcast_in_dim3A_23 : vector<512x1xf32> to vector<512x6xf32>
    %eq3A_25 = arith.cmpf oeq, %select_n3A_20, %eq3A_24 : vector<512x6xf32>
    %jit3A_26 = arith.constant 6 : i32
    %broadcast_in_dim3A_27 = vector.broadcast %jit3A_26 : i32 to vector<512x6xi32>
    %select_n3A_28 = arith.select %eq3A_25, %iota3A, %broadcast_in_dim3A_27 : vector<512x6xi1>, vector<512x6xi32>
    %reduce_min3A_29 = arith.constant dense<2147483647> : vector<512xi32>
    %reduce_min3A_30 = vector.multi_reduction <minsi>, %select_n3A_28, %reduce_min3A_29 [1] : vector<512x6xi32> to vector<512xi32>
    %broadcast_in_dim3A_31 = vector.shape_cast %reduce_min3A_30 : vector<512xi32> to vector<512x1xi32>
    %sub3A = arith.subf %broadcast_in_dim3A_23, %broadcast_in_dim3A : vector<512x1xf32>
    %exp3A = math.exp %sub3A : vector<512x1xf32>
    %add3A = arith.constant 1.000000e+00 : f32
    %add3A_32 = vector.broadcast %add3A : f32 to vector<512x1xf32>
    %add3A_33 = arith.addf %add3A_32, %exp3A : vector<512x1xf32>
    %div3A = arith.constant 1.000000e+00 : f32
    %div3A_34 = vector.broadcast %div3A : f32 to vector<512x1xf32>
    %div3A_35 = arith.divf %div3A_34, %add3A_33 : vector<512x1xf32>
    %sub3A_36 = arith.constant 1.000000e+00 : f32
    %sub3A_37 = vector.broadcast %sub3A_36 : f32 to vector<512x1xf32>
    %sub3A_38 = arith.subf %sub3A_37, %div3A_35 : vector<512x1xf32>
    %eq3A_39 = vector.broadcast %broadcast_in_dim3A_15 : vector<512x1xi32> to vector<512x6xi32>
    %eq3A_40 = arith.cmpi eq, %iota3A, %eq3A_39 : vector<512x6xi32>
    %jit3A_41 = arith.constant 0.000000e+00 : f32
    %broadcast_in_dim3A_42 = vector.shape_cast %div3A_35 : vector<512x1xf32> to vector<512x1xf32>
    %broadcast_in_dim3A_43 = vector.broadcast %broadcast_in_dim3A_42 : vector<512x1xf32> to vector<512x6xf32>
    %broadcast_in_dim3A_44 = vector.broadcast %jit3A_41 : f32 to vector<512x6xf32>
    %select_n3A_45 = arith.select %eq3A_40, %broadcast_in_dim3A_43, %broadcast_in_dim3A_44 : vector<512x6xi1>, vector<512x6xf32>
    %eq3A_46 = vector.broadcast %broadcast_in_dim3A_31 : vector<512x1xi32> to vector<512x6xi32>
    %eq3A_47 = arith.cmpi eq, %iota3A, %eq3A_46 : vector<512x6xi32>
    %jit3A_48 = arith.constant 0.000000e+00 : f32
    %broadcast_in_dim3A_49 = vector.shape_cast %sub3A_38 : vector<512x1xf32> to vector<512x1xf32>
    %broadcast_in_dim3A_50 = vector.broadcast %broadcast_in_dim3A_49 : vector<512x1xf32> to vector<512x6xf32>
    %broadcast_in_dim3A_51 = vector.broadcast %jit3A_48 : f32 to vector<512x6xf32>
    %select_n3A_52 = arith.select %eq3A_47, %broadcast_in_dim3A_50, %broadcast_in_dim3A_51 : vector<512x6xi1>, vector<512x6xf32>
    %add3A_53 = arith.addf %select_n3A_45, %select_n3A_52 : vector<512x6xf32>
    %get3A_54 = arith.constant 0 : index
    %get3A_55 = arith.constant 0 : index
    %get3A_56 = vector.load %arg3[%get3A_54, %get3A_55] : memref<768x6xf32, #tpu.memory_space<vmem>>, vector<768x6xf32>
    %dot_general3A_57 = arith.constant dense<0.000000e+00> : vector<512x6xf32>
    %dot_general3A_58 = tpu.matmul %get3A_1, %get3A_56, %dot_general3A_57 {dimension_numbers = #tpu.dot_dimension_numbers<[1], [0], [0], [1], [0, 0, 1, 1], [], []>, transpose_lhs_hint = false} : vector<512x768xf32>, vector<768x6xf32>, vector<512x6xf32> -> vector<512x6xf32>
    %transpose3A = tpu.transpose %dot_general3A_58, [1, 0] : vector<512x6xf32> -> vector<6x512xf32>
    %swap3A = arith.constant 0 : index
    %swap3A_59 = arith.constant 0 : index
    %swap3A_60 = vector.load %arg10[%swap3A, %swap3A_59] : memref<6x512xf32, #tpu.memory_space<vmem>>, vector<6x512xf32>
    tpu.vector_store %arg10[%swap3A, %swap3A_59], %transpose3A {strides = array<i32>} : memref<6x512xf32, #tpu.memory_space<vmem>>, vector<6x512xf32>,
    %convert_element_type3A = arith.truncf %get3A_1 : vector<512x768xf32> to vector<512x768xbf16>
    %get3A_61 = arith.constant 0 : index
    %get3A_62 = arith.constant 0 : index
    %get3A_63 = vector.load %arg5[%get3A_61, %get3A_62] : memref<768x128xbf16, #tpu.memory_space<vmem>>, vector<768x128xbf16>
    %dot_general3A_64 = arith.constant dense<0.000000e+00> : vector<512x128xf32>
    %dot_general3A_65 = tpu.matmul %convert_element_type3A, %get3A_63, %dot_general3A_64 {dimension_numbers = #tpu.dot_dimension_numbers<[1], [0], [0], [1], [0, 0, 1, 1], [], []>, transpose_lhs_hint = false} : vector<512x768xbf16>, vector<768x128xbf16>, vector<512x128xf32> -> vector<512x128xf32>
    %get3A_66 = arith.constant 0 : index
    %get3A_67 = arith.constant 0 : index
    %get3A_68 = vector.load %arg4[%get3A_66, %get3A_67] : memref<768x1536xbf16, #tpu.memory_space<vmem>>, vector<768x1536xbf16>
    %dot_general3A_69 = arith.constant dense<0.000000e+00> : vector<512x1536xf32>
    %dot_general3A_70 = tpu.matmul %convert_element_type3A, %get3A_68, %dot_general3A_69 {dimension_numbers = #tpu.dot_dimension_numbers<[1], [0], [0], [1], [0, 0, 1, 1], [], []>, transpose_lhs_hint = false} : vector<512x768xbf16>, vector<768x1536xbf16>, vector<512x1536xf32> -> vector<512x1536xf32>
    %slice3A = vector.extract_strided_slice %dot_general3A_65 {offsets = [0, 0], sizes = [512, 32], strides = [1, 1]} : vector<512x128xf32> to vector<512x32xf32>
    %convert_element_type3A_71 = arith.truncf %slice3A : vector<512x32xf32> to vector<512x32xbf16>
    %get3A_72 = arith.constant 0 : index
    %get3A_73 = arith.constant 0 : index
    %get3A_74 = vector.load %arg6[%get3A_72, %get3A_73] : memref<32x1536xbf16, #tpu.memory_space<vmem>>, vector<32x1536xbf16>
    %dot_general3A_75 = arith.constant dense<0.000000e+00> : vector<512x1536xf32>
    %dot_general3A_76 = tpu.matmul %convert_element_type3A_71, %get3A_74, %dot_general3A_75 {dimension_numbers = #tpu.dot_dimension_numbers<[1], [0], [0], [1], [0, 0, 1, 1], [], []>, transpose_lhs_hint = false} : vector<512x32xbf16>, vector<32x1536xbf16>, vector<512x1536xf32> -> vector<512x1536xf32>
    %mul3A = arith.constant 8.000000e+00 : f32
    %mul3A_77 = vector.broadcast %mul3A : f32 to vector<512x1536xf32>
    %mul3A_78 = arith.mulf %mul3A_77, %dot_general3A_76 : vector<512x1536xf32>
    %add3A_79 = arith.addf %dot_general3A_70, %mul3A_78 : vector<512x1536xf32>
    %slice3A_80 = vector.extract_strided_slice %add3A_79 {offsets = [0, 0], sizes = [512, 768], strides = [1, 1]} : vector<512x1536xf32> to vector<512x768xf32>
    %convert_element_type3A_81 = arith.truncf %slice3A_80 : vector<512x768xf32> to vector<512x768xbf16>
    %swap3A_82 = arith.constant 0 : index
    %swap3A_83 = arith.constant 0 : index
    %swap3A_84 = vector.load %arg11[%swap3A_82, %swap3A_83] : memref<512x768xbf16, #tpu.memory_space<vmem>>, vector<512x768xbf16>
    tpu.vector_store %arg11[%swap3A_82, %swap3A_83], %convert_element_type3A_81 {strides = array<i32>} : memref<512x768xbf16, #tpu.memory_space<vmem>>, vector<512x768xbf16>,
    %slice3A_85 = vector.extract_strided_slice %add3A_79 {offsets = [0, 768], sizes = [512, 768], strides = [1, 1]} : vector<512x1536xf32> to vector<512x768xf32>
    %convert_element_type3A_86 = arith.truncf %slice3A_85 : vector<512x768xf32> to vector<512x768xbf16>
    %swap3A_87 = arith.constant 0 : index
    %swap3A_88 = arith.constant 0 : index
    %swap3A_89 = vector.load %arg12[%swap3A_87, %swap3A_88] : memref<512x768xbf16, #tpu.memory_space<vmem>>, vector<512x768xbf16>
    tpu.vector_store %arg12[%swap3A_87, %swap3A_88], %convert_element_type3A_86 {strides = array<i32>} : memref<512x768xbf16, #tpu.memory_space<vmem>>, vector<512x768xbf16>,
    %get3A_90 = arith.constant 0 : index
    %get3A_91 = arith.constant 0 : index
    %get3A_92 = vector.load %arg9[%get3A_90, %get3A_91] : memref<6x96xf32, #tpu.memory_space<vmem>>, vector<6x96xf32>
    %dot_general3A_93 = arith.constant dense<0.000000e+00> : vector<512x96xf32>
    %dot_general3A_94 = tpu.matmul %add3A_53, %get3A_92, %dot_general3A_93 {dimension_numbers = #tpu.dot_dimension_numbers<[1], [0], [0], [1], [0, 0, 1, 1], [], []>, transpose_lhs_hint = false} : vector<512x6xf32>, vector<6x96xf32>, vector<512x96xf32> -> vector<512x96xf32>
    %slice3A_95 = vector.extract_strided_slice %dot_general3A_65 {offsets = [0, 32], sizes = [512, 96], strides = [1, 1]} : vector<512x128xf32> to vector<512x96xf32>
    %mul3A_96 = arith.mulf %slice3A_95, %dot_general3A_94 : vector<512x96xf32>
    %convert_element_type3A_97 = arith.truncf %mul3A_96 : vector<512x96xf32> to vector<512x96xbf16>
    %get3A_98 = arith.constant 0 : index
    %get3A_99 = arith.constant 0 : index
    %get3A_100 = vector.load %arg8[%get3A_98, %get3A_99] : memref<96x768xbf16, #tpu.memory_space<vmem>>, vector<96x768xbf16>
    %dot_general3A_101 = arith.constant dense<0.000000e+00> : vector<512x768xf32>
    %dot_general3A_102 = tpu.matmul %convert_element_type3A_97, %get3A_100, %dot_general3A_101 {dimension_numbers = #tpu.dot_dimension_numbers<[1], [0], [0], [1], [0, 0, 1, 1], [], []>, transpose_lhs_hint = false} : vector<512x96xbf16>, vector<96x768xbf16>, vector<512x768xf32> -> vector<512x768xf32>
    %mul3A_103 = arith.constant 8.000000e+00 : f32
    %mul3A_104 = vector.broadcast %mul3A_103 : f32 to vector<512x768xf32>
    %mul3A_105 = arith.mulf %mul3A_104, %dot_general3A_102 : vector<512x768xf32>
    %iota3A_106 = tpu.iota {dimensions = array<i32: 1>} : vector<512x6xi32>
    %eq3A_107 = arith.constant 0 : i32
    %eq3A_108 = vector.broadcast %eq3A_107 : i32 to vector<512x6xi32>
    %eq3A_109 = arith.cmpi eq, %iota3A_106, %eq3A_108 : vector<512x6xi32>
    %jit3A_110 = arith.constant 0.000000e+00 : f32
    %broadcast_in_dim3A_111 = vector.broadcast %jit3A_110 : f32 to vector<512x6xf32>
    %select_n3A_112 = arith.select %eq3A_109, %add3A_53, %broadcast_in_dim3A_111 : vector<512x6xi1>, vector<512x6xf32>
    %reduce_sum3A = arith.constant dense<0.000000e+00> : vector<512xf32>
    %reduce_sum3A_113 = vector.multi_reduction <add>, %select_n3A_112, %reduce_sum3A [1] : vector<512x6xf32> to vector<512xf32>
    %broadcast_in_dim3A_114 = vector.shape_cast %reduce_sum3A_113 : vector<512xf32> to vector<512x1xf32>
    %get3A_115 = arith.constant 0 : index
    %get3A_116 = arith.constant 0 : index
    %get3A_117 = arith.constant 0 : index
    %get3A_118 = vector.load %arg7[%get3A_115, %get3A_116, %get3A_117] : memref<6x768x768xbf16, #tpu.memory_space<vmem>>, vector<1x768x768xbf16>
    %get3A_119 = vector.shape_cast %get3A_118 : vector<1x768x768xbf16> to vector<768x768xbf16>
    %dot_general3A_120 = arith.constant dense<0.000000e+00> : vector<512x768xf32>
    %dot_general3A_121 = tpu.matmul %convert_element_type3A, %get3A_119, %dot_general3A_120 {dimension_numbers = #tpu.dot_dimension_numbers<[1], [0], [0], [1], [0, 0, 1, 1], [], []>, transpose_lhs_hint = false} : vector<512x768xbf16>, vector<768x768xbf16>, vector<512x768xf32> -> vector<512x768xf32>
    %mul3A_122 = vector.broadcast %broadcast_in_dim3A_114 : vector<512x1xf32> to vector<512x768xf32>
    %mul3A_123 = arith.mulf %mul3A_122, %dot_general3A_121 : vector<512x768xf32>
    %add3A_124 = arith.addf %mul3A_105, %mul3A_123 : vector<512x768xf32>
    %iota3A_125 = tpu.iota {dimensions = array<i32: 1>} : vector<512x6xi32>
    %eq3A_126 = arith.constant 1 : i32
    %eq3A_127 = vector.broadcast %eq3A_126 : i32 to vector<512x6xi32>
    %eq3A_128 = arith.cmpi eq, %iota3A_125, %eq3A_127 : vector<512x6xi32>
    %jit3A_129 = arith.constant 0.000000e+00 : f32
    %broadcast_in_dim3A_130 = vector.broadcast %jit3A_129 : f32 to vector<512x6xf32>
    %select_n3A_131 = arith.select %eq3A_128, %add3A_53, %broadcast_in_dim3A_130 : vector<512x6xi1>, vector<512x6xf32>
    %reduce_sum3A_132 = arith.constant dense<0.000000e+00> : vector<512xf32>
    %reduce_sum3A_133 = vector.multi_reduction <add>, %select_n3A_131, %reduce_sum3A_132 [1] : vector<512x6xf32> to vector<512xf32>
    %broadcast_in_dim3A_134 = vector.shape_cast %reduce_sum3A_133 : vector<512xf32> to vector<512x1xf32>
    %get3A_135 = arith.constant 1 : index
    %get3A_136 = arith.constant 0 : index
    %get3A_137 = arith.constant 0 : index
    %get3A_138 = vector.load %arg7[%get3A_135, %get3A_136, %get3A_137] : memref<6x768x768xbf16, #tpu.memory_space<vmem>>, vector<1x768x768xbf16>
    %get3A_139 = vector.shape_cast %get3A_138 : vector<1x768x768xbf16> to vector<768x768xbf16>
    %dot_general3A_140 = arith.constant dense<0.000000e+00> : vector<512x768xf32>
    %dot_general3A_141 = tpu.matmul %convert_element_type3A, %get3A_139, %dot_general3A_140 {dimension_numbers = #tpu.dot_dimension_numbers<[1], [0], [0], [1], [0, 0, 1, 1], [], []>, transpose_lhs_hint = false} : vector<512x768xbf16>, vector<768x768xbf16>, vector<512x768xf32> -> vector<512x768xf32>
    %mul3A_142 = vector.broadcast %broadcast_in_dim3A_134 : vector<512x1xf32> to vector<512x768xf32>
    %mul3A_143 = arith.mulf %mul3A_142, %dot_general3A_141 : vector<512x768xf32>
    %add3A_144 = arith.addf %add3A_124, %mul3A_143 : vector<512x768xf32>
    %iota3A_145 = tpu.iota {dimensions = array<i32: 1>} : vector<512x6xi32>
    %eq3A_146 = arith.constant 2 : i32
    %eq3A_147 = vector.broadcast %eq3A_146 : i32 to vector<512x6xi32>
    %eq3A_148 = arith.cmpi eq, %iota3A_145, %eq3A_147 : vector<512x6xi32>
    %jit3A_149 = arith.constant 0.000000e+00 : f32
    %broadcast_in_dim3A_150 = vector.broadcast %jit3A_149 : f32 to vector<512x6xf32>
    %select_n3A_151 = arith.select %eq3A_148, %add3A_53, %broadcast_in_dim3A_150 : vector<512x6xi1>, vector<512x6xf32>
    %reduce_sum3A_152 = arith.constant dense<0.000000e+00> : vector<512xf32>
    %reduce_sum3A_153 = vector.multi_reduction <add>, %select_n3A_151, %reduce_sum3A_152 [1] : vector<512x6xf32> to vector<512xf32>
    %broadcast_in_dim3A_154 = vector.shape_cast %reduce_sum3A_153 : vector<512xf32> to vector<512x1xf32>
    %get3A_155 = arith.constant 2 : index
    %get3A_156 = arith.constant 0 : index
    %get3A_157 = arith.constant 0 : index
    %get3A_158 = vector.load %arg7[%get3A_155, %get3A_156, %get3A_157] : memref<6x768x768xbf16, #tpu.memory_space<vmem>>, vector<1x768x768xbf16>
    %get3A_159 = vector.shape_cast %get3A_158 : vector<1x768x768xbf16> to vector<768x768xbf16>
    %dot_general3A_160 = arith.constant dense<0.000000e+00> : vector<512x768xf32>
    %dot_general3A_161 = tpu.matmul %convert_element_type3A, %get3A_159, %dot_general3A_160 {dimension_numbers = #tpu.dot_dimension_numbers<[1], [0], [0], [1], [0, 0, 1, 1], [], []>, transpose_lhs_hint = false} : vector<512x768xbf16>, vector<768x768xbf16>, vector<512x768xf32> -> vector<512x768xf32>
    %mul3A_162 = vector.broadcast %broadcast_in_dim3A_154 : vector<512x1xf32> to vector<512x768xf32>
    %mul3A_163 = arith.mulf %mul3A_162, %dot_general3A_161 : vector<512x768xf32>
    %add3A_164 = arith.addf %add3A_144, %mul3A_163 : vector<512x768xf32>
    %iota3A_165 = tpu.iota {dimensions = array<i32: 1>} : vector<512x6xi32>
    %eq3A_166 = arith.constant 3 : i32
    %eq3A_167 = vector.broadcast %eq3A_166 : i32 to vector<512x6xi32>
    %eq3A_168 = arith.cmpi eq, %iota3A_165, %eq3A_167 : vector<512x6xi32>
    %jit3A_169 = arith.constant 0.000000e+00 : f32
    %broadcast_in_dim3A_170 = vector.broadcast %jit3A_169 : f32 to vector<512x6xf32>
    %select_n3A_171 = arith.select %eq3A_168, %add3A_53, %broadcast_in_dim3A_170 : vector<512x6xi1>, vector<512x6xf32>
    %reduce_sum3A_172 = arith.constant dense<0.000000e+00> : vector<512xf32>
    %reduce_sum3A_173 = vector.multi_reduction <add>, %select_n3A_171, %reduce_sum3A_172 [1] : vector<512x6xf32> to vector<512xf32>
    %broadcast_in_dim3A_174 = vector.shape_cast %reduce_sum3A_173 : vector<512xf32> to vector<512x1xf32>
    %get3A_175 = arith.constant 3 : index
    %get3A_176 = arith.constant 0 : index
    %get3A_177 = arith.constant 0 : index
    %get3A_178 = vector.load %arg7[%get3A_175, %get3A_176, %get3A_177] : memref<6x768x768xbf16, #tpu.memory_space<vmem>>, vector<1x768x768xbf16>
    %get3A_179 = vector.shape_cast %get3A_178 : vector<1x768x768xbf16> to vector<768x768xbf16>
    %dot_general3A_180 = arith.constant dense<0.000000e+00> : vector<512x768xf32>
    %dot_general3A_181 = tpu.matmul %convert_element_type3A, %get3A_179, %dot_general3A_180 {dimension_numbers = #tpu.dot_dimension_numbers<[1], [0], [0], [1], [0, 0, 1, 1], [], []>, transpose_lhs_hint = false} : vector<512x768xbf16>, vector<768x768xbf16>, vector<512x768xf32> -> vector<512x768xf32>
    %mul3A_182 = vector.broadcast %broadcast_in_dim3A_174 : vector<512x1xf32> to vector<512x768xf32>
    %mul3A_183 = arith.mulf %mul3A_182, %dot_general3A_181 : vector<512x768xf32>
    %add3A_184 = arith.addf %add3A_164, %mul3A_183 : vector<512x768xf32>
    %iota3A_185 = tpu.iota {dimensions = array<i32: 1>} : vector<512x6xi32>
    %eq3A_186 = arith.constant 4 : i32
    %eq3A_187 = vector.broadcast %eq3A_186 : i32 to vector<512x6xi32>
    %eq3A_188 = arith.cmpi eq, %iota3A_185, %eq3A_187 : vector<512x6xi32>
    %jit3A_189 = arith.constant 0.000000e+00 : f32
    %broadcast_in_dim3A_190 = vector.broadcast %jit3A_189 : f32 to vector<512x6xf32>
    %select_n3A_191 = arith.select %eq3A_188, %add3A_53, %broadcast_in_dim3A_190 : vector<512x6xi1>, vector<512x6xf32>
    %reduce_sum3A_192 = arith.constant dense<0.000000e+00> : vector<512xf32>
    %reduce_sum3A_193 = vector.multi_reduction <add>, %select_n3A_191, %reduce_sum3A_192 [1] : vector<512x6xf32> to vector<512xf32>
    %broadcast_in_dim3A_194 = vector.shape_cast %reduce_sum3A_193 : vector<512xf32> to vector<512x1xf32>
    %get3A_195 = arith.constant 4 : index
    %get3A_196 = arith.constant 0 : index
    %get3A_197 = arith.constant 0 : index
    %get3A_198 = vector.load %arg7[%get3A_195, %get3A_196, %get3A_197] : memref<6x768x768xbf16, #tpu.memory_space<vmem>>, vector<1x768x768xbf16>
    %get3A_199 = vector.shape_cast %get3A_198 : vector<1x768x768xbf16> to vector<768x768xbf16>
    %dot_general3A_200 = arith.constant dense<0.000000e+00> : vector<512x768xf32>
    %dot_general3A_201 = tpu.matmul %convert_element_type3A, %get3A_199, %dot_general3A_200 {dimension_numbers = #tpu.dot_dimension_numbers<[1], [0], [0], [1], [0, 0, 1, 1], [], []>, transpose_lhs_hint = false} : vector<512x768xbf16>, vector<768x768xbf16>, vector<512x768xf32> -> vector<512x768xf32>
    %mul3A_202 = vector.broadcast %broadcast_in_dim3A_194 : vector<512x1xf32> to vector<512x768xf32>
    %mul3A_203 = arith.mulf %mul3A_202, %dot_general3A_201 : vector<512x768xf32>
    %add3A_204 = arith.addf %add3A_184, %mul3A_203 : vector<512x768xf32>
    %iota3A_205 = tpu.iota {dimensions = array<i32: 1>} : vector<512x6xi32>
    %eq3A_206 = arith.constant 5 : i32
    %eq3A_207 = vector.broadcast %eq3A_206 : i32 to vector<512x6xi32>
    %eq3A_208 = arith.cmpi eq, %iota3A_205, %eq3A_207 : vector<512x6xi32>
    %jit3A_209 = arith.constant 0.000000e+00 : f32
    %broadcast_in_dim3A_210 = vector.broadcast %jit3A_209 : f32 to vector<512x6xf32>
    %select_n3A_211 = arith.select %eq3A_208, %add3A_53, %broadcast_in_dim3A_210 : vector<512x6xi1>, vector<512x6xf32>
    %reduce_sum3A_212 = arith.constant dense<0.000000e+00> : vector<512xf32>
    %reduce_sum3A_213 = vector.multi_reduction <add>, %select_n3A_211, %reduce_sum3A_212 [1] : vector<512x6xf32> to vector<512xf32>
    %broadcast_in_dim3A_214 = vector.shape_cast %reduce_sum3A_213 : vector<512xf32> to vector<512x1xf32>
    %get3A_215 = arith.constant 5 : index
    %get3A_216 = arith.constant 0 : index
    %get3A_217 = arith.constant 0 : index
    %get3A_218 = vector.load %arg7[%get3A_215, %get3A_216, %get3A_217] : memref<6x768x768xbf16, #tpu.memory_space<vmem>>, vector<1x768x768xbf16>
    %get3A_219 = vector.shape_cast %get3A_218 : vector<1x768x768xbf16> to vector<768x768xbf16>
    %dot_general3A_220 = arith.constant dense<0.000000e+00> : vector<512x768xf32>
    %dot_general3A_221 = tpu.matmul %convert_element_type3A, %get3A_219, %dot_general3A_220 {dimension_numbers = #tpu.dot_dimension_numbers<[1], [0], [0], [1], [0, 0, 1, 1], [], []>, transpose_lhs_hint = false} : vector<512x768xbf16>, vector<768x768xbf16>, vector<512x768xf32> -> vector<512x768xf32>
    %mul3A_222 = vector.broadcast %broadcast_in_dim3A_214 : vector<512x1xf32> to vector<512x768xf32>
    %mul3A_223 = arith.mulf %mul3A_222, %dot_general3A_221 : vector<512x768xf32>
    %add3A_224 = arith.addf %add3A_204, %mul3A_223 : vector<512x768xf32>
    %convert_element_type3A_225 = arith.truncf %add3A_224 : vector<512x768xf32> to vector<512x768xbf16>
    %transpose3A_226 = tpu.transpose %convert_element_type3A_225, [1, 0] : vector<512x768xbf16> -> vector<768x512xbf16>
    %swap3A_227 = arith.constant 0 : index
    %swap3A_228 = arith.constant 0 : index
    %swap3A_229 = vector.load %arg13[%swap3A_227, %swap3A_228] : memref<768x512xbf16, #tpu.memory_space<vmem>>, vector<768x512xbf16>
    tpu.vector_store %arg13[%swap3A_227, %swap3A_228], %transpose3A_226 {strides = array<i32>} : memref<768x512xbf16, #tpu.memory_space<vmem>>, vector<768x512xbf16>,
    return
  }
  func.func @transform_0(%arg0: i32) -> (i32, i32) {
    %c0_i32 = arith.constant 0 : i32
    %c0_i32_0 = arith.constant 0 : i32
    return %arg0, %c0_i32 : i32, i32
  }
  func.func @transform_1(%arg0: i32) -> (i32, i32) {
    %c0_i32 = arith.constant 0 : i32
    %c0_i32_0 = arith.constant 0 : i32
    %c0_i32_1 = arith.constant 0 : i32
    return %c0_i32, %c0_i32_0 : i32, i32
  }
  func.func @transform_2(%arg0: i32) -> (i32, i32) {
    %c0_i32 = arith.constant 0 : i32
    %c0_i32_0 = arith.constant 0 : i32
    %c0_i32_1 = arith.constant 0 : i32
    return %c0_i32, %c0_i32_0 : i32, i32
  }
  func.func @transform_3(%arg0: i32) -> (i32, i32) {
    %c0_i32 = arith.constant 0 : i32
    %c0_i32_0 = arith.constant 0 : i32
    %c0_i32_1 = arith.constant 0 : i32
    return %c0_i32, %c0_i32_0 : i32, i32
  }
  func.func @transform_4(%arg0: i32) -> (i32, i32) {
    %c0_i32 = arith.constant 0 : i32
    %c0_i32_0 = arith.constant 0 : i32
    %c0_i32_1 = arith.constant 0 : i32
    return %c0_i32, %c0_i32_0 : i32, i32
  }
  func.func @transform_5(%arg0: i32) -> (i32, i32) {
    %c0_i32 = arith.constant 0 : i32
    %c0_i32_0 = arith.constant 0 : i32
    %c0_i32_1 = arith.constant 0 : i32
    return %c0_i32, %c0_i32_0 : i32, i32
  }
  func.func @transform_6(%arg0: i32) -> (i32, i32, i32) {
    %c0_i32 = arith.constant 0 : i32
    %c0_i32_0 = arith.constant 0 : i32
    %c0_i32_1 = arith.constant 0 : i32
    %c0_i32_2 = arith.constant 0 : i32
    return %c0_i32, %c0_i32_0, %c0_i32_1 : i32, i32, i32
  }
  func.func @transform_7(%arg0: i32) -> (i32, i32) {
    %c0_i32 = arith.constant 0 : i32
    %c0_i32_0 = arith.constant 0 : i32
    %c0_i32_1 = arith.constant 0 : i32
    return %c0_i32, %c0_i32_0 : i32, i32
  }
  func.func @transform_8(%arg0: i32) -> (i32, i32) {
    %c0_i32 = arith.constant 0 : i32
    %c0_i32_0 = arith.constant 0 : i32
    %c0_i32_1 = arith.constant 0 : i32
    return %c0_i32, %c0_i32_0 : i32, i32
  }
  func.func @transform_9(%arg0: i32) -> (i32, i32) {
    %c0_i32 = arith.constant 0 : i32
    %c0_i32_0 = arith.constant 0 : i32
    return %c0_i32, %arg0 : i32, i32
  }
  func.func @transform_10(%arg0: i32) -> (i32, i32) {
    %c0_i32 = arith.constant 0 : i32
    %c0_i32_0 = arith.constant 0 : i32
    return %arg0, %c0_i32 : i32, i32
  }
  func.func @transform_11(%arg0: i32) -> (i32, i32) {
    %c0_i32 = arith.constant 0 : i32
    %c0_i32_0 = arith.constant 0 : i32
    return %arg0, %c0_i32 : i32, i32
  }
  func.func @transform_12(%arg0: i32) -> (i32, i32) {
    %c0_i32 = arith.constant 0 : i32
    %c0_i32_0 = arith.constant 0 : i32
    return %c0_i32, %arg0 : i32, i32
  }
}

module attributes {stable_mosaic.version = 14 : i64} {
  func.func @_attn_kernel(%arg0: i32, %arg1: i32, %arg2: memref<512x128xbf16, #tpu.memory_space<vmem>>, %arg3: memref<2048x128xbf16, #tpu.memory_space<vmem>>, %arg4: memref<128x2048xbf16, #tpu.memory_space<vmem>>, %arg5: memref<2048x1xf32, #tpu.memory_space<vmem>>, %arg6: memref<128x512xbf16, #tpu.memory_space<vmem>>) attributes {dimension_semantics = [#tpu.dimension_semantics<arbitrary>, #tpu.dimension_semantics<arbitrary>], iteration_bounds = array<i64: 6, 4>, scalar_prefetch = 0 : i64, scratch_operands = 0 : i64, tpu.core_type = #tpu.core_type<tc>, window_params = [{transform_indices = @transform_0, window_bounds = array<i64: 512, 128>}, {transform_indices = @transform_1, window_bounds = array<i64: 2048, 128>}, {transform_indices = @transform_2, window_bounds = array<i64: 128, 2048>}, {pipeline_mode = #tpu.pipeline_mode<synchronous>, transform_indices = @transform_3, window_bounds = array<i64: 2048, 1>}, {transform_indices = @transform_4, window_bounds = array<i64: 128, 512>}]} {
    %get3A = arith.constant 0 : index
    %get3A_0 = arith.constant 0 : index
    %get3A_1 = vector.load %arg2[%get3A, %get3A_0] : memref<512x128xbf16, #tpu.memory_space<vmem>>, vector<512x128xbf16>
    %mul3A = arith.constant 1.250000e-01 : bf16
    %mul3A_2 = vector.broadcast %mul3A : bf16 to vector<512x128xbf16>
    %mul3A_3 = arith.mulf %get3A_1, %mul3A_2 : vector<512x128xbf16>
    %get3A_4 = arith.constant 0 : index
    %get3A_5 = arith.constant 0 : index
    %get3A_6 = vector.load %arg3[%get3A_4, %get3A_5] : memref<2048x128xbf16, #tpu.memory_space<vmem>>, vector<2048x128xbf16>
    %get3A_7 = arith.constant 0 : index
    %get3A_8 = arith.constant 0 : index
    %get3A_9 = vector.load %arg4[%get3A_7, %get3A_8] : memref<128x2048xbf16, #tpu.memory_space<vmem>>, vector<128x2048xbf16>
    %get3A_10 = arith.constant 0 : index
    %get3A_11 = arith.constant 0 : index
    %get3A_12 = vector.load %arg5[%get3A_10, %get3A_11] : memref<2048x1xf32, #tpu.memory_space<vmem>>, vector<2048x1xf32>
    %slice3A = vector.extract_strided_slice %get3A_6 {offsets = [0, 0], sizes = [2048, 64], strides = [1, 1]} : vector<2048x128xbf16> to vector<2048x64xbf16>
    %slice3A_13 = vector.extract_strided_slice %mul3A_3 {offsets = [0, 0], sizes = [512, 64], strides = [1, 1]} : vector<512x128xbf16> to vector<512x64xbf16>
    %dot_general3A = arith.constant dense<0.000000e+00> : vector<2048x512xf32>
    %dot_general3A_14 = tpu.matmul %slice3A, %slice3A_13, %dot_general3A {dimension_numbers = #tpu.dot_dimension_numbers<[1], [1], [0], [0], [0, 0, 1, 0], [], []>, transpose_lhs_hint = false} : vector<2048x64xbf16>, vector<512x64xbf16>, vector<2048x512xf32> -> vector<2048x512xf32>
    %add3A = vector.broadcast %get3A_12 : vector<2048x1xf32> to vector<2048x512xf32>
    %add3A_15 = arith.addf %dot_general3A_14, %add3A : vector<2048x512xf32>
    %reduce_max3A = arith.constant dense<0xFF800000> : vector<512xf32>
    %reduce_max3A_16 = vector.multi_reduction <maximumf>, %add3A_15, %reduce_max3A [0] : vector<2048x512xf32> to vector<512xf32>
    %broadcast_in_dim3A = vector.shape_cast %reduce_max3A_16 : vector<512xf32> to vector<1x512xf32>
    %sub3A = vector.broadcast %broadcast_in_dim3A : vector<1x512xf32> to vector<2048x512xf32>
    %sub3A_17 = arith.subf %add3A_15, %sub3A : vector<2048x512xf32>
    %exp3A = math.exp %sub3A_17 : vector<2048x512xf32>
    %reduce_sum3A = arith.constant dense<0.000000e+00> : vector<512xf32>
    %reduce_sum3A_18 = vector.multi_reduction <add>, %exp3A, %reduce_sum3A [0] : vector<2048x512xf32> to vector<512xf32>
    %broadcast_in_dim3A_19 = vector.shape_cast %reduce_sum3A_18 : vector<512xf32> to vector<1x512xf32>
    %div3A = arith.constant 1.000000e+00 : f32
    %div3A_20 = vector.broadcast %div3A : f32 to vector<1x512xf32>
    %div3A_21 = arith.divf %div3A_20, %broadcast_in_dim3A_19 : vector<1x512xf32>
    %slice3A_22 = vector.extract_strided_slice %get3A_9 {offsets = [0, 0], sizes = [64, 2048], strides = [1, 1]} : vector<128x2048xbf16> to vector<64x2048xbf16>
    %convert_element_type3A = arith.truncf %exp3A : vector<2048x512xf32> to vector<2048x512xbf16>
    %dot_general3A_23 = arith.constant dense<0.000000e+00> : vector<64x512xf32>
    %dot_general3A_24 = tpu.matmul %slice3A_22, %convert_element_type3A, %dot_general3A_23 {dimension_numbers = #tpu.dot_dimension_numbers<[1], [0], [0], [1], [0, 0, 1, 1], [], []>, transpose_lhs_hint = false} : vector<64x2048xbf16>, vector<2048x512xbf16>, vector<64x512xf32> -> vector<64x512xf32>
    %mul3A_25 = vector.broadcast %div3A_21 : vector<1x512xf32> to vector<64x512xf32>
    %mul3A_26 = arith.mulf %dot_general3A_24, %mul3A_25 : vector<64x512xf32>
    %slice3A_27 = vector.extract_strided_slice %get3A_6 {offsets = [0, 64], sizes = [2048, 64], strides = [1, 1]} : vector<2048x128xbf16> to vector<2048x64xbf16>
    %slice3A_28 = vector.extract_strided_slice %mul3A_3 {offsets = [0, 64], sizes = [512, 64], strides = [1, 1]} : vector<512x128xbf16> to vector<512x64xbf16>
    %dot_general3A_29 = arith.constant dense<0.000000e+00> : vector<2048x512xf32>
    %dot_general3A_30 = tpu.matmul %slice3A_27, %slice3A_28, %dot_general3A_29 {dimension_numbers = #tpu.dot_dimension_numbers<[1], [1], [0], [0], [0, 0, 1, 0], [], []>, transpose_lhs_hint = false} : vector<2048x64xbf16>, vector<512x64xbf16>, vector<2048x512xf32> -> vector<2048x512xf32>
    %add3A_31 = vector.broadcast %get3A_12 : vector<2048x1xf32> to vector<2048x512xf32>
    %add3A_32 = arith.addf %dot_general3A_30, %add3A_31 : vector<2048x512xf32>
    %reduce_max3A_33 = arith.constant dense<0xFF800000> : vector<512xf32>
    %reduce_max3A_34 = vector.multi_reduction <maximumf>, %add3A_32, %reduce_max3A_33 [0] : vector<2048x512xf32> to vector<512xf32>
    %broadcast_in_dim3A_35 = vector.shape_cast %reduce_max3A_34 : vector<512xf32> to vector<1x512xf32>
    %sub3A_36 = vector.broadcast %broadcast_in_dim3A_35 : vector<1x512xf32> to vector<2048x512xf32>
    %sub3A_37 = arith.subf %add3A_32, %sub3A_36 : vector<2048x512xf32>
    %exp3A_38 = math.exp %sub3A_37 : vector<2048x512xf32>
    %reduce_sum3A_39 = arith.constant dense<0.000000e+00> : vector<512xf32>
    %reduce_sum3A_40 = vector.multi_reduction <add>, %exp3A_38, %reduce_sum3A_39 [0] : vector<2048x512xf32> to vector<512xf32>
    %broadcast_in_dim3A_41 = vector.shape_cast %reduce_sum3A_40 : vector<512xf32> to vector<1x512xf32>
    %div3A_42 = arith.constant 1.000000e+00 : f32
    %div3A_43 = vector.broadcast %div3A_42 : f32 to vector<1x512xf32>
    %div3A_44 = arith.divf %div3A_43, %broadcast_in_dim3A_41 : vector<1x512xf32>
    %slice3A_45 = vector.extract_strided_slice %get3A_9 {offsets = [64, 0], sizes = [64, 2048], strides = [1, 1]} : vector<128x2048xbf16> to vector<64x2048xbf16>
    %convert_element_type3A_46 = arith.truncf %exp3A_38 : vector<2048x512xf32> to vector<2048x512xbf16>
    %dot_general3A_47 = arith.constant dense<0.000000e+00> : vector<64x512xf32>
    %dot_general3A_48 = tpu.matmul %slice3A_45, %convert_element_type3A_46, %dot_general3A_47 {dimension_numbers = #tpu.dot_dimension_numbers<[1], [0], [0], [1], [0, 0, 1, 1], [], []>, transpose_lhs_hint = false} : vector<64x2048xbf16>, vector<2048x512xbf16>, vector<64x512xf32> -> vector<64x512xf32>
    %mul3A_49 = vector.broadcast %div3A_44 : vector<1x512xf32> to vector<64x512xf32>
    %mul3A_50 = arith.mulf %dot_general3A_48, %mul3A_49 : vector<64x512xf32>
    %concatenate3A = tpu.concatenate %mul3A_26, %mul3A_50 in 0 : vector<64x512xf32>, vector<64x512xf32> -> vector<128x512xf32>
    %convert_element_type3A_51 = arith.truncf %concatenate3A : vector<128x512xf32> to vector<128x512xbf16>
    %swap3A = arith.constant 0 : index
    %swap3A_52 = arith.constant 0 : index
    %swap3A_53 = vector.load %arg6[%swap3A, %swap3A_52] : memref<128x512xbf16, #tpu.memory_space<vmem>>, vector<128x512xbf16>
    tpu.vector_store %arg6[%swap3A, %swap3A_52], %convert_element_type3A_51 {strides = array<i32>} : memref<128x512xbf16, #tpu.memory_space<vmem>>, vector<128x512xbf16>,
    return
  }
  func.func @transform_0(%arg0: i32, %arg1: i32) -> (i32, i32) {
    %c0_i32 = arith.constant 0 : i32
    return %arg1, %arg0 : i32, i32
  }
  func.func @transform_1(%arg0: i32, %arg1: i32) -> (i32, i32) {
    %c0_i32 = arith.constant 0 : i32
    %c0_i32_0 = arith.constant 0 : i32
    return %c0_i32, %arg0 : i32, i32
  }
  func.func @transform_2(%arg0: i32, %arg1: i32) -> (i32, i32) {
    %c0_i32 = arith.constant 0 : i32
    %c0_i32_0 = arith.constant 0 : i32
    return %arg0, %c0_i32 : i32, i32
  }
  func.func @transform_3(%arg0: i32, %arg1: i32) -> (i32, i32) {
    %c0_i32 = arith.constant 0 : i32
    %c0_i32_0 = arith.constant 0 : i32
    %c0_i32_1 = arith.constant 0 : i32
    return %c0_i32, %c0_i32_0 : i32, i32
  }
  func.func @transform_4(%arg0: i32, %arg1: i32) -> (i32, i32) {
    %c0_i32 = arith.constant 0 : i32
    return %arg0, %arg1 : i32, i32
  }
}

module attributes {stable_mosaic.version = 14 : i64} {
  func.func @_omoe_kernel(%arg0: i32, %arg1: memref<768x512xbf16, #tpu.memory_space<vmem>>, %arg2: memref<6x512xf32, #tpu.memory_space<vmem>>, %arg3: memref<6x768x768xbf16, #tpu.memory_space<vmem>>, %arg4: memref<768x96xbf16, #tpu.memory_space<vmem>>, %arg5: memref<96x768xbf16, #tpu.memory_space<vmem>>, %arg6: memref<6x96xf32, #tpu.memory_space<vmem>>, %arg7: memref<512x768xf32, #tpu.memory_space<vmem>>) attributes {dimension_semantics = [#tpu.dimension_semantics<arbitrary>], iteration_bounds = array<i64: 4>, scalar_prefetch = 0 : i64, scratch_operands = 0 : i64, tpu.core_type = #tpu.core_type<tc>, window_params = [{transform_indices = @transform_0, window_bounds = array<i64: 768, 512>}, {transform_indices = @transform_1, window_bounds = array<i64: 6, 512>}, {pipeline_mode = #tpu.pipeline_mode<synchronous>, transform_indices = @transform_2, window_bounds = array<i64: 6, 768, 768>}, {pipeline_mode = #tpu.pipeline_mode<synchronous>, transform_indices = @transform_3, window_bounds = array<i64: 768, 96>}, {pipeline_mode = #tpu.pipeline_mode<synchronous>, transform_indices = @transform_4, window_bounds = array<i64: 96, 768>}, {pipeline_mode = #tpu.pipeline_mode<synchronous>, transform_indices = @transform_5, window_bounds = array<i64: 6, 96>}, {transform_indices = @transform_6, window_bounds = array<i64: 512, 768>}]} {
    %get3A = arith.constant 0 : index
    %get3A_0 = arith.constant 0 : index
    %get3A_1 = vector.load %arg1[%get3A, %get3A_0] : memref<768x512xbf16, #tpu.memory_space<vmem>>, vector<768x512xbf16>
    %transpose3A = tpu.transpose %get3A_1, [1, 0] : vector<768x512xbf16> -> vector<512x768xbf16>
    %get3A_2 = arith.constant 0 : index
    %get3A_3 = arith.constant 0 : index
    %get3A_4 = vector.load %arg2[%get3A_2, %get3A_3] : memref<6x512xf32, #tpu.memory_space<vmem>>, vector<6x512xf32>
    %transpose3A_5 = tpu.transpose %get3A_4, [1, 0] : vector<6x512xf32> -> vector<512x6xf32>
    %get3A_6 = arith.constant 0 : index
    %get3A_7 = arith.constant 0 : index
    %get3A_8 = vector.load %arg4[%get3A_6, %get3A_7] : memref<768x96xbf16, #tpu.memory_space<vmem>>, vector<768x96xbf16>
    %dot_general3A = arith.constant dense<0.000000e+00> : vector<512x96xf32>
    %dot_general3A_9 = tpu.matmul %transpose3A, %get3A_8, %dot_general3A {dimension_numbers = #tpu.dot_dimension_numbers<[1], [0], [0], [1], [0, 0, 1, 1], [], []>, transpose_lhs_hint = false} : vector<512x768xbf16>, vector<768x96xbf16>, vector<512x96xf32> -> vector<512x96xf32>
    %get3A_10 = arith.constant 0 : index
    %get3A_11 = arith.constant 0 : index
    %get3A_12 = vector.load %arg6[%get3A_10, %get3A_11] : memref<6x96xf32, #tpu.memory_space<vmem>>, vector<6x96xf32>
    %dot_general3A_13 = arith.constant dense<0.000000e+00> : vector<512x96xf32>
    %dot_general3A_14 = tpu.matmul %transpose3A_5, %get3A_12, %dot_general3A_13 {dimension_numbers = #tpu.dot_dimension_numbers<[1], [0], [0], [1], [0, 0, 1, 1], [], []>, transpose_lhs_hint = false} : vector<512x6xf32>, vector<6x96xf32>, vector<512x96xf32> -> vector<512x96xf32>
    %mul3A = arith.mulf %dot_general3A_9, %dot_general3A_14 : vector<512x96xf32>
    %convert_element_type3A = arith.truncf %mul3A : vector<512x96xf32> to vector<512x96xbf16>
    %get3A_15 = arith.constant 0 : index
    %get3A_16 = arith.constant 0 : index
    %get3A_17 = vector.load %arg5[%get3A_15, %get3A_16] : memref<96x768xbf16, #tpu.memory_space<vmem>>, vector<96x768xbf16>
    %dot_general3A_18 = arith.constant dense<0.000000e+00> : vector<512x768xf32>
    %dot_general3A_19 = tpu.matmul %convert_element_type3A, %get3A_17, %dot_general3A_18 {dimension_numbers = #tpu.dot_dimension_numbers<[1], [0], [0], [1], [0, 0, 1, 1], [], []>, transpose_lhs_hint = false} : vector<512x96xbf16>, vector<96x768xbf16>, vector<512x768xf32> -> vector<512x768xf32>
    %mul3A_20 = arith.constant 8.000000e+00 : f32
    %mul3A_21 = vector.broadcast %mul3A_20 : f32 to vector<512x768xf32>
    %mul3A_22 = arith.mulf %mul3A_21, %dot_general3A_19 : vector<512x768xf32>
    %iota3A = tpu.iota {dimensions = array<i32: 1>} : vector<512x6xi32>
    %eq3A = arith.constant 0 : i32
    %eq3A_23 = vector.broadcast %eq3A : i32 to vector<512x6xi32>
    %eq3A_24 = arith.cmpi eq, %iota3A, %eq3A_23 : vector<512x6xi32>
    %jit3A = arith.constant 0.000000e+00 : f32
    %broadcast_in_dim3A = vector.broadcast %jit3A : f32 to vector<512x6xf32>
    %select_n3A = arith.select %eq3A_24, %transpose3A_5, %broadcast_in_dim3A : vector<512x6xi1>, vector<512x6xf32>
    %reduce_sum3A = arith.constant dense<0.000000e+00> : vector<512xf32>
    %reduce_sum3A_25 = vector.multi_reduction <add>, %select_n3A, %reduce_sum3A [1] : vector<512x6xf32> to vector<512xf32>
    %broadcast_in_dim3A_26 = vector.shape_cast %reduce_sum3A_25 : vector<512xf32> to vector<512x1xf32>
    %get3A_27 = arith.constant 0 : index
    %get3A_28 = arith.constant 0 : index
    %get3A_29 = arith.constant 0 : index
    %get3A_30 = vector.load %arg3[%get3A_27, %get3A_28, %get3A_29] : memref<6x768x768xbf16, #tpu.memory_space<vmem>>, vector<1x768x768xbf16>
    %get3A_31 = vector.shape_cast %get3A_30 : vector<1x768x768xbf16> to vector<768x768xbf16>
    %dot_general3A_32 = arith.constant dense<0.000000e+00> : vector<512x768xf32>
    %dot_general3A_33 = tpu.matmul %transpose3A, %get3A_31, %dot_general3A_32 {dimension_numbers = #tpu.dot_dimension_numbers<[1], [0], [0], [1], [0, 0, 1, 1], [], []>, transpose_lhs_hint = false} : vector<512x768xbf16>, vector<768x768xbf16>, vector<512x768xf32> -> vector<512x768xf32>
    %mul3A_34 = vector.broadcast %broadcast_in_dim3A_26 : vector<512x1xf32> to vector<512x768xf32>
    %mul3A_35 = arith.mulf %mul3A_34, %dot_general3A_33 : vector<512x768xf32>
    %add3A = arith.addf %mul3A_22, %mul3A_35 : vector<512x768xf32>
    %iota3A_36 = tpu.iota {dimensions = array<i32: 1>} : vector<512x6xi32>
    %eq3A_37 = arith.constant 1 : i32
    %eq3A_38 = vector.broadcast %eq3A_37 : i32 to vector<512x6xi32>
    %eq3A_39 = arith.cmpi eq, %iota3A_36, %eq3A_38 : vector<512x6xi32>
    %jit3A_40 = arith.constant 0.000000e+00 : f32
    %broadcast_in_dim3A_41 = vector.broadcast %jit3A_40 : f32 to vector<512x6xf32>
    %select_n3A_42 = arith.select %eq3A_39, %transpose3A_5, %broadcast_in_dim3A_41 : vector<512x6xi1>, vector<512x6xf32>
    %reduce_sum3A_43 = arith.constant dense<0.000000e+00> : vector<512xf32>
    %reduce_sum3A_44 = vector.multi_reduction <add>, %select_n3A_42, %reduce_sum3A_43 [1] : vector<512x6xf32> to vector<512xf32>
    %broadcast_in_dim3A_45 = vector.shape_cast %reduce_sum3A_44 : vector<512xf32> to vector<512x1xf32>
    %get3A_46 = arith.constant 1 : index
    %get3A_47 = arith.constant 0 : index
    %get3A_48 = arith.constant 0 : index
    %get3A_49 = vector.load %arg3[%get3A_46, %get3A_47, %get3A_48] : memref<6x768x768xbf16, #tpu.memory_space<vmem>>, vector<1x768x768xbf16>
    %get3A_50 = vector.shape_cast %get3A_49 : vector<1x768x768xbf16> to vector<768x768xbf16>
    %dot_general3A_51 = arith.constant dense<0.000000e+00> : vector<512x768xf32>
    %dot_general3A_52 = tpu.matmul %transpose3A, %get3A_50, %dot_general3A_51 {dimension_numbers = #tpu.dot_dimension_numbers<[1], [0], [0], [1], [0, 0, 1, 1], [], []>, transpose_lhs_hint = false} : vector<512x768xbf16>, vector<768x768xbf16>, vector<512x768xf32> -> vector<512x768xf32>
    %mul3A_53 = vector.broadcast %broadcast_in_dim3A_45 : vector<512x1xf32> to vector<512x768xf32>
    %mul3A_54 = arith.mulf %mul3A_53, %dot_general3A_52 : vector<512x768xf32>
    %add3A_55 = arith.addf %add3A, %mul3A_54 : vector<512x768xf32>
    %iota3A_56 = tpu.iota {dimensions = array<i32: 1>} : vector<512x6xi32>
    %eq3A_57 = arith.constant 2 : i32
    %eq3A_58 = vector.broadcast %eq3A_57 : i32 to vector<512x6xi32>
    %eq3A_59 = arith.cmpi eq, %iota3A_56, %eq3A_58 : vector<512x6xi32>
    %jit3A_60 = arith.constant 0.000000e+00 : f32
    %broadcast_in_dim3A_61 = vector.broadcast %jit3A_60 : f32 to vector<512x6xf32>
    %select_n3A_62 = arith.select %eq3A_59, %transpose3A_5, %broadcast_in_dim3A_61 : vector<512x6xi1>, vector<512x6xf32>
    %reduce_sum3A_63 = arith.constant dense<0.000000e+00> : vector<512xf32>
    %reduce_sum3A_64 = vector.multi_reduction <add>, %select_n3A_62, %reduce_sum3A_63 [1] : vector<512x6xf32> to vector<512xf32>
    %broadcast_in_dim3A_65 = vector.shape_cast %reduce_sum3A_64 : vector<512xf32> to vector<512x1xf32>
    %get3A_66 = arith.constant 2 : index
    %get3A_67 = arith.constant 0 : index
    %get3A_68 = arith.constant 0 : index
    %get3A_69 = vector.load %arg3[%get3A_66, %get3A_67, %get3A_68] : memref<6x768x768xbf16, #tpu.memory_space<vmem>>, vector<1x768x768xbf16>
    %get3A_70 = vector.shape_cast %get3A_69 : vector<1x768x768xbf16> to vector<768x768xbf16>
    %dot_general3A_71 = arith.constant dense<0.000000e+00> : vector<512x768xf32>
    %dot_general3A_72 = tpu.matmul %transpose3A, %get3A_70, %dot_general3A_71 {dimension_numbers = #tpu.dot_dimension_numbers<[1], [0], [0], [1], [0, 0, 1, 1], [], []>, transpose_lhs_hint = false} : vector<512x768xbf16>, vector<768x768xbf16>, vector<512x768xf32> -> vector<512x768xf32>
    %mul3A_73 = vector.broadcast %broadcast_in_dim3A_65 : vector<512x1xf32> to vector<512x768xf32>
    %mul3A_74 = arith.mulf %mul3A_73, %dot_general3A_72 : vector<512x768xf32>
    %add3A_75 = arith.addf %add3A_55, %mul3A_74 : vector<512x768xf32>
    %iota3A_76 = tpu.iota {dimensions = array<i32: 1>} : vector<512x6xi32>
    %eq3A_77 = arith.constant 3 : i32
    %eq3A_78 = vector.broadcast %eq3A_77 : i32 to vector<512x6xi32>
    %eq3A_79 = arith.cmpi eq, %iota3A_76, %eq3A_78 : vector<512x6xi32>
    %jit3A_80 = arith.constant 0.000000e+00 : f32
    %broadcast_in_dim3A_81 = vector.broadcast %jit3A_80 : f32 to vector<512x6xf32>
    %select_n3A_82 = arith.select %eq3A_79, %transpose3A_5, %broadcast_in_dim3A_81 : vector<512x6xi1>, vector<512x6xf32>
    %reduce_sum3A_83 = arith.constant dense<0.000000e+00> : vector<512xf32>
    %reduce_sum3A_84 = vector.multi_reduction <add>, %select_n3A_82, %reduce_sum3A_83 [1] : vector<512x6xf32> to vector<512xf32>
    %broadcast_in_dim3A_85 = vector.shape_cast %reduce_sum3A_84 : vector<512xf32> to vector<512x1xf32>
    %get3A_86 = arith.constant 3 : index
    %get3A_87 = arith.constant 0 : index
    %get3A_88 = arith.constant 0 : index
    %get3A_89 = vector.load %arg3[%get3A_86, %get3A_87, %get3A_88] : memref<6x768x768xbf16, #tpu.memory_space<vmem>>, vector<1x768x768xbf16>
    %get3A_90 = vector.shape_cast %get3A_89 : vector<1x768x768xbf16> to vector<768x768xbf16>
    %dot_general3A_91 = arith.constant dense<0.000000e+00> : vector<512x768xf32>
    %dot_general3A_92 = tpu.matmul %transpose3A, %get3A_90, %dot_general3A_91 {dimension_numbers = #tpu.dot_dimension_numbers<[1], [0], [0], [1], [0, 0, 1, 1], [], []>, transpose_lhs_hint = false} : vector<512x768xbf16>, vector<768x768xbf16>, vector<512x768xf32> -> vector<512x768xf32>
    %mul3A_93 = vector.broadcast %broadcast_in_dim3A_85 : vector<512x1xf32> to vector<512x768xf32>
    %mul3A_94 = arith.mulf %mul3A_93, %dot_general3A_92 : vector<512x768xf32>
    %add3A_95 = arith.addf %add3A_75, %mul3A_94 : vector<512x768xf32>
    %iota3A_96 = tpu.iota {dimensions = array<i32: 1>} : vector<512x6xi32>
    %eq3A_97 = arith.constant 4 : i32
    %eq3A_98 = vector.broadcast %eq3A_97 : i32 to vector<512x6xi32>
    %eq3A_99 = arith.cmpi eq, %iota3A_96, %eq3A_98 : vector<512x6xi32>
    %jit3A_100 = arith.constant 0.000000e+00 : f32
    %broadcast_in_dim3A_101 = vector.broadcast %jit3A_100 : f32 to vector<512x6xf32>
    %select_n3A_102 = arith.select %eq3A_99, %transpose3A_5, %broadcast_in_dim3A_101 : vector<512x6xi1>, vector<512x6xf32>
    %reduce_sum3A_103 = arith.constant dense<0.000000e+00> : vector<512xf32>
    %reduce_sum3A_104 = vector.multi_reduction <add>, %select_n3A_102, %reduce_sum3A_103 [1] : vector<512x6xf32> to vector<512xf32>
    %broadcast_in_dim3A_105 = vector.shape_cast %reduce_sum3A_104 : vector<512xf32> to vector<512x1xf32>
    %get3A_106 = arith.constant 4 : index
    %get3A_107 = arith.constant 0 : index
    %get3A_108 = arith.constant 0 : index
    %get3A_109 = vector.load %arg3[%get3A_106, %get3A_107, %get3A_108] : memref<6x768x768xbf16, #tpu.memory_space<vmem>>, vector<1x768x768xbf16>
    %get3A_110 = vector.shape_cast %get3A_109 : vector<1x768x768xbf16> to vector<768x768xbf16>
    %dot_general3A_111 = arith.constant dense<0.000000e+00> : vector<512x768xf32>
    %dot_general3A_112 = tpu.matmul %transpose3A, %get3A_110, %dot_general3A_111 {dimension_numbers = #tpu.dot_dimension_numbers<[1], [0], [0], [1], [0, 0, 1, 1], [], []>, transpose_lhs_hint = false} : vector<512x768xbf16>, vector<768x768xbf16>, vector<512x768xf32> -> vector<512x768xf32>
    %mul3A_113 = vector.broadcast %broadcast_in_dim3A_105 : vector<512x1xf32> to vector<512x768xf32>
    %mul3A_114 = arith.mulf %mul3A_113, %dot_general3A_112 : vector<512x768xf32>
    %add3A_115 = arith.addf %add3A_95, %mul3A_114 : vector<512x768xf32>
    %iota3A_116 = tpu.iota {dimensions = array<i32: 1>} : vector<512x6xi32>
    %eq3A_117 = arith.constant 5 : i32
    %eq3A_118 = vector.broadcast %eq3A_117 : i32 to vector<512x6xi32>
    %eq3A_119 = arith.cmpi eq, %iota3A_116, %eq3A_118 : vector<512x6xi32>
    %jit3A_120 = arith.constant 0.000000e+00 : f32
    %broadcast_in_dim3A_121 = vector.broadcast %jit3A_120 : f32 to vector<512x6xf32>
    %select_n3A_122 = arith.select %eq3A_119, %transpose3A_5, %broadcast_in_dim3A_121 : vector<512x6xi1>, vector<512x6xf32>
    %reduce_sum3A_123 = arith.constant dense<0.000000e+00> : vector<512xf32>
    %reduce_sum3A_124 = vector.multi_reduction <add>, %select_n3A_122, %reduce_sum3A_123 [1] : vector<512x6xf32> to vector<512xf32>
    %broadcast_in_dim3A_125 = vector.shape_cast %reduce_sum3A_124 : vector<512xf32> to vector<512x1xf32>
    %get3A_126 = arith.constant 5 : index
    %get3A_127 = arith.constant 0 : index
    %get3A_128 = arith.constant 0 : index
    %get3A_129 = vector.load %arg3[%get3A_126, %get3A_127, %get3A_128] : memref<6x768x768xbf16, #tpu.memory_space<vmem>>, vector<1x768x768xbf16>
    %get3A_130 = vector.shape_cast %get3A_129 : vector<1x768x768xbf16> to vector<768x768xbf16>
    %dot_general3A_131 = arith.constant dense<0.000000e+00> : vector<512x768xf32>
    %dot_general3A_132 = tpu.matmul %transpose3A, %get3A_130, %dot_general3A_131 {dimension_numbers = #tpu.dot_dimension_numbers<[1], [0], [0], [1], [0, 0, 1, 1], [], []>, transpose_lhs_hint = false} : vector<512x768xbf16>, vector<768x768xbf16>, vector<512x768xf32> -> vector<512x768xf32>
    %mul3A_133 = vector.broadcast %broadcast_in_dim3A_125 : vector<512x1xf32> to vector<512x768xf32>
    %mul3A_134 = arith.mulf %mul3A_133, %dot_general3A_132 : vector<512x768xf32>
    %add3A_135 = arith.addf %add3A_115, %mul3A_134 : vector<512x768xf32>
    %swap3A = arith.constant 0 : index
    %swap3A_136 = arith.constant 0 : index
    %swap3A_137 = vector.load %arg7[%swap3A, %swap3A_136] : memref<512x768xf32, #tpu.memory_space<vmem>>, vector<512x768xf32>
    tpu.vector_store %arg7[%swap3A, %swap3A_136], %add3A_135 {strides = array<i32>} : memref<512x768xf32, #tpu.memory_space<vmem>>, vector<512x768xf32>,
    return
  }
  func.func @transform_0(%arg0: i32) -> (i32, i32) {
    %c0_i32 = arith.constant 0 : i32
    %c0_i32_0 = arith.constant 0 : i32
    return %c0_i32, %arg0 : i32, i32
  }
  func.func @transform_1(%arg0: i32) -> (i32, i32) {
    %c0_i32 = arith.constant 0 : i32
    %c0_i32_0 = arith.constant 0 : i32
    return %c0_i32, %arg0 : i32, i32
  }
  func.func @transform_2(%arg0: i32) -> (i32, i32, i32) {
    %c0_i32 = arith.constant 0 : i32
    %c0_i32_0 = arith.constant 0 : i32
    %c0_i32_1 = arith.constant 0 : i32
    %c0_i32_2 = arith.constant 0 : i32
    return %c0_i32, %c0_i32_0, %c0_i32_1 : i32, i32, i32
  }
  func.func @transform_3(%arg0: i32) -> (i32, i32) {
    %c0_i32 = arith.constant 0 : i32
    %c0_i32_0 = arith.constant 0 : i32
    %c0_i32_1 = arith.constant 0 : i32
    return %c0_i32, %c0_i32_0 : i32, i32
  }
  func.func @transform_4(%arg0: i32) -> (i32, i32) {
    %c0_i32 = arith.constant 0 : i32
    %c0_i32_0 = arith.constant 0 : i32
    %c0_i32_1 = arith.constant 0 : i32
    return %c0_i32, %c0_i32_0 : i32, i32
  }
  func.func @transform_5(%arg0: i32) -> (i32, i32) {
    %c0_i32 = arith.constant 0 : i32
    %c0_i32_0 = arith.constant 0 : i32
    %c0_i32_1 = arith.constant 0 : i32
    return %c0_i32, %c0_i32_0 : i32, i32
  }
  func.func @transform_6(%arg0: i32) -> (i32, i32) {
    %c0_i32 = arith.constant 0 : i32
    %c0_i32_0 = arith.constant 0 : i32
    return %arg0, %c0_i32 : i32, i32
  }
}

</mosaic_0001>

<sc_bundles>
// kernel: kernel.6.cloned.1.call-start
scs
__scs_entry_jumppad:
0x0: {  	(pc) =	sbr.rel $0x88, $3  }
0x1: {  	(tag) =	ssettag $0x0;
	lr =	simm.s32 $0x1  }
0x2: {  	[smem:$0x3F91] =	sst lr;
	_ =	strace $0xD0000000  }
0x3: {  	_ = 	snop  }
0x4: {  	_ = 	snop  }
0x5: {  	_ = 	snop  }
0x6: {  	_ = 	snop  }
0x7: {  	_ = 	snop  }
__scs_overlays_trampoline_lowered:
0x8: {  	[smem:$0x3FA0] =	sst s0  }
0x9: {  	[smem:$0x3FA1] =	sst s1  }
0xa: {  	[smem:$0x3FA2] =	sst s2  }
0xb: {  	[smem:$0x3FA3] =	sst s3  }
0xc: {  	[smem:$0x3FA4] =	sst s4  }
0xd: {  	[smem:$0x3FA5] =	sst s5  }
0xe: {  	[smem:$0x3FA6] =	sst s6  }
0xf: {  	[smem:$0x3FA7] =	sst s7  }
0x10: {  	[smem:$0x3FA8] =	sst s8  }
0x11: {  	[smem:$0x3FA9] =	sst s9;
	s0 =	simm.s32 @!p0 $0x0  }
0x12: {  	s1 =	sld [smem:$0x3F8F];
	s0 =	simm.s32 @p0 $0x1  }
0x13: {  	[smem:$0x3FAA] =	sst s0;
	s0 =	simm.s32 @!p1 $0x0  }
0x14: {  	s2 =	sld [smem:$0x3F8E];
	s0 =	simm.s32 @p1 $0x1  }
0x15: {  	[smem:$0x3FAB] =	sst s0;
	s0 =	simm.s32 @!p2 $0x0  }
0x16: {  	s3 =	sld [smem:$0x3FDB];
	s0 =	simm.s32 @p2 $0x1  }
0x17: {  	s4 =	simm.s32 $0x1BF5;
	[smem:$0x3FAD] =	sst s0  }
0x18: {  	s0 =	sld [smem:$0x3F90];
	_ =	swait.ge [sflag:s4], $0x0  }
0x19: {  	s7 =	sld [smem:$0x3F91]  }
0x1a: {  	s8 =	sadd.s32 $0xFFFFE003, lr  }
0x1b: {  	s9 =	sadd.s32 $0xFFFFFEF7, lr;
	s5 =	simm.s32 $0xFFFFFFFF;
	p2 =	slt.u32 s8, $0xFFFFF086  }
0x1c: {  	p1 =	slt.u32 s9, $0xF7A;
	s5 =	simm.s32 @!p2 $0x0  }
0x1d: {  	s5 =	simm.s32 @p1 $0x1;
	p0 =	seq.s32 s7, s2  }
0x1e: {  	s7 =	smul.u32 @!p0 $0xF7A, s2;
	p2 =	seq.s32 @!p0 s5, $0x0  }
0x1f: {  	s9 =	smul.u32 $0xF7A, s1;
	s8 =	simm.s32 @!p0 $0x1BF5;
	p2 =	por !p2, p0  }
0x20: {  	[sflag:s8] =	ssyncset.s32 @!p0 $0xFFFFF086;
	s6 =	sadd.s32 @!p0 s3, s7;
	s7 =	simm.s32 @!p0 $0x108  }
0x21: {  	s3 =	sadd.s32 s3, s9;
	s6 =	sadd.s32 @!p0 $0x88, s6;
	s7 =	simm.s32 @p2 $0x1082  }
0x22: {  	[simem:s7], [sflag:s8] =	dma.local @!p0 [hbm:s6], $0xF7A  }
0x23: {  	s9 =	sor.u32 $0xD0000000, s2;
	s6 =	simm.s32 $0x108;
	_ =	swait.ge @!p0 [sflag:s8], $0x0  }
0x24: {  	s3 =	sadd.s32 $0x88, s3;
	s6 =	simm.s32 @!p1 $0x1082;
	[sflag:s4] =	ssyncset.s32 $0xFFFFF086  }
0x25: {  	[simem:s6], [sflag:s4] =	dma.local [hbm:s3], $0xF7A  }
0x26: {  	[smem:$0x3F91] =	sst s1;
	(tag) =	ssettag s2;
	_ =	strace s9  }
0x27: {  	s1 =	sld [smem:$0x3FA1]  }
0x28: {  	s2 =	sld [smem:$0x3FA2]  }
0x29: {  	s4 =	sld [smem:$0x3FA4]  }
0x2a: {  	p0 =	seq.s32 s5, $0x0;
	s5 =	sld [smem:$0x3FA5]  }
0x2b: {  	s6 =	sld [smem:$0x3FA6]  }
0x2c: {  	s7 =	sld [smem:$0x3FA7]  }
0x2d: {  	s3 =	simm.s32 $0x108;
	s8 =	sld [smem:$0x3FA8]  }
0x2e: {  	s3 =	simm.s32 @!p0 $0x1082;
	s9 =	sld [smem:$0x3FA9]  }
0x2f: {  	lr =	sadd.s32 s0, s3;
	s0 =	sld [smem:$0x3FA0]  }
0x30: {  	s3 =	sld [smem:$0x3FA3]  }
0x31: {  	[smem:$0x3FAC] =	sst s10  }
0x32: {  	s10 =	sld [smem:$0x3FAA];
	_ =	sdelay $0x3  }
0x33: {  	p0 =	seq.s32 s10, $0x1;
	s10 =	sld [smem:$0x3FAC];
	_ =	sdelay $0x3  }
0x34: {  	[smem:$0x3FAC] =	sst s10  }
0x35: {  	s10 =	sld [smem:$0x3FAB];
	_ =	sdelay $0x3  }
0x36: {  	p1 =	seq.s32 s10, $0x1;
	s10 =	sld [smem:$0x3FAC];
	_ =	sdelay $0x3  }
0x37: {  	[smem:$0x3FAC] =	sst s10  }
0x38: {  	s10 =	sld [smem:$0x3FAD]  }
0x39: {  	_ = 	snop;
	(pc) =	sbr.ind lr, $3  }
0x3a: {  	_ = 	snop  }
0x3b: {  	_ = 	snop  }
0x3c: {  	p2 =	seq.s32 s10, $0x1;
	s10 =	sld [smem:$0x3FAC]  }
0x3d: {  	_ =	shalt  }
0x3e: {  	_ =	shalt  }
0x3f: {  	_ =	shalt  }
0x40: {  	_ =	shalt  }
0x41: {  	_ =	shalt  }
0x42: {  	_ =	shalt  }
0x43: {  	_ =	shalt  }
0x44: {  	_ =	shalt  }
0x45: {  	_ =	shalt  }
0x46: {  	_ =	shalt  }
0x47: {  	_ =	shalt  }
0x48: {  	_ =	shalt  }
0x49: {  	_ =	shalt  }
0x4a: {  	_ =	shalt  }
0x4b: {  	_ =	shalt  }
0x4c: {  	_ =	shalt  }
0x4d: {  	_ =	shalt  }
0x4e: {  	_ =	shalt  }
0x4f: {  	_ =	shalt  }
0x50: {  	_ =	shalt  }
0x51: {  	_ =	shalt  }
0x52: {  	_ =	shalt  }
0x53: {  	_ =	shalt  }
0x54: {  	_ =	shalt  }
0x55: {  	_ =	shalt  }
0x56: {  	_ =	shalt  }
0x57: {  	_ =	shalt  }
0x58: {  	_ =	shalt  }
0x59: {  	_ =	shalt  }
0x5a: {  	_ =	shalt  }
0x5b: {  	_ =	shalt  }
0x5c: {  	_ =	shalt  }
0x5d: {  	_ =	shalt  }
0x5e: {  	_ =	shalt  }
0x5f: {  	_ =	shalt  }
0x60: {  	_ =	shalt  }
0x61: {  	_ =	shalt  }
0x62: {  	_ =	shalt  }
0x63: {  	_ =	shalt  }
0x64: {  	_ =	shalt  }
0x65: {  	_ =	shalt  }
0x66: {  	_ =	shalt  }
0x67: {  	_ =	shalt  }
0x68: {  	_ =	shalt  }
0x69: {  	_ =	shalt  }
0x6a: {  	_ =	shalt  }
0x6b: {  	_ =	shalt  }
0x6c: {  	_ =	shalt  }
0x6d: {  	_ =	shalt  }
0x6e: {  	_ =	shalt  }
0x6f: {  	_ =	shalt  }
0x70: {  	_ =	shalt  }
0x71: {  	_ =	shalt  }
0x72: {  	_ =	shalt  }
0x73: {  	_ =	shalt  }
0x74: {  	_ =	shalt  }
0x75: {  	_ =	shalt  }
0x76: {  	_ =	shalt  }
0x77: {  	_ =	shalt  }
0x78: {  	_ =	shalt  }
0x79: {  	_ =	shalt  }
0x7a: {  	_ =	shalt  }
0x7b: {  	_ =	shalt  }
0x7c: {  	_ =	shalt  }
0x7d: {  	_ =	shalt  }
0x7e: {  	_ =	shalt  }
0x7f: {  	_ =	shalt  }
0x80: {  	_ =	shalt  }
0x81: {  	_ =	shalt  }
0x82: {  	_ =	shalt  }
0x83: {  	_ =	shalt  }
0x84: {  	_ =	shalt  }
0x85: {  	_ =	shalt  }
0x86: {  	_ =	shalt  }
0x87: {  	_ =	shalt  }
.Lfunc_end0:
.L_simem_size_0:
called_computation_lowered:
.L_overlay_start_0:
0x88: {  	s2 =	sld [smem:$0x3FD9]  }
0x89: {  	s3 =	sld [smem:$0x3FFE];
	_ =	sdelay $0x1  }
0x8a: {  	s1 =	srdreg.scid  }
0x8b: {  	s0 =	sand.u32 $0x1, s1  }
0x8c: {  	s17 =	sshll.u32 s0, $0xA;
	s2 =	sadd.s32 s3, s2  }
0x8d: {  	s2 =	sadd.s32 s2, s17  }
0x8e: {  	[smem:$0x3FB8] =	sst s2  }
0x8f: {  	_ = 	snop  }
0x90: {  	s2 =	sld [smem:$0x3FD0];
	(tm) =	ssettm $0x1  }
0x91: {  	s18 =	sld [smem:$0x3FFB];
	_ =	sdelay $0x3  }
0x92: {  	_ =	strace s18  }
0x93: {  	s3 =	sld [smem:$0x3FFC];
	_ =	sdelay $0x3  }
0x94: {  	_ =	strace s3  }
0x95: {  	s3 =	sld [smem:$0x3FFD];
	_ =	sdelay $0x3  }
0x96: {  	_ =	strace s3  }
0x97: {  	_ =	strace $0x8FFFFFFF  }
0x98: {  	s19 =	sld [smem:$0x3FDB];
	_ =	sdelay $0x1  }
0x99: {  	s4 =	simm.s32 $_scs_section_size  }
0x9a: {  	s5 =	simm.s32 $_size__tile_overlayer_lowered;
	s6 =	simm.s32 $_tile_overlayer_lowered  }
0x9b: {  	s22 =	simm.s32 $0x1BFF;
	s21 =	sshll.u32 s6, $0x1;
	s3 =	sadd.s32 s4, s19  }
0x9c: {  	s7 =	simm.s32 $0x0;
	s20 =	sshll.u32 s5, $0x1;
	s5 =	sadd.s32 s21, s3  }
0x9d: {  	[timem:s7], [sflag:s22] =	dma.local [hbm:s5], s20  }
0x9e: {  	_ =	swait.ge [sflag:s22], s20  }
0x9f: {  	s4 =	ssub.s32 $0x0, s20;
	[sflag:s22] =	ssyncset.done $0x0  }
0xa0: {  	[sflag:s22] =	ssyncadd.s32 s4;
	_ =	sdelay $0x1  }
0xa1: {  	s23 =	simm.s32 $0x1B8B  }
0xa2: {  	_ =	swait.ge [sflag:s23], $0x1  }
0xa3: {  	[sflag:s23] =	ssyncset.done $0x0  }
0xa4: {  	s25 =	simm.s32 $0x1B8E;
	s24 =	sld [smem:$0x3FFE];
	[sflag:s23] =	ssyncadd.s32 $0xFFFFFFFF  }
0xa5: {  	s26 =	simm.s32 $execute0_lowered;
	[smem:$0x3FD2] =	sst s25  }
0xa6: {  	s5 =	sshll.u32 s26, $0x1;
	_ =	strace $0x80000046;
	[dreg:$0x1] =	wrdreg $0xFFFFFFFF  }
0xa7: {  	s28 =	simm.s32 $_size_execute0_lowered;
	s3 =	sadd.s32 s3, s5;
	[dreg:$0x0] =	wrdreg $0x0  }
0xa8: {  	s5 =	sshll.u32 s28, $0x1;
	[dreg:$0x2] =	wrdreg s3  }
0xa9: {  	[dreg:$0x3] =	wrdreg s5  }
0xaa: {  	[dreg:$0x4] =	wrdreg $0xC0  }
0xab: {  	_ =	task [dreg:s7], $0x5FFFF  }
0xac: {  	[dreg:$0x1] =	wrdreg $0xFFFFFFFF  }
0xad: {  	[dreg:$0x0] =	wrdreg $0x60  }
0xae: {  	[dreg:$0x2] =	wrdreg s2  }
0xaf: {  	[dreg:$0x3] =	wrdreg s24  }
0xb0: {  	[dreg:$0x4] =	wrdreg $0x9  }
0xb1: {  	_ =	task.clear_ibuf [dreg:s7], $0x5FFFF;
	_ =	strace $0x90000046  }
0xb2: {  	s29 =	simm.s32 $0x9;
	_ =	strace $0x80000048  }
0xb3: {  	_ =	swait.ge [sflag:s29], $0x1  }
0xb4: {  	[sflag:s29] =	ssyncadd.s32 $0xFFFFFFFF  }
0xb5: {  	_ =	strace $0x90000048  }
0xb6: {  	_ =	sfence  }
0xb7: {  	s30 =	sld [smem:$0x0];
	_ =	sdelay $0x2  }
0xb8: {  	s31 =	sshll.u32 s1, $0xD;
	s1 =	sshrl.u32 s1, $0x2  }
0xb9: {  	s3 =	sand.u32 $0x4000, s31;
	s1 =	sadd.s32 s1, s30  }
0xba: {  	s0 =	sor.u32 s3, s0;
	s1 =	sshll.u32 s1, $0x11  }
0xbb: {  	s0 =	sor.u32 s1, s0  }
0xbc: {  	s0 =	sadd.s32 $0x8F2B, s0  }
0xbd: {  	[sflag:s0] =	ssyncadd.remote.s32 $0x1  }
0xbe: {  	_ =	sfence.sel $0xFFFF  }
0xbf: {  	[dreg:$0x0] =	wrdreg $0xFFFFFFFF;
	(pc) =	sbr.abs _section_cstart, $3  }
0xc0: {  	[dreg:$0x1] =	wrdreg $0xFFFFFFFF  }
0xc1: {  	_ =	task.clear_ibuf [dreg:s7], $0x2FFFF;
	_ =	strace $0x9FFFFFFF  }
0xc2: {  	(tm) =	ssettm $0x7FFFFFFF  }
0xc3: {  	_ =	shalt  }
tec
execute0_lowered:
.L_overlay_start_1:
0x0: {  	(tag) =	ssettag $0x1  }
0x1: {  	s1 =	stileid.u32  }
0x2: {  	p0 =	sgt.u32 s1, $0x7  }
.Ltmp0:
0x3: {  	_ = 	snop;
	(pc) =	sbr.rel @p0 .LBB2_3-.Ltmp0, $4  }
0x4: {  	s4 =	rddreg [dreg:$0x0]  }
0x5: {  	s3 =	rddreg [dreg:$0x1];
	s2 =	simm.s32 $0x0  }
0x6: {  	[smem:$0x7FF] =	sst s2  }
0x7: {  	s0 =	rddreg [dreg:$0x2];
	_ =	strace $0x80000047  }
0x8: {  	s5 =	srdreg.scid  }
0x9: {  	s6 =	sshll.u32 s1, $0x8;
	s5 =	sand.u32 $0x1, s5  }
0xa: {  	s8 =	simm.s32 $0x1;
	s7 =	sshll.u32 s5, $0x7;
	s5 =	ssub.s32 $0x2, s5  }
0xb: {  	s6 =	sor.u32 s7, s6;
	s31 =	sshrl.u32 s5, $0x1;
	s7 =	simm.s32 $0x4000  }
0xc: {  	s3 =	sadd.s32 s6, s3;
	s5 =	ssub.s32 s5, s31;
	s4 =	sadd.s32 s4, s6  }
0xd: {  	s6 =	simm.s32 $0x400;
	s3 =	sadd.s32 $0x2E00, s3;
	s5 =	smax.u32 s5, $0x1  }
.LBB2_2:
0xe: {  	[tilespmem:s2], [sflag:$0x1] =	stream.strided.gather [hbm4b:s4+s6], $0x0, s7, s6, $0x38;
	[tilespmem:$0x800] =	vst v63  }
0xf: {  	_ = 	snop  }
0x10: {  	[tilespmem:s2], [sflag:$0x1] =	stream.linear.gather [hbm4b:s4+s2], $0x300, $0x38;
	[tilespmem:$0x800] =	vst v63  }
0x11: {  	_ =	swait.ge [sflag:s8], $0x300  }
0x12: {  	[sflag:s8] =	ssyncset.done $0x0  }
0x13: {  	[sflag:s8] =	ssyncadd.s32 $0xFFFFFD00  }
0x14: {  	v1 =	vld [tilespmem:$0x0];
	_ =	sdelay $0x4  }
0x15: {  	v1 =	vsub.f32 $0.0e+00, v1;
	_ =	sdelay $0x1  }
0x16: {  	v1 =	vmul.f32 $1.442695020e+00, v1;
	_ =	sdelay $0x1  }
0x17: {  	(erf) = vpow2.f32 v1;
	_ =	sdelay $0x3  }
0x18: {  	v21 =	vld [tilespmem:$0x80];
	_ =	sdelay $0x4  }
0x19: {  	v1 =	vsub.f32 $0.0e+00, v21;
	v2 =	vpop (erf)  }
0x1a: {  	v2 =	vadd.f32 $1.000000000e+00, v2  }
0x1b: {  	v1 =	vmul.f32 $1.442695020e+00, v1  }
0x1c: {  	(erf) = vrcp.f32 v2  }
0x1d: {  	(erf) = vpow2.f32 v1;
	_ =	sdelay $0x3  }
0x1e: {  	v22 =	vld [tilespmem:$0x100];
	_ =	sdelay $0x3  }
0x1f: {  	v23 =	vpop (erf)  }
0x20: {  	v2 =	vsub.f32 $0.0e+00, v22;
	v3 =	vpop (erf)  }
0x21: {  	v3 =	vadd.f32 $1.000000000e+00, v3  }
0x22: {  	v2 =	vmul.f32 $1.442695020e+00, v2  }
0x23: {  	(erf) = vrcp.f32 v3  }
0x24: {  	(erf) = vpow2.f32 v2;
	_ =	sdelay $0x3  }
0x25: {  	v24 =	vld [tilespmem:$0x180];
	_ =	sdelay $0x3  }
0x26: {  	v9 =	vpop (erf)  }
0x27: {  	v3 =	vsub.f32 $0.0e+00, v24;
	v4 =	vpop (erf)  }
0x28: {  	v4 =	vadd.f32 $1.000000000e+00, v4  }
0x29: {  	v3 =	vmul.f32 $1.442695020e+00, v3  }
0x2a: {  	(erf) = vrcp.f32 v4  }
0x2b: {  	(erf) = vpow2.f32 v3;
	_ =	sdelay $0x3  }
0x2c: {  	v25 =	vld [tilespmem:$0x200];
	_ =	sdelay $0x3  }
0x2d: {  	v3 =	vpop (erf)  }
0x2e: {  	v4 =	vsub.f32 $0.0e+00, v25;
	v5 =	vpop (erf)  }
0x2f: {  	v5 =	vadd.f32 $1.000000000e+00, v5  }
0x30: {  	v4 =	vmul.f32 $1.442695020e+00, v4  }
0x31: {  	(erf) = vrcp.f32 v5  }
0x32: {  	(erf) = vpow2.f32 v4;
	_ =	sdelay $0x3  }
0x33: {  	v26 =	vld [tilespmem:$0x280];
	_ =	sdelay $0x3  }
0x34: {  	v5 =	vpop (erf)  }
0x35: {  	v4 =	vsub.f32 $0.0e+00, v26;
	v6 =	vpop (erf)  }
0x36: {  	v6 =	vadd.f32 $1.000000000e+00, v6  }
0x37: {  	v4 =	vmul.f32 $1.442695020e+00, v4  }
0x38: {  	(erf) = vrcp.f32 v6  }
0x39: {  	(erf) = vpow2.f32 v4;
	_ =	sdelay $0x7  }
0x3a: {  	v8 =	vpop (erf)  }
0x3b: {  	v4 =	vpop (erf)  }
0x3c: {  	v4 =	vadd.f32 $1.000000000e+00, v4;
	_ =	sdelay $0x1  }
0x3d: {  	(erf) = vrcp.f32 v4;
	_ =	sdelay $0x5  }
0x3e: {  	v27 =	vmax.f32 v23, v9  }
0x3f: {  	v28 =	vmax.f32 v27, v3  }
0x40: {  	v6 =	vmax.f32 v28, v5  }
0x41: {  	v6 =	vmax.f32 v6, v8;
	v2 =	vpop (erf)  }
0x42: {  	v6 =	vmax.f32 v6, v2  }
0x43: {  	v0 =	vimm.s32 $0x6;
	vm0 =	veq.f32 v2, v6  }
0x44: {  	vm9 =	veq.f32 v8, v6;
	v7 =	vsel vm0, $0x5, v0  }
0x45: {  	vm10 =	veq.f32 v5, v6;
	vm11 =	veq.f32 v3, v6;
	v7 =	vsel vm9, $0x4, v7  }
0x46: {  	vm1 =	veq.f32 v9, v6;
	vm7 =	vne.f32 v23, v6;
	v7 =	vsel vm10, $0x3, v7  }
0x47: {  	vm12 =	vmand vm7, vm1;
	v7 =	vsel vm11, $0x2, v7  }
0x48: {  	v4 =	vsel vm12, v23, v27;
	v7 =	vsel vm1, $0x1, v7  }
0x49: {  	v4 =	vsel vm7, v4, v9;
	v10 =	vnsel vm7, $0x0, v7  }
0x4a: {  	v31 =	vmax.f32 v4, v3;
	vm13 =	veq.s32 v10, $0x2  }
0x4b: {  	v4 =	vsel vm13, v4, v31  }
0x4c: {  	vm14 =	veq.s32 v10, $0x3;
	v4 =	vmax.f32 v4, v5  }
0x4d: {  	v7 =	vsel vm14, v31, v4  }
0x4e: {  	vm15 =	veq.s32 v10, $0x4;
	v7 =	vmax.f32 v7, v8  }
0x4f: {  	v4 =	vsel vm15, v4, v7  }
0x50: {  	vm4 =	veq.s32 v10, $0x5;
	v4 =	vmax.f32 v4, v2  }
0x51: {  	v12 =	vsel vm4, v7, v4  }
0x52: {  	v4 =	vsub.f32 v12, v6;
	_ =	sdelay $0x1  }
0x53: {  	v4 =	vmul.f32 $1.442695020e+00, v4;
	_ =	sdelay $0x1  }
0x54: {  	(erf) = vpow2.f32 v4;
	_ =	sdelay $0x3  }
0x55: {  	v35 =	vld [tilespmem:$0x10];
	_ =	sdelay $0x4  }
0x56: {  	v4 =	vsub.f32 $0.0e+00, v35;
	v36 =	vpop (erf)  }
0x57: {  	v6 =	vadd.f32 $1.000000000e+00, v36  }
0x58: {  	v4 =	vmul.f32 $1.442695020e+00, v4  }
0x59: {  	(erf) = vrcp.f32 v6  }
0x5a: {  	(erf) = vpow2.f32 v4;
	_ =	sdelay $0x3  }
0x5b: {  	v37 =	vld [tilespmem:$0x90];
	_ =	sdelay $0x3  }
0x5c: {  	[tilespmem:$0x1FDD0] =	vst v9;
	v9 =	vpop (erf)  }
0x5d: {  	v6 =	vsub.f32 $0.0e+00, v37;
	v38 =	vpop (erf)  }
0x5e: {  	v7 =	vadd.f32 $1.000000000e+00, v38  }
0x5f: {  	v6 =	vmul.f32 $1.442695020e+00, v6  }
0x60: {  	(erf) = vrcp.f32 v7  }
0x61: {  	(erf) = vpow2.f32 v6;
	_ =	sdelay $0x3  }
0x62: {  	v39 =	vld [tilespmem:$0x110];
	_ =	sdelay $0x3  }
0x63: {  	v40 =	vpop (erf)  }
0x64: {  	v7 =	vsub.f32 $0.0e+00, v39;
	v11 =	vpop (erf)  }
0x65: {  	v11 =	vadd.f32 $1.000000000e+00, v11  }
0x66: {  	v7 =	vmul.f32 $1.442695020e+00, v7  }
0x67: {  	(erf) = vrcp.f32 v11  }
0x68: {  	(erf) = vpow2.f32 v7;
	_ =	sdelay $0x3  }
0x69: {  	v41 =	vld [tilespmem:$0x190];
	_ =	sdelay $0x3  }
0x6a: {  	v42 =	vpop (erf)  }
0x6b: {  	v11 =	vsub.f32 $0.0e+00, v41;
	v13 =	vpop (erf)  }
0x6c: {  	v13 =	vadd.f32 $1.000000000e+00, v13  }
0x6d: {  	v11 =	vmul.f32 $1.442695020e+00, v11  }
0x6e: {  	(erf) = vrcp.f32 v13  }
0x6f: {  	(erf) = vpow2.f32 v11;
	_ =	sdelay $0x3  }
0x70: {  	v43 =	vld [tilespmem:$0x210];
	_ =	sdelay $0x3  }
0x71: {  	v11 =	vpop (erf)  }
0x72: {  	v13 =	vsub.f32 $0.0e+00, v43;
	v14 =	vpop (erf)  }
0x73: {  	v14 =	vadd.f32 $1.000000000e+00, v14  }
0x74: {  	v13 =	vmul.f32 $1.442695020e+00, v13  }
0x75: {  	(erf) = vrcp.f32 v14  }
0x76: {  	(erf) = vpow2.f32 v13;
	_ =	sdelay $0x3  }
0x77: {  	v44 =	vld [tilespmem:$0x290];
	_ =	sdelay $0x3  }
0x78: {  	v15 =	vpop (erf)  }
0x79: {  	v13 =	vsub.f32 $0.0e+00, v44;
	v45 =	vpop (erf)  }
0x7a: {  	v14 =	vadd.f32 $1.000000000e+00, v45  }
0x7b: {  	v13 =	vmul.f32 $1.442695020e+00, v13  }
0x7c: {  	(erf) = vrcp.f32 v14  }
0x7d: {  	(erf) = vpow2.f32 v13;
	_ =	sdelay $0x7  }
0x7e: {  	v17 =	vpop (erf)  }
0x7f: {  	v13 =	vpop (erf)  }
0x80: {  	v13 =	vadd.f32 $1.000000000e+00, v13;
	_ =	sdelay $0x1  }
0x81: {  	(erf) = vrcp.f32 v13;
	_ =	sdelay $0x5  }
0x82: {  	v46 =	vmax.f32 v40, v42  }
0x83: {  	v47 =	vmax.f32 v46, v11  }
0x84: {  	v14 =	vmax.f32 v47, v15  }
0x85: {  	v14 =	vmax.f32 v14, v17;
	v19 =	vpop (erf)  }
0x86: {  	v14 =	vmax.f32 v14, v19  }
0x87: {  	v16 =	vimm.s32 $0x6;
	vm5 =	veq.f32 v19, v14  }
0x88: {  	vm6 =	veq.f32 v17, v14;
	v16 =	vsel vm5, $0x5, v16  }
0x89: {  	vm8 =	veq.f32 v15, v14;
	vm9 =	veq.f32 v11, v14;
	v16 =	vsel vm6, $0x4, v16  }
0x8a: {  	vm10 =	veq.f32 v42, v14;
	vm5 =	vne.f32 v40, v14;
	v16 =	vsel vm8, $0x3, v16  }
0x8b: {  	vm11 =	vmand vm5, vm10;
	v16 =	vsel vm9, $0x2, v16  }
0x8c: {  	v13 =	vsel vm11, v40, v46;
	v16 =	vsel vm10, $0x1, v16  }
0x8d: {  	v29 =	vimm.s32 $0x0;
	v13 =	vsel vm5, v13, v42;
	v18 =	vnsel vm5, $0x0, v16  }
0x8e: {  	v0 =	vsel vm12, $0xFFFFFFFF, v29;
	v50 =	vmax.f32 v13, v11;
	vm12 =	veq.s32 v18, $0x2  }
0x8f: {  	v30 =	vimm.s32 $0x0;
	v13 =	vsel vm12, v13, v50  }
0x90: {  	[tilespmem:$0x1FDF0] =	vst v0;
	v0 =	vsel vm13, $0xFFFFFFFF, v30;
	vm13 =	veq.s32 v18, $0x3;
	v13 =	vmax.f32 v13, v15  }
0x91: {  	v32 =	vimm.s32 $0x0;
	v16 =	vsel vm13, v50, v13  }
0x92: {  	[tilespmem:$0x1FE00] =	vst v0;
	v0 =	vsel vm14, $0xFFFFFFFF, v32;
	vm14 =	veq.s32 v18, $0x4;
	v16 =	vmax.f32 v16, v17  }
0x93: {  	v33 =	vimm.s32 $0x0;
	v13 =	vsel vm14, v13, v16  }
0x94: {  	[tilespmem:$0x1FE10] =	vst v0;
	v0 =	vsel vm15, $0xFFFFFFFF, v33;
	vm15 =	veq.s32 v18, $0x5;
	v13 =	vmax.f32 v13, v19  }
0x95: {  	v22 =	vsel vm15, v16, v13  }
0x96: {  	v13 =	vsub.f32 v22, v14;
	_ =	sdelay $0x1  }
0x97: {  	v13 =	vmul.f32 $1.442695020e+00, v13;
	_ =	sdelay $0x1  }
0x98: {  	(erf) = vpow2.f32 v13;
	_ =	sdelay $0x3  }
0x99: {  	v54 =	vld [tilespmem:$0x20];
	_ =	sdelay $0x4  }
0x9a: {  	v13 =	vsub.f32 $0.0e+00, v54;
	v55 =	vpop (erf)  }
0x9b: {  	v14 =	vadd.f32 $1.000000000e+00, v55  }
0x9c: {  	v13 =	vmul.f32 $1.442695020e+00, v13  }
0x9d: {  	(erf) = vrcp.f32 v14  }
0x9e: {  	(erf) = vpow2.f32 v13;
	_ =	sdelay $0x3  }
0x9f: {  	v56 =	vld [tilespmem:$0xA0];
	_ =	sdelay $0x3  }
0xa0: {  	v13 =	vpop (erf)  }
0xa1: {  	v14 =	vsub.f32 $0.0e+00, v56;
	v57 =	vpop (erf)  }
0xa2: {  	v16 =	vadd.f32 $1.000000000e+00, v57  }
0xa3: {  	v14 =	vmul.f32 $1.442695020e+00, v14  }
0xa4: {  	(erf) = vrcp.f32 v16  }
0xa5: {  	(erf) = vpow2.f32 v14;
	_ =	sdelay $0x3  }
0xa6: {  	v58 =	vld [tilespmem:$0x120];
	_ =	sdelay $0x3  }
0xa7: {  	v14 =	vpop (erf)  }
0xa8: {  	v16 =	vsub.f32 $0.0e+00, v58;
	v20 =	vpop (erf)  }
0xa9: {  	v20 =	vadd.f32 $1.000000000e+00, v20  }
0xaa: {  	v16 =	vmul.f32 $1.442695020e+00, v16  }
0xab: {  	(erf) = vrcp.f32 v20  }
0xac: {  	(erf) = vpow2.f32 v16;
	_ =	sdelay $0x3  }
0xad: {  	v59 =	vld [tilespmem:$0x1A0];
	_ =	sdelay $0x3  }
0xae: {  	v16 =	vpop (erf)  }
0xaf: {  	v20 =	vsub.f32 $0.0e+00, v59;
	v21 =	vpop (erf)  }
0xb0: {  	v21 =	vadd.f32 $1.000000000e+00, v21  }
0xb1: {  	v20 =	vmul.f32 $1.442695020e+00, v20  }
0xb2: {  	(erf) = vrcp.f32 v21  }
0xb3: {  	(erf) = vpow2.f32 v20;
	_ =	sdelay $0x3  }
0xb4: {  	v60 =	vld [tilespmem:$0x220];
	_ =	sdelay $0x3  }
0xb5: {  	v7 =	vpop (erf)  }
0xb6: {  	[tilespmem:$0x1FDE0] =	vst v23;
	v21 =	vsub.f32 $0.0e+00, v60;
	v23 =	vpop (erf)  }
0xb7: {  	v23 =	vadd.f32 $1.000000000e+00, v23  }
0xb8: {  	v21 =	vmul.f32 $1.442695020e+00, v21  }
0xb9: {  	(erf) = vrcp.f32 v23  }
0xba: {  	(erf) = vpow2.f32 v21;
	_ =	sdelay $0x3  }
0xbb: {  	v61 =	vld [tilespmem:$0x2A0];
	_ =	sdelay $0x3  }
0xbc: {  	v24 =	vpop (erf)  }
0xbd: {  	v21 =	vsub.f32 $0.0e+00, v61;
	v62 =	vpop (erf)  }
0xbe: {  	v23 =	vadd.f32 $1.000000000e+00, v62  }
0xbf: {  	v21 =	vmul.f32 $1.442695020e+00, v21  }
0xc0: {  	(erf) = vrcp.f32 v23  }
0xc1: {  	(erf) = vpow2.f32 v21;
	_ =	sdelay $0x7  }
0xc2: {  	v26 =	vpop (erf)  }
0xc3: {  	v21 =	vpop (erf)  }
0xc4: {  	v21 =	vadd.f32 $1.000000000e+00, v21;
	_ =	sdelay $0x1  }
0xc5: {  	(erf) = vrcp.f32 v21;
	_ =	sdelay $0x4  }
0xc6: {  	v48 =	vimm.s32 $0x0  }
0xc7: {  	v4 =	vsel vm11, $0xFFFFFFFF, v48;
	v63 =	vmax.f32 v14, v16  }
0xc8: {  	[tilespmem:$0x1FE50] =	vst v4;
	v4 =	vmax.f32 v63, v7  }
0xc9: {  	v34 =	vimm.s32 $0x0;
	v23 =	vmax.f32 v4, v24  }
0xca: {  	v49 =	vimm.s32 $0x0;
	v51 =	vimm.s32 $0x0;
	v23 =	vmax.f32 v23, v26;
	v28 =	vpop (erf)  }
0xcb: {  	v52 =	vimm.s32 $0x0;
	[tilespmem:$0x1FE20] =	vst v0;
	v0 =	vsel vm4, $0xFFFFFFFF, v34;
	v23 =	vmax.f32 v23, v28  }
0xcc: {  	[tilespmem:$0x1FE60] =	vst v0;
	v6 =	vimm.s32 $0x6;
	v0 =	vsel vm12, $0xFFFFFFFF, v49;
	vm4 =	veq.f32 v28, v23  }
0xcd: {  	[tilespmem:$0x1FE70] =	vst v0;
	v0 =	vsel vm13, $0xFFFFFFFF, v51;
	vm6 =	veq.f32 v26, v23;
	v25 =	vsel vm4, $0x5, v6  }
0xce: {  	vm8 =	veq.f32 v24, v23;
	vm9 =	veq.f32 v7, v23;
	v25 =	vsel vm6, $0x4, v25  }
0xcf: {  	vm10 =	veq.f32 v16, v23;
	vm4 =	vne.f32 v14, v23;
	v25 =	vsel vm8, $0x3, v25  }
0xd0: {  	[tilespmem:$0x1FE80] =	vst v0;
	v0 =	vsel vm14, $0xFFFFFFFF, v52;
	vm14 =	vmand vm4, vm10;
	v25 =	vsel vm9, $0x2, v25  }
0xd1: {  	v21 =	vsel vm14, v14, v63;
	v25 =	vsel vm10, $0x1, v25  }
0xd2: {  	v21 =	vsel vm4, v21, v16;
	v27 =	vnsel vm4, $0x0, v25  }
0xd3: {  	v38 =	vmax.f32 v21, v7;
	vm11 =	veq.s32 v27, $0x2  }
0xd4: {  	v21 =	vsel vm11, v21, v38  }
0xd5: {  	vm12 =	veq.s32 v27, $0x3;
	v21 =	vmax.f32 v21, v24  }
0xd6: {  	v25 =	vsel vm12, v38, v21  }
0xd7: {  	vm13 =	veq.s32 v27, $0x4;
	v25 =	vmax.f32 v25, v26  }
0xd8: {  	v53 =	vimm.s32 $0x0;
	v21 =	vsel vm13, v21, v25  }
0xd9: {  	[tilespmem:$0x1FE90] =	vst v0;
	v0 =	vsel vm15, $0xFFFFFFFF, v53;
	vm15 =	veq.s32 v27, $0x5;
	v21 =	vmax.f32 v21, v28  }
0xda: {  	v30 =	vsel vm15, v25, v21  }
0xdb: {  	v21 =	vsub.f32 v30, v23;
	_ =	sdelay $0x1  }
0xdc: {  	v21 =	vmul.f32 $1.442695020e+00, v21;
	_ =	sdelay $0x1  }
0xdd: {  	(erf) = vpow2.f32 v21;
	_ =	sdelay $0x3  }
0xde: {  	[tilespmem:$0x1FE30] =	vst v42;
	v42 =	vld [tilespmem:$0x30];
	_ =	sdelay $0x4  }
0xdf: {  	v21 =	vsub.f32 $0.0e+00, v42;
	v43 =	vpop (erf)  }
0xe0: {  	v23 =	vadd.f32 $1.000000000e+00, v43  }
0xe1: {  	v21 =	vmul.f32 $1.442695020e+00, v21  }
0xe2: {  	(erf) = vrcp.f32 v23  }
0xe3: {  	(erf) = vpow2.f32 v21;
	_ =	sdelay $0x3  }
0xe4: {  	v44 =	vld [tilespmem:$0xB0];
	_ =	sdelay $0x3  }
0xe5: {  	v21 =	vpop (erf)  }
0xe6: {  	v23 =	vsub.f32 $0.0e+00, v44;
	v45 =	vpop (erf)  }
0xe7: {  	v25 =	vadd.f32 $1.000000000e+00, v45  }
0xe8: {  	v23 =	vmul.f32 $1.442695020e+00, v23  }
0xe9: {  	(erf) = vrcp.f32 v25  }
0xea: {  	(erf) = vpow2.f32 v23;
	_ =	sdelay $0x3  }
0xeb: {  	v46 =	vld [tilespmem:$0x130];
	_ =	sdelay $0x3  }
0xec: {  	v23 =	vpop (erf)  }
0xed: {  	v25 =	vsub.f32 $0.0e+00, v46;
	v29 =	vpop (erf)  }
0xee: {  	v29 =	vadd.f32 $1.000000000e+00, v29  }
0xef: {  	v25 =	vmul.f32 $1.442695020e+00, v25  }
0xf0: {  	(erf) = vrcp.f32 v29  }
0xf1: {  	(erf) = vpow2.f32 v25;
	_ =	sdelay $0x3  }
0xf2: {  	v47 =	vld [tilespmem:$0x1B0];
	_ =	sdelay $0x3  }
0xf3: {  	v25 =	vpop (erf)  }
0xf4: {  	v29 =	vsub.f32 $0.0e+00, v47;
	v31 =	vpop (erf)  }
0xf5: {  	v31 =	vadd.f32 $1.000000000e+00, v31  }
0xf6: {  	v29 =	vmul.f32 $1.442695020e+00, v29  }
0xf7: {  	(erf) = vrcp.f32 v31  }
0xf8: {  	(erf) = vpow2.f32 v29;
	_ =	sdelay $0x3  }
0xf9: {  	v48 =	vld [tilespmem:$0x230];
	_ =	sdelay $0x3  }
0xfa: {  	v29 =	vpop (erf)  }
0xfb: {  	v31 =	vsub.f32 $0.0e+00, v48;
	v32 =	vpop (erf)  }
0xfc: {  	v32 =	vadd.f32 $1.000000000e+00, v32  }
0xfd: {  	v31 =	vmul.f32 $1.442695020e+00, v31  }
0xfe: {  	(erf) = vrcp.f32 v32  }
0xff: {  	(erf) = vpow2.f32 v31;
	_ =	sdelay $0x3  }
0x100: {  	v49 =	vld [tilespmem:$0x2B0];
	_ =	sdelay $0x3  }
0x101: {  	v32 =	vpop (erf)  }
0x102: {  	v31 =	vsub.f32 $0.0e+00, v49;
	v33 =	vpop (erf)  }
0x103: {  	v33 =	vadd.f32 $1.000000000e+00, v33  }
0x104: {  	v31 =	vmul.f32 $1.442695020e+00, v31  }
0x105: {  	(erf) = vrcp.f32 v33  }
0x106: {  	(erf) = vpow2.f32 v31;
	_ =	sdelay $0x7  }
0x107: {  	v36 =	vpop (erf)  }
0x108: {  	v31 =	vpop (erf)  }
0x109: {  	v31 =	vadd.f32 $1.000000000e+00, v31;
	_ =	sdelay $0x1  }
0x10a: {  	(erf) = vrcp.f32 v31;
	_ =	sdelay $0x5  }
0x10b: {  	v39 =	vimm.s32 $0x0;
	v50 =	vmax.f32 v23, v25  }
0x10c: {  	v37 =	vimm.s32 $0x0;
	v51 =	vmax.f32 v50, v29  }
0x10d: {  	v1 =	vsel vm11, $0xFFFFFFFF, v37;
	v33 =	vmax.f32 v51, v32  }
0x10e: {  	[tilespmem:$0x1FEB0] =	vst v1;
	v1 =	vsel vm12, $0xFFFFFFFF, v39;
	v33 =	vmax.f32 v33, v36;
	v39 =	vpop (erf)  }
0x10f: {  	v33 =	vmax.f32 v33, v39  }
0x110: {  	vm6 =	veq.f32 v39, v33  }
0x111: {  	[tilespmem:$0x1FE40] =	vst v40;
	v40 =	vimm.s32 $0x0;
	vm8 =	veq.f32 v36, v33;
	v34 =	vsel vm6, $0x5, v6  }
0x112: {  	vm9 =	veq.f32 v32, v33;
	vm10 =	veq.f32 v29, v33;
	v34 =	vsel vm8, $0x4, v34  }
0x113: {  	vm11 =	veq.f32 v25, v33;
	vm3 =	vne.f32 v23, v33;
	v34 =	vsel vm9, $0x3, v34  }
0x114: {  	[tilespmem:$0x1FEC0] =	vst v1;
	v1 =	vsel vm13, $0xFFFFFFFF, v40;
	vm13 =	vmand vm3, vm11;
	v34 =	vsel vm10, $0x2, v34  }
0x115: {  	v31 =	vsel vm13, v23, v50;
	v34 =	vsel vm11, $0x1, v34  }
0x116: {  	v41 =	vimm.s32 $0x0;
	v31 =	vsel vm3, v31, v25;
	v38 =	vnsel vm3, $0x0, v34  }
0x117: {  	[tilespmem:$0x1FED0] =	vst v1;
	v1 =	vsel vm15, $0xFFFFFFFF, v41;
	v52 =	vmax.f32 v31, v29;
	vm15 =	veq.s32 v38, $0x2  }
0x118: {  	v31 =	vsel vm15, v31, v52  }
0x119: {  	vm6 =	veq.s32 v38, $0x3;
	v31 =	vmax.f32 v31, v32  }
0x11a: {  	v34 =	vsel vm6, v52, v31  }
0x11b: {  	vm8 =	veq.s32 v38, $0x4;
	v34 =	vmax.f32 v34, v36  }
0x11c: {  	v31 =	vsel vm8, v31, v34  }
0x11d: {  	vm9 =	veq.s32 v38, $0x5;
	v31 =	vmax.f32 v31, v39  }
0x11e: {  	v42 =	vsel vm9, v34, v31  }
0x11f: {  	v31 =	vsub.f32 v42, v33;
	_ =	sdelay $0x1  }
0x120: {  	v31 =	vmul.f32 $1.442695020e+00, v31;
	_ =	sdelay $0x1  }
0x121: {  	(erf) = vpow2.f32 v31;
	_ =	sdelay $0x3  }
0x122: {  	v57 =	vld [tilespmem:$0x40];
	_ =	sdelay $0x4  }
0x123: {  	v31 =	vsub.f32 $0.0e+00, v57;
	v58 =	vpop (erf)  }
0x124: {  	v33 =	vadd.f32 $1.000000000e+00, v58  }
0x125: {  	v31 =	vmul.f32 $1.442695020e+00, v31  }
0x126: {  	(erf) = vrcp.f32 v33  }
0x127: {  	(erf) = vpow2.f32 v31;
	_ =	sdelay $0x3  }
0x128: {  	v59 =	vld [tilespmem:$0xC0];
	_ =	sdelay $0x3  }
0x129: {  	v31 =	vpop (erf)  }
0x12a: {  	v33 =	vsub.f32 $0.0e+00, v59;
	v60 =	vpop (erf)  }
0x12b: {  	v34 =	vadd.f32 $1.000000000e+00, v60  }
0x12c: {  	v33 =	vmul.f32 $1.442695020e+00, v33  }
0x12d: {  	(erf) = vrcp.f32 v34  }
0x12e: {  	(erf) = vpow2.f32 v33;
	_ =	sdelay $0x3  }
0x12f: {  	v61 =	vld [tilespmem:$0x140];
	_ =	sdelay $0x3  }
0x130: {  	v33 =	vpop (erf)  }
0x131: {  	v34 =	vsub.f32 $0.0e+00, v61;
	v35 =	vpop (erf)  }
0x132: {  	v35 =	vadd.f32 $1.000000000e+00, v35  }
0x133: {  	v34 =	vmul.f32 $1.442695020e+00, v34  }
0x134: {  	(erf) = vrcp.f32 v35  }
0x135: {  	(erf) = vpow2.f32 v34;
	_ =	sdelay $0x3  }
0x136: {  	v62 =	vld [tilespmem:$0x1C0];
	_ =	sdelay $0x3  }
0x137: {  	v35 =	vpop (erf)  }
0x138: {  	v34 =	vsub.f32 $0.0e+00, v62;
	v37 =	vpop (erf)  }
0x139: {  	v37 =	vadd.f32 $1.000000000e+00, v37  }
0x13a: {  	v34 =	vmul.f32 $1.442695020e+00, v34  }
0x13b: {  	(erf) = vrcp.f32 v37  }
0x13c: {  	(erf) = vpow2.f32 v34;
	_ =	sdelay $0x1  }
0x13d: {  	v53 =	vimm.s32 $0x0  }
0x13e: {  	[tilespmem:$0x1FEA0] =	vst v0;
	v54 =	vimm.s32 $0x0;
	v0 =	vsel vm15, $0xFFFFFFFF, v53  }
0x13f: {  	v55 =	vimm.s32 $0x0;
	v63 =	vld [tilespmem:$0x240];
	[tilespmem:$0x1FEF0] =	vst v0;
	v0 =	vsel vm6, $0xFFFFFFFF, v54  }
0x140: {  	v56 =	vimm.s32 $0x0;
	[tilespmem:$0x1FF00] =	vst v0;
	v0 =	vsel vm8, $0xFFFFFFFF, v55  }
0x141: {  	[tilespmem:$0x1FF10] =	vst v0;
	v0 =	vsel vm9, $0xFFFFFFFF, v56;
	_ =	sdelay $0x1  }
0x142: {  	v41 =	vpop (erf)  }
0x143: {  	[tilespmem:$0x1FF20] =	vst v0;
	v34 =	vsub.f32 $0.0e+00, v63;
	v0 =	vpop (erf)  }
0x144: {  	v37 =	vadd.f32 $1.000000000e+00, v0  }
0x145: {  	v34 =	vmul.f32 $1.442695020e+00, v34  }
0x146: {  	(erf) = vrcp.f32 v37  }
0x147: {  	(erf) = vpow2.f32 v34;
	_ =	sdelay $0x3  }
0x148: {  	[tilespmem:$0x1FEE0] =	vst v1;
	v1 =	vld [tilespmem:$0x2C0];
	_ =	sdelay $0x3  }
0x149: {  	v44 =	vpop (erf)  }
0x14a: {  	v34 =	vsub.f32 $0.0e+00, v1;
	v6 =	vpop (erf)  }
0x14b: {  	v37 =	vadd.f32 $1.000000000e+00, v6  }
0x14c: {  	v34 =	vmul.f32 $1.442695020e+00, v34  }
0x14d: {  	(erf) = vrcp.f32 v37  }
0x14e: {  	(erf) = vpow2.f32 v34;
	_ =	sdelay $0x7  }
0x14f: {  	v49 =	vpop (erf)  }
0x150: {  	v34 =	vpop (erf)  }
0x151: {  	v34 =	vadd.f32 $1.000000000e+00, v34;
	_ =	sdelay $0x1  }
0x152: {  	(erf) = vrcp.f32 v34;
	_ =	sdelay $0x5  }
0x153: {  	v20 =	vmax.f32 v33, v35  }
0x154: {  	v43 =	vmax.f32 v20, v41  }
0x155: {  	v37 =	vmax.f32 v43, v44  }
0x156: {  	v37 =	vmax.f32 v37, v49;
	v53 =	vpop (erf)  }
0x157: {  	v37 =	vmax.f32 v37, v53  }
0x158: {  	v4 =	vimm.s32 $0x6;
	vm10 =	veq.f32 v53, v37  }
0x159: {  	vm11 =	veq.f32 v49, v37;
	v40 =	vsel vm10, $0x5, v4  }
0x15a: {  	vm12 =	veq.f32 v44, v37;
	vm15 =	veq.f32 v41, v37;
	v40 =	vsel vm11, $0x4, v40  }
0x15b: {  	vm6 =	veq.f32 v35, v37;
	vm2 =	vne.f32 v33, v37;
	v40 =	vsel vm12, $0x3, v40  }
0x15c: {  	vm9 =	vmand vm2, vm6;
	v40 =	vsel vm15, $0x2, v40  }
0x15d: {  	v34 =	vsel vm9, v33, v20;
	v40 =	vsel vm6, $0x1, v40  }
0x15e: {  	v34 =	vsel vm2, v34, v35;
	v51 =	vnsel vm2, $0x0, v40  }
0x15f: {  	v45 =	vmax.f32 v34, v41;
	vm12 =	veq.s32 v51, $0x2  }
0x160: {  	v34 =	vsel vm12, v34, v45  }
0x161: {  	vm15 =	veq.s32 v51, $0x3;
	v34 =	vmax.f32 v34, v44  }
0x162: {  	v40 =	vsel vm15, v45, v34  }
0x163: {  	vm6 =	veq.s32 v51, $0x4;
	v40 =	vmax.f32 v40, v49  }
0x164: {  	v34 =	vsel vm6, v34, v40  }
0x165: {  	vm8 =	veq.s32 v51, $0x5;
	v34 =	vmax.f32 v34, v53  }
0x166: {  	v54 =	vsel vm8, v40, v34  }
0x167: {  	v34 =	vsub.f32 v54, v37;
	_ =	sdelay $0x1  }
0x168: {  	v34 =	vmul.f32 $1.442695020e+00, v34;
	_ =	sdelay $0x1  }
0x169: {  	(erf) = vpow2.f32 v34;
	_ =	sdelay $0x3  }
0x16a: {  	v52 =	vld [tilespmem:$0x50];
	_ =	sdelay $0x4  }
0x16b: {  	v34 =	vsub.f32 $0.0e+00, v52;
	v55 =	vpop (erf)  }
0x16c: {  	v37 =	vadd.f32 $1.000000000e+00, v55  }
0x16d: {  	v34 =	vmul.f32 $1.442695020e+00, v34  }
0x16e: {  	(erf) = vrcp.f32 v37  }
0x16f: {  	(erf) = vpow2.f32 v34;
	_ =	sdelay $0x3  }
0x170: {  	v56 =	vld [tilespmem:$0xD0]  }
0x171: {  	v47 =	vimm.s32 $0x0  }
0x172: {  	v46 =	vimm.s32 $0x0  }
0x173: {  	v0 =	vsel vm12, $0xFFFFFFFF, v46  }
0x174: {  	[tilespmem:$0x1FF30] =	vst v0;
	v0 =	vsel vm15, $0xFFFFFFFF, v47;
	v47 =	vpop (erf)  }
0x175: {  	v34 =	vsub.f32 $0.0e+00, v56;
	v57 =	vpop (erf)  }
0x176: {  	v37 =	vadd.f32 $1.000000000e+00, v57  }
0x177: {  	v34 =	vmul.f32 $1.442695020e+00, v34  }
0x178: {  	(erf) = vrcp.f32 v37  }
0x179: {  	(erf) = vpow2.f32 v34;
	_ =	sdelay $0x3  }
0x17a: {  	v58 =	vld [tilespmem:$0x150];
	_ =	sdelay $0x3  }
0x17b: {  	v34 =	vpop (erf)  }
0x17c: {  	v37 =	vsub.f32 $0.0e+00, v58;
	v59 =	vpop (erf)  }
0x17d: {  	v40 =	vadd.f32 $1.000000000e+00, v59  }
0x17e: {  	v37 =	vmul.f32 $1.442695020e+00, v37  }
0x17f: {  	(erf) = vrcp.f32 v40  }
0x180: {  	(erf) = vpow2.f32 v37;
	_ =	sdelay $0x3  }
0x181: {  	v60 =	vld [tilespmem:$0x1D0];
	_ =	sdelay $0x3  }
0x182: {  	v37 =	vpop (erf)  }
0x183: {  	v40 =	vsub.f32 $0.0e+00, v60;
	v43 =	vpop (erf)  }
0x184: {  	v43 =	vadd.f32 $1.000000000e+00, v43  }
0x185: {  	v40 =	vmul.f32 $1.442695020e+00, v40  }
0x186: {  	(erf) = vrcp.f32 v43  }
0x187: {  	(erf) = vpow2.f32 v40;
	_ =	sdelay $0x3  }
0x188: {  	v61 =	vld [tilespmem:$0x250];
	_ =	sdelay $0x3  }
0x189: {  	v43 =	vpop (erf)  }
0x18a: {  	v40 =	vsub.f32 $0.0e+00, v61;
	v45 =	vpop (erf)  }
0x18b: {  	v45 =	vadd.f32 $1.000000000e+00, v45  }
0x18c: {  	v40 =	vmul.f32 $1.442695020e+00, v40  }
0x18d: {  	(erf) = vrcp.f32 v45  }
0x18e: {  	(erf) = vpow2.f32 v40;
	_ =	sdelay $0x3  }
0x18f: {  	v62 =	vld [tilespmem:$0x2D0]  }
0x190: {  	v50 =	vimm.s32 $0x0  }
0x191: {  	v48 =	vimm.s32 $0x0  }
0x192: {  	[tilespmem:$0x1FF40] =	vst v0;
	v0 =	vsel vm6, $0xFFFFFFFF, v48  }
0x193: {  	[tilespmem:$0x1FF50] =	vst v0;
	v0 =	vsel vm8, $0xFFFFFFFF, v50;
	v50 =	vpop (erf)  }
0x194: {  	v40 =	vsub.f32 $0.0e+00, v62;
	v63 =	vpop (erf)  }
0x195: {  	v45 =	vadd.f32 $1.000000000e+00, v63  }
0x196: {  	v40 =	vmul.f32 $1.442695020e+00, v40  }
0x197: {  	(erf) = vrcp.f32 v45  }
0x198: {  	(erf) = vpow2.f32 v40;
	_ =	sdelay $0x7  }
0x199: {  	v58 =	vpop (erf)  }
0x19a: {  	v40 =	vpop (erf)  }
0x19b: {  	v40 =	vadd.f32 $1.000000000e+00, v40;
	_ =	sdelay $0x1  }
0x19c: {  	(erf) = vrcp.f32 v40;
	_ =	sdelay $0x5  }
0x19d: {  	[tilespmem:$0x1FF60] =	vst v0;
	v0 =	vmax.f32 v34, v37  }
0x19e: {  	v1 =	vmax.f32 v0, v43  }
0x19f: {  	v45 =	vmax.f32 v1, v50  }
0x1a0: {  	v45 =	vmax.f32 v45, v58;
	v60 =	vpop (erf)  }
0x1a1: {  	v45 =	vmax.f32 v45, v60  }
0x1a2: {  	vm10 =	veq.f32 v60, v45  }
0x1a3: {  	vm11 =	veq.f32 v58, v45;
	v46 =	vsel vm10, $0x5, v4  }
0x1a4: {  	vm12 =	veq.f32 v50, v45;
	vm15 =	veq.f32 v43, v45;
	v46 =	vsel vm11, $0x4, v46  }
0x1a5: {  	vm6 =	veq.f32 v37, v45;
	vm10 =	vne.f32 v34, v45;
	v46 =	vsel vm12, $0x3, v46  }
0x1a6: {  	vm12 =	vmand vm10, vm6;
	v46 =	vsel vm15, $0x2, v46  }
0x1a7: {  	v40 =	vsel vm12, v34, v0;
	v46 =	vsel vm6, $0x1, v46  }
0x1a8: {  	v40 =	vsel vm10, v40, v37;
	v56 =	vnsel vm10, $0x0, v46  }
0x1a9: {  	v6 =	vmax.f32 v40, v43;
	vm8 =	veq.s32 v56, $0x2  }
0x1aa: {  	v40 =	vsel vm8, v40, v6  }
0x1ab: {  	v20 =	vimm.s32 $0x0;
	vm11 =	veq.s32 v56, $0x3;
	v40 =	vmax.f32 v40, v50  }
0x1ac: {  	v48 =	vimm.s32 $0x0;
	v52 =	vimm.s32 $0x0;
	v46 =	vsel vm11, v6, v40  }
0x1ad: {  	vm15 =	veq.s32 v56, $0x4;
	v0 =	vsel vm8, $0xFFFFFFFF, v20;
	v46 =	vmax.f32 v46, v58  }
0x1ae: {  	v55 =	vimm.s32 $0x0;
	[tilespmem:$0x1FF90] =	vst v0;
	v0 =	vsel vm11, $0xFFFFFFFF, v48;
	v40 =	vsel vm15, v40, v46  }
0x1af: {  	vm6 =	veq.s32 v56, $0x5;
	[tilespmem:$0x1FFA0] =	vst v0;
	v0 =	vsel vm15, $0xFFFFFFFF, v52;
	v40 =	vmax.f32 v40, v60  }
0x1b0: {  	[tilespmem:$0x1FFB0] =	vst v0;
	v0 =	vsel vm6, $0xFFFFFFFF, v55;
	v55 =	vsel vm6, v46, v40  }
0x1b1: {  	v40 =	vsub.f32 v55, v45;
	_ =	sdelay $0x1  }
0x1b2: {  	v40 =	vmul.f32 $1.442695020e+00, v40;
	_ =	sdelay $0x1  }
0x1b3: {  	(erf) = vpow2.f32 v40;
	_ =	sdelay $0x3  }
0x1b4: {  	v57 =	vld [tilespmem:$0x60];
	_ =	sdelay $0x4  }
0x1b5: {  	v40 =	vsub.f32 $0.0e+00, v57;
	v59 =	vpop (erf)  }
0x1b6: {  	v45 =	vadd.f32 $1.000000000e+00, v59  }
0x1b7: {  	v40 =	vmul.f32 $1.442695020e+00, v40  }
0x1b8: {  	(erf) = vrcp.f32 v45  }
0x1b9: {  	(erf) = vpow2.f32 v40;
	_ =	sdelay $0x3  }
0x1ba: {  	v61 =	vld [tilespmem:$0xE0];
	_ =	sdelay $0x3  }
0x1bb: {  	v40 =	vpop (erf)  }
0x1bc: {  	v45 =	vsub.f32 $0.0e+00, v61;
	v62 =	vpop (erf)  }
0x1bd: {  	v46 =	vadd.f32 $1.000000000e+00, v62  }
0x1be: {  	v45 =	vmul.f32 $1.442695020e+00, v45  }
0x1bf: {  	(erf) = vrcp.f32 v46  }
0x1c0: {  	(erf) = vpow2.f32 v45;
	_ =	sdelay $0x3  }
0x1c1: {  	v63 =	vld [tilespmem:$0x160];
	_ =	sdelay $0x3  }
0x1c2: {  	v45 =	vpop (erf)  }
0x1c3: {  	v46 =	vsub.f32 $0.0e+00, v63;
	v48 =	vpop (erf)  }
0x1c4: {  	v48 =	vadd.f32 $1.000000000e+00, v48  }
0x1c5: {  	v46 =	vmul.f32 $1.442695020e+00, v46  }
0x1c6: {  	(erf) = vrcp.f32 v48  }
0x1c7: {  	(erf) = vpow2.f32 v46;
	_ =	sdelay $0x3  }
0x1c8: {  	[tilespmem:$0x1FFC0] =	vst v0;
	v0 =	vld [tilespmem:$0x1E0];
	_ =	sdelay $0x3  }
0x1c9: {  	v46 =	vpop (erf)  }
0x1ca: {  	v48 =	vsub.f32 $0.0e+00, v0;
	v52 =	vpop (erf)  }
0x1cb: {  	v52 =	vadd.f32 $1.000000000e+00, v52  }
0x1cc: {  	v48 =	vmul.f32 $1.442695020e+00, v48  }
0x1cd: {  	(erf) = vrcp.f32 v52  }
0x1ce: {  	(erf) = vpow2.f32 v48;
	_ =	sdelay $0x3  }
0x1cf: {  	v1 =	vld [tilespmem:$0x260];
	_ =	sdelay $0x3  }
0x1d0: {  	v52 =	vpop (erf)  }
0x1d1: {  	v48 =	vsub.f32 $0.0e+00, v1;
	v57 =	vpop (erf)  }
0x1d2: {  	v57 =	vadd.f32 $1.000000000e+00, v57  }
0x1d3: {  	v48 =	vmul.f32 $1.442695020e+00, v48  }
0x1d4: {  	(erf) = vrcp.f32 v57  }
0x1d5: {  	(erf) = vpow2.f32 v48;
	_ =	sdelay $0x3  }
0x1d6: {  	v6 =	vld [tilespmem:$0x2E0];
	_ =	sdelay $0x3  }
0x1d7: {  	v57 =	vpop (erf)  }
0x1d8: {  	v48 =	vsub.f32 $0.0e+00, v6;
	v59 =	vpop (erf)  }
0x1d9: {  	v59 =	vadd.f32 $1.000000000e+00, v59  }
0x1da: {  	v48 =	vmul.f32 $1.442695020e+00, v48  }
0x1db: {  	(erf) = vrcp.f32 v59  }
0x1dc: {  	(erf) = vpow2.f32 v48;
	_ =	sdelay $0x7  }
0x1dd: {  	v59 =	vpop (erf)  }
0x1de: {  	v48 =	vpop (erf)  }
0x1df: {  	v48 =	vadd.f32 $1.000000000e+00, v48;
	_ =	sdelay $0x1  }
0x1e0: {  	(erf) = vrcp.f32 v48;
	_ =	sdelay $0x5  }
0x1e1: {  	v20 =	vmax.f32 v45, v46  }
0x1e2: {  	v61 =	vmax.f32 v20, v52  }
0x1e3: {  	v61 =	vmax.f32 v61, v57  }
0x1e4: {  	v61 =	vmax.f32 v61, v59;
	v62 =	vpop (erf)  }
0x1e5: {  	v0 =	vmax.f32 v61, v62  }
0x1e6: {  	vm8 =	veq.f32 v62, v0  }
0x1e7: {  	vm11 =	veq.f32 v59, v0;
	v6 =	vsel vm8, $0x5, v4  }
0x1e8: {  	vm15 =	veq.f32 v57, v0;
	vm1 =	veq.f32 v52, v0;
	v61 =	vsel vm11, $0x4, v6  }
0x1e9: {  	vm8 =	vne.f32 v45, v0;
	vm11 =	veq.f32 v46, v0;
	v61 =	vsel vm15, $0x3, v61  }
0x1ea: {  	vm6 =	vmand vm8, vm11;
	v61 =	vsel vm1, $0x2, v61  }
0x1eb: {  	v48 =	vsel vm6, v45, v20;
	v61 =	vsel vm11, $0x1, v61  }
0x1ec: {  	v48 =	vsel vm8, v48, v46;
	v61 =	vnsel vm8, $0x0, v61  }
0x1ed: {  	v63 =	vmax.f32 v48, v52;
	vm11 =	veq.s32 v61, $0x2  }
0x1ee: {  	v20 =	vimm.s32 $0x0;
	v48 =	vsel vm11, v48, v63  }
0x1ef: {  	v1 =	vsel vm11, $0xFFFFFFFF, v20;
	vm11 =	veq.s32 v61, $0x3;
	v48 =	vmax.f32 v48, v57  }
0x1f0: {  	v63 =	vsel vm11, v63, v48  }
0x1f1: {  	vm15 =	veq.s32 v61, $0x4;
	v63 =	vmax.f32 v63, v59  }
0x1f2: {  	v6 =	vimm.s32 $0x0;
	v48 =	vsel vm15, v48, v63  }
0x1f3: {  	[tilespmem:$0x1FFD0] =	vst v1;
	v1 =	vsel vm15, $0xFFFFFFFF, v6;
	vm15 =	veq.s32 v61, $0x5;
	v48 =	vmax.f32 v48, v62  }
0x1f4: {  	v63 =	vsel vm15, v63, v48  }
0x1f5: {  	v0 =	vsub.f32 v63, v0;
	_ =	sdelay $0x1  }
0x1f6: {  	v0 =	vmul.f32 $1.442695020e+00, v0;
	_ =	sdelay $0x1  }
0x1f7: {  	(erf) = vpow2.f32 v0;
	_ =	sdelay $0x3  }
0x1f8: {  	v48 =	vld [tilespmem:$0x70]  }
0x1f9: {  	v20 =	vimm.s32 $0x0  }
0x1fa: {  	[tilespmem:$0x1FFE0] =	vst v1;
	v1 =	vsel vm15, $0xFFFFFFFF, v20;
	_ =	sdelay $0x2  }
0x1fb: {  	[tilespmem:$0x1FFF0] =	vst v1;
	v0 =	vsub.f32 $0.0e+00, v48;
	v1 =	vpop (erf)  }
0x1fc: {  	v48 =	vadd.f32 $1.000000000e+00, v1  }
0x1fd: {  	v0 =	vmul.f32 $1.442695020e+00, v0  }
0x1fe: {  	(erf) = vrcp.f32 v48  }
0x1ff: {  	(erf) = vpow2.f32 v0;
	_ =	sdelay $0x3  }
0x200: {  	v6 =	vld [tilespmem:$0xF0];
	_ =	sdelay $0x3  }
0x201: {  	v48 =	vpop (erf)  }
0x202: {  	v0 =	vsub.f32 $0.0e+00, v6;
	v20 =	vpop (erf)  }
0x203: {  	v1 =	vadd.f32 $1.000000000e+00, v20  }
0x204: {  	v0 =	vmul.f32 $1.442695020e+00, v0  }
0x205: {  	(erf) = vrcp.f32 v1  }
0x206: {  	(erf) = vpow2.f32 v0;
	_ =	sdelay $0x6  }
0x207: {  	vm0 =	veq.f32 v2, v12;
	vm15 =	vne.s32 v10, $0x5  }
0x208: {  	vm1 =	vne.s32 v10, $0x4;
	vm0 =	vmand vm15, vm0;
	v20 =	vpop (erf)  }
0x209: {  	vm15 =	veq.f32 v5, v12;
	v6 =	vld [tilespmem:$0x1FDD0];
	v1 =	vsel vm0, $0x5, v4;
	vm0 =	veq.f32 v8, v12;
	v4 =	vpop (erf)  }
0x20a: {  	v0 =	vld [tilespmem:$0x170];
	vm1 =	vmand vm1, vm0;
	vm0 =	vne.s32 v10, $0x3;
	v8 =	vadd.f32 $1.000000000e+00, v4  }
0x20b: {  	vm0 =	vmand vm0, vm15;
	vm15 =	vne.s32 v10, $0x2;
	v10 =	vld [tilespmem:$0x1FDF0]  }
0x20c: {  	(erf) = vrcp.f32 v8;
	v8 =	vld [tilespmem:$0x1FDE0];
	_ =	sdelay $0x1  }
0x20d: {  	v1 =	vsel vm1, $0x4, v1;
	vm1 =	veq.f32 v3, v12  }
0x20e: {  	v1 =	vsel vm0, $0x3, v1;
	vm15 =	vmand vm15, vm1;
	v0 =	vsub.f32 $0.0e+00, v0  }
0x20f: {  	vm0 =	vne.f32 v6, v12;
	v1 =	vsel vm15, $0x2, v1;
	vm15 =	vnez.u8 v10  }
0x210: {  	v0 =	vmul.f32 $1.442695020e+00, v0;
	vm0 =	vmor vm15, vm0;
	vm1 =	veq.f32 v8, v12  }
0x211: {  	v12 =	vnsel vm0, $0x1, v1;
	vm1 =	vmand vm7, vm1  }
0x212: {  	(erf) = vpow2.f32 v0;
	v0 =	vsel vm1, $0x0, v12;
	v12 =	vld [tilespmem:$0x1FE00];
	_ =	sdelay $0x1  }
0x213: {  	v3 =	vsub.f32 $1.000000000e+00, v9  }
0x214: {  	vm0 =	vmor vm1, vm0  }
0x215: {  	v6 =	vsel vm0, $0x0, v3;
	vm0 =	veq.s32 v0, $0x2  }
0x216: {  	v10 =	vsel vm15, v9, v6;
	v8 =	vnsel vm0, $0x0, v3;
	vm15 =	vnez.u8 v12  }
0x217: {  	v12 =	vsel vm15, v9, v8;
	v8 =	vld [tilespmem:$0x1FE10];
	_ =	sdelay $0x2  }
0x218: {  	v5 =	vnsel vm1, $0x0, v3  }
0x219: {  	v5 =	vsel vm7, v5, v9;
	vm7 =	veq.s32 v0, $0x3  }
0x21a: {  	v2 =	vnsel vm7, $0x0, v3;
	vm7 =	vnez.u8 v8  }
0x21b: {  	v8 =	vsel vm7, v9, v2;
	vm7 =	veq.f32 v19, v22;
	v19 =	vld [tilespmem:$0x1FE20];
	_ =	sdelay $0x2  }
0x21c: {  	vm15 =	veq.s32 v0, $0x4  }
0x21d: {  	v1 =	vnsel vm15, $0x0, v3;
	vm15 =	vne.s32 v18, $0x5  }
0x21e: {  	v4 =	vimm.s32 $0x6;
	vm0 =	vmand vm15, vm7;
	vm15 =	vnez.u8 v19  }
0x21f: {  	vm1 =	veq.f32 v17, v22;
	v6 =	vpop (erf);
	v2 =	vld [tilespmem:$0x1F0];
	vm7 =	vne.s32 v18, $0x4;
	v1 =	vsel vm15, v9, v1  }
0x220: {  	v17 =	vpop (erf);
	vm7 =	vmand vm7, vm1;
	vm15 =	veq.f32 v15, v22;
	v15 =	vld [tilespmem:$0x1FE30];
	[tilespmem:$0x1FF70] =	vst v1;
	v1 =	vsel vm0, $0x5, v4  }
0x221: {  	v19 =	vsel vm7, $0x4, v1;
	v1 =	vadd.f32 $1.000000000e+00, v17;
	v17 =	vld [tilespmem:$0x1FE40];
	_ =	sdelay $0x1  }
0x222: {  	vm7 =	vne.s32 v18, $0x3  }
0x223: {  	v2 =	vsub.f32 $0.0e+00, v2;
	vm0 =	vmand vm7, vm15  }
0x224: {  	vm7 =	veq.f32 v11, v22;
	vm15 =	vne.s32 v18, $0x2;
	v18 =	vld [tilespmem:$0x1FE50];
	v19 =	vsel vm0, $0x3, v19  }
0x225: {  	vm15 =	vmand vm15, vm7;
	vm0 =	vne.f32 v15, v22;
	vm7 =	veq.f32 v17, v22;
	v22 =	vld [tilespmem:$0x1FE60];
	_ =	sdelay $0x1  }
0x226: {  	vm1 =	veq.s32 v0, $0x5;
	v11 =	vmul.f32 $1.442695020e+00, v2  }
0x227: {  	v0 =	vnsel vm1, $0x0, v3;
	(erf) = vrcp.f32 v1;
	v3 =	vsel vm15, $0x2, v19  }
0x228: {  	v19 =	vsub.f32 $1.000000000e+00, v13;
	(erf) = vpow2.f32 v11;
	vm15 =	vnez.u8 v18  }
0x229: {  	vm1 =	vmand vm5, vm7;
	vm0 =	vmor vm15, vm0;
	vm7 =	vnez.u8 v22  }
0x22a: {  	v11 =	vsel vm7, v9, v0;
	v9 =	vnsel vm0, $0x1, v3;
	vm0 =	vmor vm1, vm0  }
0x22b: {  	v15 =	vnsel vm1, $0x0, v19;
	v17 =	vsel vm0, $0x0, v19  }
0x22c: {  	v1 =	vsel vm5, v15, v13;
	v15 =	vsel vm15, v13, v17;
	v17 =	vld [tilespmem:$0x1FE70];
	_ =	sdelay $0x2  }
0x22d: {  	v3 =	vsel vm1, $0x0, v9  }
0x22e: {  	v9 =	vld [tilespmem:$0x270];
	vm5 =	veq.s32 v3, $0x2  }
0x22f: {  	v18 =	vnsel vm5, $0x0, v19;
	vm5 =	vnez.u8 v17  }
0x230: {  	v17 =	vsel vm5, v13, v18;
	v18 =	vld [tilespmem:$0x1FE80];
	_ =	sdelay $0x1  }
0x231: {  	vm1 =	veq.f32 v26, v30;
	v26 =	vld [tilespmem:$0x1FE90]  }
0x232: {  	vm7 =	veq.s32 v3, $0x3;
	v9 =	vsub.f32 $0.0e+00, v9  }
0x233: {  	vm15 =	veq.s32 v3, $0x4;
	v22 =	vnsel vm7, $0x0, v19  }
0x234: {  	vm5 =	veq.f32 v28, v30;
	v9 =	vmul.f32 $1.442695020e+00, v9;
	vm7 =	vnez.u8 v18  }
0x235: {  	v0 =	vsel vm7, v13, v22;
	v22 =	vnsel vm15, $0x0, v19;
	vm7 =	vne.s32 v27, $0x5  }
0x236: {  	vm15 =	vnez.u8 v26;
	v26 =	vsub.f32 $1.000000000e+00, v21;
	vm0 =	vmand vm7, vm5  }
0x237: {  	vm5 =	vne.s32 v27, $0x4;
	v18 =	vsel vm15, v13, v22;
	vm7 =	vne.s32 v27, $0x3  }
0x238: {  	v2 =	vpop (erf);
	v28 =	vsel vm0, $0x5, v4;
	vm15 =	vmand vm5, vm1;
	vm5 =	veq.f32 v24, v30  }
0x239: {  	v4 =	vpop (erf);
	vm1 =	veq.s32 v3, $0x5;
	v22 =	vsel vm15, $0x4, v28;
	vm0 =	vmand vm7, vm5  }
0x23a: {  	v28 =	vadd.f32 $1.000000000e+00, v4;
	vm5 =	veq.f32 v7, v30;
	vm15 =	vne.s32 v27, $0x2  }
0x23b: {  	v3 =	vnsel vm1, $0x0, v19;
	vm7 =	veq.f32 v14, v30;
	v7 =	vsel vm0, $0x3, v22  }
0x23c: {  	vm15 =	vmand vm15, vm5;
	vm1 =	vmand vm4, vm7;
	(erf) = vrcp.f32 v28  }
0x23d: {  	vm5 =	vne.f32 v16, v30;
	v24 =	vnsel vm1, $0x0, v26;
	(erf) = vpow2.f32 v9;
	v9 =	vld [tilespmem:$0x1FEA0]  }
0x23e: {  	v19 =	vsel vm15, $0x2, v7;
	vm0 =	vmor vm14, vm5;
	v16 =	vsel vm4, v24, v21;
	v24 =	vld [tilespmem:$0x1FEB0]  }
0x23f: {  	v14 =	vnsel vm0, $0x1, v19;
	vm0 =	vmor vm1, vm0  }
0x240: {  	v27 =	vsel vm0, $0x0, v26  }
0x241: {  	v19 =	vsel vm14, v21, v27;
	v27 =	vld [tilespmem:$0x1FEC0]  }
0x242: {  	[tilespmem:$0x1FF80] =	vst v0;
	v0 =	vimm.s32 $0x6;
	vm15 =	vnez.u8 v9  }
0x243: {  	v9 =	vsel vm1, $0x0, v14;
	vm14 =	vnez.u8 v24;
	vm1 =	veq.f32 v36, v42  }
0x244: {  	v22 =	vsel vm15, v13, v3;
	vm5 =	veq.s32 v9, $0x2;
	vm7 =	veq.s32 v9, $0x3  }
0x245: {  	vm4 =	veq.s32 v9, $0x4;
	v28 =	vnsel vm5, $0x0, v26;
	v30 =	vnsel vm7, $0x0, v26  }
0x246: {  	v13 =	vld [tilespmem:$0x2F0];
	vm15 =	vnez.u8 v27;
	vm5 =	veq.f32 v39, v42;
	vm7 =	vne.s32 v38, $0x5  }
0x247: {  	v4 =	vsel vm14, v21, v28;
	v14 =	vsel vm15, v21, v30;
	v28 =	vnsel vm4, $0x0, v26  }
0x248: {  	vm0 =	vmand vm7, vm5;
	vm14 =	vne.s32 v38, $0x4;
	v30 =	vld [tilespmem:$0x1FED0];
	vm5 =	veq.f32 v32, v42  }
0x249: {  	vm7 =	vne.s32 v38, $0x3;
	v36 =	vsel vm0, $0x5, v0;
	vm4 =	vmand vm14, vm1  }
0x24a: {  	vm0 =	vmand vm7, vm5;
	vm1 =	veq.s32 v9, $0x5;
	vm7 =	vne.f32 v25, v42;
	v25 =	vld [tilespmem:$0x1FEE0]  }
0x24b: {  	vm14 =	veq.f32 v29, v42;
	v27 =	vsel vm4, $0x4, v36;
	v13 =	vsub.f32 $0.0e+00, v13  }
0x24c: {  	v3 =	vpop (erf);
	v29 =	vsub.f32 $1.000000000e+00, v31;
	v9 =	vnsel vm1, $0x0, v26;
	v7 =	vsel vm0, $0x3, v27  }
0x24d: {  	v39 =	vpop (erf);
	vm0 =	vmor vm13, vm7;
	vm15 =	vnez.u8 v30;
	v13 =	vmul.f32 $1.442695020e+00, v13  }
0x24e: {  	v24 =	vsel vm15, v21, v28;
	v28 =	vadd.f32 $1.000000000e+00, v39;
	vm15 =	vne.s32 v38, $0x2  }
0x24f: {  	v38 =	vld [tilespmem:$0x1FEF0];
	vm5 =	vmand vm15, vm14;
	vm14 =	veq.f32 v23, v42;
	vm15 =	vnez.u8 v25  }
0x250: {  	v39 =	vld [tilespmem:$0x1FF00];
	v26 =	vsel vm5, $0x2, v7;
	(erf) = vrcp.f32 v28;
	vm1 =	vmand vm3, vm14  }
0x251: {  	v25 =	vsel vm15, v21, v9;
	(erf) = vpow2.f32 v13;
	v28 =	vnsel vm1, $0x0, v29  }
0x252: {  	v27 =	vnsel vm0, $0x1, v26;
	vm0 =	vmor vm1, vm0;
	v23 =	vsel vm3, v28, v31  }
0x253: {  	v9 =	vsel vm1, $0x0, v27;
	v30 =	vsel vm0, $0x0, v29;
	vm3 =	veq.f32 v58, v55  }
0x254: {  	vm14 =	veq.s32 v9, $0x2;
	vm15 =	veq.s32 v9, $0x3;
	v26 =	vsel vm13, v31, v30  }
0x255: {  	vm4 =	vnez.u8 v38;
	vm5 =	vnez.u8 v39;
	vm7 =	veq.s32 v9, $0x4  }
0x256: {  	vm13 =	veq.f32 v53, v54;
	v32 =	vnsel vm14, $0x0, v29;
	v36 =	vnsel vm15, $0x0, v29  }
0x257: {  	v42 =	vnsel vm7, $0x0, v29;
	vm14 =	vne.s32 v51, $0x5;
	vm15 =	veq.f32 v49, v54  }
0x258: {  	vm7 =	vne.s32 v51, $0x4;
	v27 =	vsel vm4, v31, v32;
	v21 =	vsel vm5, v31, v36  }
0x259: {  	v53 =	vld [tilespmem:$0x1FF10];
	vm0 =	vmand vm14, vm13;
	vm13 =	vmand vm7, vm15;
	vm14 =	veq.s32 v9, $0x5  }
0x25a: {  	vm5 =	veq.f32 v44, v54;
	vm7 =	vne.s32 v51, $0x3;
	vm4 =	vne.f32 v35, v54  }
0x25b: {  	v32 =	vsub.f32 $1.000000000e+00, v47;
	v36 =	vld [tilespmem:$0x1FF20];
	v49 =	vsel vm0, $0x5, v0;
	v9 =	vnsel vm14, $0x0, v29  }
0x25c: {  	vm0 =	vmand vm7, vm5;
	vm14 =	vne.s32 v51, $0x2;
	vm5 =	veq.f32 v33, v54  }
0x25d: {  	v0 =	vsel vm13, $0x4, v49;
	vm13 =	veq.f32 v41, v54;
	vm1 =	vmand vm2, vm5  }
0x25e: {  	v44 =	vld [tilespmem:$0x1FF30];
	vm15 =	vnez.u8 v53;
	v29 =	vsel vm0, $0x3, v0;
	vm0 =	vmor vm9, vm4;
	v13 =	vpop (erf)  }
0x25f: {  	v39 =	vnsel vm1, $0x0, v32;
	v28 =	vsel vm15, v31, v42;
	vm15 =	vmand vm14, vm13;
	v7 =	vpop (erf)  }
0x260: {  	v29 =	vsel vm15, $0x2, v29;
	vm7 =	vnez.u8 v36;
	v30 =	vadd.f32 $1.000000000e+00, v7  }
0x261: {  	v53 =	vld [tilespmem:$0x1FF40];
	v36 =	vsel vm2, v39, v47;
	v39 =	vmax.f32 v20, v6;
	v38 =	vnsel vm0, $0x1, v29  }
0x262: {  	v35 =	vsel vm7, v31, v9;
	v9 =	vsel vm1, $0x0, v38;
	(erf) = vrcp.f32 v30  }
0x263: {  	vm15 =	vnez.u8 v44;
	[tilespmem:$0x630] =	vst v28;
	v28 =	vsub.f32 $1.000000000e+00, v48;
	vm13 =	veq.s32 v9, $0x2  }
0x264: {  	v44 =	vld [tilespmem:$0x1FF60];
	vm0 =	vmor vm1, vm0;
	v51 =	vmax.f32 v39, v2;
	v42 =	vnsel vm13, $0x0, v32  }
0x265: {  	v41 =	vsel vm0, $0x0, v32;
	v38 =	vmax.f32 v51, v3;
	v33 =	vsel vm15, v47, v42;
	v42 =	vld [tilespmem:$0x1FF50]  }
0x266: {  	v31 =	vsel vm9, v47, v41;
	vm14 =	veq.s32 v9, $0x3;
	vm4 =	vnez.u8 v53  }
0x267: {  	vm5 =	veq.s32 v9, $0x4;
	vm7 =	veq.s32 v9, $0x5;
	v7 =	vmax.f32 v38, v13  }
0x268: {  	v49 =	vnsel vm14, $0x0, v32;
	v54 =	vnsel vm5, $0x0, v32;
	v32 =	vnsel vm7, $0x0, v32  }
0x269: {  	vm14 =	veq.f32 v60, v55;
	v30 =	vsel vm4, v47, v49;
	vm13 =	vnez.u8 v44  }
0x26a: {  	v49 =	vimm.s32 $0x6;
	v44 =	vimm.s32 $0x6;
	vm9 =	vnez.u8 v42  }
0x26b: {  	v32 =	vsel vm13, v47, v32;
	v38 =	vsel vm9, v47, v54;
	vm9 =	vne.s32 v56, $0x5;
	v29 =	vpop (erf)  }
0x26c: {  	vm0 =	vmand vm9, vm14;
	vm14 =	vne.s32 v56, $0x4;
	v9 =	vmax.f32 v7, v29  }
0x26d: {  	v42 =	vsel vm0, $0x5, v49;
	vm15 =	veq.f32 v29, v9;
	vm7 =	veq.f32 v13, v9  }
0x26e: {  	vm13 =	veq.f32 v3, v9;
	vm9 =	veq.f32 v6, v9;
	v51 =	vsel vm15, $0x5, v49  }
0x26f: {  	vm2 =	vne.f32 v20, v9;
	vm15 =	veq.f32 v2, v9;
	v41 =	vsel vm7, $0x4, v51  }
0x270: {  	v49 =	vsub.f32 $1.000000000e+00, v40;
	v41 =	vsel vm13, $0x3, v41;
	vm13 =	vmand vm14, vm3  }
0x271: {  	vm3 =	vmand vm2, vm9;
	vm14 =	veq.f32 v50, v55;
	v41 =	vsel vm15, $0x2, v41  }
0x272: {  	v54 =	vsel vm3, v20, v39;
	vm15 =	vne.s32 v56, $0x3;
	v60 =	vsel vm13, $0x4, v42  }
0x273: {  	[tilespmem:$0x480] =	vst v10;
	vm13 =	vne.s32 v56, $0x2;
	v53 =	vsel vm9, $0x1, v41;
	v10 =	vsel vm2, v54, v6  }
0x274: {  	[tilespmem:$0x400] =	vst v5;
	vm0 =	vmand vm15, vm14;
	vm9 =	veq.f32 v43, v55;
	vm14 =	vne.f32 v37, v55  }
0x275: {  	[tilespmem:$0x4A0] =	vst v19;
	v19 =	vld [tilespmem:$0x1FFA0];
	vm15 =	veq.f32 v34, v55;
	v5 =	vnsel vm2, $0x0, v53;
	v58 =	vmax.f32 v10, v2  }
0x276: {  	[tilespmem:$0x500] =	vst v12;
	v7 =	vld [tilespmem:$0x1FF70];
	v12 =	vsel vm0, $0x3, v60;
	vm0 =	vmand vm13, vm9;
	vm4 =	veq.s32 v5, $0x2  }
0x277: {  	[tilespmem:$0x580] =	vst v8;
	vm1 =	vmand vm10, vm15;
	vm5 =	veq.s32 v5, $0x3;
	v10 =	vsel vm4, v10, v58  }
0x278: {  	[tilespmem:$0x410] =	vst v1;
	vm7 =	veq.s32 v5, $0x4;
	v41 =	vsel vm0, $0x2, v12;
	v10 =	vmax.f32 v10, v3  }
0x279: {  	[tilespmem:$0x680] =	vst v11;
	vm0 =	vmor vm12, vm14;
	vm9 =	veq.s32 v5, $0x5;
	v39 =	vsel vm5, v58, v10  }
0x27a: {  	[tilespmem:$0x490] =	vst v15;
	v53 =	vnsel vm1, $0x0, v49;
	v50 =	vnsel vm0, $0x1, v41;
	v1 =	vmax.f32 v39, v13  }
0x27b: {  	[tilespmem:$0x600] =	vst v7;
	vm14 =	vnez.u8 v19;
	v7 =	vsel vm1, $0x0, v50;
	v42 =	vsel vm7, v10, v1  }
0x27c: {  	[tilespmem:$0x510] =	vst v17;
	vm0 =	vmor vm1, vm0;
	v58 =	vld [tilespmem:$0x1FF90];
	vm15 =	veq.s32 v7, $0x4;
	v47 =	vmax.f32 v42, v29  }
0x27d: {  	[tilespmem:$0x620] =	vst v24;
	v54 =	vsel vm0, $0x0, v49;
	v24 =	vnsel vm15, $0x0, v49;
	v0 =	vsel vm9, v1, v47  }
0x27e: {  	[tilespmem:$0x610] =	vst v18;
	v10 =	vsel vm12, v40, v54;
	vm12 =	veq.s32 v7, $0x3;
	v51 =	vsub.f32 v0, v9  }
0x27f: {  	[tilespmem:$0x4B0] =	vst v26;
	v26 =	vld [tilespmem:$0x1FFB0];
	vm15 =	veq.f32 v57, v63;
	v56 =	vnsel vm12, $0x0, v49;
	vm12 =	vne.s32 v61, $0x5  }
0x280: {  	[tilespmem:$0x690] =	vst v22;
	v22 =	vsel vm14, v40, v56;
	vm14 =	vne.s32 v61, $0x4;
	v8 =	vmul.f32 $1.442695020e+00, v51  }
0x281: {  	[tilespmem:$0x420] =	vst v16;
	v9 =	vsel vm10, v53, v40;
	vm10 =	veq.s32 v7, $0x2;
	vm13 =	vnez.u8 v58  }
0x282: {  	[tilespmem:$0x520] =	vst v4;
	v55 =	vnsel vm10, $0x0, v49;
	vm10 =	veq.f32 v62, v63;
	(erf) = vpow2.f32 v8  }
0x283: {  	[tilespmem:$0x5A0] =	vst v14;
	v60 =	vsel vm13, v40, v55;
	vm0 =	vmand vm12, vm10;
	vm13 =	veq.f32 v59, v63  }
0x284: {  	[tilespmem:$0x6A0] =	vst v25;
	v34 =	vld [tilespmem:$0x1FFC0];
	vm12 =	vnez.u8 v26;
	vm1 =	vmand vm14, vm13;
	v25 =	vsel vm0, $0x5, v44  }
0x285: {  	[tilespmem:$0x430] =	vst v23;
	v12 =	vsel vm12, v40, v24;
	vm13 =	vne.s32 v61, $0x3;
	vm14 =	veq.f32 v52, v63  }
0x286: {  	[tilespmem:$0x530] =	vst v27;
	v41 =	vld [tilespmem:$0x1FFD0];
	vm12 =	veq.s32 v7, $0x5;
	v14 =	vsel vm1, $0x4, v25;
	vm0 =	vmand vm13, vm15  }
0x287: {  	[tilespmem:$0x5B0] =	vst v21;
	vm15 =	vne.s32 v61, $0x2;
	v1 =	vnsel vm12, $0x0, v49;
	vm13 =	vne.f32 v46, v63  }
0x288: {  	[tilespmem:$0x440] =	vst v36;
	v14 =	vsel vm0, $0x3, v14;
	vm10 =	vmand vm15, vm14;
	vm14 =	veq.f32 v45, v63  }
0x289: {  	[tilespmem:$0x6B0] =	vst v35;
	vm1 =	vmor vm6, vm13;
	vm15 =	vnez.u8 v34;
	vm13 =	veq.f32 v29, v0  }
0x28a: {  	[tilespmem:$0x4C0] =	vst v31;
	v43 =	vld [tilespmem:$0x1FF80];
	v27 =	vsel vm10, $0x2, v14;
	v1 =	vsel vm15, v40, v1;
	vm0 =	vmand vm8, vm14  }
0x28b: {  	[tilespmem:$0x540] =	vst v33;
	vm10 =	vnez.u8 v41;
	vm14 =	vne.s32 v5, $0x5;
	vm15 =	veq.f32 v13, v0;
	v35 =	vpop (erf)  }
0x28c: {  	[tilespmem:$0x5C0] =	vst v30;
	v7 =	vnsel vm1, $0x1, v27;
	v36 =	vnsel vm0, $0x0, v28;
	v15 =	vadd.f32 $1.000000000e+00, v35  }
0x28d: {  	[tilespmem:$0x6C0] =	vst v32;
	vm1 =	vmor vm0, vm1;
	v7 =	vsel vm0, $0x0, v7;
	v16 =	vsel vm8, v36, v48  }
0x28e: {  	[tilespmem:$0x640] =	vst v38;
	v37 =	vsel vm1, $0x0, v28;
	vm0 =	veq.s32 v7, $0x2;
	(erf) = vrcp.f32 v15  }
0x28f: {  	[tilespmem:$0x590] =	vst v43;
	vm8 =	veq.s32 v7, $0x3;
	v38 =	vsel vm6, v48, v37;
	vm12 =	veq.s32 v7, $0x4  }
0x290: {  	[tilespmem:$0x4D0] =	vst v10;
	v47 =	vld [tilespmem:$0x1FFE0];
	vm6 =	veq.s32 v7, $0x5;
	v39 =	vnsel vm0, $0x0, v28;
	v40 =	vnsel vm8, $0x0, v28  }
0x291: {  	[tilespmem:$0x5D0] =	vst v22;
	v45 =	vnsel vm12, $0x0, v28;
	vm0 =	vmand vm14, vm13;
	vm8 =	vne.s32 v5, $0x4  }
0x292: {  	v53 =	vld [tilespmem:$0x1FFF0];
	[tilespmem:$0x450] =	vst v9;
	vm12 =	vne.s32 v5, $0x3;
	vm13 =	veq.f32 v2, v0;
	vm14 =	vne.s32 v5, $0x2  }
0x293: {  	[tilespmem:$0x550] =	vst v60;
	v50 =	vnsel vm6, $0x0, v28;
	v42 =	vsel vm10, v48, v39;
	v43 =	vsel vm11, v48, v40  }
0x294: {  	[tilespmem:$0x650] =	vst v12;
	vm1 =	vmand vm8, vm15;
	v46 =	vsel vm0, $0x5, v44;
	vm10 =	veq.f32 v3, v0  }
0x295: {  	[tilespmem:$0x6D0] =	vst v1;
	vm11 =	vnez.u8 v47;
	vm15 =	vmand vm14, vm13;
	vm8 =	vne.f32 v6, v0  }
0x296: {  	[tilespmem:$0x460] =	vst v16;
	v3 =	vsel vm11, v48, v45;
	v8 =	vsel vm1, $0x4, v46;
	vm0 =	vmand vm12, vm10  }
0x297: {  	[tilespmem:$0x4E0] =	vst v38;
	vm10 =	veq.f32 v20, v0;
	vm11 =	vnez.u8 v53;
	v49 =	vsel vm0, $0x3, v8;
	v51 =	vpop (erf)  }
0x298: {  	[tilespmem:$0x560] =	vst v42;
	vm0 =	vmor vm3, vm8;
	v1 =	vsel vm15, $0x2, v49;
	v52 =	vsub.f32 $1.000000000e+00, v51  }
0x299: {  	[tilespmem:$0x5E0] =	vst v43;
	v2 =	vsel vm11, v48, v50;
	vm1 =	vmand vm2, vm10;
	v1 =	vnsel vm0, $0x1, v1  }
0x29a: {  	[tilespmem:$0x660] =	vst v3;
	vm0 =	vmor vm1, vm0;
	v1 =	vsel vm1, $0x0, v1;
	v54 =	vnsel vm1, $0x0, v52  }
0x29b: {  	[tilespmem:$0x6E0] =	vst v2;
	vm12 =	veq.s32 v1, $0x2;
	v56 =	vsel vm0, $0x0, v52;
	v55 =	vsel vm2, v54, v51  }
0x29c: {  	vm13 =	veq.s32 v1, $0x3;
	v58 =	vnsel vm12, $0x0, v52;
	v57 =	vsel vm3, v51, v56;
	[tilespmem:$0x470] =	vst v55  }
0x29d: {  	vm14 =	veq.s32 v1, $0x4;
	v60 =	vnsel vm13, $0x0, v52;
	v59 =	vsel vm4, v51, v58;
	[tilespmem:$0x4F0] =	vst v57  }
0x29e: {  	vm15 =	veq.s32 v1, $0x5;
	v62 =	vnsel vm14, $0x0, v52;
	v61 =	vsel vm5, v51, v60;
	[tilespmem:$0x570] =	vst v59  }
0x29f: {  	v0 =	vnsel vm15, $0x0, v52;
	v63 =	vsel vm7, v51, v62;
	[tilespmem:$0x5F0] =	vst v61  }
0x2a0: {  	v0 =	vsel vm9, v51, v0;
	[tilespmem:$0x670] =	vst v63  }
0x2a1: {  	p0 =	sne.s32 s5, $0x1;
	[tilespmem:$0x6F0] =	vst v0  }
0x2a2: {  	[hbm4b:s3+s6] =	stream.strided.scatter [tilespmem:s6], [sflag:$0x1], $0x0, s7, s6, $0x38;
	[tilespmem:$0x800] =	vst v63  }
.Ltmp1:
0x2a3: {  	_ = 	snop;
	(pc) =	sbr.rel @p0 .LBB2_2-.Ltmp1, $4  }
0x2a4: {  	[hbm4b:s3+s2] =	stream.linear.scatter [tilespmem:s6], [sflag:$0x1], $0x300, $0x38;
	[tilespmem:$0x800] =	vst v63  }
0x2a5: {  	_ =	swait.ge [sflag:s8], $0x300  }
0x2a6: {  	[sflag:s8] =	ssyncset.done $0x0  }
0x2a7: {  	s5 =	sadd.s32 $0xFFFFFFFF, s5;
	[sflag:s8] =	ssyncadd.s32 $0xFFFFFD00  }
.LBB2_3:
0x2a8: {  	_ =	sfence.sel $0x180000  }
0x2a9: {  	[bflag:$0x0] =	sbarrier.arrive $0xFFFF  }
0x2aa: {  	p0 =	sne.s32 s1, $0x0;
	_ =	strace $0x90000047  }
0x2ab: {  	s0 =	sadd.s32 @!p0 $0x100000, s0;
	[bflag:$0x2] =	sbarrier.arrive $0xFFFF  }
0x2ac: {  	[sflag:s0] =	ssyncadd.tile.s32 @!p0 $0x1;
	_ =	shalt  }
.Lfunc_end2:
_tile_overlayer_lowered:
.L_overlay_start_2:
0x2ad: {  	(tag) =	ssettag $0x2  }
0x2ae: {  	s0 =	rddreg [dreg:$0x0];
	s2 =	stileid.u32  }
0x2af: {  	s1 =	rddreg [dreg:$0x1];
	p0 =	sne.s32 s2, $0x0  }
0x2b0: {  	s3 =	rddreg [dreg:$0x2];
	[bflag:$0x3] =	sbarrier.arrive $0xFFFF;
	s2 =	simm.s32 @!p0 $0x1C01  }
0x2b1: {  	[timem:s3], [sflag:s2] =	dma.local @!p0 [hbm:s0], s1  }
0x2b2: {  	s0 =	simm.s32 @!p0 $0x1  }
0x2b3: {  	_ =	swait.ge @!p0 [sflag:s0], s1  }
0x2b4: {  	s1 =	ssub.s32 @!p0 $0x0, s1;
	[sflag:s0] =	ssyncset.done @!p0 $0x0  }
0x2b5: {  	[sflag:s0] =	ssyncadd.s32 @!p0 s1  }
0x2b6: {  	[bflag:$0x3] =	sbarrier.arrive $0xFFFF  }
0x2b7: {  	_ =	shalt  }

</sc_bundles>
